<compile_context>
chip_gen: v7x
topology: tpu7x:2x2x1
jax: 0.10.2.dev20260603
libtpu: 0.0.44.dev20260713+nightly
codegen_flags: <defaults>
</compile_context>

<pallas_src>
import functools

import jax
import jax.numpy as jnp
from jax import lax
from jax.experimental import pallas as pl
from jax.experimental.pallas import tpu as pltpu
from jax.experimental.pallas import tpu_sc as plsc

_LANES = 16
_IDX_CHUNK = 128


def _sc_sampled(wt, bias, sids, V, D):
    S = sids.shape[0]
    info = plsc.get_sparse_core_info()
    nc, ns = info.num_cores, info.num_subcores
    nw = nc * ns
    spw = S // nw
    BLK = 128

    mesh = plsc.VectorSubcoreMesh(core_axis_name="c", subcore_axis_name="s")

    @functools.partial(
        pl.kernel,
        mesh=mesh,
        out_type=(
            jax.ShapeDtypeStruct((S * D,), jnp.float32),
            jax.ShapeDtypeStruct((S,), jnp.float32),
        ),
        compiler_params=pltpu.CompilerParams(needs_layout_passes=False),
        scratch_types=[
            pltpu.VMEM((spw,), jnp.int32),
            pltpu.VMEM((D, BLK), jnp.float32),
            pltpu.VMEM((D, BLK), jnp.float32),
            pltpu.VMEM((spw * D,), jnp.float32),
            pltpu.VMEM((spw,), jnp.float32),
            pltpu.SemaphoreType.DMA,
            pltpu.SemaphoreType.DMA,
            pltpu.SemaphoreType.DMA,
        ],
    )
    def k(wt_hbm, b_hbm, sid_hbm, swf_hbm, sb_hbm,
          sidx, blk0, blk1, rows, sbv, sem0, sem1, bsem):
        wid = lax.axis_index("s") * nc + lax.axis_index("c")
        base = wid * spw
        pltpu.sync_copy(sid_hbm.at[pl.ds(base, spw)], sidx)
        bc = pltpu.async_copy(b_hbm.at[sidx], sbv, bsem)

        blks = (blk0, blk1)
        sems = (sem0, sem1)
        ids_vec = [sidx[pl.ds(g * _LANES, _LANES)]
                   for g in range(spw // _LANES)]
        ids = [v[j] for v in ids_vec for j in range(_LANES)]

        def blk_off(i):
            return pl.multiple_of((ids[i] // BLK) * BLK, BLK)

        pltpu.async_copy(
            wt_hbm.at[:, pl.ds(blk_off(0), BLK)], blks[0], sems[0])
        lane_iota = lax.iota(jnp.int32, _LANES)
        for i in range(spw):
            if i + 1 < spw:
                pltpu.async_copy(
                    wt_hbm.at[:, pl.ds(blk_off(i + 1), BLK)],
                    blks[(i + 1) % 2], sems[(i + 1) % 2])
            pltpu.make_async_copy(
                wt_hbm.at[:, pl.ds(0, BLK)], blks[i % 2], sems[i % 2]).wait()
            col = jnp.broadcast_to(ids[i] % BLK, (_LANES,))
            for g in range(D // _LANES):
                rowi = g * _LANES + lane_iota
                vals = plsc.load_gather(blks[i % 2], [rowi, col])
                rows[pl.ds(i * D + g * _LANES, _LANES)] = vals

        pltpu.sync_copy(rows, swf_hbm.at[pl.ds(base * D, spw * D)])
        bc.wait()
        pltpu.sync_copy(sbv, sb_hbm.at[pl.ds(base, spw)])

    return k(wt, bias, sids)


def _sc_true(W, bias, tids):
    B = tids.shape[0]
    D = W.shape[1]
    info = plsc.get_sparse_core_info()
    nc, ns = info.num_cores, info.num_subcores
    nw = nc * ns
    bt = B // nw

    mesh = plsc.VectorSubcoreMesh(core_axis_name="c", subcore_axis_name="s")

    @functools.partial(
        pl.kernel,
        mesh=mesh,
        out_type=(
            jax.ShapeDtypeStruct((B, D), jnp.float32),
            jax.ShapeDtypeStruct((B,), jnp.float32),
        ),
        compiler_params=pltpu.CompilerParams(use_tc_tiling_on_sc=False),
        scratch_types=[
            pltpu.VMEM((bt,), jnp.int32),
            pltpu.VMEM((bt, D), jnp.float32),
            pltpu.VMEM((bt,), jnp.float32),
            pltpu.SemaphoreType.DMA,
            pltpu.SemaphoreType.DMA,
        ],
    )
    def k(w_hbm, b_hbm, tid_hbm, tw_hbm, tb_hbm,
          tidx, trows, tbv, sem, bsem):
        wid = lax.axis_index("s") * nc + lax.axis_index("c")
        base = wid * bt
        pltpu.sync_copy(tid_hbm.at[pl.ds(base, bt)], tidx)
        copies = []
        for j in range(bt // _IDX_CHUNK):
            sl = pl.ds(j * _IDX_CHUNK, _IDX_CHUNK)
            copies.append(pltpu.async_copy(
                w_hbm.at[tidx.at[sl]], trows.at[sl], sem))
            copies.append(pltpu.async_copy(
                b_hbm.at[tidx.at[sl]], tbv.at[sl], bsem))
        for c in copies:
            c.wait()
        pltpu.sync_copy(trows, tw_hbm.at[pl.ds(base, bt)])
        pltpu.sync_copy(tbv, tb_hbm.at[pl.ds(base, bt)])

    return k(W, bias, tids)


def _tc_main(xt, rhs, N, bm=1024):
    D, B = xt.shape
    K = rhs.shape[0]

    def body(xt_ref, rhs_ref, out_ref):
        xtb = xt_ref[...]
        ones = jnp.ones((1, bm), jnp.float32)
        lhs = jnp.concatenate([xtb, ones], axis=0)
        out_ref[...] = lax.dot_general(
            lhs, rhs_ref[...], (((0,), (0,)), ((), ())),
            preferred_element_type=jnp.float32)

    return pl.pallas_call(
        body,
        grid=(B // bm,),
        in_specs=[
            pl.BlockSpec((D, bm), lambda i: (0, i)),
            pl.BlockSpec((K, N), lambda i: (0, 0)),
        ],
        out_specs=pl.BlockSpec((bm, N), lambda i: (i, 0)),
        out_shape=jax.ShapeDtypeStruct((B, N), jnp.float32),
    )(xt, rhs)


def _tc_fix0(out_prev, x, tw, tb, bm=1024):
    B, N = out_prev.shape
    D = x.shape[1]

    def body(x_ref, tw_ref, tb_ref, blk_ref, out_ref):
        tl = jnp.sum(x_ref[...] * tw_ref[...], axis=1, keepdims=True)
        tl = tl + tb_ref[...].reshape(bm, 1)
        lane = lax.broadcasted_iota(jnp.int32, (bm, 128), 1)
        out_ref[...] = jnp.where(lane == 0, tl, blk_ref[...])

    return pl.pallas_call(
        body,
        grid=(B // bm,),
        in_specs=[
            pl.BlockSpec((bm, D), lambda i: (i, 0)),
            pl.BlockSpec((bm, D), lambda i: (i, 0)),
            pl.BlockSpec((bm,), lambda i: (i,)),
            pl.BlockSpec((bm, 128), lambda i: (i, 0)),
        ],
        out_specs=pl.BlockSpec((bm, 128), lambda i: (i, 0)),
        out_shape=jax.ShapeDtypeStruct((B, N), jnp.float32),
        input_output_aliases={3: 0},
    )(x, tw, tb, out_prev)


def kernel(inputs, W, bias, target, sampled):
    V, D = W.shape
    tids = target.reshape(-1)
    S = sampled.shape[0]
    wt = W.T
    xt = inputs.T

    swflat, sb = _sc_sampled(wt, bias, sampled, V, D)
    sw = swflat.reshape(S, D)
    rhs = jnp.concatenate([
        jnp.concatenate([jnp.zeros((D, 1), jnp.float32), sw.T], axis=1),
        jnp.concatenate(
            [jnp.zeros((1, 1), jnp.float32), sb[None, :]], axis=1),
    ], axis=0)

    tw, tb = _sc_true(W, bias, tids)
    out1 = _tc_main(xt, rhs, S + 1)
    return _tc_fix0(out1, inputs, tw, tb)

# --- scband reference (transcript-rebuilt; emitter-appended) ---
"""Pipeline reference for scband-nce-logit-1949915152517 (READ-ONLY COPY).

The authoritative reference and input builder live on the scoring server;
editing this copy changes nothing except your own understanding.
"""

import jax, jax.numpy as jnp
import numpy as np

VOCAB = 1000000
EMBED = 64
NUM_TRUE = 1
NUM_SAMPLED = 1024
BATCH = 16384


def setup_inputs(seed: int = 0) -> dict:
    key = jax.random.key(seed)
    k1, k2, k3, k4 = jax.random.split(key, 4)
    inputs = jax.random.normal(k1, (BATCH, EMBED), dtype=jnp.float32)
    # target classes: one true label per row
    target = jax.random.randint(k2, (BATCH, NUM_TRUE), 0, VOCAB, dtype=jnp.int32)
    # sampled negative classes (stands in for tf.nn.log_uniform_candidate_sampler output,
    # which is stop_gradient'd / non-differentiable in the original)
    sampled = jax.random.randint(k3, (NUM_SAMPLED,), 0, VOCAB, dtype=jnp.int32)
    # learned parameters: softmax weights (TruncatedNormal stddev=1/embedding_size) and bias (zeros)
    W = jax.random.truncated_normal(k4, -2.0, 2.0, (VOCAB, EMBED), dtype=jnp.float32) * (1.0 / EMBED)
    bias = jnp.zeros((VOCAB,), dtype=jnp.float32)
    return {"inputs": inputs, "W": W, "bias": bias, "target": target, "sampled": sampled}


def reference(inputs, W, bias, target, sampled):
    label_flat = target.reshape(-1)
    all_ids = jnp.concatenate([label_flat, sampled], axis=0)
    # embedding lookup (gather) into the big softmax weight table
    all_w = jnp.take(W, all_ids, axis=0)
    n_true = label_flat.shape[0]
    true_w = all_w[:n_true]
    sampled_w = all_w[n_true:]
    # sampled logits: inputs @ sampled_w^T
    sampled_logits = jnp.dot(inputs, sampled_w.T)
    all_b = jnp.take(bias, all_ids, axis=0)
    true_b = all_b[:n_true]
    sampled_b = all_b[n_true:]
    # true logits via row-wise dots
    dim = true_w.shape[1]
    true_w_r = true_w.reshape(-1, NUM_TRUE, dim)
    row_wise_dots = inputs[:, None, :] * true_w_r
    dots_as_matrix = row_wise_dots.reshape(-1, dim)
    true_logits = jnp.sum(dots_as_matrix, axis=1).reshape(-1, NUM_TRUE)
    true_logits = true_logits + true_b.reshape(-1, NUM_TRUE)
    sampled_logits = sampled_logits + sampled_b
    out_logits = jnp.concatenate([true_logits, sampled_logits], axis=1)
    return out_logits

if __name__ == "__main__":
    import jax
    _d = setup_inputs()
    print(jax.jit(kernel)(*tuple(_d.values())))

</pallas_src>

<mosaic_0001>
#map = affine_map<(d0, d1) -> (0, 0)>
#map1 = affine_map<(d0, d1) -> (0)>
module attributes {stable_mosaic.version = 14 : i64} {
  func.func @k(%arg0: i32, %arg1: i32, %arg2: memref<1000000x64xf32, #tpu.memory_space<hbm>>, %arg3: memref<1000000xf32, #tpu.memory_space<hbm>>, %arg4: memref<16384xi32, #tpu.memory_space<hbm>>, %arg5: memref<16384x64xf32, #tpu.memory_space<hbm>>, %arg6: memref<16384xf32, #tpu.memory_space<hbm>>, %arg7: memref<512xi32, #tpu.memory_space<vmem>>, %arg8: memref<512x64xf32, #tpu.memory_space<vmem>>, %arg9: memref<512xf32, #tpu.memory_space<vmem>>, %arg10: memref<!tpu.dma_semaphore, #tpu.memory_space<semaphore_mem>>, %arg11: memref<!tpu.dma_semaphore, #tpu.memory_space<semaphore_mem>>) attributes {dimension_semantics = [#tpu.dimension_semantics<core_parallel>, #tpu.dimension_semantics<subcore_parallel>], iteration_bounds = array<i64: 2, 16>, scalar_prefetch = 0 : i64, scratch_operands = 5 : i64, tpu.core_type = #tpu.core_type<sc_vector_subcore>, window_params = [{transform_indices = #map}, {transform_indices = #map1}, {transform_indices = #map1}, {transform_indices = #map}, {transform_indices = #map1}]} {
    %mul3A = arith.constant 2 : i32
    %mul3A_0 = arith.muli %arg1, %mul3A : i32
    %add3A = arith.addi %mul3A_0, %arg0 : i32
    %mul3A_1 = arith.constant 512 : i32
    %mul3A_2 = arith.muli %add3A, %mul3A_1 : i32
    "tpu.region"() ({
      %run_scoped3A = tpu.sem_alloc : memref<!tpu.dma_semaphore, #tpu.memory_space<semaphore_mem>>
      %dma_start3A_113 = tpu.memref_slice %arg4[%mul3A_2] : memref<16384xi32, #tpu.memory_space<hbm>> -> memref<512xi32, #tpu.memory_space<hbm>>
      %dma_start3A_114 = tpu.memref_slice %arg4[%mul3A_2] : memref<16384xi32, #tpu.memory_space<hbm>> -> memref<512xi32, #tpu.memory_space<hbm>>
      tpu.enqueue_dma source(%dma_start3A_114 : memref<512xi32, #tpu.memory_space<hbm>>) target(%arg7 : memref<512xi32, #tpu.memory_space<vmem>>) target_semaphore(%run_scoped3A : memref<!tpu.dma_semaphore, #tpu.memory_space<semaphore_mem>>)
      %dma_wait3A_115 = tpu.memref_slice %arg4[%mul3A_2] : memref<16384xi32, #tpu.memory_space<hbm>> -> memref<512xi32, #tpu.memory_space<hbm>>
      %dma_wait3A_116 = tpu.memref_slice %arg4[%mul3A_2] : memref<16384xi32, #tpu.memory_space<hbm>> -> memref<512xi32, #tpu.memory_space<hbm>>
      tpu.wait_dma2 semaphore(%run_scoped3A : memref<!tpu.dma_semaphore, #tpu.memory_space<semaphore_mem>>) src(%dma_wait3A_116 : memref<512xi32, #tpu.memory_space<hbm>>) dst(%arg7 : memref<512xi32, #tpu.memory_space<vmem>>)
      tpu.yield
    }) : () -> ()
    %dma_start3A = arith.constant 0 : i32
    %dma_start3A_3 = arith.constant 0 : i32
    %dma_start3A_4 = tpu.memref_slice %arg8[%dma_start3A, %dma_start3A_3] : memref<512x64xf32, #tpu.memory_space<vmem>> -> memref<128x64xf32, #tpu.memory_space<vmem>>
    %dma_start3A_5 = arith.constant 0 : i32
    %dma_start3A_6 = tpu.memref_slice %arg7[%dma_start3A_5] : memref<512xi32, #tpu.memory_space<vmem>> -> memref<128xi32, #tpu.memory_space<vmem>>
    %dma_start3A_7 = arith.constant 0 : i32
    %dma_start3A_8 = arith.constant 0 : i32
    %dma_start3A_9 = tpu.memref_slice %arg2[%dma_start3A_7, %dma_start3A_8] : memref<1000000x64xf32, #tpu.memory_space<hbm>> -> memref<1000000x64xf32, #tpu.memory_space<hbm>>
    tpu.enqueue_indirect_dma source(%dma_start3A_9 : memref<1000000x64xf32, #tpu.memory_space<hbm>>) target(%dma_start3A_4 : memref<128x64xf32, #tpu.memory_space<vmem>>) offsets(%dma_start3A_6 : memref<128xi32, #tpu.memory_space<vmem>>) semaphore(%arg10 : memref<!tpu.dma_semaphore, #tpu.memory_space<semaphore_mem>>)
    %dma_start3A_10 = arith.constant 0 : i32
    %dma_start3A_11 = tpu.memref_slice %arg9[%dma_start3A_10] : memref<512xf32, #tpu.memory_space<vmem>> -> memref<128xf32, #tpu.memory_space<vmem>>
    %dma_start3A_12 = arith.constant 0 : i32
    %dma_start3A_13 = tpu.memref_slice %arg7[%dma_start3A_12] : memref<512xi32, #tpu.memory_space<vmem>> -> memref<128xi32, #tpu.memory_space<vmem>>
    %dma_start3A_14 = arith.constant 0 : i32
    %dma_start3A_15 = tpu.memref_slice %arg3[%dma_start3A_14] : memref<1000000xf32, #tpu.memory_space<hbm>> -> memref<1000000xf32, #tpu.memory_space<hbm>>
    tpu.enqueue_indirect_dma source(%dma_start3A_15 : memref<1000000xf32, #tpu.memory_space<hbm>>) target(%dma_start3A_11 : memref<128xf32, #tpu.memory_space<vmem>>) offsets(%dma_start3A_13 : memref<128xi32, #tpu.memory_space<vmem>>) semaphore(%arg11 : memref<!tpu.dma_semaphore, #tpu.memory_space<semaphore_mem>>)
    %dma_start3A_16 = arith.constant 128 : i32
    %dma_start3A_17 = arith.constant 0 : i32
    %dma_start3A_18 = tpu.memref_slice %arg8[%dma_start3A_16, %dma_start3A_17] : memref<512x64xf32, #tpu.memory_space<vmem>> -> memref<128x64xf32, #tpu.memory_space<vmem>>
    %dma_start3A_19 = arith.constant 128 : i32
    %dma_start3A_20 = tpu.memref_slice %arg7[%dma_start3A_19] : memref<512xi32, #tpu.memory_space<vmem>> -> memref<128xi32, #tpu.memory_space<vmem>>
    %dma_start3A_21 = arith.constant 0 : i32
    %dma_start3A_22 = arith.constant 0 : i32
    %dma_start3A_23 = tpu.memref_slice %arg2[%dma_start3A_21, %dma_start3A_22] : memref<1000000x64xf32, #tpu.memory_space<hbm>> -> memref<1000000x64xf32, #tpu.memory_space<hbm>>
    tpu.enqueue_indirect_dma source(%dma_start3A_23 : memref<1000000x64xf32, #tpu.memory_space<hbm>>) target(%dma_start3A_18 : memref<128x64xf32, #tpu.memory_space<vmem>>) offsets(%dma_start3A_20 : memref<128xi32, #tpu.memory_space<vmem>>) semaphore(%arg10 : memref<!tpu.dma_semaphore, #tpu.memory_space<semaphore_mem>>)
    %dma_start3A_24 = arith.constant 128 : i32
    %dma_start3A_25 = tpu.memref_slice %arg9[%dma_start3A_24] : memref<512xf32, #tpu.memory_space<vmem>> -> memref<128xf32, #tpu.memory_space<vmem>>
    %dma_start3A_26 = arith.constant 128 : i32
    %dma_start3A_27 = tpu.memref_slice %arg7[%dma_start3A_26] : memref<512xi32, #tpu.memory_space<vmem>> -> memref<128xi32, #tpu.memory_space<vmem>>
    %dma_start3A_28 = arith.constant 0 : i32
    %dma_start3A_29 = tpu.memref_slice %arg3[%dma_start3A_28] : memref<1000000xf32, #tpu.memory_space<hbm>> -> memref<1000000xf32, #tpu.memory_space<hbm>>
    tpu.enqueue_indirect_dma source(%dma_start3A_29 : memref<1000000xf32, #tpu.memory_space<hbm>>) target(%dma_start3A_25 : memref<128xf32, #tpu.memory_space<vmem>>) offsets(%dma_start3A_27 : memref<128xi32, #tpu.memory_space<vmem>>) semaphore(%arg11 : memref<!tpu.dma_semaphore, #tpu.memory_space<semaphore_mem>>)
    %dma_start3A_30 = arith.constant 256 : i32
    %dma_start3A_31 = arith.constant 0 : i32
    %dma_start3A_32 = tpu.memref_slice %arg8[%dma_start3A_30, %dma_start3A_31] : memref<512x64xf32, #tpu.memory_space<vmem>> -> memref<128x64xf32, #tpu.memory_space<vmem>>
    %dma_start3A_33 = arith.constant 256 : i32
    %dma_start3A_34 = tpu.memref_slice %arg7[%dma_start3A_33] : memref<512xi32, #tpu.memory_space<vmem>> -> memref<128xi32, #tpu.memory_space<vmem>>
    %dma_start3A_35 = arith.constant 0 : i32
    %dma_start3A_36 = arith.constant 0 : i32
    %dma_start3A_37 = tpu.memref_slice %arg2[%dma_start3A_35, %dma_start3A_36] : memref<1000000x64xf32, #tpu.memory_space<hbm>> -> memref<1000000x64xf32, #tpu.memory_space<hbm>>
    tpu.enqueue_indirect_dma source(%dma_start3A_37 : memref<1000000x64xf32, #tpu.memory_space<hbm>>) target(%dma_start3A_32 : memref<128x64xf32, #tpu.memory_space<vmem>>) offsets(%dma_start3A_34 : memref<128xi32, #tpu.memory_space<vmem>>) semaphore(%arg10 : memref<!tpu.dma_semaphore, #tpu.memory_space<semaphore_mem>>)
    %dma_start3A_38 = arith.constant 256 : i32
    %dma_start3A_39 = tpu.memref_slice %arg9[%dma_start3A_38] : memref<512xf32, #tpu.memory_space<vmem>> -> memref<128xf32, #tpu.memory_space<vmem>>
    %dma_start3A_40 = arith.constant 256 : i32
    %dma_start3A_41 = tpu.memref_slice %arg7[%dma_start3A_40] : memref<512xi32, #tpu.memory_space<vmem>> -> memref<128xi32, #tpu.memory_space<vmem>>
    %dma_start3A_42 = arith.constant 0 : i32
    %dma_start3A_43 = tpu.memref_slice %arg3[%dma_start3A_42] : memref<1000000xf32, #tpu.memory_space<hbm>> -> memref<1000000xf32, #tpu.memory_space<hbm>>
    tpu.enqueue_indirect_dma source(%dma_start3A_43 : memref<1000000xf32, #tpu.memory_space<hbm>>) target(%dma_start3A_39 : memref<128xf32, #tpu.memory_space<vmem>>) offsets(%dma_start3A_41 : memref<128xi32, #tpu.memory_space<vmem>>) semaphore(%arg11 : memref<!tpu.dma_semaphore, #tpu.memory_space<semaphore_mem>>)
    %dma_start3A_44 = arith.constant 384 : i32
    %dma_start3A_45 = arith.constant 0 : i32
    %dma_start3A_46 = tpu.memref_slice %arg8[%dma_start3A_44, %dma_start3A_45] : memref<512x64xf32, #tpu.memory_space<vmem>> -> memref<128x64xf32, #tpu.memory_space<vmem>>
    %dma_start3A_47 = arith.constant 384 : i32
    %dma_start3A_48 = tpu.memref_slice %arg7[%dma_start3A_47] : memref<512xi32, #tpu.memory_space<vmem>> -> memref<128xi32, #tpu.memory_space<vmem>>
    %dma_start3A_49 = arith.constant 0 : i32
    %dma_start3A_50 = arith.constant 0 : i32
    %dma_start3A_51 = tpu.memref_slice %arg2[%dma_start3A_49, %dma_start3A_50] : memref<1000000x64xf32, #tpu.memory_space<hbm>> -> memref<1000000x64xf32, #tpu.memory_space<hbm>>
    tpu.enqueue_indirect_dma source(%dma_start3A_51 : memref<1000000x64xf32, #tpu.memory_space<hbm>>) target(%dma_start3A_46 : memref<128x64xf32, #tpu.memory_space<vmem>>) offsets(%dma_start3A_48 : memref<128xi32, #tpu.memory_space<vmem>>) semaphore(%arg10 : memref<!tpu.dma_semaphore, #tpu.memory_space<semaphore_mem>>)
    %dma_start3A_52 = arith.constant 384 : i32
    %dma_start3A_53 = tpu.memref_slice %arg9[%dma_start3A_52] : memref<512xf32, #tpu.memory_space<vmem>> -> memref<128xf32, #tpu.memory_space<vmem>>
    %dma_start3A_54 = arith.constant 384 : i32
    %dma_start3A_55 = tpu.memref_slice %arg7[%dma_start3A_54] : memref<512xi32, #tpu.memory_space<vmem>> -> memref<128xi32, #tpu.memory_space<vmem>>
    %dma_start3A_56 = arith.constant 0 : i32
    %dma_start3A_57 = tpu.memref_slice %arg3[%dma_start3A_56] : memref<1000000xf32, #tpu.memory_space<hbm>> -> memref<1000000xf32, #tpu.memory_space<hbm>>
    tpu.enqueue_indirect_dma source(%dma_start3A_57 : memref<1000000xf32, #tpu.memory_space<hbm>>) target(%dma_start3A_53 : memref<128xf32, #tpu.memory_space<vmem>>) offsets(%dma_start3A_55 : memref<128xi32, #tpu.memory_space<vmem>>) semaphore(%arg11 : memref<!tpu.dma_semaphore, #tpu.memory_space<semaphore_mem>>)
    %dma_wait3A = arith.constant 0 : i32
    %dma_wait3A_58 = arith.constant 0 : i32
    %dma_wait3A_59 = tpu.memref_slice %arg8[%dma_wait3A, %dma_wait3A_58] : memref<512x64xf32, #tpu.memory_space<vmem>> -> memref<128x64xf32, #tpu.memory_space<vmem>>
    %dma_wait3A_60 = arith.constant 0 : i32
    %dma_wait3A_61 = tpu.memref_slice %arg7[%dma_wait3A_60] : memref<512xi32, #tpu.memory_space<vmem>> -> memref<128xi32, #tpu.memory_space<vmem>>
    %dma_wait3A_62 = arith.constant 0 : i32
    %dma_wait3A_63 = arith.constant 0 : i32
    %dma_wait3A_64 = tpu.memref_slice %arg2[%dma_wait3A_62, %dma_wait3A_63] : memref<1000000x64xf32, #tpu.memory_space<hbm>> -> memref<1000000x64xf32, #tpu.memory_space<hbm>>
    tpu.wait_indirect_dma semaphore(%arg10 : memref<!tpu.dma_semaphore, #tpu.memory_space<semaphore_mem>>) src(%dma_wait3A_64 : memref<1000000x64xf32, #tpu.memory_space<hbm>>) dst(%dma_wait3A_59 : memref<128x64xf32, #tpu.memory_space<vmem>>)
    %dma_wait3A_65 = arith.constant 0 : i32
    %dma_wait3A_66 = tpu.memref_slice %arg9[%dma_wait3A_65] : memref<512xf32, #tpu.memory_space<vmem>> -> memref<128xf32, #tpu.memory_space<vmem>>
    %dma_wait3A_67 = arith.constant 0 : i32
    %dma_wait3A_68 = tpu.memref_slice %arg7[%dma_wait3A_67] : memref<512xi32, #tpu.memory_space<vmem>> -> memref<128xi32, #tpu.memory_space<vmem>>
    %dma_wait3A_69 = arith.constant 0 : i32
    %dma_wait3A_70 = tpu.memref_slice %arg3[%dma_wait3A_69] : memref<1000000xf32, #tpu.memory_space<hbm>> -> memref<1000000xf32, #tpu.memory_space<hbm>>
    tpu.wait_indirect_dma semaphore(%arg11 : memref<!tpu.dma_semaphore, #tpu.memory_space<semaphore_mem>>) src(%dma_wait3A_70 : memref<1000000xf32, #tpu.memory_space<hbm>>) dst(%dma_wait3A_66 : memref<128xf32, #tpu.memory_space<vmem>>)
    %dma_wait3A_71 = arith.constant 128 : i32
    %dma_wait3A_72 = arith.constant 0 : i32
    %dma_wait3A_73 = tpu.memref_slice %arg8[%dma_wait3A_71, %dma_wait3A_72] : memref<512x64xf32, #tpu.memory_space<vmem>> -> memref<128x64xf32, #tpu.memory_space<vmem>>
    %dma_wait3A_74 = arith.constant 128 : i32
    %dma_wait3A_75 = tpu.memref_slice %arg7[%dma_wait3A_74] : memref<512xi32, #tpu.memory_space<vmem>> -> memref<128xi32, #tpu.memory_space<vmem>>
    %dma_wait3A_76 = arith.constant 0 : i32
    %dma_wait3A_77 = arith.constant 0 : i32
    %dma_wait3A_78 = tpu.memref_slice %arg2[%dma_wait3A_76, %dma_wait3A_77] : memref<1000000x64xf32, #tpu.memory_space<hbm>> -> memref<1000000x64xf32, #tpu.memory_space<hbm>>
    tpu.wait_indirect_dma semaphore(%arg10 : memref<!tpu.dma_semaphore, #tpu.memory_space<semaphore_mem>>) src(%dma_wait3A_78 : memref<1000000x64xf32, #tpu.memory_space<hbm>>) dst(%dma_wait3A_73 : memref<128x64xf32, #tpu.memory_space<vmem>>)
    %dma_wait3A_79 = arith.constant 128 : i32
    %dma_wait3A_80 = tpu.memref_slice %arg9[%dma_wait3A_79] : memref<512xf32, #tpu.memory_space<vmem>> -> memref<128xf32, #tpu.memory_space<vmem>>
    %dma_wait3A_81 = arith.constant 128 : i32
    %dma_wait3A_82 = tpu.memref_slice %arg7[%dma_wait3A_81] : memref<512xi32, #tpu.memory_space<vmem>> -> memref<128xi32, #tpu.memory_space<vmem>>
    %dma_wait3A_83 = arith.constant 0 : i32
    %dma_wait3A_84 = tpu.memref_slice %arg3[%dma_wait3A_83] : memref<1000000xf32, #tpu.memory_space<hbm>> -> memref<1000000xf32, #tpu.memory_space<hbm>>
    tpu.wait_indirect_dma semaphore(%arg11 : memref<!tpu.dma_semaphore, #tpu.memory_space<semaphore_mem>>) src(%dma_wait3A_84 : memref<1000000xf32, #tpu.memory_space<hbm>>) dst(%dma_wait3A_80 : memref<128xf32, #tpu.memory_space<vmem>>)
    %dma_wait3A_85 = arith.constant 256 : i32
    %dma_wait3A_86 = arith.constant 0 : i32
    %dma_wait3A_87 = tpu.memref_slice %arg8[%dma_wait3A_85, %dma_wait3A_86] : memref<512x64xf32, #tpu.memory_space<vmem>> -> memref<128x64xf32, #tpu.memory_space<vmem>>
    %dma_wait3A_88 = arith.constant 256 : i32
    %dma_wait3A_89 = tpu.memref_slice %arg7[%dma_wait3A_88] : memref<512xi32, #tpu.memory_space<vmem>> -> memref<128xi32, #tpu.memory_space<vmem>>
    %dma_wait3A_90 = arith.constant 0 : i32
    %dma_wait3A_91 = arith.constant 0 : i32
    %dma_wait3A_92 = tpu.memref_slice %arg2[%dma_wait3A_90, %dma_wait3A_91] : memref<1000000x64xf32, #tpu.memory_space<hbm>> -> memref<1000000x64xf32, #tpu.memory_space<hbm>>
    tpu.wait_indirect_dma semaphore(%arg10 : memref<!tpu.dma_semaphore, #tpu.memory_space<semaphore_mem>>) src(%dma_wait3A_92 : memref<1000000x64xf32, #tpu.memory_space<hbm>>) dst(%dma_wait3A_87 : memref<128x64xf32, #tpu.memory_space<vmem>>)
    %dma_wait3A_93 = arith.constant 256 : i32
    %dma_wait3A_94 = tpu.memref_slice %arg9[%dma_wait3A_93] : memref<512xf32, #tpu.memory_space<vmem>> -> memref<128xf32, #tpu.memory_space<vmem>>
    %dma_wait3A_95 = arith.constant 256 : i32
    %dma_wait3A_96 = tpu.memref_slice %arg7[%dma_wait3A_95] : memref<512xi32, #tpu.memory_space<vmem>> -> memref<128xi32, #tpu.memory_space<vmem>>
    %dma_wait3A_97 = arith.constant 0 : i32
    %dma_wait3A_98 = tpu.memref_slice %arg3[%dma_wait3A_97] : memref<1000000xf32, #tpu.memory_space<hbm>> -> memref<1000000xf32, #tpu.memory_space<hbm>>
    tpu.wait_indirect_dma semaphore(%arg11 : memref<!tpu.dma_semaphore, #tpu.memory_space<semaphore_mem>>) src(%dma_wait3A_98 : memref<1000000xf32, #tpu.memory_space<hbm>>) dst(%dma_wait3A_94 : memref<128xf32, #tpu.memory_space<vmem>>)
    %dma_wait3A_99 = arith.constant 384 : i32
    %dma_wait3A_100 = arith.constant 0 : i32
    %dma_wait3A_101 = tpu.memref_slice %arg8[%dma_wait3A_99, %dma_wait3A_100] : memref<512x64xf32, #tpu.memory_space<vmem>> -> memref<128x64xf32, #tpu.memory_space<vmem>>
    %dma_wait3A_102 = arith.constant 384 : i32
    %dma_wait3A_103 = tpu.memref_slice %arg7[%dma_wait3A_102] : memref<512xi32, #tpu.memory_space<vmem>> -> memref<128xi32, #tpu.memory_space<vmem>>
    %dma_wait3A_104 = arith.constant 0 : i32
    %dma_wait3A_105 = arith.constant 0 : i32
    %dma_wait3A_106 = tpu.memref_slice %arg2[%dma_wait3A_104, %dma_wait3A_105] : memref<1000000x64xf32, #tpu.memory_space<hbm>> -> memref<1000000x64xf32, #tpu.memory_space<hbm>>
    tpu.wait_indirect_dma semaphore(%arg10 : memref<!tpu.dma_semaphore, #tpu.memory_space<semaphore_mem>>) src(%dma_wait3A_106 : memref<1000000x64xf32, #tpu.memory_space<hbm>>) dst(%dma_wait3A_101 : memref<128x64xf32, #tpu.memory_space<vmem>>)
    %dma_wait3A_107 = arith.constant 384 : i32
    %dma_wait3A_108 = tpu.memref_slice %arg9[%dma_wait3A_107] : memref<512xf32, #tpu.memory_space<vmem>> -> memref<128xf32, #tpu.memory_space<vmem>>
    %dma_wait3A_109 = arith.constant 384 : i32
    %dma_wait3A_110 = tpu.memref_slice %arg7[%dma_wait3A_109] : memref<512xi32, #tpu.memory_space<vmem>> -> memref<128xi32, #tpu.memory_space<vmem>>
    %dma_wait3A_111 = arith.constant 0 : i32
    %dma_wait3A_112 = tpu.memref_slice %arg3[%dma_wait3A_111] : memref<1000000xf32, #tpu.memory_space<hbm>> -> memref<1000000xf32, #tpu.memory_space<hbm>>
    tpu.wait_indirect_dma semaphore(%arg11 : memref<!tpu.dma_semaphore, #tpu.memory_space<semaphore_mem>>) src(%dma_wait3A_112 : memref<1000000xf32, #tpu.memory_space<hbm>>) dst(%dma_wait3A_108 : memref<128xf32, #tpu.memory_space<vmem>>)
    "tpu.region"() ({
      %run_scoped3A = tpu.sem_alloc : memref<!tpu.dma_semaphore, #tpu.memory_space<semaphore_mem>>
      %dma_start3A_113 = arith.constant 0 : i32
      %dma_start3A_114 = tpu.memref_slice %arg5[%mul3A_2, %dma_start3A_113] : memref<16384x64xf32, #tpu.memory_space<hbm>> -> memref<512x64xf32, #tpu.memory_space<hbm>>
      %dma_start3A_115 = arith.constant 0 : i32
      %dma_start3A_116 = tpu.memref_slice %arg5[%mul3A_2, %dma_start3A_115] : memref<16384x64xf32, #tpu.memory_space<hbm>> -> memref<512x64xf32, #tpu.memory_space<hbm>>
      tpu.enqueue_dma source(%arg8 : memref<512x64xf32, #tpu.memory_space<vmem>>) target(%dma_start3A_116 : memref<512x64xf32, #tpu.memory_space<hbm>>) target_semaphore(%run_scoped3A : memref<!tpu.dma_semaphore, #tpu.memory_space<semaphore_mem>>)
      %dma_wait3A_117 = arith.constant 0 : i32
      %dma_wait3A_118 = tpu.memref_slice %arg5[%mul3A_2, %dma_wait3A_117] : memref<16384x64xf32, #tpu.memory_space<hbm>> -> memref<512x64xf32, #tpu.memory_space<hbm>>
      %dma_wait3A_119 = arith.constant 0 : i32
      %dma_wait3A_120 = tpu.memref_slice %arg5[%mul3A_2, %dma_wait3A_119] : memref<16384x64xf32, #tpu.memory_space<hbm>> -> memref<512x64xf32, #tpu.memory_space<hbm>>
      tpu.wait_dma2 semaphore(%run_scoped3A : memref<!tpu.dma_semaphore, #tpu.memory_space<semaphore_mem>>) src(%arg8 : memref<512x64xf32, #tpu.memory_space<vmem>>) dst(%dma_wait3A_120 : memref<512x64xf32, #tpu.memory_space<hbm>>)
      tpu.yield
    }) : () -> ()
    "tpu.region"() ({
      %run_scoped3A = tpu.sem_alloc : memref<!tpu.dma_semaphore, #tpu.memory_space<semaphore_mem>>
      %dma_start3A_113 = tpu.memref_slice %arg6[%mul3A_2] : memref<16384xf32, #tpu.memory_space<hbm>> -> memref<512xf32, #tpu.memory_space<hbm>>
      %dma_start3A_114 = tpu.memref_slice %arg6[%mul3A_2] : memref<16384xf32, #tpu.memory_space<hbm>> -> memref<512xf32, #tpu.memory_space<hbm>>
      tpu.enqueue_dma source(%arg9 : memref<512xf32, #tpu.memory_space<vmem>>) target(%dma_start3A_114 : memref<512xf32, #tpu.memory_space<hbm>>) target_semaphore(%run_scoped3A : memref<!tpu.dma_semaphore, #tpu.memory_space<semaphore_mem>>)
      %dma_wait3A_115 = tpu.memref_slice %arg6[%mul3A_2] : memref<16384xf32, #tpu.memory_space<hbm>> -> memref<512xf32, #tpu.memory_space<hbm>>
      %dma_wait3A_116 = tpu.memref_slice %arg6[%mul3A_2] : memref<16384xf32, #tpu.memory_space<hbm>> -> memref<512xf32, #tpu.memory_space<hbm>>
      tpu.wait_dma2 semaphore(%run_scoped3A : memref<!tpu.dma_semaphore, #tpu.memory_space<semaphore_mem>>) src(%arg9 : memref<512xf32, #tpu.memory_space<vmem>>) dst(%dma_wait3A_116 : memref<512xf32, #tpu.memory_space<hbm>>)
      tpu.yield
    }) : () -> ()
    return
  }
}

#map = affine_map<(d0, d1) -> (0, 0)>
#map1 = affine_map<(d0, d1) -> (0)>
module attributes {stable_mosaic.version = 14 : i64} {
  func.func @k(%arg0: i32, %arg1: i32, %arg2: memref<64x1000000xf32, #tpu.memory_space<hbm>>, %arg3: memref<1000000xf32, #tpu.memory_space<hbm>>, %arg4: memref<1024xi32, #tpu.memory_space<hbm>>, %arg5: memref<65536xf32, #tpu.memory_space<hbm>>, %arg6: memref<1024xf32, #tpu.memory_space<hbm>>, %arg7: memref<32xi32, #tpu.memory_space<vmem>>, %arg8: memref<64x128xf32, #tpu.memory_space<vmem>>, %arg9: memref<64x128xf32, #tpu.memory_space<vmem>>, %arg10: memref<2048xf32, #tpu.memory_space<vmem>>, %arg11: memref<32xf32, #tpu.memory_space<vmem>>, %arg12: memref<!tpu.dma_semaphore, #tpu.memory_space<semaphore_mem>>, %arg13: memref<!tpu.dma_semaphore, #tpu.memory_space<semaphore_mem>>, %arg14: memref<!tpu.dma_semaphore, #tpu.memory_space<semaphore_mem>>) attributes {dimension_semantics = [#tpu.dimension_semantics<core_parallel>, #tpu.dimension_semantics<subcore_parallel>], iteration_bounds = array<i64: 2, 16>, scalar_prefetch = 0 : i64, scratch_operands = 8 : i64, tpu.core_type = #tpu.core_type<sc_vector_subcore>, window_params = [{transform_indices = #map}, {transform_indices = #map1}, {transform_indices = #map1}, {transform_indices = #map1}, {transform_indices = #map1}]} {
    %mul3A = arith.constant 2 : i32
    %mul3A_0 = arith.muli %arg1, %mul3A : i32
    %add3A = arith.addi %mul3A_0, %arg0 : i32
    %mul3A_1 = arith.constant 32 : i32
    %mul3A_2 = arith.muli %add3A, %mul3A_1 : i32
    "tpu.region"() ({
      %run_scoped3A = tpu.sem_alloc : memref<!tpu.dma_semaphore, #tpu.memory_space<semaphore_mem>>
      %dma_start3A_2554 = tpu.memref_slice %arg4[%mul3A_2] : memref<1024xi32, #tpu.memory_space<hbm>> -> memref<32xi32, #tpu.memory_space<hbm>>
      %dma_start3A_2555 = tpu.memref_slice %arg4[%mul3A_2] : memref<1024xi32, #tpu.memory_space<hbm>> -> memref<32xi32, #tpu.memory_space<hbm>>
      tpu.enqueue_dma source(%dma_start3A_2555 : memref<32xi32, #tpu.memory_space<hbm>>) target(%arg7 : memref<32xi32, #tpu.memory_space<vmem>>) target_semaphore(%run_scoped3A : memref<!tpu.dma_semaphore, #tpu.memory_space<semaphore_mem>>)
      %dma_wait3A_2556 = tpu.memref_slice %arg4[%mul3A_2] : memref<1024xi32, #tpu.memory_space<hbm>> -> memref<32xi32, #tpu.memory_space<hbm>>
      %dma_wait3A_2557 = tpu.memref_slice %arg4[%mul3A_2] : memref<1024xi32, #tpu.memory_space<hbm>> -> memref<32xi32, #tpu.memory_space<hbm>>
      tpu.wait_dma2 semaphore(%run_scoped3A : memref<!tpu.dma_semaphore, #tpu.memory_space<semaphore_mem>>) src(%dma_wait3A_2557 : memref<32xi32, #tpu.memory_space<hbm>>) dst(%arg7 : memref<32xi32, #tpu.memory_space<vmem>>)
      tpu.yield
    }) : () -> ()
    %dma_start3A = arith.constant 0 : i32
    %dma_start3A_3 = tpu.memref_slice %arg3[%dma_start3A] : memref<1000000xf32, #tpu.memory_space<hbm>> -> memref<1000000xf32, #tpu.memory_space<hbm>>
    tpu.enqueue_indirect_dma source(%dma_start3A_3 : memref<1000000xf32, #tpu.memory_space<hbm>>) target(%arg11 : memref<32xf32, #tpu.memory_space<vmem>>) offsets(%arg7 : memref<32xi32, #tpu.memory_space<vmem>>) semaphore(%arg14 : memref<!tpu.dma_semaphore, #tpu.memory_space<semaphore_mem>>)
    %get3A = arith.constant 0 : index
    %get3A_4 = tpu.vector_load %arg7[%get3A] {strides = array<i32>} : memref<32xi32, #tpu.memory_space<vmem>>, vector<16xi32>,
    %get3A_5 = arith.constant 16 : index
    %get3A_6 = tpu.vector_load %arg7[%get3A_5] {strides = array<i32>} : memref<32xi32, #tpu.memory_space<vmem>>, vector<16xi32>,
    %slice3A = vector.extract_strided_slice %get3A_4 {offsets = [0], sizes = [1], strides = [1]} : vector<16xi32> to vector<1xi32>
    %squeeze3A = vector.extract %slice3A[0] : i32 from vector<1xi32>
    %slice3A_7 = vector.extract_strided_slice %get3A_4 {offsets = [1], sizes = [1], strides = [1]} : vector<16xi32> to vector<1xi32>
    %squeeze3A_8 = vector.extract %slice3A_7[0] : i32 from vector<1xi32>
    %slice3A_9 = vector.extract_strided_slice %get3A_4 {offsets = [2], sizes = [1], strides = [1]} : vector<16xi32> to vector<1xi32>
    %squeeze3A_10 = vector.extract %slice3A_9[0] : i32 from vector<1xi32>
    %slice3A_11 = vector.extract_strided_slice %get3A_4 {offsets = [3], sizes = [1], strides = [1]} : vector<16xi32> to vector<1xi32>
    %squeeze3A_12 = vector.extract %slice3A_11[0] : i32 from vector<1xi32>
    %slice3A_13 = vector.extract_strided_slice %get3A_4 {offsets = [4], sizes = [1], strides = [1]} : vector<16xi32> to vector<1xi32>
    %squeeze3A_14 = vector.extract %slice3A_13[0] : i32 from vector<1xi32>
    %slice3A_15 = vector.extract_strided_slice %get3A_4 {offsets = [5], sizes = [1], strides = [1]} : vector<16xi32> to vector<1xi32>
    %squeeze3A_16 = vector.extract %slice3A_15[0] : i32 from vector<1xi32>
    %slice3A_17 = vector.extract_strided_slice %get3A_4 {offsets = [6], sizes = [1], strides = [1]} : vector<16xi32> to vector<1xi32>
    %squeeze3A_18 = vector.extract %slice3A_17[0] : i32 from vector<1xi32>
    %slice3A_19 = vector.extract_strided_slice %get3A_4 {offsets = [7], sizes = [1], strides = [1]} : vector<16xi32> to vector<1xi32>
    %squeeze3A_20 = vector.extract %slice3A_19[0] : i32 from vector<1xi32>
    %slice3A_21 = vector.extract_strided_slice %get3A_4 {offsets = [8], sizes = [1], strides = [1]} : vector<16xi32> to vector<1xi32>
    %squeeze3A_22 = vector.extract %slice3A_21[0] : i32 from vector<1xi32>
    %slice3A_23 = vector.extract_strided_slice %get3A_4 {offsets = [9], sizes = [1], strides = [1]} : vector<16xi32> to vector<1xi32>
    %squeeze3A_24 = vector.extract %slice3A_23[0] : i32 from vector<1xi32>
    %slice3A_25 = vector.extract_strided_slice %get3A_4 {offsets = [10], sizes = [1], strides = [1]} : vector<16xi32> to vector<1xi32>
    %squeeze3A_26 = vector.extract %slice3A_25[0] : i32 from vector<1xi32>
    %slice3A_27 = vector.extract_strided_slice %get3A_4 {offsets = [11], sizes = [1], strides = [1]} : vector<16xi32> to vector<1xi32>
    %squeeze3A_28 = vector.extract %slice3A_27[0] : i32 from vector<1xi32>
    %slice3A_29 = vector.extract_strided_slice %get3A_4 {offsets = [12], sizes = [1], strides = [1]} : vector<16xi32> to vector<1xi32>
    %squeeze3A_30 = vector.extract %slice3A_29[0] : i32 from vector<1xi32>
    %slice3A_31 = vector.extract_strided_slice %get3A_4 {offsets = [13], sizes = [1], strides = [1]} : vector<16xi32> to vector<1xi32>
    %squeeze3A_32 = vector.extract %slice3A_31[0] : i32 from vector<1xi32>
    %slice3A_33 = vector.extract_strided_slice %get3A_4 {offsets = [14], sizes = [1], strides = [1]} : vector<16xi32> to vector<1xi32>
    %squeeze3A_34 = vector.extract %slice3A_33[0] : i32 from vector<1xi32>
    %slice3A_35 = vector.extract_strided_slice %get3A_4 {offsets = [15], sizes = [1], strides = [1]} : vector<16xi32> to vector<1xi32>
    %squeeze3A_36 = vector.extract %slice3A_35[0] : i32 from vector<1xi32>
    %slice3A_37 = vector.extract_strided_slice %get3A_6 {offsets = [0], sizes = [1], strides = [1]} : vector<16xi32> to vector<1xi32>
    %squeeze3A_38 = vector.extract %slice3A_37[0] : i32 from vector<1xi32>
    %slice3A_39 = vector.extract_strided_slice %get3A_6 {offsets = [1], sizes = [1], strides = [1]} : vector<16xi32> to vector<1xi32>
    %squeeze3A_40 = vector.extract %slice3A_39[0] : i32 from vector<1xi32>
    %slice3A_41 = vector.extract_strided_slice %get3A_6 {offsets = [2], sizes = [1], strides = [1]} : vector<16xi32> to vector<1xi32>
    %squeeze3A_42 = vector.extract %slice3A_41[0] : i32 from vector<1xi32>
    %slice3A_43 = vector.extract_strided_slice %get3A_6 {offsets = [3], sizes = [1], strides = [1]} : vector<16xi32> to vector<1xi32>
    %squeeze3A_44 = vector.extract %slice3A_43[0] : i32 from vector<1xi32>
    %slice3A_45 = vector.extract_strided_slice %get3A_6 {offsets = [4], sizes = [1], strides = [1]} : vector<16xi32> to vector<1xi32>
    %squeeze3A_46 = vector.extract %slice3A_45[0] : i32 from vector<1xi32>
    %slice3A_47 = vector.extract_strided_slice %get3A_6 {offsets = [5], sizes = [1], strides = [1]} : vector<16xi32> to vector<1xi32>
    %squeeze3A_48 = vector.extract %slice3A_47[0] : i32 from vector<1xi32>
    %slice3A_49 = vector.extract_strided_slice %get3A_6 {offsets = [6], sizes = [1], strides = [1]} : vector<16xi32> to vector<1xi32>
    %squeeze3A_50 = vector.extract %slice3A_49[0] : i32 from vector<1xi32>
    %slice3A_51 = vector.extract_strided_slice %get3A_6 {offsets = [7], sizes = [1], strides = [1]} : vector<16xi32> to vector<1xi32>
    %squeeze3A_52 = vector.extract %slice3A_51[0] : i32 from vector<1xi32>
    %slice3A_53 = vector.extract_strided_slice %get3A_6 {offsets = [8], sizes = [1], strides = [1]} : vector<16xi32> to vector<1xi32>
    %squeeze3A_54 = vector.extract %slice3A_53[0] : i32 from vector<1xi32>
    %slice3A_55 = vector.extract_strided_slice %get3A_6 {offsets = [9], sizes = [1], strides = [1]} : vector<16xi32> to vector<1xi32>
    %squeeze3A_56 = vector.extract %slice3A_55[0] : i32 from vector<1xi32>
    %slice3A_57 = vector.extract_strided_slice %get3A_6 {offsets = [10], sizes = [1], strides = [1]} : vector<16xi32> to vector<1xi32>
    %squeeze3A_58 = vector.extract %slice3A_57[0] : i32 from vector<1xi32>
    %slice3A_59 = vector.extract_strided_slice %get3A_6 {offsets = [11], sizes = [1], strides = [1]} : vector<16xi32> to vector<1xi32>
    %squeeze3A_60 = vector.extract %slice3A_59[0] : i32 from vector<1xi32>
    %slice3A_61 = vector.extract_strided_slice %get3A_6 {offsets = [12], sizes = [1], strides = [1]} : vector<16xi32> to vector<1xi32>
    %squeeze3A_62 = vector.extract %slice3A_61[0] : i32 from vector<1xi32>
    %slice3A_63 = vector.extract_strided_slice %get3A_6 {offsets = [13], sizes = [1], strides = [1]} : vector<16xi32> to vector<1xi32>
    %squeeze3A_64 = vector.extract %slice3A_63[0] : i32 from vector<1xi32>
    %slice3A_65 = vector.extract_strided_slice %get3A_6 {offsets = [14], sizes = [1], strides = [1]} : vector<16xi32> to vector<1xi32>
    %squeeze3A_66 = vector.extract %slice3A_65[0] : i32 from vector<1xi32>
    %slice3A_67 = vector.extract_strided_slice %get3A_6 {offsets = [15], sizes = [1], strides = [1]} : vector<16xi32> to vector<1xi32>
    %squeeze3A_68 = vector.extract %slice3A_67[0] : i32 from vector<1xi32>
    %jit3A = arith.constant 128 : i32
    %div3A = arith.divsi %squeeze3A, %jit3A : i32
    %sign3A = arith.constant 0 : i32
    %sign3A_69 = arith.cmpi sgt, %squeeze3A, %sign3A : i32
    %sign3A_70 = arith.extui %sign3A_69 : i1 to i32
    %sign3A_71 = arith.constant 0 : i32
    %sign3A_72 = arith.cmpi slt, %squeeze3A, %sign3A_71 : i32
    %sign3A_73 = arith.extui %sign3A_72 : i1 to i32
    %sign3A_74 = arith.subi %sign3A_70, %sign3A_73 : i32
    %sign3A_75 = arith.constant 0 : i32
    %sign3A_76 = arith.cmpi sgt, %jit3A, %sign3A_75 : i32
    %sign3A_77 = arith.extui %sign3A_76 : i1 to i32
    %sign3A_78 = arith.constant 0 : i32
    %sign3A_79 = arith.cmpi slt, %jit3A, %sign3A_78 : i32
    %sign3A_80 = arith.extui %sign3A_79 : i1 to i32
    %sign3A_81 = arith.subi %sign3A_77, %sign3A_80 : i32
    %ne3A = arith.cmpi ne, %sign3A_74, %sign3A_81 : i32
    %rem3A = arith.remsi %squeeze3A, %jit3A : i32
    %ne3A_82 = arith.constant 0 : i32
    %ne3A_83 = arith.cmpi ne, %rem3A, %ne3A_82 : i32
    %and3A = arith.andi %ne3A, %ne3A_83 : i1
    %sub3A = arith.constant 1 : i32
    %sub3A_84 = arith.subi %div3A, %sub3A : i32
    %select_n3A = arith.select %and3A, %sub3A_84, %div3A : i32
    %mul3A_85 = arith.constant 128 : i32
    %mul3A_86 = arith.muli %select_n3A, %mul3A_85 : i32
    %multiple_of3A = tpu.assume_multiple %mul3A_86, 128 : i32
    %dma_start3A_87 = arith.constant 0 : i32
    %dma_start3A_88 = tpu.memref_slice %arg2[%dma_start3A_87, %multiple_of3A] : memref<64x1000000xf32, #tpu.memory_space<hbm>> -> memref<64x128xf32, #tpu.memory_space<hbm>>
    %dma_start3A_89 = arith.constant 0 : i32
    %dma_start3A_90 = tpu.memref_slice %arg2[%dma_start3A_89, %multiple_of3A] : memref<64x1000000xf32, #tpu.memory_space<hbm>> -> memref<64x128xf32, #tpu.memory_space<hbm>>
    tpu.enqueue_dma source(%dma_start3A_90 : memref<64x128xf32, #tpu.memory_space<hbm>>) target(%arg8 : memref<64x128xf32, #tpu.memory_space<vmem>>) target_semaphore(%arg12 : memref<!tpu.dma_semaphore, #tpu.memory_space<semaphore_mem>>)
    %iota3A = tpu.iota {dimensions = array<i32: 0>} : vector<16xi32>
    %jit3A_91 = arith.constant 128 : i32
    %div3A_92 = arith.divsi %squeeze3A_8, %jit3A_91 : i32
    %sign3A_93 = arith.constant 0 : i32
    %sign3A_94 = arith.cmpi sgt, %squeeze3A_8, %sign3A_93 : i32
    %sign3A_95 = arith.extui %sign3A_94 : i1 to i32
    %sign3A_96 = arith.constant 0 : i32
    %sign3A_97 = arith.cmpi slt, %squeeze3A_8, %sign3A_96 : i32
    %sign3A_98 = arith.extui %sign3A_97 : i1 to i32
    %sign3A_99 = arith.subi %sign3A_95, %sign3A_98 : i32
    %sign3A_100 = arith.constant 0 : i32
    %sign3A_101 = arith.cmpi sgt, %jit3A_91, %sign3A_100 : i32
    %sign3A_102 = arith.extui %sign3A_101 : i1 to i32
    %sign3A_103 = arith.constant 0 : i32
    %sign3A_104 = arith.cmpi slt, %jit3A_91, %sign3A_103 : i32
    %sign3A_105 = arith.extui %sign3A_104 : i1 to i32
    %sign3A_106 = arith.subi %sign3A_102, %sign3A_105 : i32
    %ne3A_107 = arith.cmpi ne, %sign3A_99, %sign3A_106 : i32
    %rem3A_108 = arith.remsi %squeeze3A_8, %jit3A_91 : i32
    %ne3A_109 = arith.constant 0 : i32
    %ne3A_110 = arith.cmpi ne, %rem3A_108, %ne3A_109 : i32
    %and3A_111 = arith.andi %ne3A_107, %ne3A_110 : i1
    %sub3A_112 = arith.constant 1 : i32
    %sub3A_113 = arith.subi %div3A_92, %sub3A_112 : i32
    %select_n3A_114 = arith.select %and3A_111, %sub3A_113, %div3A_92 : i32
    %mul3A_115 = arith.constant 128 : i32
    %mul3A_116 = arith.muli %select_n3A_114, %mul3A_115 : i32
    %multiple_of3A_117 = tpu.assume_multiple %mul3A_116, 128 : i32
    %dma_start3A_118 = arith.constant 0 : i32
    %dma_start3A_119 = tpu.memref_slice %arg2[%dma_start3A_118, %multiple_of3A_117] : memref<64x1000000xf32, #tpu.memory_space<hbm>> -> memref<64x128xf32, #tpu.memory_space<hbm>>
    %dma_start3A_120 = arith.constant 0 : i32
    %dma_start3A_121 = tpu.memref_slice %arg2[%dma_start3A_120, %multiple_of3A_117] : memref<64x1000000xf32, #tpu.memory_space<hbm>> -> memref<64x128xf32, #tpu.memory_space<hbm>>
    tpu.enqueue_dma source(%dma_start3A_121 : memref<64x128xf32, #tpu.memory_space<hbm>>) target(%arg9 : memref<64x128xf32, #tpu.memory_space<vmem>>) target_semaphore(%arg13 : memref<!tpu.dma_semaphore, #tpu.memory_space<semaphore_mem>>)
    %dma_wait3A = arith.constant 0 : i32
    %dma_wait3A_122 = arith.constant 0 : i32
    %dma_wait3A_123 = tpu.memref_slice %arg2[%dma_wait3A, %dma_wait3A_122] : memref<64x1000000xf32, #tpu.memory_space<hbm>> -> memref<64x128xf32, #tpu.memory_space<hbm>>
    %dma_wait3A_124 = arith.constant 0 : i32
    %dma_wait3A_125 = arith.constant 0 : i32
    %dma_wait3A_126 = tpu.memref_slice %arg2[%dma_wait3A_124, %dma_wait3A_125] : memref<64x1000000xf32, #tpu.memory_space<hbm>> -> memref<64x128xf32, #tpu.memory_space<hbm>>
    tpu.wait_dma2 semaphore(%arg12 : memref<!tpu.dma_semaphore, #tpu.memory_space<semaphore_mem>>) src(%dma_wait3A_126 : memref<64x128xf32, #tpu.memory_space<hbm>>) dst(%arg8 : memref<64x128xf32, #tpu.memory_space<vmem>>)
    %jit3A_127 = arith.constant 128 : i32
    %eq3A = arith.constant 0 : i32
    %eq3A_128 = arith.cmpi eq, %jit3A_127, %eq3A : i32
    %jit3A_129 = arith.constant 1 : i32
    %select_n3A_130 = arith.select %eq3A_128, %jit3A_129, %jit3A_127 : i32
    %rem3A_131 = arith.remsi %squeeze3A, %select_n3A_130 : i32
    %ne3A_132 = arith.constant 0 : i32
    %ne3A_133 = arith.cmpi ne, %rem3A_131, %ne3A_132 : i32
    %lt3A = arith.constant 0 : i32
    %lt3A_134 = arith.cmpi slt, %rem3A_131, %lt3A : i32
    %lt3A_135 = arith.constant 0 : i32
    %lt3A_136 = arith.cmpi slt, %select_n3A_130, %lt3A_135 : i32
    %ne3A_137 = arith.xori %lt3A_134, %lt3A_136 : i1
    %and3A_138 = arith.andi %ne3A_137, %ne3A_133 : i1
    %add3A_139 = arith.addi %rem3A_131, %select_n3A_130 : i32
    %select_n3A_140 = arith.select %and3A_138, %add3A_139, %rem3A_131 : i32
    %broadcast_in_dim3A = vector.broadcast %select_n3A_140 : i32 to vector<16xi32>
    %add3A_141 = arith.constant 0 : i32
    %add3A_142 = vector.broadcast %add3A_141 : i32 to vector<16xi32>
    %add3A_143 = arith.addi %add3A_142, %iota3A : vector<16xi32>
    %gather3A = tpu.vector_load_idx %arg8[%add3A_143, %broadcast_in_dim3A] : memref<64x128xf32, #tpu.memory_space<vmem>>[vector<16xi32>, vector<16xi32>], vector<16xf32>,
    %swap3A = arith.constant 0 : index
    %swap3A_144 = tpu.vector_load %arg10[%swap3A] {strides = array<i32>} : memref<2048xf32, #tpu.memory_space<vmem>>, vector<16xf32>,
    tpu.vector_store %arg10[%swap3A], %gather3A {strides = array<i32>} : memref<2048xf32, #tpu.memory_space<vmem>>, vector<16xf32>,
    %add3A_145 = arith.constant 16 : i32
    %add3A_146 = vector.broadcast %add3A_145 : i32 to vector<16xi32>
    %add3A_147 = arith.addi %add3A_146, %iota3A : vector<16xi32>
    %gather3A_148 = tpu.vector_load_idx %arg8[%add3A_147, %broadcast_in_dim3A] : memref<64x128xf32, #tpu.memory_space<vmem>>[vector<16xi32>, vector<16xi32>], vector<16xf32>,
    %swap3A_149 = arith.constant 16 : index
    %swap3A_150 = tpu.vector_load %arg10[%swap3A_149] {strides = array<i32>} : memref<2048xf32, #tpu.memory_space<vmem>>, vector<16xf32>,
    tpu.vector_store %arg10[%swap3A_149], %gather3A_148 {strides = array<i32>} : memref<2048xf32, #tpu.memory_space<vmem>>, vector<16xf32>,
    %add3A_151 = arith.constant 32 : i32
    %add3A_152 = vector.broadcast %add3A_151 : i32 to vector<16xi32>
    %add3A_153 = arith.addi %add3A_152, %iota3A : vector<16xi32>
    %gather3A_154 = tpu.vector_load_idx %arg8[%add3A_153, %broadcast_in_dim3A] : memref<64x128xf32, #tpu.memory_space<vmem>>[vector<16xi32>, vector<16xi32>], vector<16xf32>,
    %swap3A_155 = arith.constant 32 : index
    %swap3A_156 = tpu.vector_load %arg10[%swap3A_155] {strides = array<i32>} : memref<2048xf32, #tpu.memory_space<vmem>>, vector<16xf32>,
    tpu.vector_store %arg10[%swap3A_155], %gather3A_154 {strides = array<i32>} : memref<2048xf32, #tpu.memory_space<vmem>>, vector<16xf32>,
    %add3A_157 = arith.constant 48 : i32
    %add3A_158 = vector.broadcast %add3A_157 : i32 to vector<16xi32>
    %add3A_159 = arith.addi %add3A_158, %iota3A : vector<16xi32>
    %gather3A_160 = tpu.vector_load_idx %arg8[%add3A_159, %broadcast_in_dim3A] : memref<64x128xf32, #tpu.memory_space<vmem>>[vector<16xi32>, vector<16xi32>], vector<16xf32>,
    %swap3A_161 = arith.constant 48 : index
    %swap3A_162 = tpu.vector_load %arg10[%swap3A_161] {strides = array<i32>} : memref<2048xf32, #tpu.memory_space<vmem>>, vector<16xf32>,
    tpu.vector_store %arg10[%swap3A_161], %gather3A_160 {strides = array<i32>} : memref<2048xf32, #tpu.memory_space<vmem>>, vector<16xf32>,
    %jit3A_163 = arith.constant 128 : i32
    %div3A_164 = arith.divsi %squeeze3A_10, %jit3A_163 : i32
    %sign3A_165 = arith.constant 0 : i32
    %sign3A_166 = arith.cmpi sgt, %squeeze3A_10, %sign3A_165 : i32
    %sign3A_167 = arith.extui %sign3A_166 : i1 to i32
    %sign3A_168 = arith.constant 0 : i32
    %sign3A_169 = arith.cmpi slt, %squeeze3A_10, %sign3A_168 : i32
    %sign3A_170 = arith.extui %sign3A_169 : i1 to i32
    %sign3A_171 = arith.subi %sign3A_167, %sign3A_170 : i32
    %sign3A_172 = arith.constant 0 : i32
    %sign3A_173 = arith.cmpi sgt, %jit3A_163, %sign3A_172 : i32
    %sign3A_174 = arith.extui %sign3A_173 : i1 to i32
    %sign3A_175 = arith.constant 0 : i32
    %sign3A_176 = arith.cmpi slt, %jit3A_163, %sign3A_175 : i32
    %sign3A_177 = arith.extui %sign3A_176 : i1 to i32
    %sign3A_178 = arith.subi %sign3A_174, %sign3A_177 : i32
    %ne3A_179 = arith.cmpi ne, %sign3A_171, %sign3A_178 : i32
    %rem3A_180 = arith.remsi %squeeze3A_10, %jit3A_163 : i32
    %ne3A_181 = arith.constant 0 : i32
    %ne3A_182 = arith.cmpi ne, %rem3A_180, %ne3A_181 : i32
    %and3A_183 = arith.andi %ne3A_179, %ne3A_182 : i1
    %sub3A_184 = arith.constant 1 : i32
    %sub3A_185 = arith.subi %div3A_164, %sub3A_184 : i32
    %select_n3A_186 = arith.select %and3A_183, %sub3A_185, %div3A_164 : i32
    %mul3A_187 = arith.constant 128 : i32
    %mul3A_188 = arith.muli %select_n3A_186, %mul3A_187 : i32
    %multiple_of3A_189 = tpu.assume_multiple %mul3A_188, 128 : i32
    %dma_start3A_190 = arith.constant 0 : i32
    %dma_start3A_191 = tpu.memref_slice %arg2[%dma_start3A_190, %multiple_of3A_189] : memref<64x1000000xf32, #tpu.memory_space<hbm>> -> memref<64x128xf32, #tpu.memory_space<hbm>>
    %dma_start3A_192 = arith.constant 0 : i32
    %dma_start3A_193 = tpu.memref_slice %arg2[%dma_start3A_192, %multiple_of3A_189] : memref<64x1000000xf32, #tpu.memory_space<hbm>> -> memref<64x128xf32, #tpu.memory_space<hbm>>
    tpu.enqueue_dma source(%dma_start3A_193 : memref<64x128xf32, #tpu.memory_space<hbm>>) target(%arg8 : memref<64x128xf32, #tpu.memory_space<vmem>>) target_semaphore(%arg12 : memref<!tpu.dma_semaphore, #tpu.memory_space<semaphore_mem>>)
    %dma_wait3A_194 = arith.constant 0 : i32
    %dma_wait3A_195 = arith.constant 0 : i32
    %dma_wait3A_196 = tpu.memref_slice %arg2[%dma_wait3A_194, %dma_wait3A_195] : memref<64x1000000xf32, #tpu.memory_space<hbm>> -> memref<64x128xf32, #tpu.memory_space<hbm>>
    %dma_wait3A_197 = arith.constant 0 : i32
    %dma_wait3A_198 = arith.constant 0 : i32
    %dma_wait3A_199 = tpu.memref_slice %arg2[%dma_wait3A_197, %dma_wait3A_198] : memref<64x1000000xf32, #tpu.memory_space<hbm>> -> memref<64x128xf32, #tpu.memory_space<hbm>>
    tpu.wait_dma2 semaphore(%arg13 : memref<!tpu.dma_semaphore, #tpu.memory_space<semaphore_mem>>) src(%dma_wait3A_199 : memref<64x128xf32, #tpu.memory_space<hbm>>) dst(%arg9 : memref<64x128xf32, #tpu.memory_space<vmem>>)
    %jit3A_200 = arith.constant 128 : i32
    %eq3A_201 = arith.constant 0 : i32
    %eq3A_202 = arith.cmpi eq, %jit3A_200, %eq3A_201 : i32
    %jit3A_203 = arith.constant 1 : i32
    %select_n3A_204 = arith.select %eq3A_202, %jit3A_203, %jit3A_200 : i32
    %rem3A_205 = arith.remsi %squeeze3A_8, %select_n3A_204 : i32
    %ne3A_206 = arith.constant 0 : i32
    %ne3A_207 = arith.cmpi ne, %rem3A_205, %ne3A_206 : i32
    %lt3A_208 = arith.constant 0 : i32
    %lt3A_209 = arith.cmpi slt, %rem3A_205, %lt3A_208 : i32
    %lt3A_210 = arith.constant 0 : i32
    %lt3A_211 = arith.cmpi slt, %select_n3A_204, %lt3A_210 : i32
    %ne3A_212 = arith.xori %lt3A_209, %lt3A_211 : i1
    %and3A_213 = arith.andi %ne3A_212, %ne3A_207 : i1
    %add3A_214 = arith.addi %rem3A_205, %select_n3A_204 : i32
    %select_n3A_215 = arith.select %and3A_213, %add3A_214, %rem3A_205 : i32
    %broadcast_in_dim3A_216 = vector.broadcast %select_n3A_215 : i32 to vector<16xi32>
    %add3A_217 = arith.constant 0 : i32
    %add3A_218 = vector.broadcast %add3A_217 : i32 to vector<16xi32>
    %add3A_219 = arith.addi %add3A_218, %iota3A : vector<16xi32>
    %gather3A_220 = tpu.vector_load_idx %arg9[%add3A_219, %broadcast_in_dim3A_216] : memref<64x128xf32, #tpu.memory_space<vmem>>[vector<16xi32>, vector<16xi32>], vector<16xf32>,
    %swap3A_221 = arith.constant 64 : index
    %swap3A_222 = tpu.vector_load %arg10[%swap3A_221] {strides = array<i32>} : memref<2048xf32, #tpu.memory_space<vmem>>, vector<16xf32>,
    tpu.vector_store %arg10[%swap3A_221], %gather3A_220 {strides = array<i32>} : memref<2048xf32, #tpu.memory_space<vmem>>, vector<16xf32>,
    %add3A_223 = arith.constant 16 : i32
    %add3A_224 = vector.broadcast %add3A_223 : i32 to vector<16xi32>
    %add3A_225 = arith.addi %add3A_224, %iota3A : vector<16xi32>
    %gather3A_226 = tpu.vector_load_idx %arg9[%add3A_225, %broadcast_in_dim3A_216] : memref<64x128xf32, #tpu.memory_space<vmem>>[vector<16xi32>, vector<16xi32>], vector<16xf32>,
    %swap3A_227 = arith.constant 80 : index
    %swap3A_228 = tpu.vector_load %arg10[%swap3A_227] {strides = array<i32>} : memref<2048xf32, #tpu.memory_space<vmem>>, vector<16xf32>,
    tpu.vector_store %arg10[%swap3A_227], %gather3A_226 {strides = array<i32>} : memref<2048xf32, #tpu.memory_space<vmem>>, vector<16xf32>,
    %add3A_229 = arith.constant 32 : i32
    %add3A_230 = vector.broadcast %add3A_229 : i32 to vector<16xi32>
    %add3A_231 = arith.addi %add3A_230, %iota3A : vector<16xi32>
    %gather3A_232 = tpu.vector_load_idx %arg9[%add3A_231, %broadcast_in_dim3A_216] : memref<64x128xf32, #tpu.memory_space<vmem>>[vector<16xi32>, vector<16xi32>], vector<16xf32>,
    %swap3A_233 = arith.constant 96 : index
    %swap3A_234 = tpu.vector_load %arg10[%swap3A_233] {strides = array<i32>} : memref<2048xf32, #tpu.memory_space<vmem>>, vector<16xf32>,
    tpu.vector_store %arg10[%swap3A_233], %gather3A_232 {strides = array<i32>} : memref<2048xf32, #tpu.memory_space<vmem>>, vector<16xf32>,
    %add3A_235 = arith.constant 48 : i32
    %add3A_236 = vector.broadcast %add3A_235 : i32 to vector<16xi32>
    %add3A_237 = arith.addi %add3A_236, %iota3A : vector<16xi32>
    %gather3A_238 = tpu.vector_load_idx %arg9[%add3A_237, %broadcast_in_dim3A_216] : memref<64x128xf32, #tpu.memory_space<vmem>>[vector<16xi32>, vector<16xi32>], vector<16xf32>,
    %swap3A_239 = arith.constant 112 : index
    %swap3A_240 = tpu.vector_load %arg10[%swap3A_239] {strides = array<i32>} : memref<2048xf32, #tpu.memory_space<vmem>>, vector<16xf32>,
    tpu.vector_store %arg10[%swap3A_239], %gather3A_238 {strides = array<i32>} : memref<2048xf32, #tpu.memory_space<vmem>>, vector<16xf32>,
    %jit3A_241 = arith.constant 128 : i32
    %div3A_242 = arith.divsi %squeeze3A_12, %jit3A_241 : i32
    %sign3A_243 = arith.constant 0 : i32
    %sign3A_244 = arith.cmpi sgt, %squeeze3A_12, %sign3A_243 : i32
    %sign3A_245 = arith.extui %sign3A_244 : i1 to i32
    %sign3A_246 = arith.constant 0 : i32
    %sign3A_247 = arith.cmpi slt, %squeeze3A_12, %sign3A_246 : i32
    %sign3A_248 = arith.extui %sign3A_247 : i1 to i32
    %sign3A_249 = arith.subi %sign3A_245, %sign3A_248 : i32
    %sign3A_250 = arith.constant 0 : i32
    %sign3A_251 = arith.cmpi sgt, %jit3A_241, %sign3A_250 : i32
    %sign3A_252 = arith.extui %sign3A_251 : i1 to i32
    %sign3A_253 = arith.constant 0 : i32
    %sign3A_254 = arith.cmpi slt, %jit3A_241, %sign3A_253 : i32
    %sign3A_255 = arith.extui %sign3A_254 : i1 to i32
    %sign3A_256 = arith.subi %sign3A_252, %sign3A_255 : i32
    %ne3A_257 = arith.cmpi ne, %sign3A_249, %sign3A_256 : i32
    %rem3A_258 = arith.remsi %squeeze3A_12, %jit3A_241 : i32
    %ne3A_259 = arith.constant 0 : i32
    %ne3A_260 = arith.cmpi ne, %rem3A_258, %ne3A_259 : i32
    %and3A_261 = arith.andi %ne3A_257, %ne3A_260 : i1
    %sub3A_262 = arith.constant 1 : i32
    %sub3A_263 = arith.subi %div3A_242, %sub3A_262 : i32
    %select_n3A_264 = arith.select %and3A_261, %sub3A_263, %div3A_242 : i32
    %mul3A_265 = arith.constant 128 : i32
    %mul3A_266 = arith.muli %select_n3A_264, %mul3A_265 : i32
    %multiple_of3A_267 = tpu.assume_multiple %mul3A_266, 128 : i32
    %dma_start3A_268 = arith.constant 0 : i32
    %dma_start3A_269 = tpu.memref_slice %arg2[%dma_start3A_268, %multiple_of3A_267] : memref<64x1000000xf32, #tpu.memory_space<hbm>> -> memref<64x128xf32, #tpu.memory_space<hbm>>
    %dma_start3A_270 = arith.constant 0 : i32
    %dma_start3A_271 = tpu.memref_slice %arg2[%dma_start3A_270, %multiple_of3A_267] : memref<64x1000000xf32, #tpu.memory_space<hbm>> -> memref<64x128xf32, #tpu.memory_space<hbm>>
    tpu.enqueue_dma source(%dma_start3A_271 : memref<64x128xf32, #tpu.memory_space<hbm>>) target(%arg9 : memref<64x128xf32, #tpu.memory_space<vmem>>) target_semaphore(%arg13 : memref<!tpu.dma_semaphore, #tpu.memory_space<semaphore_mem>>)
    %dma_wait3A_272 = arith.constant 0 : i32
    %dma_wait3A_273 = arith.constant 0 : i32
    %dma_wait3A_274 = tpu.memref_slice %arg2[%dma_wait3A_272, %dma_wait3A_273] : memref<64x1000000xf32, #tpu.memory_space<hbm>> -> memref<64x128xf32, #tpu.memory_space<hbm>>
    %dma_wait3A_275 = arith.constant 0 : i32
    %dma_wait3A_276 = arith.constant 0 : i32
    %dma_wait3A_277 = tpu.memref_slice %arg2[%dma_wait3A_275, %dma_wait3A_276] : memref<64x1000000xf32, #tpu.memory_space<hbm>> -> memref<64x128xf32, #tpu.memory_space<hbm>>
    tpu.wait_dma2 semaphore(%arg12 : memref<!tpu.dma_semaphore, #tpu.memory_space<semaphore_mem>>) src(%dma_wait3A_277 : memref<64x128xf32, #tpu.memory_space<hbm>>) dst(%arg8 : memref<64x128xf32, #tpu.memory_space<vmem>>)
    %jit3A_278 = arith.constant 128 : i32
    %eq3A_279 = arith.constant 0 : i32
    %eq3A_280 = arith.cmpi eq, %jit3A_278, %eq3A_279 : i32
    %jit3A_281 = arith.constant 1 : i32
    %select_n3A_282 = arith.select %eq3A_280, %jit3A_281, %jit3A_278 : i32
    %rem3A_283 = arith.remsi %squeeze3A_10, %select_n3A_282 : i32
    %ne3A_284 = arith.constant 0 : i32
    %ne3A_285 = arith.cmpi ne, %rem3A_283, %ne3A_284 : i32
    %lt3A_286 = arith.constant 0 : i32
    %lt3A_287 = arith.cmpi slt, %rem3A_283, %lt3A_286 : i32
    %lt3A_288 = arith.constant 0 : i32
    %lt3A_289 = arith.cmpi slt, %select_n3A_282, %lt3A_288 : i32
    %ne3A_290 = arith.xori %lt3A_287, %lt3A_289 : i1
    %and3A_291 = arith.andi %ne3A_290, %ne3A_285 : i1
    %add3A_292 = arith.addi %rem3A_283, %select_n3A_282 : i32
    %select_n3A_293 = arith.select %and3A_291, %add3A_292, %rem3A_283 : i32
    %broadcast_in_dim3A_294 = vector.broadcast %select_n3A_293 : i32 to vector<16xi32>
    %add3A_295 = arith.constant 0 : i32
    %add3A_296 = vector.broadcast %add3A_295 : i32 to vector<16xi32>
    %add3A_297 = arith.addi %add3A_296, %iota3A : vector<16xi32>
    %gather3A_298 = tpu.vector_load_idx %arg8[%add3A_297, %broadcast_in_dim3A_294] : memref<64x128xf32, #tpu.memory_space<vmem>>[vector<16xi32>, vector<16xi32>], vector<16xf32>,
    %swap3A_299 = arith.constant 128 : index
    %swap3A_300 = tpu.vector_load %arg10[%swap3A_299] {strides = array<i32>} : memref<2048xf32, #tpu.memory_space<vmem>>, vector<16xf32>,
    tpu.vector_store %arg10[%swap3A_299], %gather3A_298 {strides = array<i32>} : memref<2048xf32, #tpu.memory_space<vmem>>, vector<16xf32>,
    %add3A_301 = arith.constant 16 : i32
    %add3A_302 = vector.broadcast %add3A_301 : i32 to vector<16xi32>
    %add3A_303 = arith.addi %add3A_302, %iota3A : vector<16xi32>
    %gather3A_304 = tpu.vector_load_idx %arg8[%add3A_303, %broadcast_in_dim3A_294] : memref<64x128xf32, #tpu.memory_space<vmem>>[vector<16xi32>, vector<16xi32>], vector<16xf32>,
    %swap3A_305 = arith.constant 144 : index
    %swap3A_306 = tpu.vector_load %arg10[%swap3A_305] {strides = array<i32>} : memref<2048xf32, #tpu.memory_space<vmem>>, vector<16xf32>,
    tpu.vector_store %arg10[%swap3A_305], %gather3A_304 {strides = array<i32>} : memref<2048xf32, #tpu.memory_space<vmem>>, vector<16xf32>,
    %add3A_307 = arith.constant 32 : i32
    %add3A_308 = vector.broadcast %add3A_307 : i32 to vector<16xi32>
    %add3A_309 = arith.addi %add3A_308, %iota3A : vector<16xi32>
    %gather3A_310 = tpu.vector_load_idx %arg8[%add3A_309, %broadcast_in_dim3A_294] : memref<64x128xf32, #tpu.memory_space<vmem>>[vector<16xi32>, vector<16xi32>], vector<16xf32>,
    %swap3A_311 = arith.constant 160 : index
    %swap3A_312 = tpu.vector_load %arg10[%swap3A_311] {strides = array<i32>} : memref<2048xf32, #tpu.memory_space<vmem>>, vector<16xf32>,
    tpu.vector_store %arg10[%swap3A_311], %gather3A_310 {strides = array<i32>} : memref<2048xf32, #tpu.memory_space<vmem>>, vector<16xf32>,
    %add3A_313 = arith.constant 48 : i32
    %add3A_314 = vector.broadcast %add3A_313 : i32 to vector<16xi32>
    %add3A_315 = arith.addi %add3A_314, %iota3A : vector<16xi32>
    %gather3A_316 = tpu.vector_load_idx %arg8[%add3A_315, %broadcast_in_dim3A_294] : memref<64x128xf32, #tpu.memory_space<vmem>>[vector<16xi32>, vector<16xi32>], vector<16xf32>,
    %swap3A_317 = arith.constant 176 : index
    %swap3A_318 = tpu.vector_load %arg10[%swap3A_317] {strides = array<i32>} : memref<2048xf32, #tpu.memory_space<vmem>>, vector<16xf32>,
    tpu.vector_store %arg10[%swap3A_317], %gather3A_316 {strides = array<i32>} : memref<2048xf32, #tpu.memory_space<vmem>>, vector<16xf32>,
    %jit3A_319 = arith.constant 128 : i32
    %div3A_320 = arith.divsi %squeeze3A_14, %jit3A_319 : i32
    %sign3A_321 = arith.constant 0 : i32
    %sign3A_322 = arith.cmpi sgt, %squeeze3A_14, %sign3A_321 : i32
    %sign3A_323 = arith.extui %sign3A_322 : i1 to i32
    %sign3A_324 = arith.constant 0 : i32
    %sign3A_325 = arith.cmpi slt, %squeeze3A_14, %sign3A_324 : i32
    %sign3A_326 = arith.extui %sign3A_325 : i1 to i32
    %sign3A_327 = arith.subi %sign3A_323, %sign3A_326 : i32
    %sign3A_328 = arith.constant 0 : i32
    %sign3A_329 = arith.cmpi sgt, %jit3A_319, %sign3A_328 : i32
    %sign3A_330 = arith.extui %sign3A_329 : i1 to i32
    %sign3A_331 = arith.constant 0 : i32
    %sign3A_332 = arith.cmpi slt, %jit3A_319, %sign3A_331 : i32
    %sign3A_333 = arith.extui %sign3A_332 : i1 to i32
    %sign3A_334 = arith.subi %sign3A_330, %sign3A_333 : i32
    %ne3A_335 = arith.cmpi ne, %sign3A_327, %sign3A_334 : i32
    %rem3A_336 = arith.remsi %squeeze3A_14, %jit3A_319 : i32
    %ne3A_337 = arith.constant 0 : i32
    %ne3A_338 = arith.cmpi ne, %rem3A_336, %ne3A_337 : i32
    %and3A_339 = arith.andi %ne3A_335, %ne3A_338 : i1
    %sub3A_340 = arith.constant 1 : i32
    %sub3A_341 = arith.subi %div3A_320, %sub3A_340 : i32
    %select_n3A_342 = arith.select %and3A_339, %sub3A_341, %div3A_320 : i32
    %mul3A_343 = arith.constant 128 : i32
    %mul3A_344 = arith.muli %select_n3A_342, %mul3A_343 : i32
    %multiple_of3A_345 = tpu.assume_multiple %mul3A_344, 128 : i32
    %dma_start3A_346 = arith.constant 0 : i32
    %dma_start3A_347 = tpu.memref_slice %arg2[%dma_start3A_346, %multiple_of3A_345] : memref<64x1000000xf32, #tpu.memory_space<hbm>> -> memref<64x128xf32, #tpu.memory_space<hbm>>
    %dma_start3A_348 = arith.constant 0 : i32
    %dma_start3A_349 = tpu.memref_slice %arg2[%dma_start3A_348, %multiple_of3A_345] : memref<64x1000000xf32, #tpu.memory_space<hbm>> -> memref<64x128xf32, #tpu.memory_space<hbm>>
    tpu.enqueue_dma source(%dma_start3A_349 : memref<64x128xf32, #tpu.memory_space<hbm>>) target(%arg8 : memref<64x128xf32, #tpu.memory_space<vmem>>) target_semaphore(%arg12 : memref<!tpu.dma_semaphore, #tpu.memory_space<semaphore_mem>>)
    %dma_wait3A_350 = arith.constant 0 : i32
    %dma_wait3A_351 = arith.constant 0 : i32
    %dma_wait3A_352 = tpu.memref_slice %arg2[%dma_wait3A_350, %dma_wait3A_351] : memref<64x1000000xf32, #tpu.memory_space<hbm>> -> memref<64x128xf32, #tpu.memory_space<hbm>>
    %dma_wait3A_353 = arith.constant 0 : i32
    %dma_wait3A_354 = arith.constant 0 : i32
    %dma_wait3A_355 = tpu.memref_slice %arg2[%dma_wait3A_353, %dma_wait3A_354] : memref<64x1000000xf32, #tpu.memory_space<hbm>> -> memref<64x128xf32, #tpu.memory_space<hbm>>
    tpu.wait_dma2 semaphore(%arg13 : memref<!tpu.dma_semaphore, #tpu.memory_space<semaphore_mem>>) src(%dma_wait3A_355 : memref<64x128xf32, #tpu.memory_space<hbm>>) dst(%arg9 : memref<64x128xf32, #tpu.memory_space<vmem>>)
    %jit3A_356 = arith.constant 128 : i32
    %eq3A_357 = arith.constant 0 : i32
    %eq3A_358 = arith.cmpi eq, %jit3A_356, %eq3A_357 : i32
    %jit3A_359 = arith.constant 1 : i32
    %select_n3A_360 = arith.select %eq3A_358, %jit3A_359, %jit3A_356 : i32
    %rem3A_361 = arith.remsi %squeeze3A_12, %select_n3A_360 : i32
    %ne3A_362 = arith.constant 0 : i32
    %ne3A_363 = arith.cmpi ne, %rem3A_361, %ne3A_362 : i32
    %lt3A_364 = arith.constant 0 : i32
    %lt3A_365 = arith.cmpi slt, %rem3A_361, %lt3A_364 : i32
    %lt3A_366 = arith.constant 0 : i32
    %lt3A_367 = arith.cmpi slt, %select_n3A_360, %lt3A_366 : i32
    %ne3A_368 = arith.xori %lt3A_365, %lt3A_367 : i1
    %and3A_369 = arith.andi %ne3A_368, %ne3A_363 : i1
    %add3A_370 = arith.addi %rem3A_361, %select_n3A_360 : i32
    %select_n3A_371 = arith.select %and3A_369, %add3A_370, %rem3A_361 : i32
    %broadcast_in_dim3A_372 = vector.broadcast %select_n3A_371 : i32 to vector<16xi32>
    %add3A_373 = arith.constant 0 : i32
    %add3A_374 = vector.broadcast %add3A_373 : i32 to vector<16xi32>
    %add3A_375 = arith.addi %add3A_374, %iota3A : vector<16xi32>
    %gather3A_376 = tpu.vector_load_idx %arg9[%add3A_375, %broadcast_in_dim3A_372] : memref<64x128xf32, #tpu.memory_space<vmem>>[vector<16xi32>, vector<16xi32>], vector<16xf32>,
    %swap3A_377 = arith.constant 192 : index
    %swap3A_378 = tpu.vector_load %arg10[%swap3A_377] {strides = array<i32>} : memref<2048xf32, #tpu.memory_space<vmem>>, vector<16xf32>,
    tpu.vector_store %arg10[%swap3A_377], %gather3A_376 {strides = array<i32>} : memref<2048xf32, #tpu.memory_space<vmem>>, vector<16xf32>,
    %add3A_379 = arith.constant 16 : i32
    %add3A_380 = vector.broadcast %add3A_379 : i32 to vector<16xi32>
    %add3A_381 = arith.addi %add3A_380, %iota3A : vector<16xi32>
    %gather3A_382 = tpu.vector_load_idx %arg9[%add3A_381, %broadcast_in_dim3A_372] : memref<64x128xf32, #tpu.memory_space<vmem>>[vector<16xi32>, vector<16xi32>], vector<16xf32>,
    %swap3A_383 = arith.constant 208 : index
    %swap3A_384 = tpu.vector_load %arg10[%swap3A_383] {strides = array<i32>} : memref<2048xf32, #tpu.memory_space<vmem>>, vector<16xf32>,
    tpu.vector_store %arg10[%swap3A_383], %gather3A_382 {strides = array<i32>} : memref<2048xf32, #tpu.memory_space<vmem>>, vector<16xf32>,
    %add3A_385 = arith.constant 32 : i32
    %add3A_386 = vector.broadcast %add3A_385 : i32 to vector<16xi32>
    %add3A_387 = arith.addi %add3A_386, %iota3A : vector<16xi32>
    %gather3A_388 = tpu.vector_load_idx %arg9[%add3A_387, %broadcast_in_dim3A_372] : memref<64x128xf32, #tpu.memory_space<vmem>>[vector<16xi32>, vector<16xi32>], vector<16xf32>,
    %swap3A_389 = arith.constant 224 : index
    %swap3A_390 = tpu.vector_load %arg10[%swap3A_389] {strides = array<i32>} : memref<2048xf32, #tpu.memory_space<vmem>>, vector<16xf32>,
    tpu.vector_store %arg10[%swap3A_389], %gather3A_388 {strides = array<i32>} : memref<2048xf32, #tpu.memory_space<vmem>>, vector<16xf32>,
    %add3A_391 = arith.constant 48 : i32
    %add3A_392 = vector.broadcast %add3A_391 : i32 to vector<16xi32>
    %add3A_393 = arith.addi %add3A_392, %iota3A : vector<16xi32>
    %gather3A_394 = tpu.vector_load_idx %arg9[%add3A_393, %broadcast_in_dim3A_372] : memref<64x128xf32, #tpu.memory_space<vmem>>[vector<16xi32>, vector<16xi32>], vector<16xf32>,
    %swap3A_395 = arith.constant 240 : index
    %swap3A_396 = tpu.vector_load %arg10[%swap3A_395] {strides = array<i32>} : memref<2048xf32, #tpu.memory_space<vmem>>, vector<16xf32>,
    tpu.vector_store %arg10[%swap3A_395], %gather3A_394 {strides = array<i32>} : memref<2048xf32, #tpu.memory_space<vmem>>, vector<16xf32>,
    %jit3A_397 = arith.constant 128 : i32
    %div3A_398 = arith.divsi %squeeze3A_16, %jit3A_397 : i32
    %sign3A_399 = arith.constant 0 : i32
    %sign3A_400 = arith.cmpi sgt, %squeeze3A_16, %sign3A_399 : i32
    %sign3A_401 = arith.extui %sign3A_400 : i1 to i32
    %sign3A_402 = arith.constant 0 : i32
    %sign3A_403 = arith.cmpi slt, %squeeze3A_16, %sign3A_402 : i32
    %sign3A_404 = arith.extui %sign3A_403 : i1 to i32
    %sign3A_405 = arith.subi %sign3A_401, %sign3A_404 : i32
    %sign3A_406 = arith.constant 0 : i32
    %sign3A_407 = arith.cmpi sgt, %jit3A_397, %sign3A_406 : i32
    %sign3A_408 = arith.extui %sign3A_407 : i1 to i32
    %sign3A_409 = arith.constant 0 : i32
    %sign3A_410 = arith.cmpi slt, %jit3A_397, %sign3A_409 : i32
    %sign3A_411 = arith.extui %sign3A_410 : i1 to i32
    %sign3A_412 = arith.subi %sign3A_408, %sign3A_411 : i32
    %ne3A_413 = arith.cmpi ne, %sign3A_405, %sign3A_412 : i32
    %rem3A_414 = arith.remsi %squeeze3A_16, %jit3A_397 : i32
    %ne3A_415 = arith.constant 0 : i32
    %ne3A_416 = arith.cmpi ne, %rem3A_414, %ne3A_415 : i32
    %and3A_417 = arith.andi %ne3A_413, %ne3A_416 : i1
    %sub3A_418 = arith.constant 1 : i32
    %sub3A_419 = arith.subi %div3A_398, %sub3A_418 : i32
    %select_n3A_420 = arith.select %and3A_417, %sub3A_419, %div3A_398 : i32
    %mul3A_421 = arith.constant 128 : i32
    %mul3A_422 = arith.muli %select_n3A_420, %mul3A_421 : i32
    %multiple_of3A_423 = tpu.assume_multiple %mul3A_422, 128 : i32
    %dma_start3A_424 = arith.constant 0 : i32
    %dma_start3A_425 = tpu.memref_slice %arg2[%dma_start3A_424, %multiple_of3A_423] : memref<64x1000000xf32, #tpu.memory_space<hbm>> -> memref<64x128xf32, #tpu.memory_space<hbm>>
    %dma_start3A_426 = arith.constant 0 : i32
    %dma_start3A_427 = tpu.memref_slice %arg2[%dma_start3A_426, %multiple_of3A_423] : memref<64x1000000xf32, #tpu.memory_space<hbm>> -> memref<64x128xf32, #tpu.memory_space<hbm>>
    tpu.enqueue_dma source(%dma_start3A_427 : memref<64x128xf32, #tpu.memory_space<hbm>>) target(%arg9 : memref<64x128xf32, #tpu.memory_space<vmem>>) target_semaphore(%arg13 : memref<!tpu.dma_semaphore, #tpu.memory_space<semaphore_mem>>)
    %dma_wait3A_428 = arith.constant 0 : i32
    %dma_wait3A_429 = arith.constant 0 : i32
    %dma_wait3A_430 = tpu.memref_slice %arg2[%dma_wait3A_428, %dma_wait3A_429] : memref<64x1000000xf32, #tpu.memory_space<hbm>> -> memref<64x128xf32, #tpu.memory_space<hbm>>
    %dma_wait3A_431 = arith.constant 0 : i32
    %dma_wait3A_432 = arith.constant 0 : i32
    %dma_wait3A_433 = tpu.memref_slice %arg2[%dma_wait3A_431, %dma_wait3A_432] : memref<64x1000000xf32, #tpu.memory_space<hbm>> -> memref<64x128xf32, #tpu.memory_space<hbm>>
    tpu.wait_dma2 semaphore(%arg12 : memref<!tpu.dma_semaphore, #tpu.memory_space<semaphore_mem>>) src(%dma_wait3A_433 : memref<64x128xf32, #tpu.memory_space<hbm>>) dst(%arg8 : memref<64x128xf32, #tpu.memory_space<vmem>>)
    %jit3A_434 = arith.constant 128 : i32
    %eq3A_435 = arith.constant 0 : i32
    %eq3A_436 = arith.cmpi eq, %jit3A_434, %eq3A_435 : i32
    %jit3A_437 = arith.constant 1 : i32
    %select_n3A_438 = arith.select %eq3A_436, %jit3A_437, %jit3A_434 : i32
    %rem3A_439 = arith.remsi %squeeze3A_14, %select_n3A_438 : i32
    %ne3A_440 = arith.constant 0 : i32
    %ne3A_441 = arith.cmpi ne, %rem3A_439, %ne3A_440 : i32
    %lt3A_442 = arith.constant 0 : i32
    %lt3A_443 = arith.cmpi slt, %rem3A_439, %lt3A_442 : i32
    %lt3A_444 = arith.constant 0 : i32
    %lt3A_445 = arith.cmpi slt, %select_n3A_438, %lt3A_444 : i32
    %ne3A_446 = arith.xori %lt3A_443, %lt3A_445 : i1
    %and3A_447 = arith.andi %ne3A_446, %ne3A_441 : i1
    %add3A_448 = arith.addi %rem3A_439, %select_n3A_438 : i32
    %select_n3A_449 = arith.select %and3A_447, %add3A_448, %rem3A_439 : i32
    %broadcast_in_dim3A_450 = vector.broadcast %select_n3A_449 : i32 to vector<16xi32>
    %add3A_451 = arith.constant 0 : i32
    %add3A_452 = vector.broadcast %add3A_451 : i32 to vector<16xi32>
    %add3A_453 = arith.addi %add3A_452, %iota3A : vector<16xi32>
    %gather3A_454 = tpu.vector_load_idx %arg8[%add3A_453, %broadcast_in_dim3A_450] : memref<64x128xf32, #tpu.memory_space<vmem>>[vector<16xi32>, vector<16xi32>], vector<16xf32>,
    %swap3A_455 = arith.constant 256 : index
    %swap3A_456 = tpu.vector_load %arg10[%swap3A_455] {strides = array<i32>} : memref<2048xf32, #tpu.memory_space<vmem>>, vector<16xf32>,
    tpu.vector_store %arg10[%swap3A_455], %gather3A_454 {strides = array<i32>} : memref<2048xf32, #tpu.memory_space<vmem>>, vector<16xf32>,
    %add3A_457 = arith.constant 16 : i32
    %add3A_458 = vector.broadcast %add3A_457 : i32 to vector<16xi32>
    %add3A_459 = arith.addi %add3A_458, %iota3A : vector<16xi32>
    %gather3A_460 = tpu.vector_load_idx %arg8[%add3A_459, %broadcast_in_dim3A_450] : memref<64x128xf32, #tpu.memory_space<vmem>>[vector<16xi32>, vector<16xi32>], vector<16xf32>,
    %swap3A_461 = arith.constant 272 : index
    %swap3A_462 = tpu.vector_load %arg10[%swap3A_461] {strides = array<i32>} : memref<2048xf32, #tpu.memory_space<vmem>>, vector<16xf32>,
    tpu.vector_store %arg10[%swap3A_461], %gather3A_460 {strides = array<i32>} : memref<2048xf32, #tpu.memory_space<vmem>>, vector<16xf32>,
    %add3A_463 = arith.constant 32 : i32
    %add3A_464 = vector.broadcast %add3A_463 : i32 to vector<16xi32>
    %add3A_465 = arith.addi %add3A_464, %iota3A : vector<16xi32>
    %gather3A_466 = tpu.vector_load_idx %arg8[%add3A_465, %broadcast_in_dim3A_450] : memref<64x128xf32, #tpu.memory_space<vmem>>[vector<16xi32>, vector<16xi32>], vector<16xf32>,
    %swap3A_467 = arith.constant 288 : index
    %swap3A_468 = tpu.vector_load %arg10[%swap3A_467] {strides = array<i32>} : memref<2048xf32, #tpu.memory_space<vmem>>, vector<16xf32>,
    tpu.vector_store %arg10[%swap3A_467], %gather3A_466 {strides = array<i32>} : memref<2048xf32, #tpu.memory_space<vmem>>, vector<16xf32>,
    %add3A_469 = arith.constant 48 : i32
    %add3A_470 = vector.broadcast %add3A_469 : i32 to vector<16xi32>
    %add3A_471 = arith.addi %add3A_470, %iota3A : vector<16xi32>
    %gather3A_472 = tpu.vector_load_idx %arg8[%add3A_471, %broadcast_in_dim3A_450] : memref<64x128xf32, #tpu.memory_space<vmem>>[vector<16xi32>, vector<16xi32>], vector<16xf32>,
    %swap3A_473 = arith.constant 304 : index
    %swap3A_474 = tpu.vector_load %arg10[%swap3A_473] {strides = array<i32>} : memref<2048xf32, #tpu.memory_space<vmem>>, vector<16xf32>,
    tpu.vector_store %arg10[%swap3A_473], %gather3A_472 {strides = array<i32>} : memref<2048xf32, #tpu.memory_space<vmem>>, vector<16xf32>,
    %jit3A_475 = arith.constant 128 : i32
    %div3A_476 = arith.divsi %squeeze3A_18, %jit3A_475 : i32
    %sign3A_477 = arith.constant 0 : i32
    %sign3A_478 = arith.cmpi sgt, %squeeze3A_18, %sign3A_477 : i32
    %sign3A_479 = arith.extui %sign3A_478 : i1 to i32
    %sign3A_480 = arith.constant 0 : i32
    %sign3A_481 = arith.cmpi slt, %squeeze3A_18, %sign3A_480 : i32
    %sign3A_482 = arith.extui %sign3A_481 : i1 to i32
    %sign3A_483 = arith.subi %sign3A_479, %sign3A_482 : i32
    %sign3A_484 = arith.constant 0 : i32
    %sign3A_485 = arith.cmpi sgt, %jit3A_475, %sign3A_484 : i32
    %sign3A_486 = arith.extui %sign3A_485 : i1 to i32
    %sign3A_487 = arith.constant 0 : i32
    %sign3A_488 = arith.cmpi slt, %jit3A_475, %sign3A_487 : i32
    %sign3A_489 = arith.extui %sign3A_488 : i1 to i32
    %sign3A_490 = arith.subi %sign3A_486, %sign3A_489 : i32
    %ne3A_491 = arith.cmpi ne, %sign3A_483, %sign3A_490 : i32
    %rem3A_492 = arith.remsi %squeeze3A_18, %jit3A_475 : i32
    %ne3A_493 = arith.constant 0 : i32
    %ne3A_494 = arith.cmpi ne, %rem3A_492, %ne3A_493 : i32
    %and3A_495 = arith.andi %ne3A_491, %ne3A_494 : i1
    %sub3A_496 = arith.constant 1 : i32
    %sub3A_497 = arith.subi %div3A_476, %sub3A_496 : i32
    %select_n3A_498 = arith.select %and3A_495, %sub3A_497, %div3A_476 : i32
    %mul3A_499 = arith.constant 128 : i32
    %mul3A_500 = arith.muli %select_n3A_498, %mul3A_499 : i32
    %multiple_of3A_501 = tpu.assume_multiple %mul3A_500, 128 : i32
    %dma_start3A_502 = arith.constant 0 : i32
    %dma_start3A_503 = tpu.memref_slice %arg2[%dma_start3A_502, %multiple_of3A_501] : memref<64x1000000xf32, #tpu.memory_space<hbm>> -> memref<64x128xf32, #tpu.memory_space<hbm>>
    %dma_start3A_504 = arith.constant 0 : i32
    %dma_start3A_505 = tpu.memref_slice %arg2[%dma_start3A_504, %multiple_of3A_501] : memref<64x1000000xf32, #tpu.memory_space<hbm>> -> memref<64x128xf32, #tpu.memory_space<hbm>>
    tpu.enqueue_dma source(%dma_start3A_505 : memref<64x128xf32, #tpu.memory_space<hbm>>) target(%arg8 : memref<64x128xf32, #tpu.memory_space<vmem>>) target_semaphore(%arg12 : memref<!tpu.dma_semaphore, #tpu.memory_space<semaphore_mem>>)
    %dma_wait3A_506 = arith.constant 0 : i32
    %dma_wait3A_507 = arith.constant 0 : i32
    %dma_wait3A_508 = tpu.memref_slice %arg2[%dma_wait3A_506, %dma_wait3A_507] : memref<64x1000000xf32, #tpu.memory_space<hbm>> -> memref<64x128xf32, #tpu.memory_space<hbm>>
    %dma_wait3A_509 = arith.constant 0 : i32
    %dma_wait3A_510 = arith.constant 0 : i32
    %dma_wait3A_511 = tpu.memref_slice %arg2[%dma_wait3A_509, %dma_wait3A_510] : memref<64x1000000xf32, #tpu.memory_space<hbm>> -> memref<64x128xf32, #tpu.memory_space<hbm>>
    tpu.wait_dma2 semaphore(%arg13 : memref<!tpu.dma_semaphore, #tpu.memory_space<semaphore_mem>>) src(%dma_wait3A_511 : memref<64x128xf32, #tpu.memory_space<hbm>>) dst(%arg9 : memref<64x128xf32, #tpu.memory_space<vmem>>)
    %jit3A_512 = arith.constant 128 : i32
    %eq3A_513 = arith.constant 0 : i32
    %eq3A_514 = arith.cmpi eq, %jit3A_512, %eq3A_513 : i32
    %jit3A_515 = arith.constant 1 : i32
    %select_n3A_516 = arith.select %eq3A_514, %jit3A_515, %jit3A_512 : i32
    %rem3A_517 = arith.remsi %squeeze3A_16, %select_n3A_516 : i32
    %ne3A_518 = arith.constant 0 : i32
    %ne3A_519 = arith.cmpi ne, %rem3A_517, %ne3A_518 : i32
    %lt3A_520 = arith.constant 0 : i32
    %lt3A_521 = arith.cmpi slt, %rem3A_517, %lt3A_520 : i32
    %lt3A_522 = arith.constant 0 : i32
    %lt3A_523 = arith.cmpi slt, %select_n3A_516, %lt3A_522 : i32
    %ne3A_524 = arith.xori %lt3A_521, %lt3A_523 : i1
    %and3A_525 = arith.andi %ne3A_524, %ne3A_519 : i1
    %add3A_526 = arith.addi %rem3A_517, %select_n3A_516 : i32
    %select_n3A_527 = arith.select %and3A_525, %add3A_526, %rem3A_517 : i32
    %broadcast_in_dim3A_528 = vector.broadcast %select_n3A_527 : i32 to vector<16xi32>
    %add3A_529 = arith.constant 0 : i32
    %add3A_530 = vector.broadcast %add3A_529 : i32 to vector<16xi32>
    %add3A_531 = arith.addi %add3A_530, %iota3A : vector<16xi32>
    %gather3A_532 = tpu.vector_load_idx %arg9[%add3A_531, %broadcast_in_dim3A_528] : memref<64x128xf32, #tpu.memory_space<vmem>>[vector<16xi32>, vector<16xi32>], vector<16xf32>,
    %swap3A_533 = arith.constant 320 : index
    %swap3A_534 = tpu.vector_load %arg10[%swap3A_533] {strides = array<i32>} : memref<2048xf32, #tpu.memory_space<vmem>>, vector<16xf32>,
    tpu.vector_store %arg10[%swap3A_533], %gather3A_532 {strides = array<i32>} : memref<2048xf32, #tpu.memory_space<vmem>>, vector<16xf32>,
    %add3A_535 = arith.constant 16 : i32
    %add3A_536 = vector.broadcast %add3A_535 : i32 to vector<16xi32>
    %add3A_537 = arith.addi %add3A_536, %iota3A : vector<16xi32>
    %gather3A_538 = tpu.vector_load_idx %arg9[%add3A_537, %broadcast_in_dim3A_528] : memref<64x128xf32, #tpu.memory_space<vmem>>[vector<16xi32>, vector<16xi32>], vector<16xf32>,
    %swap3A_539 = arith.constant 336 : index
    %swap3A_540 = tpu.vector_load %arg10[%swap3A_539] {strides = array<i32>} : memref<2048xf32, #tpu.memory_space<vmem>>, vector<16xf32>,
    tpu.vector_store %arg10[%swap3A_539], %gather3A_538 {strides = array<i32>} : memref<2048xf32, #tpu.memory_space<vmem>>, vector<16xf32>,
    %add3A_541 = arith.constant 32 : i32
    %add3A_542 = vector.broadcast %add3A_541 : i32 to vector<16xi32>
    %add3A_543 = arith.addi %add3A_542, %iota3A : vector<16xi32>
    %gather3A_544 = tpu.vector_load_idx %arg9[%add3A_543, %broadcast_in_dim3A_528] : memref<64x128xf32, #tpu.memory_space<vmem>>[vector<16xi32>, vector<16xi32>], vector<16xf32>,
    %swap3A_545 = arith.constant 352 : index
    %swap3A_546 = tpu.vector_load %arg10[%swap3A_545] {strides = array<i32>} : memref<2048xf32, #tpu.memory_space<vmem>>, vector<16xf32>,
    tpu.vector_store %arg10[%swap3A_545], %gather3A_544 {strides = array<i32>} : memref<2048xf32, #tpu.memory_space<vmem>>, vector<16xf32>,
    %add3A_547 = arith.constant 48 : i32
    %add3A_548 = vector.broadcast %add3A_547 : i32 to vector<16xi32>
    %add3A_549 = arith.addi %add3A_548, %iota3A : vector<16xi32>
    %gather3A_550 = tpu.vector_load_idx %arg9[%add3A_549, %broadcast_in_dim3A_528] : memref<64x128xf32, #tpu.memory_space<vmem>>[vector<16xi32>, vector<16xi32>], vector<16xf32>,
    %swap3A_551 = arith.constant 368 : index
    %swap3A_552 = tpu.vector_load %arg10[%swap3A_551] {strides = array<i32>} : memref<2048xf32, #tpu.memory_space<vmem>>, vector<16xf32>,
    tpu.vector_store %arg10[%swap3A_551], %gather3A_550 {strides = array<i32>} : memref<2048xf32, #tpu.memory_space<vmem>>, vector<16xf32>,
    %jit3A_553 = arith.constant 128 : i32
    %div3A_554 = arith.divsi %squeeze3A_20, %jit3A_553 : i32
    %sign3A_555 = arith.constant 0 : i32
    %sign3A_556 = arith.cmpi sgt, %squeeze3A_20, %sign3A_555 : i32
    %sign3A_557 = arith.extui %sign3A_556 : i1 to i32
    %sign3A_558 = arith.constant 0 : i32
    %sign3A_559 = arith.cmpi slt, %squeeze3A_20, %sign3A_558 : i32
    %sign3A_560 = arith.extui %sign3A_559 : i1 to i32
    %sign3A_561 = arith.subi %sign3A_557, %sign3A_560 : i32
    %sign3A_562 = arith.constant 0 : i32
    %sign3A_563 = arith.cmpi sgt, %jit3A_553, %sign3A_562 : i32
    %sign3A_564 = arith.extui %sign3A_563 : i1 to i32
    %sign3A_565 = arith.constant 0 : i32
    %sign3A_566 = arith.cmpi slt, %jit3A_553, %sign3A_565 : i32
    %sign3A_567 = arith.extui %sign3A_566 : i1 to i32
    %sign3A_568 = arith.subi %sign3A_564, %sign3A_567 : i32
    %ne3A_569 = arith.cmpi ne, %sign3A_561, %sign3A_568 : i32
    %rem3A_570 = arith.remsi %squeeze3A_20, %jit3A_553 : i32
    %ne3A_571 = arith.constant 0 : i32
    %ne3A_572 = arith.cmpi ne, %rem3A_570, %ne3A_571 : i32
    %and3A_573 = arith.andi %ne3A_569, %ne3A_572 : i1
    %sub3A_574 = arith.constant 1 : i32
    %sub3A_575 = arith.subi %div3A_554, %sub3A_574 : i32
    %select_n3A_576 = arith.select %and3A_573, %sub3A_575, %div3A_554 : i32
    %mul3A_577 = arith.constant 128 : i32
    %mul3A_578 = arith.muli %select_n3A_576, %mul3A_577 : i32
    %multiple_of3A_579 = tpu.assume_multiple %mul3A_578, 128 : i32
    %dma_start3A_580 = arith.constant 0 : i32
    %dma_start3A_581 = tpu.memref_slice %arg2[%dma_start3A_580, %multiple_of3A_579] : memref<64x1000000xf32, #tpu.memory_space<hbm>> -> memref<64x128xf32, #tpu.memory_space<hbm>>
    %dma_start3A_582 = arith.constant 0 : i32
    %dma_start3A_583 = tpu.memref_slice %arg2[%dma_start3A_582, %multiple_of3A_579] : memref<64x1000000xf32, #tpu.memory_space<hbm>> -> memref<64x128xf32, #tpu.memory_space<hbm>>
    tpu.enqueue_dma source(%dma_start3A_583 : memref<64x128xf32, #tpu.memory_space<hbm>>) target(%arg9 : memref<64x128xf32, #tpu.memory_space<vmem>>) target_semaphore(%arg13 : memref<!tpu.dma_semaphore, #tpu.memory_space<semaphore_mem>>)
    %dma_wait3A_584 = arith.constant 0 : i32
    %dma_wait3A_585 = arith.constant 0 : i32
    %dma_wait3A_586 = tpu.memref_slice %arg2[%dma_wait3A_584, %dma_wait3A_585] : memref<64x1000000xf32, #tpu.memory_space<hbm>> -> memref<64x128xf32, #tpu.memory_space<hbm>>
    %dma_wait3A_587 = arith.constant 0 : i32
    %dma_wait3A_588 = arith.constant 0 : i32
    %dma_wait3A_589 = tpu.memref_slice %arg2[%dma_wait3A_587, %dma_wait3A_588] : memref<64x1000000xf32, #tpu.memory_space<hbm>> -> memref<64x128xf32, #tpu.memory_space<hbm>>
    tpu.wait_dma2 semaphore(%arg12 : memref<!tpu.dma_semaphore, #tpu.memory_space<semaphore_mem>>) src(%dma_wait3A_589 : memref<64x128xf32, #tpu.memory_space<hbm>>) dst(%arg8 : memref<64x128xf32, #tpu.memory_space<vmem>>)
    %jit3A_590 = arith.constant 128 : i32
    %eq3A_591 = arith.constant 0 : i32
    %eq3A_592 = arith.cmpi eq, %jit3A_590, %eq3A_591 : i32
    %jit3A_593 = arith.constant 1 : i32
    %select_n3A_594 = arith.select %eq3A_592, %jit3A_593, %jit3A_590 : i32
    %rem3A_595 = arith.remsi %squeeze3A_18, %select_n3A_594 : i32
    %ne3A_596 = arith.constant 0 : i32
    %ne3A_597 = arith.cmpi ne, %rem3A_595, %ne3A_596 : i32
    %lt3A_598 = arith.constant 0 : i32
    %lt3A_599 = arith.cmpi slt, %rem3A_595, %lt3A_598 : i32
    %lt3A_600 = arith.constant 0 : i32
    %lt3A_601 = arith.cmpi slt, %select_n3A_594, %lt3A_600 : i32
    %ne3A_602 = arith.xori %lt3A_599, %lt3A_601 : i1
    %and3A_603 = arith.andi %ne3A_602, %ne3A_597 : i1
    %add3A_604 = arith.addi %rem3A_595, %select_n3A_594 : i32
    %select_n3A_605 = arith.select %and3A_603, %add3A_604, %rem3A_595 : i32
    %broadcast_in_dim3A_606 = vector.broadcast %select_n3A_605 : i32 to vector<16xi32>
    %add3A_607 = arith.constant 0 : i32
    %add3A_608 = vector.broadcast %add3A_607 : i32 to vector<16xi32>
    %add3A_609 = arith.addi %add3A_608, %iota3A : vector<16xi32>
    %gather3A_610 = tpu.vector_load_idx %arg8[%add3A_609, %broadcast_in_dim3A_606] : memref<64x128xf32, #tpu.memory_space<vmem>>[vector<16xi32>, vector<16xi32>], vector<16xf32>,
    %swap3A_611 = arith.constant 384 : index
    %swap3A_612 = tpu.vector_load %arg10[%swap3A_611] {strides = array<i32>} : memref<2048xf32, #tpu.memory_space<vmem>>, vector<16xf32>,
    tpu.vector_store %arg10[%swap3A_611], %gather3A_610 {strides = array<i32>} : memref<2048xf32, #tpu.memory_space<vmem>>, vector<16xf32>,
    %add3A_613 = arith.constant 16 : i32
    %add3A_614 = vector.broadcast %add3A_613 : i32 to vector<16xi32>
    %add3A_615 = arith.addi %add3A_614, %iota3A : vector<16xi32>
    %gather3A_616 = tpu.vector_load_idx %arg8[%add3A_615, %broadcast_in_dim3A_606] : memref<64x128xf32, #tpu.memory_space<vmem>>[vector<16xi32>, vector<16xi32>], vector<16xf32>,
    %swap3A_617 = arith.constant 400 : index
    %swap3A_618 = tpu.vector_load %arg10[%swap3A_617] {strides = array<i32>} : memref<2048xf32, #tpu.memory_space<vmem>>, vector<16xf32>,
    tpu.vector_store %arg10[%swap3A_617], %gather3A_616 {strides = array<i32>} : memref<2048xf32, #tpu.memory_space<vmem>>, vector<16xf32>,
    %add3A_619 = arith.constant 32 : i32
    %add3A_620 = vector.broadcast %add3A_619 : i32 to vector<16xi32>
    %add3A_621 = arith.addi %add3A_620, %iota3A : vector<16xi32>
    %gather3A_622 = tpu.vector_load_idx %arg8[%add3A_621, %broadcast_in_dim3A_606] : memref<64x128xf32, #tpu.memory_space<vmem>>[vector<16xi32>, vector<16xi32>], vector<16xf32>,
    %swap3A_623 = arith.constant 416 : index
    %swap3A_624 = tpu.vector_load %arg10[%swap3A_623] {strides = array<i32>} : memref<2048xf32, #tpu.memory_space<vmem>>, vector<16xf32>,
    tpu.vector_store %arg10[%swap3A_623], %gather3A_622 {strides = array<i32>} : memref<2048xf32, #tpu.memory_space<vmem>>, vector<16xf32>,
    %add3A_625 = arith.constant 48 : i32
    %add3A_626 = vector.broadcast %add3A_625 : i32 to vector<16xi32>
    %add3A_627 = arith.addi %add3A_626, %iota3A : vector<16xi32>
    %gather3A_628 = tpu.vector_load_idx %arg8[%add3A_627, %broadcast_in_dim3A_606] : memref<64x128xf32, #tpu.memory_space<vmem>>[vector<16xi32>, vector<16xi32>], vector<16xf32>,
    %swap3A_629 = arith.constant 432 : index
    %swap3A_630 = tpu.vector_load %arg10[%swap3A_629] {strides = array<i32>} : memref<2048xf32, #tpu.memory_space<vmem>>, vector<16xf32>,
    tpu.vector_store %arg10[%swap3A_629], %gather3A_628 {strides = array<i32>} : memref<2048xf32, #tpu.memory_space<vmem>>, vector<16xf32>,
    %jit3A_631 = arith.constant 128 : i32
    %div3A_632 = arith.divsi %squeeze3A_22, %jit3A_631 : i32
    %sign3A_633 = arith.constant 0 : i32
    %sign3A_634 = arith.cmpi sgt, %squeeze3A_22, %sign3A_633 : i32
    %sign3A_635 = arith.extui %sign3A_634 : i1 to i32
    %sign3A_636 = arith.constant 0 : i32
    %sign3A_637 = arith.cmpi slt, %squeeze3A_22, %sign3A_636 : i32
    %sign3A_638 = arith.extui %sign3A_637 : i1 to i32
    %sign3A_639 = arith.subi %sign3A_635, %sign3A_638 : i32
    %sign3A_640 = arith.constant 0 : i32
    %sign3A_641 = arith.cmpi sgt, %jit3A_631, %sign3A_640 : i32
    %sign3A_642 = arith.extui %sign3A_641 : i1 to i32
    %sign3A_643 = arith.constant 0 : i32
    %sign3A_644 = arith.cmpi slt, %jit3A_631, %sign3A_643 : i32
    %sign3A_645 = arith.extui %sign3A_644 : i1 to i32
    %sign3A_646 = arith.subi %sign3A_642, %sign3A_645 : i32
    %ne3A_647 = arith.cmpi ne, %sign3A_639, %sign3A_646 : i32
    %rem3A_648 = arith.remsi %squeeze3A_22, %jit3A_631 : i32
    %ne3A_649 = arith.constant 0 : i32
    %ne3A_650 = arith.cmpi ne, %rem3A_648, %ne3A_649 : i32
    %and3A_651 = arith.andi %ne3A_647, %ne3A_650 : i1
    %sub3A_652 = arith.constant 1 : i32
    %sub3A_653 = arith.subi %div3A_632, %sub3A_652 : i32
    %select_n3A_654 = arith.select %and3A_651, %sub3A_653, %div3A_632 : i32
    %mul3A_655 = arith.constant 128 : i32
    %mul3A_656 = arith.muli %select_n3A_654, %mul3A_655 : i32
    %multiple_of3A_657 = tpu.assume_multiple %mul3A_656, 128 : i32
    %dma_start3A_658 = arith.constant 0 : i32
    %dma_start3A_659 = tpu.memref_slice %arg2[%dma_start3A_658, %multiple_of3A_657] : memref<64x1000000xf32, #tpu.memory_space<hbm>> -> memref<64x128xf32, #tpu.memory_space<hbm>>
    %dma_start3A_660 = arith.constant 0 : i32
    %dma_start3A_661 = tpu.memref_slice %arg2[%dma_start3A_660, %multiple_of3A_657] : memref<64x1000000xf32, #tpu.memory_space<hbm>> -> memref<64x128xf32, #tpu.memory_space<hbm>>
    tpu.enqueue_dma source(%dma_start3A_661 : memref<64x128xf32, #tpu.memory_space<hbm>>) target(%arg8 : memref<64x128xf32, #tpu.memory_space<vmem>>) target_semaphore(%arg12 : memref<!tpu.dma_semaphore, #tpu.memory_space<semaphore_mem>>)
    %dma_wait3A_662 = arith.constant 0 : i32
    %dma_wait3A_663 = arith.constant 0 : i32
    %dma_wait3A_664 = tpu.memref_slice %arg2[%dma_wait3A_662, %dma_wait3A_663] : memref<64x1000000xf32, #tpu.memory_space<hbm>> -> memref<64x128xf32, #tpu.memory_space<hbm>>
    %dma_wait3A_665 = arith.constant 0 : i32
    %dma_wait3A_666 = arith.constant 0 : i32
    %dma_wait3A_667 = tpu.memref_slice %arg2[%dma_wait3A_665, %dma_wait3A_666] : memref<64x1000000xf32, #tpu.memory_space<hbm>> -> memref<64x128xf32, #tpu.memory_space<hbm>>
    tpu.wait_dma2 semaphore(%arg13 : memref<!tpu.dma_semaphore, #tpu.memory_space<semaphore_mem>>) src(%dma_wait3A_667 : memref<64x128xf32, #tpu.memory_space<hbm>>) dst(%arg9 : memref<64x128xf32, #tpu.memory_space<vmem>>)
    %jit3A_668 = arith.constant 128 : i32
    %eq3A_669 = arith.constant 0 : i32
    %eq3A_670 = arith.cmpi eq, %jit3A_668, %eq3A_669 : i32
    %jit3A_671 = arith.constant 1 : i32
    %select_n3A_672 = arith.select %eq3A_670, %jit3A_671, %jit3A_668 : i32
    %rem3A_673 = arith.remsi %squeeze3A_20, %select_n3A_672 : i32
    %ne3A_674 = arith.constant 0 : i32
    %ne3A_675 = arith.cmpi ne, %rem3A_673, %ne3A_674 : i32
    %lt3A_676 = arith.constant 0 : i32
    %lt3A_677 = arith.cmpi slt, %rem3A_673, %lt3A_676 : i32
    %lt3A_678 = arith.constant 0 : i32
    %lt3A_679 = arith.cmpi slt, %select_n3A_672, %lt3A_678 : i32
    %ne3A_680 = arith.xori %lt3A_677, %lt3A_679 : i1
    %and3A_681 = arith.andi %ne3A_680, %ne3A_675 : i1
    %add3A_682 = arith.addi %rem3A_673, %select_n3A_672 : i32
    %select_n3A_683 = arith.select %and3A_681, %add3A_682, %rem3A_673 : i32
    %broadcast_in_dim3A_684 = vector.broadcast %select_n3A_683 : i32 to vector<16xi32>
    %add3A_685 = arith.constant 0 : i32
    %add3A_686 = vector.broadcast %add3A_685 : i32 to vector<16xi32>
    %add3A_687 = arith.addi %add3A_686, %iota3A : vector<16xi32>
    %gather3A_688 = tpu.vector_load_idx %arg9[%add3A_687, %broadcast_in_dim3A_684] : memref<64x128xf32, #tpu.memory_space<vmem>>[vector<16xi32>, vector<16xi32>], vector<16xf32>,
    %swap3A_689 = arith.constant 448 : index
    %swap3A_690 = tpu.vector_load %arg10[%swap3A_689] {strides = array<i32>} : memref<2048xf32, #tpu.memory_space<vmem>>, vector<16xf32>,
    tpu.vector_store %arg10[%swap3A_689], %gather3A_688 {strides = array<i32>} : memref<2048xf32, #tpu.memory_space<vmem>>, vector<16xf32>,
    %add3A_691 = arith.constant 16 : i32
    %add3A_692 = vector.broadcast %add3A_691 : i32 to vector<16xi32>
    %add3A_693 = arith.addi %add3A_692, %iota3A : vector<16xi32>
    %gather3A_694 = tpu.vector_load_idx %arg9[%add3A_693, %broadcast_in_dim3A_684] : memref<64x128xf32, #tpu.memory_space<vmem>>[vector<16xi32>, vector<16xi32>], vector<16xf32>,
    %swap3A_695 = arith.constant 464 : index
    %swap3A_696 = tpu.vector_load %arg10[%swap3A_695] {strides = array<i32>} : memref<2048xf32, #tpu.memory_space<vmem>>, vector<16xf32>,
    tpu.vector_store %arg10[%swap3A_695], %gather3A_694 {strides = array<i32>} : memref<2048xf32, #tpu.memory_space<vmem>>, vector<16xf32>,
    %add3A_697 = arith.constant 32 : i32
    %add3A_698 = vector.broadcast %add3A_697 : i32 to vector<16xi32>
    %add3A_699 = arith.addi %add3A_698, %iota3A : vector<16xi32>
    %gather3A_700 = tpu.vector_load_idx %arg9[%add3A_699, %broadcast_in_dim3A_684] : memref<64x128xf32, #tpu.memory_space<vmem>>[vector<16xi32>, vector<16xi32>], vector<16xf32>,
    %swap3A_701 = arith.constant 480 : index
    %swap3A_702 = tpu.vector_load %arg10[%swap3A_701] {strides = array<i32>} : memref<2048xf32, #tpu.memory_space<vmem>>, vector<16xf32>,
    tpu.vector_store %arg10[%swap3A_701], %gather3A_700 {strides = array<i32>} : memref<2048xf32, #tpu.memory_space<vmem>>, vector<16xf32>,
    %add3A_703 = arith.constant 48 : i32
    %add3A_704 = vector.broadcast %add3A_703 : i32 to vector<16xi32>
    %add3A_705 = arith.addi %add3A_704, %iota3A : vector<16xi32>
    %gather3A_706 = tpu.vector_load_idx %arg9[%add3A_705, %broadcast_in_dim3A_684] : memref<64x128xf32, #tpu.memory_space<vmem>>[vector<16xi32>, vector<16xi32>], vector<16xf32>,
    %swap3A_707 = arith.constant 496 : index
    %swap3A_708 = tpu.vector_load %arg10[%swap3A_707] {strides = array<i32>} : memref<2048xf32, #tpu.memory_space<vmem>>, vector<16xf32>,
    tpu.vector_store %arg10[%swap3A_707], %gather3A_706 {strides = array<i32>} : memref<2048xf32, #tpu.memory_space<vmem>>, vector<16xf32>,
    %jit3A_709 = arith.constant 128 : i32
    %div3A_710 = arith.divsi %squeeze3A_24, %jit3A_709 : i32
    %sign3A_711 = arith.constant 0 : i32
    %sign3A_712 = arith.cmpi sgt, %squeeze3A_24, %sign3A_711 : i32
    %sign3A_713 = arith.extui %sign3A_712 : i1 to i32
    %sign3A_714 = arith.constant 0 : i32
    %sign3A_715 = arith.cmpi slt, %squeeze3A_24, %sign3A_714 : i32
    %sign3A_716 = arith.extui %sign3A_715 : i1 to i32
    %sign3A_717 = arith.subi %sign3A_713, %sign3A_716 : i32
    %sign3A_718 = arith.constant 0 : i32
    %sign3A_719 = arith.cmpi sgt, %jit3A_709, %sign3A_718 : i32
    %sign3A_720 = arith.extui %sign3A_719 : i1 to i32
    %sign3A_721 = arith.constant 0 : i32
    %sign3A_722 = arith.cmpi slt, %jit3A_709, %sign3A_721 : i32
    %sign3A_723 = arith.extui %sign3A_722 : i1 to i32
    %sign3A_724 = arith.subi %sign3A_720, %sign3A_723 : i32
    %ne3A_725 = arith.cmpi ne, %sign3A_717, %sign3A_724 : i32
    %rem3A_726 = arith.remsi %squeeze3A_24, %jit3A_709 : i32
    %ne3A_727 = arith.constant 0 : i32
    %ne3A_728 = arith.cmpi ne, %rem3A_726, %ne3A_727 : i32
    %and3A_729 = arith.andi %ne3A_725, %ne3A_728 : i1
    %sub3A_730 = arith.constant 1 : i32
    %sub3A_731 = arith.subi %div3A_710, %sub3A_730 : i32
    %select_n3A_732 = arith.select %and3A_729, %sub3A_731, %div3A_710 : i32
    %mul3A_733 = arith.constant 128 : i32
    %mul3A_734 = arith.muli %select_n3A_732, %mul3A_733 : i32
    %multiple_of3A_735 = tpu.assume_multiple %mul3A_734, 128 : i32
    %dma_start3A_736 = arith.constant 0 : i32
    %dma_start3A_737 = tpu.memref_slice %arg2[%dma_start3A_736, %multiple_of3A_735] : memref<64x1000000xf32, #tpu.memory_space<hbm>> -> memref<64x128xf32, #tpu.memory_space<hbm>>
    %dma_start3A_738 = arith.constant 0 : i32
    %dma_start3A_739 = tpu.memref_slice %arg2[%dma_start3A_738, %multiple_of3A_735] : memref<64x1000000xf32, #tpu.memory_space<hbm>> -> memref<64x128xf32, #tpu.memory_space<hbm>>
    tpu.enqueue_dma source(%dma_start3A_739 : memref<64x128xf32, #tpu.memory_space<hbm>>) target(%arg9 : memref<64x128xf32, #tpu.memory_space<vmem>>) target_semaphore(%arg13 : memref<!tpu.dma_semaphore, #tpu.memory_space<semaphore_mem>>)
    %dma_wait3A_740 = arith.constant 0 : i32
    %dma_wait3A_741 = arith.constant 0 : i32
    %dma_wait3A_742 = tpu.memref_slice %arg2[%dma_wait3A_740, %dma_wait3A_741] : memref<64x1000000xf32, #tpu.memory_space<hbm>> -> memref<64x128xf32, #tpu.memory_space<hbm>>
    %dma_wait3A_743 = arith.constant 0 : i32
    %dma_wait3A_744 = arith.constant 0 : i32
    %dma_wait3A_745 = tpu.memref_slice %arg2[%dma_wait3A_743, %dma_wait3A_744] : memref<64x1000000xf32, #tpu.memory_space<hbm>> -> memref<64x128xf32, #tpu.memory_space<hbm>>
    tpu.wait_dma2 semaphore(%arg12 : memref<!tpu.dma_semaphore, #tpu.memory_space<semaphore_mem>>) src(%dma_wait3A_745 : memref<64x128xf32, #tpu.memory_space<hbm>>) dst(%arg8 : memref<64x128xf32, #tpu.memory_space<vmem>>)
    %jit3A_746 = arith.constant 128 : i32
    %eq3A_747 = arith.constant 0 : i32
    %eq3A_748 = arith.cmpi eq, %jit3A_746, %eq3A_747 : i32
    %jit3A_749 = arith.constant 1 : i32
    %select_n3A_750 = arith.select %eq3A_748, %jit3A_749, %jit3A_746 : i32
    %rem3A_751 = arith.remsi %squeeze3A_22, %select_n3A_750 : i32
    %ne3A_752 = arith.constant 0 : i32
    %ne3A_753 = arith.cmpi ne, %rem3A_751, %ne3A_752 : i32
    %lt3A_754 = arith.constant 0 : i32
    %lt3A_755 = arith.cmpi slt, %rem3A_751, %lt3A_754 : i32
    %lt3A_756 = arith.constant 0 : i32
    %lt3A_757 = arith.cmpi slt, %select_n3A_750, %lt3A_756 : i32
    %ne3A_758 = arith.xori %lt3A_755, %lt3A_757 : i1
    %and3A_759 = arith.andi %ne3A_758, %ne3A_753 : i1
    %add3A_760 = arith.addi %rem3A_751, %select_n3A_750 : i32
    %select_n3A_761 = arith.select %and3A_759, %add3A_760, %rem3A_751 : i32
    %broadcast_in_dim3A_762 = vector.broadcast %select_n3A_761 : i32 to vector<16xi32>
    %add3A_763 = arith.constant 0 : i32
    %add3A_764 = vector.broadcast %add3A_763 : i32 to vector<16xi32>
    %add3A_765 = arith.addi %add3A_764, %iota3A : vector<16xi32>
    %gather3A_766 = tpu.vector_load_idx %arg8[%add3A_765, %broadcast_in_dim3A_762] : memref<64x128xf32, #tpu.memory_space<vmem>>[vector<16xi32>, vector<16xi32>], vector<16xf32>,
    %swap3A_767 = arith.constant 512 : index
    %swap3A_768 = tpu.vector_load %arg10[%swap3A_767] {strides = array<i32>} : memref<2048xf32, #tpu.memory_space<vmem>>, vector<16xf32>,
    tpu.vector_store %arg10[%swap3A_767], %gather3A_766 {strides = array<i32>} : memref<2048xf32, #tpu.memory_space<vmem>>, vector<16xf32>,
    %add3A_769 = arith.constant 16 : i32
    %add3A_770 = vector.broadcast %add3A_769 : i32 to vector<16xi32>
    %add3A_771 = arith.addi %add3A_770, %iota3A : vector<16xi32>
    %gather3A_772 = tpu.vector_load_idx %arg8[%add3A_771, %broadcast_in_dim3A_762] : memref<64x128xf32, #tpu.memory_space<vmem>>[vector<16xi32>, vector<16xi32>], vector<16xf32>,
    %swap3A_773 = arith.constant 528 : index
    %swap3A_774 = tpu.vector_load %arg10[%swap3A_773] {strides = array<i32>} : memref<2048xf32, #tpu.memory_space<vmem>>, vector<16xf32>,
    tpu.vector_store %arg10[%swap3A_773], %gather3A_772 {strides = array<i32>} : memref<2048xf32, #tpu.memory_space<vmem>>, vector<16xf32>,
    %add3A_775 = arith.constant 32 : i32
    %add3A_776 = vector.broadcast %add3A_775 : i32 to vector<16xi32>
    %add3A_777 = arith.addi %add3A_776, %iota3A : vector<16xi32>
    %gather3A_778 = tpu.vector_load_idx %arg8[%add3A_777, %broadcast_in_dim3A_762] : memref<64x128xf32, #tpu.memory_space<vmem>>[vector<16xi32>, vector<16xi32>], vector<16xf32>,
    %swap3A_779 = arith.constant 544 : index
    %swap3A_780 = tpu.vector_load %arg10[%swap3A_779] {strides = array<i32>} : memref<2048xf32, #tpu.memory_space<vmem>>, vector<16xf32>,
    tpu.vector_store %arg10[%swap3A_779], %gather3A_778 {strides = array<i32>} : memref<2048xf32, #tpu.memory_space<vmem>>, vector<16xf32>,
    %add3A_781 = arith.constant 48 : i32
    %add3A_782 = vector.broadcast %add3A_781 : i32 to vector<16xi32>
    %add3A_783 = arith.addi %add3A_782, %iota3A : vector<16xi32>
    %gather3A_784 = tpu.vector_load_idx %arg8[%add3A_783, %broadcast_in_dim3A_762] : memref<64x128xf32, #tpu.memory_space<vmem>>[vector<16xi32>, vector<16xi32>], vector<16xf32>,
    %swap3A_785 = arith.constant 560 : index
    %swap3A_786 = tpu.vector_load %arg10[%swap3A_785] {strides = array<i32>} : memref<2048xf32, #tpu.memory_space<vmem>>, vector<16xf32>,
    tpu.vector_store %arg10[%swap3A_785], %gather3A_784 {strides = array<i32>} : memref<2048xf32, #tpu.memory_space<vmem>>, vector<16xf32>,
    %jit3A_787 = arith.constant 128 : i32
    %div3A_788 = arith.divsi %squeeze3A_26, %jit3A_787 : i32
    %sign3A_789 = arith.constant 0 : i32
    %sign3A_790 = arith.cmpi sgt, %squeeze3A_26, %sign3A_789 : i32
    %sign3A_791 = arith.extui %sign3A_790 : i1 to i32
    %sign3A_792 = arith.constant 0 : i32
    %sign3A_793 = arith.cmpi slt, %squeeze3A_26, %sign3A_792 : i32
    %sign3A_794 = arith.extui %sign3A_793 : i1 to i32
    %sign3A_795 = arith.subi %sign3A_791, %sign3A_794 : i32
    %sign3A_796 = arith.constant 0 : i32
    %sign3A_797 = arith.cmpi sgt, %jit3A_787, %sign3A_796 : i32
    %sign3A_798 = arith.extui %sign3A_797 : i1 to i32
    %sign3A_799 = arith.constant 0 : i32
    %sign3A_800 = arith.cmpi slt, %jit3A_787, %sign3A_799 : i32
    %sign3A_801 = arith.extui %sign3A_800 : i1 to i32
    %sign3A_802 = arith.subi %sign3A_798, %sign3A_801 : i32
    %ne3A_803 = arith.cmpi ne, %sign3A_795, %sign3A_802 : i32
    %rem3A_804 = arith.remsi %squeeze3A_26, %jit3A_787 : i32
    %ne3A_805 = arith.constant 0 : i32
    %ne3A_806 = arith.cmpi ne, %rem3A_804, %ne3A_805 : i32
    %and3A_807 = arith.andi %ne3A_803, %ne3A_806 : i1
    %sub3A_808 = arith.constant 1 : i32
    %sub3A_809 = arith.subi %div3A_788, %sub3A_808 : i32
    %select_n3A_810 = arith.select %and3A_807, %sub3A_809, %div3A_788 : i32
    %mul3A_811 = arith.constant 128 : i32
    %mul3A_812 = arith.muli %select_n3A_810, %mul3A_811 : i32
    %multiple_of3A_813 = tpu.assume_multiple %mul3A_812, 128 : i32
    %dma_start3A_814 = arith.constant 0 : i32
    %dma_start3A_815 = tpu.memref_slice %arg2[%dma_start3A_814, %multiple_of3A_813] : memref<64x1000000xf32, #tpu.memory_space<hbm>> -> memref<64x128xf32, #tpu.memory_space<hbm>>
    %dma_start3A_816 = arith.constant 0 : i32
    %dma_start3A_817 = tpu.memref_slice %arg2[%dma_start3A_816, %multiple_of3A_813] : memref<64x1000000xf32, #tpu.memory_space<hbm>> -> memref<64x128xf32, #tpu.memory_space<hbm>>
    tpu.enqueue_dma source(%dma_start3A_817 : memref<64x128xf32, #tpu.memory_space<hbm>>) target(%arg8 : memref<64x128xf32, #tpu.memory_space<vmem>>) target_semaphore(%arg12 : memref<!tpu.dma_semaphore, #tpu.memory_space<semaphore_mem>>)
    %dma_wait3A_818 = arith.constant 0 : i32
    %dma_wait3A_819 = arith.constant 0 : i32
    %dma_wait3A_820 = tpu.memref_slice %arg2[%dma_wait3A_818, %dma_wait3A_819] : memref<64x1000000xf32, #tpu.memory_space<hbm>> -> memref<64x128xf32, #tpu.memory_space<hbm>>
    %dma_wait3A_821 = arith.constant 0 : i32
    %dma_wait3A_822 = arith.constant 0 : i32
    %dma_wait3A_823 = tpu.memref_slice %arg2[%dma_wait3A_821, %dma_wait3A_822] : memref<64x1000000xf32, #tpu.memory_space<hbm>> -> memref<64x128xf32, #tpu.memory_space<hbm>>
    tpu.wait_dma2 semaphore(%arg13 : memref<!tpu.dma_semaphore, #tpu.memory_space<semaphore_mem>>) src(%dma_wait3A_823 : memref<64x128xf32, #tpu.memory_space<hbm>>) dst(%arg9 : memref<64x128xf32, #tpu.memory_space<vmem>>)
    %jit3A_824 = arith.constant 128 : i32
    %eq3A_825 = arith.constant 0 : i32
    %eq3A_826 = arith.cmpi eq, %jit3A_824, %eq3A_825 : i32
    %jit3A_827 = arith.constant 1 : i32
    %select_n3A_828 = arith.select %eq3A_826, %jit3A_827, %jit3A_824 : i32
    %rem3A_829 = arith.remsi %squeeze3A_24, %select_n3A_828 : i32
    %ne3A_830 = arith.constant 0 : i32
    %ne3A_831 = arith.cmpi ne, %rem3A_829, %ne3A_830 : i32
    %lt3A_832 = arith.constant 0 : i32
    %lt3A_833 = arith.cmpi slt, %rem3A_829, %lt3A_832 : i32
    %lt3A_834 = arith.constant 0 : i32
    %lt3A_835 = arith.cmpi slt, %select_n3A_828, %lt3A_834 : i32
    %ne3A_836 = arith.xori %lt3A_833, %lt3A_835 : i1
    %and3A_837 = arith.andi %ne3A_836, %ne3A_831 : i1
    %add3A_838 = arith.addi %rem3A_829, %select_n3A_828 : i32
    %select_n3A_839 = arith.select %and3A_837, %add3A_838, %rem3A_829 : i32
    %broadcast_in_dim3A_840 = vector.broadcast %select_n3A_839 : i32 to vector<16xi32>
    %add3A_841 = arith.constant 0 : i32
    %add3A_842 = vector.broadcast %add3A_841 : i32 to vector<16xi32>
    %add3A_843 = arith.addi %add3A_842, %iota3A : vector<16xi32>
    %gather3A_844 = tpu.vector_load_idx %arg9[%add3A_843, %broadcast_in_dim3A_840] : memref<64x128xf32, #tpu.memory_space<vmem>>[vector<16xi32>, vector<16xi32>], vector<16xf32>,
    %swap3A_845 = arith.constant 576 : index
    %swap3A_846 = tpu.vector_load %arg10[%swap3A_845] {strides = array<i32>} : memref<2048xf32, #tpu.memory_space<vmem>>, vector<16xf32>,
    tpu.vector_store %arg10[%swap3A_845], %gather3A_844 {strides = array<i32>} : memref<2048xf32, #tpu.memory_space<vmem>>, vector<16xf32>,
    %add3A_847 = arith.constant 16 : i32
    %add3A_848 = vector.broadcast %add3A_847 : i32 to vector<16xi32>
    %add3A_849 = arith.addi %add3A_848, %iota3A : vector<16xi32>
    %gather3A_850 = tpu.vector_load_idx %arg9[%add3A_849, %broadcast_in_dim3A_840] : memref<64x128xf32, #tpu.memory_space<vmem>>[vector<16xi32>, vector<16xi32>], vector<16xf32>,
    %swap3A_851 = arith.constant 592 : index
    %swap3A_852 = tpu.vector_load %arg10[%swap3A_851] {strides = array<i32>} : memref<2048xf32, #tpu.memory_space<vmem>>, vector<16xf32>,
    tpu.vector_store %arg10[%swap3A_851], %gather3A_850 {strides = array<i32>} : memref<2048xf32, #tpu.memory_space<vmem>>, vector<16xf32>,
    %add3A_853 = arith.constant 32 : i32
    %add3A_854 = vector.broadcast %add3A_853 : i32 to vector<16xi32>
    %add3A_855 = arith.addi %add3A_854, %iota3A : vector<16xi32>
    %gather3A_856 = tpu.vector_load_idx %arg9[%add3A_855, %broadcast_in_dim3A_840] : memref<64x128xf32, #tpu.memory_space<vmem>>[vector<16xi32>, vector<16xi32>], vector<16xf32>,
    %swap3A_857 = arith.constant 608 : index
    %swap3A_858 = tpu.vector_load %arg10[%swap3A_857] {strides = array<i32>} : memref<2048xf32, #tpu.memory_space<vmem>>, vector<16xf32>,
    tpu.vector_store %arg10[%swap3A_857], %gather3A_856 {strides = array<i32>} : memref<2048xf32, #tpu.memory_space<vmem>>, vector<16xf32>,
    %add3A_859 = arith.constant 48 : i32
    %add3A_860 = vector.broadcast %add3A_859 : i32 to vector<16xi32>
    %add3A_861 = arith.addi %add3A_860, %iota3A : vector<16xi32>
    %gather3A_862 = tpu.vector_load_idx %arg9[%add3A_861, %broadcast_in_dim3A_840] : memref<64x128xf32, #tpu.memory_space<vmem>>[vector<16xi32>, vector<16xi32>], vector<16xf32>,
    %swap3A_863 = arith.constant 624 : index
    %swap3A_864 = tpu.vector_load %arg10[%swap3A_863] {strides = array<i32>} : memref<2048xf32, #tpu.memory_space<vmem>>, vector<16xf32>,
    tpu.vector_store %arg10[%swap3A_863], %gather3A_862 {strides = array<i32>} : memref<2048xf32, #tpu.memory_space<vmem>>, vector<16xf32>,
    %jit3A_865 = arith.constant 128 : i32
    %div3A_866 = arith.divsi %squeeze3A_28, %jit3A_865 : i32
    %sign3A_867 = arith.constant 0 : i32
    %sign3A_868 = arith.cmpi sgt, %squeeze3A_28, %sign3A_867 : i32
    %sign3A_869 = arith.extui %sign3A_868 : i1 to i32
    %sign3A_870 = arith.constant 0 : i32
    %sign3A_871 = arith.cmpi slt, %squeeze3A_28, %sign3A_870 : i32
    %sign3A_872 = arith.extui %sign3A_871 : i1 to i32
    %sign3A_873 = arith.subi %sign3A_869, %sign3A_872 : i32
    %sign3A_874 = arith.constant 0 : i32
    %sign3A_875 = arith.cmpi sgt, %jit3A_865, %sign3A_874 : i32
    %sign3A_876 = arith.extui %sign3A_875 : i1 to i32
    %sign3A_877 = arith.constant 0 : i32
    %sign3A_878 = arith.cmpi slt, %jit3A_865, %sign3A_877 : i32
    %sign3A_879 = arith.extui %sign3A_878 : i1 to i32
    %sign3A_880 = arith.subi %sign3A_876, %sign3A_879 : i32
    %ne3A_881 = arith.cmpi ne, %sign3A_873, %sign3A_880 : i32
    %rem3A_882 = arith.remsi %squeeze3A_28, %jit3A_865 : i32
    %ne3A_883 = arith.constant 0 : i32
    %ne3A_884 = arith.cmpi ne, %rem3A_882, %ne3A_883 : i32
    %and3A_885 = arith.andi %ne3A_881, %ne3A_884 : i1
    %sub3A_886 = arith.constant 1 : i32
    %sub3A_887 = arith.subi %div3A_866, %sub3A_886 : i32
    %select_n3A_888 = arith.select %and3A_885, %sub3A_887, %div3A_866 : i32
    %mul3A_889 = arith.constant 128 : i32
    %mul3A_890 = arith.muli %select_n3A_888, %mul3A_889 : i32
    %multiple_of3A_891 = tpu.assume_multiple %mul3A_890, 128 : i32
    %dma_start3A_892 = arith.constant 0 : i32
    %dma_start3A_893 = tpu.memref_slice %arg2[%dma_start3A_892, %multiple_of3A_891] : memref<64x1000000xf32, #tpu.memory_space<hbm>> -> memref<64x128xf32, #tpu.memory_space<hbm>>
    %dma_start3A_894 = arith.constant 0 : i32
    %dma_start3A_895 = tpu.memref_slice %arg2[%dma_start3A_894, %multiple_of3A_891] : memref<64x1000000xf32, #tpu.memory_space<hbm>> -> memref<64x128xf32, #tpu.memory_space<hbm>>
    tpu.enqueue_dma source(%dma_start3A_895 : memref<64x128xf32, #tpu.memory_space<hbm>>) target(%arg9 : memref<64x128xf32, #tpu.memory_space<vmem>>) target_semaphore(%arg13 : memref<!tpu.dma_semaphore, #tpu.memory_space<semaphore_mem>>)
    %dma_wait3A_896 = arith.constant 0 : i32
    %dma_wait3A_897 = arith.constant 0 : i32
    %dma_wait3A_898 = tpu.memref_slice %arg2[%dma_wait3A_896, %dma_wait3A_897] : memref<64x1000000xf32, #tpu.memory_space<hbm>> -> memref<64x128xf32, #tpu.memory_space<hbm>>
    %dma_wait3A_899 = arith.constant 0 : i32
    %dma_wait3A_900 = arith.constant 0 : i32
    %dma_wait3A_901 = tpu.memref_slice %arg2[%dma_wait3A_899, %dma_wait3A_900] : memref<64x1000000xf32, #tpu.memory_space<hbm>> -> memref<64x128xf32, #tpu.memory_space<hbm>>
    tpu.wait_dma2 semaphore(%arg12 : memref<!tpu.dma_semaphore, #tpu.memory_space<semaphore_mem>>) src(%dma_wait3A_901 : memref<64x128xf32, #tpu.memory_space<hbm>>) dst(%arg8 : memref<64x128xf32, #tpu.memory_space<vmem>>)
    %jit3A_902 = arith.constant 128 : i32
    %eq3A_903 = arith.constant 0 : i32
    %eq3A_904 = arith.cmpi eq, %jit3A_902, %eq3A_903 : i32
    %jit3A_905 = arith.constant 1 : i32
    %select_n3A_906 = arith.select %eq3A_904, %jit3A_905, %jit3A_902 : i32
    %rem3A_907 = arith.remsi %squeeze3A_26, %select_n3A_906 : i32
    %ne3A_908 = arith.constant 0 : i32
    %ne3A_909 = arith.cmpi ne, %rem3A_907, %ne3A_908 : i32
    %lt3A_910 = arith.constant 0 : i32
    %lt3A_911 = arith.cmpi slt, %rem3A_907, %lt3A_910 : i32
    %lt3A_912 = arith.constant 0 : i32
    %lt3A_913 = arith.cmpi slt, %select_n3A_906, %lt3A_912 : i32
    %ne3A_914 = arith.xori %lt3A_911, %lt3A_913 : i1
    %and3A_915 = arith.andi %ne3A_914, %ne3A_909 : i1
    %add3A_916 = arith.addi %rem3A_907, %select_n3A_906 : i32
    %select_n3A_917 = arith.select %and3A_915, %add3A_916, %rem3A_907 : i32
    %broadcast_in_dim3A_918 = vector.broadcast %select_n3A_917 : i32 to vector<16xi32>
    %add3A_919 = arith.constant 0 : i32
    %add3A_920 = vector.broadcast %add3A_919 : i32 to vector<16xi32>
    %add3A_921 = arith.addi %add3A_920, %iota3A : vector<16xi32>
    %gather3A_922 = tpu.vector_load_idx %arg8[%add3A_921, %broadcast_in_dim3A_918] : memref<64x128xf32, #tpu.memory_space<vmem>>[vector<16xi32>, vector<16xi32>], vector<16xf32>,
    %swap3A_923 = arith.constant 640 : index
    %swap3A_924 = tpu.vector_load %arg10[%swap3A_923] {strides = array<i32>} : memref<2048xf32, #tpu.memory_space<vmem>>, vector<16xf32>,
    tpu.vector_store %arg10[%swap3A_923], %gather3A_922 {strides = array<i32>} : memref<2048xf32, #tpu.memory_space<vmem>>, vector<16xf32>,
    %add3A_925 = arith.constant 16 : i32
    %add3A_926 = vector.broadcast %add3A_925 : i32 to vector<16xi32>
    %add3A_927 = arith.addi %add3A_926, %iota3A : vector<16xi32>
    %gather3A_928 = tpu.vector_load_idx %arg8[%add3A_927, %broadcast_in_dim3A_918] : memref<64x128xf32, #tpu.memory_space<vmem>>[vector<16xi32>, vector<16xi32>], vector<16xf32>,
    %swap3A_929 = arith.constant 656 : index
    %swap3A_930 = tpu.vector_load %arg10[%swap3A_929] {strides = array<i32>} : memref<2048xf32, #tpu.memory_space<vmem>>, vector<16xf32>,
    tpu.vector_store %arg10[%swap3A_929], %gather3A_928 {strides = array<i32>} : memref<2048xf32, #tpu.memory_space<vmem>>, vector<16xf32>,
    %add3A_931 = arith.constant 32 : i32
    %add3A_932 = vector.broadcast %add3A_931 : i32 to vector<16xi32>
    %add3A_933 = arith.addi %add3A_932, %iota3A : vector<16xi32>
    %gather3A_934 = tpu.vector_load_idx %arg8[%add3A_933, %broadcast_in_dim3A_918] : memref<64x128xf32, #tpu.memory_space<vmem>>[vector<16xi32>, vector<16xi32>], vector<16xf32>,
    %swap3A_935 = arith.constant 672 : index
    %swap3A_936 = tpu.vector_load %arg10[%swap3A_935] {strides = array<i32>} : memref<2048xf32, #tpu.memory_space<vmem>>, vector<16xf32>,
    tpu.vector_store %arg10[%swap3A_935], %gather3A_934 {strides = array<i32>} : memref<2048xf32, #tpu.memory_space<vmem>>, vector<16xf32>,
    %add3A_937 = arith.constant 48 : i32
    %add3A_938 = vector.broadcast %add3A_937 : i32 to vector<16xi32>
    %add3A_939 = arith.addi %add3A_938, %iota3A : vector<16xi32>
    %gather3A_940 = tpu.vector_load_idx %arg8[%add3A_939, %broadcast_in_dim3A_918] : memref<64x128xf32, #tpu.memory_space<vmem>>[vector<16xi32>, vector<16xi32>], vector<16xf32>,
    %swap3A_941 = arith.constant 688 : index
    %swap3A_942 = tpu.vector_load %arg10[%swap3A_941] {strides = array<i32>} : memref<2048xf32, #tpu.memory_space<vmem>>, vector<16xf32>,
    tpu.vector_store %arg10[%swap3A_941], %gather3A_940 {strides = array<i32>} : memref<2048xf32, #tpu.memory_space<vmem>>, vector<16xf32>,
    %jit3A_943 = arith.constant 128 : i32
    %div3A_944 = arith.divsi %squeeze3A_30, %jit3A_943 : i32
    %sign3A_945 = arith.constant 0 : i32
    %sign3A_946 = arith.cmpi sgt, %squeeze3A_30, %sign3A_945 : i32
    %sign3A_947 = arith.extui %sign3A_946 : i1 to i32
    %sign3A_948 = arith.constant 0 : i32
    %sign3A_949 = arith.cmpi slt, %squeeze3A_30, %sign3A_948 : i32
    %sign3A_950 = arith.extui %sign3A_949 : i1 to i32
    %sign3A_951 = arith.subi %sign3A_947, %sign3A_950 : i32
    %sign3A_952 = arith.constant 0 : i32
    %sign3A_953 = arith.cmpi sgt, %jit3A_943, %sign3A_952 : i32
    %sign3A_954 = arith.extui %sign3A_953 : i1 to i32
    %sign3A_955 = arith.constant 0 : i32
    %sign3A_956 = arith.cmpi slt, %jit3A_943, %sign3A_955 : i32
    %sign3A_957 = arith.extui %sign3A_956 : i1 to i32
    %sign3A_958 = arith.subi %sign3A_954, %sign3A_957 : i32
    %ne3A_959 = arith.cmpi ne, %sign3A_951, %sign3A_958 : i32
    %rem3A_960 = arith.remsi %squeeze3A_30, %jit3A_943 : i32
    %ne3A_961 = arith.constant 0 : i32
    %ne3A_962 = arith.cmpi ne, %rem3A_960, %ne3A_961 : i32
    %and3A_963 = arith.andi %ne3A_959, %ne3A_962 : i1
    %sub3A_964 = arith.constant 1 : i32
    %sub3A_965 = arith.subi %div3A_944, %sub3A_964 : i32
    %select_n3A_966 = arith.select %and3A_963, %sub3A_965, %div3A_944 : i32
    %mul3A_967 = arith.constant 128 : i32
    %mul3A_968 = arith.muli %select_n3A_966, %mul3A_967 : i32
    %multiple_of3A_969 = tpu.assume_multiple %mul3A_968, 128 : i32
    %dma_start3A_970 = arith.constant 0 : i32
    %dma_start3A_971 = tpu.memref_slice %arg2[%dma_start3A_970, %multiple_of3A_969] : memref<64x1000000xf32, #tpu.memory_space<hbm>> -> memref<64x128xf32, #tpu.memory_space<hbm>>
    %dma_start3A_972 = arith.constant 0 : i32
    %dma_start3A_973 = tpu.memref_slice %arg2[%dma_start3A_972, %multiple_of3A_969] : memref<64x1000000xf32, #tpu.memory_space<hbm>> -> memref<64x128xf32, #tpu.memory_space<hbm>>
    tpu.enqueue_dma source(%dma_start3A_973 : memref<64x128xf32, #tpu.memory_space<hbm>>) target(%arg8 : memref<64x128xf32, #tpu.memory_space<vmem>>) target_semaphore(%arg12 : memref<!tpu.dma_semaphore, #tpu.memory_space<semaphore_mem>>)
    %dma_wait3A_974 = arith.constant 0 : i32
    %dma_wait3A_975 = arith.constant 0 : i32
    %dma_wait3A_976 = tpu.memref_slice %arg2[%dma_wait3A_974, %dma_wait3A_975] : memref<64x1000000xf32, #tpu.memory_space<hbm>> -> memref<64x128xf32, #tpu.memory_space<hbm>>
    %dma_wait3A_977 = arith.constant 0 : i32
    %dma_wait3A_978 = arith.constant 0 : i32
    %dma_wait3A_979 = tpu.memref_slice %arg2[%dma_wait3A_977, %dma_wait3A_978] : memref<64x1000000xf32, #tpu.memory_space<hbm>> -> memref<64x128xf32, #tpu.memory_space<hbm>>
    tpu.wait_dma2 semaphore(%arg13 : memref<!tpu.dma_semaphore, #tpu.memory_space<semaphore_mem>>) src(%dma_wait3A_979 : memref<64x128xf32, #tpu.memory_space<hbm>>) dst(%arg9 : memref<64x128xf32, #tpu.memory_space<vmem>>)
    %jit3A_980 = arith.constant 128 : i32
    %eq3A_981 = arith.constant 0 : i32
    %eq3A_982 = arith.cmpi eq, %jit3A_980, %eq3A_981 : i32
    %jit3A_983 = arith.constant 1 : i32
    %select_n3A_984 = arith.select %eq3A_982, %jit3A_983, %jit3A_980 : i32
    %rem3A_985 = arith.remsi %squeeze3A_28, %select_n3A_984 : i32
    %ne3A_986 = arith.constant 0 : i32
    %ne3A_987 = arith.cmpi ne, %rem3A_985, %ne3A_986 : i32
    %lt3A_988 = arith.constant 0 : i32
    %lt3A_989 = arith.cmpi slt, %rem3A_985, %lt3A_988 : i32
    %lt3A_990 = arith.constant 0 : i32
    %lt3A_991 = arith.cmpi slt, %select_n3A_984, %lt3A_990 : i32
    %ne3A_992 = arith.xori %lt3A_989, %lt3A_991 : i1
    %and3A_993 = arith.andi %ne3A_992, %ne3A_987 : i1
    %add3A_994 = arith.addi %rem3A_985, %select_n3A_984 : i32
    %select_n3A_995 = arith.select %and3A_993, %add3A_994, %rem3A_985 : i32
    %broadcast_in_dim3A_996 = vector.broadcast %select_n3A_995 : i32 to vector<16xi32>
    %add3A_997 = arith.constant 0 : i32
    %add3A_998 = vector.broadcast %add3A_997 : i32 to vector<16xi32>
    %add3A_999 = arith.addi %add3A_998, %iota3A : vector<16xi32>
    %gather3A_1000 = tpu.vector_load_idx %arg9[%add3A_999, %broadcast_in_dim3A_996] : memref<64x128xf32, #tpu.memory_space<vmem>>[vector<16xi32>, vector<16xi32>], vector<16xf32>,
    %swap3A_1001 = arith.constant 704 : index
    %swap3A_1002 = tpu.vector_load %arg10[%swap3A_1001] {strides = array<i32>} : memref<2048xf32, #tpu.memory_space<vmem>>, vector<16xf32>,
    tpu.vector_store %arg10[%swap3A_1001], %gather3A_1000 {strides = array<i32>} : memref<2048xf32, #tpu.memory_space<vmem>>, vector<16xf32>,
    %add3A_1003 = arith.constant 16 : i32
    %add3A_1004 = vector.broadcast %add3A_1003 : i32 to vector<16xi32>
    %add3A_1005 = arith.addi %add3A_1004, %iota3A : vector<16xi32>
    %gather3A_1006 = tpu.vector_load_idx %arg9[%add3A_1005, %broadcast_in_dim3A_996] : memref<64x128xf32, #tpu.memory_space<vmem>>[vector<16xi32>, vector<16xi32>], vector<16xf32>,
    %swap3A_1007 = arith.constant 720 : index
    %swap3A_1008 = tpu.vector_load %arg10[%swap3A_1007] {strides = array<i32>} : memref<2048xf32, #tpu.memory_space<vmem>>, vector<16xf32>,
    tpu.vector_store %arg10[%swap3A_1007], %gather3A_1006 {strides = array<i32>} : memref<2048xf32, #tpu.memory_space<vmem>>, vector<16xf32>,
    %add3A_1009 = arith.constant 32 : i32
    %add3A_1010 = vector.broadcast %add3A_1009 : i32 to vector<16xi32>
    %add3A_1011 = arith.addi %add3A_1010, %iota3A : vector<16xi32>
    %gather3A_1012 = tpu.vector_load_idx %arg9[%add3A_1011, %broadcast_in_dim3A_996] : memref<64x128xf32, #tpu.memory_space<vmem>>[vector<16xi32>, vector<16xi32>], vector<16xf32>,
    %swap3A_1013 = arith.constant 736 : index
    %swap3A_1014 = tpu.vector_load %arg10[%swap3A_1013] {strides = array<i32>} : memref<2048xf32, #tpu.memory_space<vmem>>, vector<16xf32>,
    tpu.vector_store %arg10[%swap3A_1013], %gather3A_1012 {strides = array<i32>} : memref<2048xf32, #tpu.memory_space<vmem>>, vector<16xf32>,
    %add3A_1015 = arith.constant 48 : i32
    %add3A_1016 = vector.broadcast %add3A_1015 : i32 to vector<16xi32>
    %add3A_1017 = arith.addi %add3A_1016, %iota3A : vector<16xi32>
    %gather3A_1018 = tpu.vector_load_idx %arg9[%add3A_1017, %broadcast_in_dim3A_996] : memref<64x128xf32, #tpu.memory_space<vmem>>[vector<16xi32>, vector<16xi32>], vector<16xf32>,
    %swap3A_1019 = arith.constant 752 : index
    %swap3A_1020 = tpu.vector_load %arg10[%swap3A_1019] {strides = array<i32>} : memref<2048xf32, #tpu.memory_space<vmem>>, vector<16xf32>,
    tpu.vector_store %arg10[%swap3A_1019], %gather3A_1018 {strides = array<i32>} : memref<2048xf32, #tpu.memory_space<vmem>>, vector<16xf32>,
    %jit3A_1021 = arith.constant 128 : i32
    %div3A_1022 = arith.divsi %squeeze3A_32, %jit3A_1021 : i32
    %sign3A_1023 = arith.constant 0 : i32
    %sign3A_1024 = arith.cmpi sgt, %squeeze3A_32, %sign3A_1023 : i32
    %sign3A_1025 = arith.extui %sign3A_1024 : i1 to i32
    %sign3A_1026 = arith.constant 0 : i32
    %sign3A_1027 = arith.cmpi slt, %squeeze3A_32, %sign3A_1026 : i32
    %sign3A_1028 = arith.extui %sign3A_1027 : i1 to i32
    %sign3A_1029 = arith.subi %sign3A_1025, %sign3A_1028 : i32
    %sign3A_1030 = arith.constant 0 : i32
    %sign3A_1031 = arith.cmpi sgt, %jit3A_1021, %sign3A_1030 : i32
    %sign3A_1032 = arith.extui %sign3A_1031 : i1 to i32
    %sign3A_1033 = arith.constant 0 : i32
    %sign3A_1034 = arith.cmpi slt, %jit3A_1021, %sign3A_1033 : i32
    %sign3A_1035 = arith.extui %sign3A_1034 : i1 to i32
    %sign3A_1036 = arith.subi %sign3A_1032, %sign3A_1035 : i32
    %ne3A_1037 = arith.cmpi ne, %sign3A_1029, %sign3A_1036 : i32
    %rem3A_1038 = arith.remsi %squeeze3A_32, %jit3A_1021 : i32
    %ne3A_1039 = arith.constant 0 : i32
    %ne3A_1040 = arith.cmpi ne, %rem3A_1038, %ne3A_1039 : i32
    %and3A_1041 = arith.andi %ne3A_1037, %ne3A_1040 : i1
    %sub3A_1042 = arith.constant 1 : i32
    %sub3A_1043 = arith.subi %div3A_1022, %sub3A_1042 : i32
    %select_n3A_1044 = arith.select %and3A_1041, %sub3A_1043, %div3A_1022 : i32
    %mul3A_1045 = arith.constant 128 : i32
    %mul3A_1046 = arith.muli %select_n3A_1044, %mul3A_1045 : i32
    %multiple_of3A_1047 = tpu.assume_multiple %mul3A_1046, 128 : i32
    %dma_start3A_1048 = arith.constant 0 : i32
    %dma_start3A_1049 = tpu.memref_slice %arg2[%dma_start3A_1048, %multiple_of3A_1047] : memref<64x1000000xf32, #tpu.memory_space<hbm>> -> memref<64x128xf32, #tpu.memory_space<hbm>>
    %dma_start3A_1050 = arith.constant 0 : i32
    %dma_start3A_1051 = tpu.memref_slice %arg2[%dma_start3A_1050, %multiple_of3A_1047] : memref<64x1000000xf32, #tpu.memory_space<hbm>> -> memref<64x128xf32, #tpu.memory_space<hbm>>
    tpu.enqueue_dma source(%dma_start3A_1051 : memref<64x128xf32, #tpu.memory_space<hbm>>) target(%arg9 : memref<64x128xf32, #tpu.memory_space<vmem>>) target_semaphore(%arg13 : memref<!tpu.dma_semaphore, #tpu.memory_space<semaphore_mem>>)
    %dma_wait3A_1052 = arith.constant 0 : i32
    %dma_wait3A_1053 = arith.constant 0 : i32
    %dma_wait3A_1054 = tpu.memref_slice %arg2[%dma_wait3A_1052, %dma_wait3A_1053] : memref<64x1000000xf32, #tpu.memory_space<hbm>> -> memref<64x128xf32, #tpu.memory_space<hbm>>
    %dma_wait3A_1055 = arith.constant 0 : i32
    %dma_wait3A_1056 = arith.constant 0 : i32
    %dma_wait3A_1057 = tpu.memref_slice %arg2[%dma_wait3A_1055, %dma_wait3A_1056] : memref<64x1000000xf32, #tpu.memory_space<hbm>> -> memref<64x128xf32, #tpu.memory_space<hbm>>
    tpu.wait_dma2 semaphore(%arg12 : memref<!tpu.dma_semaphore, #tpu.memory_space<semaphore_mem>>) src(%dma_wait3A_1057 : memref<64x128xf32, #tpu.memory_space<hbm>>) dst(%arg8 : memref<64x128xf32, #tpu.memory_space<vmem>>)
    %jit3A_1058 = arith.constant 128 : i32
    %eq3A_1059 = arith.constant 0 : i32
    %eq3A_1060 = arith.cmpi eq, %jit3A_1058, %eq3A_1059 : i32
    %jit3A_1061 = arith.constant 1 : i32
    %select_n3A_1062 = arith.select %eq3A_1060, %jit3A_1061, %jit3A_1058 : i32
    %rem3A_1063 = arith.remsi %squeeze3A_30, %select_n3A_1062 : i32
    %ne3A_1064 = arith.constant 0 : i32
    %ne3A_1065 = arith.cmpi ne, %rem3A_1063, %ne3A_1064 : i32
    %lt3A_1066 = arith.constant 0 : i32
    %lt3A_1067 = arith.cmpi slt, %rem3A_1063, %lt3A_1066 : i32
    %lt3A_1068 = arith.constant 0 : i32
    %lt3A_1069 = arith.cmpi slt, %select_n3A_1062, %lt3A_1068 : i32
    %ne3A_1070 = arith.xori %lt3A_1067, %lt3A_1069 : i1
    %and3A_1071 = arith.andi %ne3A_1070, %ne3A_1065 : i1
    %add3A_1072 = arith.addi %rem3A_1063, %select_n3A_1062 : i32
    %select_n3A_1073 = arith.select %and3A_1071, %add3A_1072, %rem3A_1063 : i32
    %broadcast_in_dim3A_1074 = vector.broadcast %select_n3A_1073 : i32 to vector<16xi32>
    %add3A_1075 = arith.constant 0 : i32
    %add3A_1076 = vector.broadcast %add3A_1075 : i32 to vector<16xi32>
    %add3A_1077 = arith.addi %add3A_1076, %iota3A : vector<16xi32>
    %gather3A_1078 = tpu.vector_load_idx %arg8[%add3A_1077, %broadcast_in_dim3A_1074] : memref<64x128xf32, #tpu.memory_space<vmem>>[vector<16xi32>, vector<16xi32>], vector<16xf32>,
    %swap3A_1079 = arith.constant 768 : index
    %swap3A_1080 = tpu.vector_load %arg10[%swap3A_1079] {strides = array<i32>} : memref<2048xf32, #tpu.memory_space<vmem>>, vector<16xf32>,
    tpu.vector_store %arg10[%swap3A_1079], %gather3A_1078 {strides = array<i32>} : memref<2048xf32, #tpu.memory_space<vmem>>, vector<16xf32>,
    %add3A_1081 = arith.constant 16 : i32
    %add3A_1082 = vector.broadcast %add3A_1081 : i32 to vector<16xi32>
    %add3A_1083 = arith.addi %add3A_1082, %iota3A : vector<16xi32>
    %gather3A_1084 = tpu.vector_load_idx %arg8[%add3A_1083, %broadcast_in_dim3A_1074] : memref<64x128xf32, #tpu.memory_space<vmem>>[vector<16xi32>, vector<16xi32>], vector<16xf32>,
    %swap3A_1085 = arith.constant 784 : index
    %swap3A_1086 = tpu.vector_load %arg10[%swap3A_1085] {strides = array<i32>} : memref<2048xf32, #tpu.memory_space<vmem>>, vector<16xf32>,
    tpu.vector_store %arg10[%swap3A_1085], %gather3A_1084 {strides = array<i32>} : memref<2048xf32, #tpu.memory_space<vmem>>, vector<16xf32>,
    %add3A_1087 = arith.constant 32 : i32
    %add3A_1088 = vector.broadcast %add3A_1087 : i32 to vector<16xi32>
    %add3A_1089 = arith.addi %add3A_1088, %iota3A : vector<16xi32>
    %gather3A_1090 = tpu.vector_load_idx %arg8[%add3A_1089, %broadcast_in_dim3A_1074] : memref<64x128xf32, #tpu.memory_space<vmem>>[vector<16xi32>, vector<16xi32>], vector<16xf32>,
    %swap3A_1091 = arith.constant 800 : index
    %swap3A_1092 = tpu.vector_load %arg10[%swap3A_1091] {strides = array<i32>} : memref<2048xf32, #tpu.memory_space<vmem>>, vector<16xf32>,
    tpu.vector_store %arg10[%swap3A_1091], %gather3A_1090 {strides = array<i32>} : memref<2048xf32, #tpu.memory_space<vmem>>, vector<16xf32>,
    %add3A_1093 = arith.constant 48 : i32
    %add3A_1094 = vector.broadcast %add3A_1093 : i32 to vector<16xi32>
    %add3A_1095 = arith.addi %add3A_1094, %iota3A : vector<16xi32>
    %gather3A_1096 = tpu.vector_load_idx %arg8[%add3A_1095, %broadcast_in_dim3A_1074] : memref<64x128xf32, #tpu.memory_space<vmem>>[vector<16xi32>, vector<16xi32>], vector<16xf32>,
    %swap3A_1097 = arith.constant 816 : index
    %swap3A_1098 = tpu.vector_load %arg10[%swap3A_1097] {strides = array<i32>} : memref<2048xf32, #tpu.memory_space<vmem>>, vector<16xf32>,
    tpu.vector_store %arg10[%swap3A_1097], %gather3A_1096 {strides = array<i32>} : memref<2048xf32, #tpu.memory_space<vmem>>, vector<16xf32>,
    %jit3A_1099 = arith.constant 128 : i32
    %div3A_1100 = arith.divsi %squeeze3A_34, %jit3A_1099 : i32
    %sign3A_1101 = arith.constant 0 : i32
    %sign3A_1102 = arith.cmpi sgt, %squeeze3A_34, %sign3A_1101 : i32
    %sign3A_1103 = arith.extui %sign3A_1102 : i1 to i32
    %sign3A_1104 = arith.constant 0 : i32
    %sign3A_1105 = arith.cmpi slt, %squeeze3A_34, %sign3A_1104 : i32
    %sign3A_1106 = arith.extui %sign3A_1105 : i1 to i32
    %sign3A_1107 = arith.subi %sign3A_1103, %sign3A_1106 : i32
    %sign3A_1108 = arith.constant 0 : i32
    %sign3A_1109 = arith.cmpi sgt, %jit3A_1099, %sign3A_1108 : i32
    %sign3A_1110 = arith.extui %sign3A_1109 : i1 to i32
    %sign3A_1111 = arith.constant 0 : i32
    %sign3A_1112 = arith.cmpi slt, %jit3A_1099, %sign3A_1111 : i32
    %sign3A_1113 = arith.extui %sign3A_1112 : i1 to i32
    %sign3A_1114 = arith.subi %sign3A_1110, %sign3A_1113 : i32
    %ne3A_1115 = arith.cmpi ne, %sign3A_1107, %sign3A_1114 : i32
    %rem3A_1116 = arith.remsi %squeeze3A_34, %jit3A_1099 : i32
    %ne3A_1117 = arith.constant 0 : i32
    %ne3A_1118 = arith.cmpi ne, %rem3A_1116, %ne3A_1117 : i32
    %and3A_1119 = arith.andi %ne3A_1115, %ne3A_1118 : i1
    %sub3A_1120 = arith.constant 1 : i32
    %sub3A_1121 = arith.subi %div3A_1100, %sub3A_1120 : i32
    %select_n3A_1122 = arith.select %and3A_1119, %sub3A_1121, %div3A_1100 : i32
    %mul3A_1123 = arith.constant 128 : i32
    %mul3A_1124 = arith.muli %select_n3A_1122, %mul3A_1123 : i32
    %multiple_of3A_1125 = tpu.assume_multiple %mul3A_1124, 128 : i32
    %dma_start3A_1126 = arith.constant 0 : i32
    %dma_start3A_1127 = tpu.memref_slice %arg2[%dma_start3A_1126, %multiple_of3A_1125] : memref<64x1000000xf32, #tpu.memory_space<hbm>> -> memref<64x128xf32, #tpu.memory_space<hbm>>
    %dma_start3A_1128 = arith.constant 0 : i32
    %dma_start3A_1129 = tpu.memref_slice %arg2[%dma_start3A_1128, %multiple_of3A_1125] : memref<64x1000000xf32, #tpu.memory_space<hbm>> -> memref<64x128xf32, #tpu.memory_space<hbm>>
    tpu.enqueue_dma source(%dma_start3A_1129 : memref<64x128xf32, #tpu.memory_space<hbm>>) target(%arg8 : memref<64x128xf32, #tpu.memory_space<vmem>>) target_semaphore(%arg12 : memref<!tpu.dma_semaphore, #tpu.memory_space<semaphore_mem>>)
    %dma_wait3A_1130 = arith.constant 0 : i32
    %dma_wait3A_1131 = arith.constant 0 : i32
    %dma_wait3A_1132 = tpu.memref_slice %arg2[%dma_wait3A_1130, %dma_wait3A_1131] : memref<64x1000000xf32, #tpu.memory_space<hbm>> -> memref<64x128xf32, #tpu.memory_space<hbm>>
    %dma_wait3A_1133 = arith.constant 0 : i32
    %dma_wait3A_1134 = arith.constant 0 : i32
    %dma_wait3A_1135 = tpu.memref_slice %arg2[%dma_wait3A_1133, %dma_wait3A_1134] : memref<64x1000000xf32, #tpu.memory_space<hbm>> -> memref<64x128xf32, #tpu.memory_space<hbm>>
    tpu.wait_dma2 semaphore(%arg13 : memref<!tpu.dma_semaphore, #tpu.memory_space<semaphore_mem>>) src(%dma_wait3A_1135 : memref<64x128xf32, #tpu.memory_space<hbm>>) dst(%arg9 : memref<64x128xf32, #tpu.memory_space<vmem>>)
    %jit3A_1136 = arith.constant 128 : i32
    %eq3A_1137 = arith.constant 0 : i32
    %eq3A_1138 = arith.cmpi eq, %jit3A_1136, %eq3A_1137 : i32
    %jit3A_1139 = arith.constant 1 : i32
    %select_n3A_1140 = arith.select %eq3A_1138, %jit3A_1139, %jit3A_1136 : i32
    %rem3A_1141 = arith.remsi %squeeze3A_32, %select_n3A_1140 : i32
    %ne3A_1142 = arith.constant 0 : i32
    %ne3A_1143 = arith.cmpi ne, %rem3A_1141, %ne3A_1142 : i32
    %lt3A_1144 = arith.constant 0 : i32
    %lt3A_1145 = arith.cmpi slt, %rem3A_1141, %lt3A_1144 : i32
    %lt3A_1146 = arith.constant 0 : i32
    %lt3A_1147 = arith.cmpi slt, %select_n3A_1140, %lt3A_1146 : i32
    %ne3A_1148 = arith.xori %lt3A_1145, %lt3A_1147 : i1
    %and3A_1149 = arith.andi %ne3A_1148, %ne3A_1143 : i1
    %add3A_1150 = arith.addi %rem3A_1141, %select_n3A_1140 : i32
    %select_n3A_1151 = arith.select %and3A_1149, %add3A_1150, %rem3A_1141 : i32
    %broadcast_in_dim3A_1152 = vector.broadcast %select_n3A_1151 : i32 to vector<16xi32>
    %add3A_1153 = arith.constant 0 : i32
    %add3A_1154 = vector.broadcast %add3A_1153 : i32 to vector<16xi32>
    %add3A_1155 = arith.addi %add3A_1154, %iota3A : vector<16xi32>
    %gather3A_1156 = tpu.vector_load_idx %arg9[%add3A_1155, %broadcast_in_dim3A_1152] : memref<64x128xf32, #tpu.memory_space<vmem>>[vector<16xi32>, vector<16xi32>], vector<16xf32>,
    %swap3A_1157 = arith.constant 832 : index
    %swap3A_1158 = tpu.vector_load %arg10[%swap3A_1157] {strides = array<i32>} : memref<2048xf32, #tpu.memory_space<vmem>>, vector<16xf32>,
    tpu.vector_store %arg10[%swap3A_1157], %gather3A_1156 {strides = array<i32>} : memref<2048xf32, #tpu.memory_space<vmem>>, vector<16xf32>,
    %add3A_1159 = arith.constant 16 : i32
    %add3A_1160 = vector.broadcast %add3A_1159 : i32 to vector<16xi32>
    %add3A_1161 = arith.addi %add3A_1160, %iota3A : vector<16xi32>
    %gather3A_1162 = tpu.vector_load_idx %arg9[%add3A_1161, %broadcast_in_dim3A_1152] : memref<64x128xf32, #tpu.memory_space<vmem>>[vector<16xi32>, vector<16xi32>], vector<16xf32>,
    %swap3A_1163 = arith.constant 848 : index
    %swap3A_1164 = tpu.vector_load %arg10[%swap3A_1163] {strides = array<i32>} : memref<2048xf32, #tpu.memory_space<vmem>>, vector<16xf32>,
    tpu.vector_store %arg10[%swap3A_1163], %gather3A_1162 {strides = array<i32>} : memref<2048xf32, #tpu.memory_space<vmem>>, vector<16xf32>,
    %add3A_1165 = arith.constant 32 : i32
    %add3A_1166 = vector.broadcast %add3A_1165 : i32 to vector<16xi32>
    %add3A_1167 = arith.addi %add3A_1166, %iota3A : vector<16xi32>
    %gather3A_1168 = tpu.vector_load_idx %arg9[%add3A_1167, %broadcast_in_dim3A_1152] : memref<64x128xf32, #tpu.memory_space<vmem>>[vector<16xi32>, vector<16xi32>], vector<16xf32>,
    %swap3A_1169 = arith.constant 864 : index
    %swap3A_1170 = tpu.vector_load %arg10[%swap3A_1169] {strides = array<i32>} : memref<2048xf32, #tpu.memory_space<vmem>>, vector<16xf32>,
    tpu.vector_store %arg10[%swap3A_1169], %gather3A_1168 {strides = array<i32>} : memref<2048xf32, #tpu.memory_space<vmem>>, vector<16xf32>,
    %add3A_1171 = arith.constant 48 : i32
    %add3A_1172 = vector.broadcast %add3A_1171 : i32 to vector<16xi32>
    %add3A_1173 = arith.addi %add3A_1172, %iota3A : vector<16xi32>
    %gather3A_1174 = tpu.vector_load_idx %arg9[%add3A_1173, %broadcast_in_dim3A_1152] : memref<64x128xf32, #tpu.memory_space<vmem>>[vector<16xi32>, vector<16xi32>], vector<16xf32>,
    %swap3A_1175 = arith.constant 880 : index
    %swap3A_1176 = tpu.vector_load %arg10[%swap3A_1175] {strides = array<i32>} : memref<2048xf32, #tpu.memory_space<vmem>>, vector<16xf32>,
    tpu.vector_store %arg10[%swap3A_1175], %gather3A_1174 {strides = array<i32>} : memref<2048xf32, #tpu.memory_space<vmem>>, vector<16xf32>,
    %jit3A_1177 = arith.constant 128 : i32
    %div3A_1178 = arith.divsi %squeeze3A_36, %jit3A_1177 : i32
    %sign3A_1179 = arith.constant 0 : i32
    %sign3A_1180 = arith.cmpi sgt, %squeeze3A_36, %sign3A_1179 : i32
    %sign3A_1181 = arith.extui %sign3A_1180 : i1 to i32
    %sign3A_1182 = arith.constant 0 : i32
    %sign3A_1183 = arith.cmpi slt, %squeeze3A_36, %sign3A_1182 : i32
    %sign3A_1184 = arith.extui %sign3A_1183 : i1 to i32
    %sign3A_1185 = arith.subi %sign3A_1181, %sign3A_1184 : i32
    %sign3A_1186 = arith.constant 0 : i32
    %sign3A_1187 = arith.cmpi sgt, %jit3A_1177, %sign3A_1186 : i32
    %sign3A_1188 = arith.extui %sign3A_1187 : i1 to i32
    %sign3A_1189 = arith.constant 0 : i32
    %sign3A_1190 = arith.cmpi slt, %jit3A_1177, %sign3A_1189 : i32
    %sign3A_1191 = arith.extui %sign3A_1190 : i1 to i32
    %sign3A_1192 = arith.subi %sign3A_1188, %sign3A_1191 : i32
    %ne3A_1193 = arith.cmpi ne, %sign3A_1185, %sign3A_1192 : i32
    %rem3A_1194 = arith.remsi %squeeze3A_36, %jit3A_1177 : i32
    %ne3A_1195 = arith.constant 0 : i32
    %ne3A_1196 = arith.cmpi ne, %rem3A_1194, %ne3A_1195 : i32
    %and3A_1197 = arith.andi %ne3A_1193, %ne3A_1196 : i1
    %sub3A_1198 = arith.constant 1 : i32
    %sub3A_1199 = arith.subi %div3A_1178, %sub3A_1198 : i32
    %select_n3A_1200 = arith.select %and3A_1197, %sub3A_1199, %div3A_1178 : i32
    %mul3A_1201 = arith.constant 128 : i32
    %mul3A_1202 = arith.muli %select_n3A_1200, %mul3A_1201 : i32
    %multiple_of3A_1203 = tpu.assume_multiple %mul3A_1202, 128 : i32
    %dma_start3A_1204 = arith.constant 0 : i32
    %dma_start3A_1205 = tpu.memref_slice %arg2[%dma_start3A_1204, %multiple_of3A_1203] : memref<64x1000000xf32, #tpu.memory_space<hbm>> -> memref<64x128xf32, #tpu.memory_space<hbm>>
    %dma_start3A_1206 = arith.constant 0 : i32
    %dma_start3A_1207 = tpu.memref_slice %arg2[%dma_start3A_1206, %multiple_of3A_1203] : memref<64x1000000xf32, #tpu.memory_space<hbm>> -> memref<64x128xf32, #tpu.memory_space<hbm>>
    tpu.enqueue_dma source(%dma_start3A_1207 : memref<64x128xf32, #tpu.memory_space<hbm>>) target(%arg9 : memref<64x128xf32, #tpu.memory_space<vmem>>) target_semaphore(%arg13 : memref<!tpu.dma_semaphore, #tpu.memory_space<semaphore_mem>>)
    %dma_wait3A_1208 = arith.constant 0 : i32
    %dma_wait3A_1209 = arith.constant 0 : i32
    %dma_wait3A_1210 = tpu.memref_slice %arg2[%dma_wait3A_1208, %dma_wait3A_1209] : memref<64x1000000xf32, #tpu.memory_space<hbm>> -> memref<64x128xf32, #tpu.memory_space<hbm>>
    %dma_wait3A_1211 = arith.constant 0 : i32
    %dma_wait3A_1212 = arith.constant 0 : i32
    %dma_wait3A_1213 = tpu.memref_slice %arg2[%dma_wait3A_1211, %dma_wait3A_1212] : memref<64x1000000xf32, #tpu.memory_space<hbm>> -> memref<64x128xf32, #tpu.memory_space<hbm>>
    tpu.wait_dma2 semaphore(%arg12 : memref<!tpu.dma_semaphore, #tpu.memory_space<semaphore_mem>>) src(%dma_wait3A_1213 : memref<64x128xf32, #tpu.memory_space<hbm>>) dst(%arg8 : memref<64x128xf32, #tpu.memory_space<vmem>>)
    %jit3A_1214 = arith.constant 128 : i32
    %eq3A_1215 = arith.constant 0 : i32
    %eq3A_1216 = arith.cmpi eq, %jit3A_1214, %eq3A_1215 : i32
    %jit3A_1217 = arith.constant 1 : i32
    %select_n3A_1218 = arith.select %eq3A_1216, %jit3A_1217, %jit3A_1214 : i32
    %rem3A_1219 = arith.remsi %squeeze3A_34, %select_n3A_1218 : i32
    %ne3A_1220 = arith.constant 0 : i32
    %ne3A_1221 = arith.cmpi ne, %rem3A_1219, %ne3A_1220 : i32
    %lt3A_1222 = arith.constant 0 : i32
    %lt3A_1223 = arith.cmpi slt, %rem3A_1219, %lt3A_1222 : i32
    %lt3A_1224 = arith.constant 0 : i32
    %lt3A_1225 = arith.cmpi slt, %select_n3A_1218, %lt3A_1224 : i32
    %ne3A_1226 = arith.xori %lt3A_1223, %lt3A_1225 : i1
    %and3A_1227 = arith.andi %ne3A_1226, %ne3A_1221 : i1
    %add3A_1228 = arith.addi %rem3A_1219, %select_n3A_1218 : i32
    %select_n3A_1229 = arith.select %and3A_1227, %add3A_1228, %rem3A_1219 : i32
    %broadcast_in_dim3A_1230 = vector.broadcast %select_n3A_1229 : i32 to vector<16xi32>
    %add3A_1231 = arith.constant 0 : i32
    %add3A_1232 = vector.broadcast %add3A_1231 : i32 to vector<16xi32>
    %add3A_1233 = arith.addi %add3A_1232, %iota3A : vector<16xi32>
    %gather3A_1234 = tpu.vector_load_idx %arg8[%add3A_1233, %broadcast_in_dim3A_1230] : memref<64x128xf32, #tpu.memory_space<vmem>>[vector<16xi32>, vector<16xi32>], vector<16xf32>,
    %swap3A_1235 = arith.constant 896 : index
    %swap3A_1236 = tpu.vector_load %arg10[%swap3A_1235] {strides = array<i32>} : memref<2048xf32, #tpu.memory_space<vmem>>, vector<16xf32>,
    tpu.vector_store %arg10[%swap3A_1235], %gather3A_1234 {strides = array<i32>} : memref<2048xf32, #tpu.memory_space<vmem>>, vector<16xf32>,
    %add3A_1237 = arith.constant 16 : i32
    %add3A_1238 = vector.broadcast %add3A_1237 : i32 to vector<16xi32>
    %add3A_1239 = arith.addi %add3A_1238, %iota3A : vector<16xi32>
    %gather3A_1240 = tpu.vector_load_idx %arg8[%add3A_1239, %broadcast_in_dim3A_1230] : memref<64x128xf32, #tpu.memory_space<vmem>>[vector<16xi32>, vector<16xi32>], vector<16xf32>,
    %swap3A_1241 = arith.constant 912 : index
    %swap3A_1242 = tpu.vector_load %arg10[%swap3A_1241] {strides = array<i32>} : memref<2048xf32, #tpu.memory_space<vmem>>, vector<16xf32>,
    tpu.vector_store %arg10[%swap3A_1241], %gather3A_1240 {strides = array<i32>} : memref<2048xf32, #tpu.memory_space<vmem>>, vector<16xf32>,
    %add3A_1243 = arith.constant 32 : i32
    %add3A_1244 = vector.broadcast %add3A_1243 : i32 to vector<16xi32>
    %add3A_1245 = arith.addi %add3A_1244, %iota3A : vector<16xi32>
    %gather3A_1246 = tpu.vector_load_idx %arg8[%add3A_1245, %broadcast_in_dim3A_1230] : memref<64x128xf32, #tpu.memory_space<vmem>>[vector<16xi32>, vector<16xi32>], vector<16xf32>,
    %swap3A_1247 = arith.constant 928 : index
    %swap3A_1248 = tpu.vector_load %arg10[%swap3A_1247] {strides = array<i32>} : memref<2048xf32, #tpu.memory_space<vmem>>, vector<16xf32>,
    tpu.vector_store %arg10[%swap3A_1247], %gather3A_1246 {strides = array<i32>} : memref<2048xf32, #tpu.memory_space<vmem>>, vector<16xf32>,
    %add3A_1249 = arith.constant 48 : i32
    %add3A_1250 = vector.broadcast %add3A_1249 : i32 to vector<16xi32>
    %add3A_1251 = arith.addi %add3A_1250, %iota3A : vector<16xi32>
    %gather3A_1252 = tpu.vector_load_idx %arg8[%add3A_1251, %broadcast_in_dim3A_1230] : memref<64x128xf32, #tpu.memory_space<vmem>>[vector<16xi32>, vector<16xi32>], vector<16xf32>,
    %swap3A_1253 = arith.constant 944 : index
    %swap3A_1254 = tpu.vector_load %arg10[%swap3A_1253] {strides = array<i32>} : memref<2048xf32, #tpu.memory_space<vmem>>, vector<16xf32>,
    tpu.vector_store %arg10[%swap3A_1253], %gather3A_1252 {strides = array<i32>} : memref<2048xf32, #tpu.memory_space<vmem>>, vector<16xf32>,
    %jit3A_1255 = arith.constant 128 : i32
    %div3A_1256 = arith.divsi %squeeze3A_38, %jit3A_1255 : i32
    %sign3A_1257 = arith.constant 0 : i32
    %sign3A_1258 = arith.cmpi sgt, %squeeze3A_38, %sign3A_1257 : i32
    %sign3A_1259 = arith.extui %sign3A_1258 : i1 to i32
    %sign3A_1260 = arith.constant 0 : i32
    %sign3A_1261 = arith.cmpi slt, %squeeze3A_38, %sign3A_1260 : i32
    %sign3A_1262 = arith.extui %sign3A_1261 : i1 to i32
    %sign3A_1263 = arith.subi %sign3A_1259, %sign3A_1262 : i32
    %sign3A_1264 = arith.constant 0 : i32
    %sign3A_1265 = arith.cmpi sgt, %jit3A_1255, %sign3A_1264 : i32
    %sign3A_1266 = arith.extui %sign3A_1265 : i1 to i32
    %sign3A_1267 = arith.constant 0 : i32
    %sign3A_1268 = arith.cmpi slt, %jit3A_1255, %sign3A_1267 : i32
    %sign3A_1269 = arith.extui %sign3A_1268 : i1 to i32
    %sign3A_1270 = arith.subi %sign3A_1266, %sign3A_1269 : i32
    %ne3A_1271 = arith.cmpi ne, %sign3A_1263, %sign3A_1270 : i32
    %rem3A_1272 = arith.remsi %squeeze3A_38, %jit3A_1255 : i32
    %ne3A_1273 = arith.constant 0 : i32
    %ne3A_1274 = arith.cmpi ne, %rem3A_1272, %ne3A_1273 : i32
    %and3A_1275 = arith.andi %ne3A_1271, %ne3A_1274 : i1
    %sub3A_1276 = arith.constant 1 : i32
    %sub3A_1277 = arith.subi %div3A_1256, %sub3A_1276 : i32
    %select_n3A_1278 = arith.select %and3A_1275, %sub3A_1277, %div3A_1256 : i32
    %mul3A_1279 = arith.constant 128 : i32
    %mul3A_1280 = arith.muli %select_n3A_1278, %mul3A_1279 : i32
    %multiple_of3A_1281 = tpu.assume_multiple %mul3A_1280, 128 : i32
    %dma_start3A_1282 = arith.constant 0 : i32
    %dma_start3A_1283 = tpu.memref_slice %arg2[%dma_start3A_1282, %multiple_of3A_1281] : memref<64x1000000xf32, #tpu.memory_space<hbm>> -> memref<64x128xf32, #tpu.memory_space<hbm>>
    %dma_start3A_1284 = arith.constant 0 : i32
    %dma_start3A_1285 = tpu.memref_slice %arg2[%dma_start3A_1284, %multiple_of3A_1281] : memref<64x1000000xf32, #tpu.memory_space<hbm>> -> memref<64x128xf32, #tpu.memory_space<hbm>>
    tpu.enqueue_dma source(%dma_start3A_1285 : memref<64x128xf32, #tpu.memory_space<hbm>>) target(%arg8 : memref<64x128xf32, #tpu.memory_space<vmem>>) target_semaphore(%arg12 : memref<!tpu.dma_semaphore, #tpu.memory_space<semaphore_mem>>)
    %dma_wait3A_1286 = arith.constant 0 : i32
    %dma_wait3A_1287 = arith.constant 0 : i32
    %dma_wait3A_1288 = tpu.memref_slice %arg2[%dma_wait3A_1286, %dma_wait3A_1287] : memref<64x1000000xf32, #tpu.memory_space<hbm>> -> memref<64x128xf32, #tpu.memory_space<hbm>>
    %dma_wait3A_1289 = arith.constant 0 : i32
    %dma_wait3A_1290 = arith.constant 0 : i32
    %dma_wait3A_1291 = tpu.memref_slice %arg2[%dma_wait3A_1289, %dma_wait3A_1290] : memref<64x1000000xf32, #tpu.memory_space<hbm>> -> memref<64x128xf32, #tpu.memory_space<hbm>>
    tpu.wait_dma2 semaphore(%arg13 : memref<!tpu.dma_semaphore, #tpu.memory_space<semaphore_mem>>) src(%dma_wait3A_1291 : memref<64x128xf32, #tpu.memory_space<hbm>>) dst(%arg9 : memref<64x128xf32, #tpu.memory_space<vmem>>)
    %jit3A_1292 = arith.constant 128 : i32
    %eq3A_1293 = arith.constant 0 : i32
    %eq3A_1294 = arith.cmpi eq, %jit3A_1292, %eq3A_1293 : i32
    %jit3A_1295 = arith.constant 1 : i32
    %select_n3A_1296 = arith.select %eq3A_1294, %jit3A_1295, %jit3A_1292 : i32
    %rem3A_1297 = arith.remsi %squeeze3A_36, %select_n3A_1296 : i32
    %ne3A_1298 = arith.constant 0 : i32
    %ne3A_1299 = arith.cmpi ne, %rem3A_1297, %ne3A_1298 : i32
    %lt3A_1300 = arith.constant 0 : i32
    %lt3A_1301 = arith.cmpi slt, %rem3A_1297, %lt3A_1300 : i32
    %lt3A_1302 = arith.constant 0 : i32
    %lt3A_1303 = arith.cmpi slt, %select_n3A_1296, %lt3A_1302 : i32
    %ne3A_1304 = arith.xori %lt3A_1301, %lt3A_1303 : i1
    %and3A_1305 = arith.andi %ne3A_1304, %ne3A_1299 : i1
    %add3A_1306 = arith.addi %rem3A_1297, %select_n3A_1296 : i32
    %select_n3A_1307 = arith.select %and3A_1305, %add3A_1306, %rem3A_1297 : i32
    %broadcast_in_dim3A_1308 = vector.broadcast %select_n3A_1307 : i32 to vector<16xi32>
    %add3A_1309 = arith.constant 0 : i32
    %add3A_1310 = vector.broadcast %add3A_1309 : i32 to vector<16xi32>
    %add3A_1311 = arith.addi %add3A_1310, %iota3A : vector<16xi32>
    %gather3A_1312 = tpu.vector_load_idx %arg9[%add3A_1311, %broadcast_in_dim3A_1308] : memref<64x128xf32, #tpu.memory_space<vmem>>[vector<16xi32>, vector<16xi32>], vector<16xf32>,
    %swap3A_1313 = arith.constant 960 : index
    %swap3A_1314 = tpu.vector_load %arg10[%swap3A_1313] {strides = array<i32>} : memref<2048xf32, #tpu.memory_space<vmem>>, vector<16xf32>,
    tpu.vector_store %arg10[%swap3A_1313], %gather3A_1312 {strides = array<i32>} : memref<2048xf32, #tpu.memory_space<vmem>>, vector<16xf32>,
    %add3A_1315 = arith.constant 16 : i32
    %add3A_1316 = vector.broadcast %add3A_1315 : i32 to vector<16xi32>
    %add3A_1317 = arith.addi %add3A_1316, %iota3A : vector<16xi32>
    %gather3A_1318 = tpu.vector_load_idx %arg9[%add3A_1317, %broadcast_in_dim3A_1308] : memref<64x128xf32, #tpu.memory_space<vmem>>[vector<16xi32>, vector<16xi32>], vector<16xf32>,
    %swap3A_1319 = arith.constant 976 : index
    %swap3A_1320 = tpu.vector_load %arg10[%swap3A_1319] {strides = array<i32>} : memref<2048xf32, #tpu.memory_space<vmem>>, vector<16xf32>,
    tpu.vector_store %arg10[%swap3A_1319], %gather3A_1318 {strides = array<i32>} : memref<2048xf32, #tpu.memory_space<vmem>>, vector<16xf32>,
    %add3A_1321 = arith.constant 32 : i32
    %add3A_1322 = vector.broadcast %add3A_1321 : i32 to vector<16xi32>
    %add3A_1323 = arith.addi %add3A_1322, %iota3A : vector<16xi32>
    %gather3A_1324 = tpu.vector_load_idx %arg9[%add3A_1323, %broadcast_in_dim3A_1308] : memref<64x128xf32, #tpu.memory_space<vmem>>[vector<16xi32>, vector<16xi32>], vector<16xf32>,
    %swap3A_1325 = arith.constant 992 : index
    %swap3A_1326 = tpu.vector_load %arg10[%swap3A_1325] {strides = array<i32>} : memref<2048xf32, #tpu.memory_space<vmem>>, vector<16xf32>,
    tpu.vector_store %arg10[%swap3A_1325], %gather3A_1324 {strides = array<i32>} : memref<2048xf32, #tpu.memory_space<vmem>>, vector<16xf32>,
    %add3A_1327 = arith.constant 48 : i32
    %add3A_1328 = vector.broadcast %add3A_1327 : i32 to vector<16xi32>
    %add3A_1329 = arith.addi %add3A_1328, %iota3A : vector<16xi32>
    %gather3A_1330 = tpu.vector_load_idx %arg9[%add3A_1329, %broadcast_in_dim3A_1308] : memref<64x128xf32, #tpu.memory_space<vmem>>[vector<16xi32>, vector<16xi32>], vector<16xf32>,
    %swap3A_1331 = arith.constant 1008 : index
    %swap3A_1332 = tpu.vector_load %arg10[%swap3A_1331] {strides = array<i32>} : memref<2048xf32, #tpu.memory_space<vmem>>, vector<16xf32>,
    tpu.vector_store %arg10[%swap3A_1331], %gather3A_1330 {strides = array<i32>} : memref<2048xf32, #tpu.memory_space<vmem>>, vector<16xf32>,
    %jit3A_1333 = arith.constant 128 : i32
    %div3A_1334 = arith.divsi %squeeze3A_40, %jit3A_1333 : i32
    %sign3A_1335 = arith.constant 0 : i32
    %sign3A_1336 = arith.cmpi sgt, %squeeze3A_40, %sign3A_1335 : i32
    %sign3A_1337 = arith.extui %sign3A_1336 : i1 to i32
    %sign3A_1338 = arith.constant 0 : i32
    %sign3A_1339 = arith.cmpi slt, %squeeze3A_40, %sign3A_1338 : i32
    %sign3A_1340 = arith.extui %sign3A_1339 : i1 to i32
    %sign3A_1341 = arith.subi %sign3A_1337, %sign3A_1340 : i32
    %sign3A_1342 = arith.constant 0 : i32
    %sign3A_1343 = arith.cmpi sgt, %jit3A_1333, %sign3A_1342 : i32
    %sign3A_1344 = arith.extui %sign3A_1343 : i1 to i32
    %sign3A_1345 = arith.constant 0 : i32
    %sign3A_1346 = arith.cmpi slt, %jit3A_1333, %sign3A_1345 : i32
    %sign3A_1347 = arith.extui %sign3A_1346 : i1 to i32
    %sign3A_1348 = arith.subi %sign3A_1344, %sign3A_1347 : i32
    %ne3A_1349 = arith.cmpi ne, %sign3A_1341, %sign3A_1348 : i32
    %rem3A_1350 = arith.remsi %squeeze3A_40, %jit3A_1333 : i32
    %ne3A_1351 = arith.constant 0 : i32
    %ne3A_1352 = arith.cmpi ne, %rem3A_1350, %ne3A_1351 : i32
    %and3A_1353 = arith.andi %ne3A_1349, %ne3A_1352 : i1
    %sub3A_1354 = arith.constant 1 : i32
    %sub3A_1355 = arith.subi %div3A_1334, %sub3A_1354 : i32
    %select_n3A_1356 = arith.select %and3A_1353, %sub3A_1355, %div3A_1334 : i32
    %mul3A_1357 = arith.constant 128 : i32
    %mul3A_1358 = arith.muli %select_n3A_1356, %mul3A_1357 : i32
    %multiple_of3A_1359 = tpu.assume_multiple %mul3A_1358, 128 : i32
    %dma_start3A_1360 = arith.constant 0 : i32
    %dma_start3A_1361 = tpu.memref_slice %arg2[%dma_start3A_1360, %multiple_of3A_1359] : memref<64x1000000xf32, #tpu.memory_space<hbm>> -> memref<64x128xf32, #tpu.memory_space<hbm>>
    %dma_start3A_1362 = arith.constant 0 : i32
    %dma_start3A_1363 = tpu.memref_slice %arg2[%dma_start3A_1362, %multiple_of3A_1359] : memref<64x1000000xf32, #tpu.memory_space<hbm>> -> memref<64x128xf32, #tpu.memory_space<hbm>>
    tpu.enqueue_dma source(%dma_start3A_1363 : memref<64x128xf32, #tpu.memory_space<hbm>>) target(%arg9 : memref<64x128xf32, #tpu.memory_space<vmem>>) target_semaphore(%arg13 : memref<!tpu.dma_semaphore, #tpu.memory_space<semaphore_mem>>)
    %dma_wait3A_1364 = arith.constant 0 : i32
    %dma_wait3A_1365 = arith.constant 0 : i32
    %dma_wait3A_1366 = tpu.memref_slice %arg2[%dma_wait3A_1364, %dma_wait3A_1365] : memref<64x1000000xf32, #tpu.memory_space<hbm>> -> memref<64x128xf32, #tpu.memory_space<hbm>>
    %dma_wait3A_1367 = arith.constant 0 : i32
    %dma_wait3A_1368 = arith.constant 0 : i32
    %dma_wait3A_1369 = tpu.memref_slice %arg2[%dma_wait3A_1367, %dma_wait3A_1368] : memref<64x1000000xf32, #tpu.memory_space<hbm>> -> memref<64x128xf32, #tpu.memory_space<hbm>>
    tpu.wait_dma2 semaphore(%arg12 : memref<!tpu.dma_semaphore, #tpu.memory_space<semaphore_mem>>) src(%dma_wait3A_1369 : memref<64x128xf32, #tpu.memory_space<hbm>>) dst(%arg8 : memref<64x128xf32, #tpu.memory_space<vmem>>)
    %jit3A_1370 = arith.constant 128 : i32
    %eq3A_1371 = arith.constant 0 : i32
    %eq3A_1372 = arith.cmpi eq, %jit3A_1370, %eq3A_1371 : i32
    %jit3A_1373 = arith.constant 1 : i32
    %select_n3A_1374 = arith.select %eq3A_1372, %jit3A_1373, %jit3A_1370 : i32
    %rem3A_1375 = arith.remsi %squeeze3A_38, %select_n3A_1374 : i32
    %ne3A_1376 = arith.constant 0 : i32
    %ne3A_1377 = arith.cmpi ne, %rem3A_1375, %ne3A_1376 : i32
    %lt3A_1378 = arith.constant 0 : i32
    %lt3A_1379 = arith.cmpi slt, %rem3A_1375, %lt3A_1378 : i32
    %lt3A_1380 = arith.constant 0 : i32
    %lt3A_1381 = arith.cmpi slt, %select_n3A_1374, %lt3A_1380 : i32
    %ne3A_1382 = arith.xori %lt3A_1379, %lt3A_1381 : i1
    %and3A_1383 = arith.andi %ne3A_1382, %ne3A_1377 : i1
    %add3A_1384 = arith.addi %rem3A_1375, %select_n3A_1374 : i32
    %select_n3A_1385 = arith.select %and3A_1383, %add3A_1384, %rem3A_1375 : i32
    %broadcast_in_dim3A_1386 = vector.broadcast %select_n3A_1385 : i32 to vector<16xi32>
    %add3A_1387 = arith.constant 0 : i32
    %add3A_1388 = vector.broadcast %add3A_1387 : i32 to vector<16xi32>
    %add3A_1389 = arith.addi %add3A_1388, %iota3A : vector<16xi32>
    %gather3A_1390 = tpu.vector_load_idx %arg8[%add3A_1389, %broadcast_in_dim3A_1386] : memref<64x128xf32, #tpu.memory_space<vmem>>[vector<16xi32>, vector<16xi32>], vector<16xf32>,
    %swap3A_1391 = arith.constant 1024 : index
    %swap3A_1392 = tpu.vector_load %arg10[%swap3A_1391] {strides = array<i32>} : memref<2048xf32, #tpu.memory_space<vmem>>, vector<16xf32>,
    tpu.vector_store %arg10[%swap3A_1391], %gather3A_1390 {strides = array<i32>} : memref<2048xf32, #tpu.memory_space<vmem>>, vector<16xf32>,
    %add3A_1393 = arith.constant 16 : i32
    %add3A_1394 = vector.broadcast %add3A_1393 : i32 to vector<16xi32>
    %add3A_1395 = arith.addi %add3A_1394, %iota3A : vector<16xi32>
    %gather3A_1396 = tpu.vector_load_idx %arg8[%add3A_1395, %broadcast_in_dim3A_1386] : memref<64x128xf32, #tpu.memory_space<vmem>>[vector<16xi32>, vector<16xi32>], vector<16xf32>,
    %swap3A_1397 = arith.constant 1040 : index
    %swap3A_1398 = tpu.vector_load %arg10[%swap3A_1397] {strides = array<i32>} : memref<2048xf32, #tpu.memory_space<vmem>>, vector<16xf32>,
    tpu.vector_store %arg10[%swap3A_1397], %gather3A_1396 {strides = array<i32>} : memref<2048xf32, #tpu.memory_space<vmem>>, vector<16xf32>,
    %add3A_1399 = arith.constant 32 : i32
    %add3A_1400 = vector.broadcast %add3A_1399 : i32 to vector<16xi32>
    %add3A_1401 = arith.addi %add3A_1400, %iota3A : vector<16xi32>
    %gather3A_1402 = tpu.vector_load_idx %arg8[%add3A_1401, %broadcast_in_dim3A_1386] : memref<64x128xf32, #tpu.memory_space<vmem>>[vector<16xi32>, vector<16xi32>], vector<16xf32>,
    %swap3A_1403 = arith.constant 1056 : index
    %swap3A_1404 = tpu.vector_load %arg10[%swap3A_1403] {strides = array<i32>} : memref<2048xf32, #tpu.memory_space<vmem>>, vector<16xf32>,
    tpu.vector_store %arg10[%swap3A_1403], %gather3A_1402 {strides = array<i32>} : memref<2048xf32, #tpu.memory_space<vmem>>, vector<16xf32>,
    %add3A_1405 = arith.constant 48 : i32
    %add3A_1406 = vector.broadcast %add3A_1405 : i32 to vector<16xi32>
    %add3A_1407 = arith.addi %add3A_1406, %iota3A : vector<16xi32>
    %gather3A_1408 = tpu.vector_load_idx %arg8[%add3A_1407, %broadcast_in_dim3A_1386] : memref<64x128xf32, #tpu.memory_space<vmem>>[vector<16xi32>, vector<16xi32>], vector<16xf32>,
    %swap3A_1409 = arith.constant 1072 : index
    %swap3A_1410 = tpu.vector_load %arg10[%swap3A_1409] {strides = array<i32>} : memref<2048xf32, #tpu.memory_space<vmem>>, vector<16xf32>,
    tpu.vector_store %arg10[%swap3A_1409], %gather3A_1408 {strides = array<i32>} : memref<2048xf32, #tpu.memory_space<vmem>>, vector<16xf32>,
    %jit3A_1411 = arith.constant 128 : i32
    %div3A_1412 = arith.divsi %squeeze3A_42, %jit3A_1411 : i32
    %sign3A_1413 = arith.constant 0 : i32
    %sign3A_1414 = arith.cmpi sgt, %squeeze3A_42, %sign3A_1413 : i32
    %sign3A_1415 = arith.extui %sign3A_1414 : i1 to i32
    %sign3A_1416 = arith.constant 0 : i32
    %sign3A_1417 = arith.cmpi slt, %squeeze3A_42, %sign3A_1416 : i32
    %sign3A_1418 = arith.extui %sign3A_1417 : i1 to i32
    %sign3A_1419 = arith.subi %sign3A_1415, %sign3A_1418 : i32
    %sign3A_1420 = arith.constant 0 : i32
    %sign3A_1421 = arith.cmpi sgt, %jit3A_1411, %sign3A_1420 : i32
    %sign3A_1422 = arith.extui %sign3A_1421 : i1 to i32
    %sign3A_1423 = arith.constant 0 : i32
    %sign3A_1424 = arith.cmpi slt, %jit3A_1411, %sign3A_1423 : i32
    %sign3A_1425 = arith.extui %sign3A_1424 : i1 to i32
    %sign3A_1426 = arith.subi %sign3A_1422, %sign3A_1425 : i32
    %ne3A_1427 = arith.cmpi ne, %sign3A_1419, %sign3A_1426 : i32
    %rem3A_1428 = arith.remsi %squeeze3A_42, %jit3A_1411 : i32
    %ne3A_1429 = arith.constant 0 : i32
    %ne3A_1430 = arith.cmpi ne, %rem3A_1428, %ne3A_1429 : i32
    %and3A_1431 = arith.andi %ne3A_1427, %ne3A_1430 : i1
    %sub3A_1432 = arith.constant 1 : i32
    %sub3A_1433 = arith.subi %div3A_1412, %sub3A_1432 : i32
    %select_n3A_1434 = arith.select %and3A_1431, %sub3A_1433, %div3A_1412 : i32
    %mul3A_1435 = arith.constant 128 : i32
    %mul3A_1436 = arith.muli %select_n3A_1434, %mul3A_1435 : i32
    %multiple_of3A_1437 = tpu.assume_multiple %mul3A_1436, 128 : i32
    %dma_start3A_1438 = arith.constant 0 : i32
    %dma_start3A_1439 = tpu.memref_slice %arg2[%dma_start3A_1438, %multiple_of3A_1437] : memref<64x1000000xf32, #tpu.memory_space<hbm>> -> memref<64x128xf32, #tpu.memory_space<hbm>>
    %dma_start3A_1440 = arith.constant 0 : i32
    %dma_start3A_1441 = tpu.memref_slice %arg2[%dma_start3A_1440, %multiple_of3A_1437] : memref<64x1000000xf32, #tpu.memory_space<hbm>> -> memref<64x128xf32, #tpu.memory_space<hbm>>
    tpu.enqueue_dma source(%dma_start3A_1441 : memref<64x128xf32, #tpu.memory_space<hbm>>) target(%arg8 : memref<64x128xf32, #tpu.memory_space<vmem>>) target_semaphore(%arg12 : memref<!tpu.dma_semaphore, #tpu.memory_space<semaphore_mem>>)
    %dma_wait3A_1442 = arith.constant 0 : i32
    %dma_wait3A_1443 = arith.constant 0 : i32
    %dma_wait3A_1444 = tpu.memref_slice %arg2[%dma_wait3A_1442, %dma_wait3A_1443] : memref<64x1000000xf32, #tpu.memory_space<hbm>> -> memref<64x128xf32, #tpu.memory_space<hbm>>
    %dma_wait3A_1445 = arith.constant 0 : i32
    %dma_wait3A_1446 = arith.constant 0 : i32
    %dma_wait3A_1447 = tpu.memref_slice %arg2[%dma_wait3A_1445, %dma_wait3A_1446] : memref<64x1000000xf32, #tpu.memory_space<hbm>> -> memref<64x128xf32, #tpu.memory_space<hbm>>
    tpu.wait_dma2 semaphore(%arg13 : memref<!tpu.dma_semaphore, #tpu.memory_space<semaphore_mem>>) src(%dma_wait3A_1447 : memref<64x128xf32, #tpu.memory_space<hbm>>) dst(%arg9 : memref<64x128xf32, #tpu.memory_space<vmem>>)
    %jit3A_1448 = arith.constant 128 : i32
    %eq3A_1449 = arith.constant 0 : i32
    %eq3A_1450 = arith.cmpi eq, %jit3A_1448, %eq3A_1449 : i32
    %jit3A_1451 = arith.constant 1 : i32
    %select_n3A_1452 = arith.select %eq3A_1450, %jit3A_1451, %jit3A_1448 : i32
    %rem3A_1453 = arith.remsi %squeeze3A_40, %select_n3A_1452 : i32
    %ne3A_1454 = arith.constant 0 : i32
    %ne3A_1455 = arith.cmpi ne, %rem3A_1453, %ne3A_1454 : i32
    %lt3A_1456 = arith.constant 0 : i32
    %lt3A_1457 = arith.cmpi slt, %rem3A_1453, %lt3A_1456 : i32
    %lt3A_1458 = arith.constant 0 : i32
    %lt3A_1459 = arith.cmpi slt, %select_n3A_1452, %lt3A_1458 : i32
    %ne3A_1460 = arith.xori %lt3A_1457, %lt3A_1459 : i1
    %and3A_1461 = arith.andi %ne3A_1460, %ne3A_1455 : i1
    %add3A_1462 = arith.addi %rem3A_1453, %select_n3A_1452 : i32
    %select_n3A_1463 = arith.select %and3A_1461, %add3A_1462, %rem3A_1453 : i32
    %broadcast_in_dim3A_1464 = vector.broadcast %select_n3A_1463 : i32 to vector<16xi32>
    %add3A_1465 = arith.constant 0 : i32
    %add3A_1466 = vector.broadcast %add3A_1465 : i32 to vector<16xi32>
    %add3A_1467 = arith.addi %add3A_1466, %iota3A : vector<16xi32>
    %gather3A_1468 = tpu.vector_load_idx %arg9[%add3A_1467, %broadcast_in_dim3A_1464] : memref<64x128xf32, #tpu.memory_space<vmem>>[vector<16xi32>, vector<16xi32>], vector<16xf32>,
    %swap3A_1469 = arith.constant 1088 : index
    %swap3A_1470 = tpu.vector_load %arg10[%swap3A_1469] {strides = array<i32>} : memref<2048xf32, #tpu.memory_space<vmem>>, vector<16xf32>,
    tpu.vector_store %arg10[%swap3A_1469], %gather3A_1468 {strides = array<i32>} : memref<2048xf32, #tpu.memory_space<vmem>>, vector<16xf32>,
    %add3A_1471 = arith.constant 16 : i32
    %add3A_1472 = vector.broadcast %add3A_1471 : i32 to vector<16xi32>
    %add3A_1473 = arith.addi %add3A_1472, %iota3A : vector<16xi32>
    %gather3A_1474 = tpu.vector_load_idx %arg9[%add3A_1473, %broadcast_in_dim3A_1464] : memref<64x128xf32, #tpu.memory_space<vmem>>[vector<16xi32>, vector<16xi32>], vector<16xf32>,
    %swap3A_1475 = arith.constant 1104 : index
    %swap3A_1476 = tpu.vector_load %arg10[%swap3A_1475] {strides = array<i32>} : memref<2048xf32, #tpu.memory_space<vmem>>, vector<16xf32>,
    tpu.vector_store %arg10[%swap3A_1475], %gather3A_1474 {strides = array<i32>} : memref<2048xf32, #tpu.memory_space<vmem>>, vector<16xf32>,
    %add3A_1477 = arith.constant 32 : i32
    %add3A_1478 = vector.broadcast %add3A_1477 : i32 to vector<16xi32>
    %add3A_1479 = arith.addi %add3A_1478, %iota3A : vector<16xi32>
    %gather3A_1480 = tpu.vector_load_idx %arg9[%add3A_1479, %broadcast_in_dim3A_1464] : memref<64x128xf32, #tpu.memory_space<vmem>>[vector<16xi32>, vector<16xi32>], vector<16xf32>,
    %swap3A_1481 = arith.constant 1120 : index
    %swap3A_1482 = tpu.vector_load %arg10[%swap3A_1481] {strides = array<i32>} : memref<2048xf32, #tpu.memory_space<vmem>>, vector<16xf32>,
    tpu.vector_store %arg10[%swap3A_1481], %gather3A_1480 {strides = array<i32>} : memref<2048xf32, #tpu.memory_space<vmem>>, vector<16xf32>,
    %add3A_1483 = arith.constant 48 : i32
    %add3A_1484 = vector.broadcast %add3A_1483 : i32 to vector<16xi32>
    %add3A_1485 = arith.addi %add3A_1484, %iota3A : vector<16xi32>
    %gather3A_1486 = tpu.vector_load_idx %arg9[%add3A_1485, %broadcast_in_dim3A_1464] : memref<64x128xf32, #tpu.memory_space<vmem>>[vector<16xi32>, vector<16xi32>], vector<16xf32>,
    %swap3A_1487 = arith.constant 1136 : index
    %swap3A_1488 = tpu.vector_load %arg10[%swap3A_1487] {strides = array<i32>} : memref<2048xf32, #tpu.memory_space<vmem>>, vector<16xf32>,
    tpu.vector_store %arg10[%swap3A_1487], %gather3A_1486 {strides = array<i32>} : memref<2048xf32, #tpu.memory_space<vmem>>, vector<16xf32>,
    %jit3A_1489 = arith.constant 128 : i32
    %div3A_1490 = arith.divsi %squeeze3A_44, %jit3A_1489 : i32
    %sign3A_1491 = arith.constant 0 : i32
    %sign3A_1492 = arith.cmpi sgt, %squeeze3A_44, %sign3A_1491 : i32
    %sign3A_1493 = arith.extui %sign3A_1492 : i1 to i32
    %sign3A_1494 = arith.constant 0 : i32
    %sign3A_1495 = arith.cmpi slt, %squeeze3A_44, %sign3A_1494 : i32
    %sign3A_1496 = arith.extui %sign3A_1495 : i1 to i32
    %sign3A_1497 = arith.subi %sign3A_1493, %sign3A_1496 : i32
    %sign3A_1498 = arith.constant 0 : i32
    %sign3A_1499 = arith.cmpi sgt, %jit3A_1489, %sign3A_1498 : i32
    %sign3A_1500 = arith.extui %sign3A_1499 : i1 to i32
    %sign3A_1501 = arith.constant 0 : i32
    %sign3A_1502 = arith.cmpi slt, %jit3A_1489, %sign3A_1501 : i32
    %sign3A_1503 = arith.extui %sign3A_1502 : i1 to i32
    %sign3A_1504 = arith.subi %sign3A_1500, %sign3A_1503 : i32
    %ne3A_1505 = arith.cmpi ne, %sign3A_1497, %sign3A_1504 : i32
    %rem3A_1506 = arith.remsi %squeeze3A_44, %jit3A_1489 : i32
    %ne3A_1507 = arith.constant 0 : i32
    %ne3A_1508 = arith.cmpi ne, %rem3A_1506, %ne3A_1507 : i32
    %and3A_1509 = arith.andi %ne3A_1505, %ne3A_1508 : i1
    %sub3A_1510 = arith.constant 1 : i32
    %sub3A_1511 = arith.subi %div3A_1490, %sub3A_1510 : i32
    %select_n3A_1512 = arith.select %and3A_1509, %sub3A_1511, %div3A_1490 : i32
    %mul3A_1513 = arith.constant 128 : i32
    %mul3A_1514 = arith.muli %select_n3A_1512, %mul3A_1513 : i32
    %multiple_of3A_1515 = tpu.assume_multiple %mul3A_1514, 128 : i32
    %dma_start3A_1516 = arith.constant 0 : i32
    %dma_start3A_1517 = tpu.memref_slice %arg2[%dma_start3A_1516, %multiple_of3A_1515] : memref<64x1000000xf32, #tpu.memory_space<hbm>> -> memref<64x128xf32, #tpu.memory_space<hbm>>
    %dma_start3A_1518 = arith.constant 0 : i32
    %dma_start3A_1519 = tpu.memref_slice %arg2[%dma_start3A_1518, %multiple_of3A_1515] : memref<64x1000000xf32, #tpu.memory_space<hbm>> -> memref<64x128xf32, #tpu.memory_space<hbm>>
    tpu.enqueue_dma source(%dma_start3A_1519 : memref<64x128xf32, #tpu.memory_space<hbm>>) target(%arg9 : memref<64x128xf32, #tpu.memory_space<vmem>>) target_semaphore(%arg13 : memref<!tpu.dma_semaphore, #tpu.memory_space<semaphore_mem>>)
    %dma_wait3A_1520 = arith.constant 0 : i32
    %dma_wait3A_1521 = arith.constant 0 : i32
    %dma_wait3A_1522 = tpu.memref_slice %arg2[%dma_wait3A_1520, %dma_wait3A_1521] : memref<64x1000000xf32, #tpu.memory_space<hbm>> -> memref<64x128xf32, #tpu.memory_space<hbm>>
    %dma_wait3A_1523 = arith.constant 0 : i32
    %dma_wait3A_1524 = arith.constant 0 : i32
    %dma_wait3A_1525 = tpu.memref_slice %arg2[%dma_wait3A_1523, %dma_wait3A_1524] : memref<64x1000000xf32, #tpu.memory_space<hbm>> -> memref<64x128xf32, #tpu.memory_space<hbm>>
    tpu.wait_dma2 semaphore(%arg12 : memref<!tpu.dma_semaphore, #tpu.memory_space<semaphore_mem>>) src(%dma_wait3A_1525 : memref<64x128xf32, #tpu.memory_space<hbm>>) dst(%arg8 : memref<64x128xf32, #tpu.memory_space<vmem>>)
    %jit3A_1526 = arith.constant 128 : i32
    %eq3A_1527 = arith.constant 0 : i32
    %eq3A_1528 = arith.cmpi eq, %jit3A_1526, %eq3A_1527 : i32
    %jit3A_1529 = arith.constant 1 : i32
    %select_n3A_1530 = arith.select %eq3A_1528, %jit3A_1529, %jit3A_1526 : i32
    %rem3A_1531 = arith.remsi %squeeze3A_42, %select_n3A_1530 : i32
    %ne3A_1532 = arith.constant 0 : i32
    %ne3A_1533 = arith.cmpi ne, %rem3A_1531, %ne3A_1532 : i32
    %lt3A_1534 = arith.constant 0 : i32
    %lt3A_1535 = arith.cmpi slt, %rem3A_1531, %lt3A_1534 : i32
    %lt3A_1536 = arith.constant 0 : i32
    %lt3A_1537 = arith.cmpi slt, %select_n3A_1530, %lt3A_1536 : i32
    %ne3A_1538 = arith.xori %lt3A_1535, %lt3A_1537 : i1
    %and3A_1539 = arith.andi %ne3A_1538, %ne3A_1533 : i1
    %add3A_1540 = arith.addi %rem3A_1531, %select_n3A_1530 : i32
    %select_n3A_1541 = arith.select %and3A_1539, %add3A_1540, %rem3A_1531 : i32
    %broadcast_in_dim3A_1542 = vector.broadcast %select_n3A_1541 : i32 to vector<16xi32>
    %add3A_1543 = arith.constant 0 : i32
    %add3A_1544 = vector.broadcast %add3A_1543 : i32 to vector<16xi32>
    %add3A_1545 = arith.addi %add3A_1544, %iota3A : vector<16xi32>
    %gather3A_1546 = tpu.vector_load_idx %arg8[%add3A_1545, %broadcast_in_dim3A_1542] : memref<64x128xf32, #tpu.memory_space<vmem>>[vector<16xi32>, vector<16xi32>], vector<16xf32>,
    %swap3A_1547 = arith.constant 1152 : index
    %swap3A_1548 = tpu.vector_load %arg10[%swap3A_1547] {strides = array<i32>} : memref<2048xf32, #tpu.memory_space<vmem>>, vector<16xf32>,
    tpu.vector_store %arg10[%swap3A_1547], %gather3A_1546 {strides = array<i32>} : memref<2048xf32, #tpu.memory_space<vmem>>, vector<16xf32>,
    %add3A_1549 = arith.constant 16 : i32
    %add3A_1550 = vector.broadcast %add3A_1549 : i32 to vector<16xi32>
    %add3A_1551 = arith.addi %add3A_1550, %iota3A : vector<16xi32>
    %gather3A_1552 = tpu.vector_load_idx %arg8[%add3A_1551, %broadcast_in_dim3A_1542] : memref<64x128xf32, #tpu.memory_space<vmem>>[vector<16xi32>, vector<16xi32>], vector<16xf32>,
    %swap3A_1553 = arith.constant 1168 : index
    %swap3A_1554 = tpu.vector_load %arg10[%swap3A_1553] {strides = array<i32>} : memref<2048xf32, #tpu.memory_space<vmem>>, vector<16xf32>,
    tpu.vector_store %arg10[%swap3A_1553], %gather3A_1552 {strides = array<i32>} : memref<2048xf32, #tpu.memory_space<vmem>>, vector<16xf32>,
    %add3A_1555 = arith.constant 32 : i32
    %add3A_1556 = vector.broadcast %add3A_1555 : i32 to vector<16xi32>
    %add3A_1557 = arith.addi %add3A_1556, %iota3A : vector<16xi32>
    %gather3A_1558 = tpu.vector_load_idx %arg8[%add3A_1557, %broadcast_in_dim3A_1542] : memref<64x128xf32, #tpu.memory_space<vmem>>[vector<16xi32>, vector<16xi32>], vector<16xf32>,
    %swap3A_1559 = arith.constant 1184 : index
    %swap3A_1560 = tpu.vector_load %arg10[%swap3A_1559] {strides = array<i32>} : memref<2048xf32, #tpu.memory_space<vmem>>, vector<16xf32>,
    tpu.vector_store %arg10[%swap3A_1559], %gather3A_1558 {strides = array<i32>} : memref<2048xf32, #tpu.memory_space<vmem>>, vector<16xf32>,
    %add3A_1561 = arith.constant 48 : i32
    %add3A_1562 = vector.broadcast %add3A_1561 : i32 to vector<16xi32>
    %add3A_1563 = arith.addi %add3A_1562, %iota3A : vector<16xi32>
    %gather3A_1564 = tpu.vector_load_idx %arg8[%add3A_1563, %broadcast_in_dim3A_1542] : memref<64x128xf32, #tpu.memory_space<vmem>>[vector<16xi32>, vector<16xi32>], vector<16xf32>,
    %swap3A_1565 = arith.constant 1200 : index
    %swap3A_1566 = tpu.vector_load %arg10[%swap3A_1565] {strides = array<i32>} : memref<2048xf32, #tpu.memory_space<vmem>>, vector<16xf32>,
    tpu.vector_store %arg10[%swap3A_1565], %gather3A_1564 {strides = array<i32>} : memref<2048xf32, #tpu.memory_space<vmem>>, vector<16xf32>,
    %jit3A_1567 = arith.constant 128 : i32
    %div3A_1568 = arith.divsi %squeeze3A_46, %jit3A_1567 : i32
    %sign3A_1569 = arith.constant 0 : i32
    %sign3A_1570 = arith.cmpi sgt, %squeeze3A_46, %sign3A_1569 : i32
    %sign3A_1571 = arith.extui %sign3A_1570 : i1 to i32
    %sign3A_1572 = arith.constant 0 : i32
    %sign3A_1573 = arith.cmpi slt, %squeeze3A_46, %sign3A_1572 : i32
    %sign3A_1574 = arith.extui %sign3A_1573 : i1 to i32
    %sign3A_1575 = arith.subi %sign3A_1571, %sign3A_1574 : i32
    %sign3A_1576 = arith.constant 0 : i32
    %sign3A_1577 = arith.cmpi sgt, %jit3A_1567, %sign3A_1576 : i32
    %sign3A_1578 = arith.extui %sign3A_1577 : i1 to i32
    %sign3A_1579 = arith.constant 0 : i32
    %sign3A_1580 = arith.cmpi slt, %jit3A_1567, %sign3A_1579 : i32
    %sign3A_1581 = arith.extui %sign3A_1580 : i1 to i32
    %sign3A_1582 = arith.subi %sign3A_1578, %sign3A_1581 : i32
    %ne3A_1583 = arith.cmpi ne, %sign3A_1575, %sign3A_1582 : i32
    %rem3A_1584 = arith.remsi %squeeze3A_46, %jit3A_1567 : i32
    %ne3A_1585 = arith.constant 0 : i32
    %ne3A_1586 = arith.cmpi ne, %rem3A_1584, %ne3A_1585 : i32
    %and3A_1587 = arith.andi %ne3A_1583, %ne3A_1586 : i1
    %sub3A_1588 = arith.constant 1 : i32
    %sub3A_1589 = arith.subi %div3A_1568, %sub3A_1588 : i32
    %select_n3A_1590 = arith.select %and3A_1587, %sub3A_1589, %div3A_1568 : i32
    %mul3A_1591 = arith.constant 128 : i32
    %mul3A_1592 = arith.muli %select_n3A_1590, %mul3A_1591 : i32
    %multiple_of3A_1593 = tpu.assume_multiple %mul3A_1592, 128 : i32
    %dma_start3A_1594 = arith.constant 0 : i32
    %dma_start3A_1595 = tpu.memref_slice %arg2[%dma_start3A_1594, %multiple_of3A_1593] : memref<64x1000000xf32, #tpu.memory_space<hbm>> -> memref<64x128xf32, #tpu.memory_space<hbm>>
    %dma_start3A_1596 = arith.constant 0 : i32
    %dma_start3A_1597 = tpu.memref_slice %arg2[%dma_start3A_1596, %multiple_of3A_1593] : memref<64x1000000xf32, #tpu.memory_space<hbm>> -> memref<64x128xf32, #tpu.memory_space<hbm>>
    tpu.enqueue_dma source(%dma_start3A_1597 : memref<64x128xf32, #tpu.memory_space<hbm>>) target(%arg8 : memref<64x128xf32, #tpu.memory_space<vmem>>) target_semaphore(%arg12 : memref<!tpu.dma_semaphore, #tpu.memory_space<semaphore_mem>>)
    %dma_wait3A_1598 = arith.constant 0 : i32
    %dma_wait3A_1599 = arith.constant 0 : i32
    %dma_wait3A_1600 = tpu.memref_slice %arg2[%dma_wait3A_1598, %dma_wait3A_1599] : memref<64x1000000xf32, #tpu.memory_space<hbm>> -> memref<64x128xf32, #tpu.memory_space<hbm>>
    %dma_wait3A_1601 = arith.constant 0 : i32
    %dma_wait3A_1602 = arith.constant 0 : i32
    %dma_wait3A_1603 = tpu.memref_slice %arg2[%dma_wait3A_1601, %dma_wait3A_1602] : memref<64x1000000xf32, #tpu.memory_space<hbm>> -> memref<64x128xf32, #tpu.memory_space<hbm>>
    tpu.wait_dma2 semaphore(%arg13 : memref<!tpu.dma_semaphore, #tpu.memory_space<semaphore_mem>>) src(%dma_wait3A_1603 : memref<64x128xf32, #tpu.memory_space<hbm>>) dst(%arg9 : memref<64x128xf32, #tpu.memory_space<vmem>>)
    %jit3A_1604 = arith.constant 128 : i32
    %eq3A_1605 = arith.constant 0 : i32
    %eq3A_1606 = arith.cmpi eq, %jit3A_1604, %eq3A_1605 : i32
    %jit3A_1607 = arith.constant 1 : i32
    %select_n3A_1608 = arith.select %eq3A_1606, %jit3A_1607, %jit3A_1604 : i32
    %rem3A_1609 = arith.remsi %squeeze3A_44, %select_n3A_1608 : i32
    %ne3A_1610 = arith.constant 0 : i32
    %ne3A_1611 = arith.cmpi ne, %rem3A_1609, %ne3A_1610 : i32
    %lt3A_1612 = arith.constant 0 : i32
    %lt3A_1613 = arith.cmpi slt, %rem3A_1609, %lt3A_1612 : i32
    %lt3A_1614 = arith.constant 0 : i32
    %lt3A_1615 = arith.cmpi slt, %select_n3A_1608, %lt3A_1614 : i32
    %ne3A_1616 = arith.xori %lt3A_1613, %lt3A_1615 : i1
    %and3A_1617 = arith.andi %ne3A_1616, %ne3A_1611 : i1
    %add3A_1618 = arith.addi %rem3A_1609, %select_n3A_1608 : i32
    %select_n3A_1619 = arith.select %and3A_1617, %add3A_1618, %rem3A_1609 : i32
    %broadcast_in_dim3A_1620 = vector.broadcast %select_n3A_1619 : i32 to vector<16xi32>
    %add3A_1621 = arith.constant 0 : i32
    %add3A_1622 = vector.broadcast %add3A_1621 : i32 to vector<16xi32>
    %add3A_1623 = arith.addi %add3A_1622, %iota3A : vector<16xi32>
    %gather3A_1624 = tpu.vector_load_idx %arg9[%add3A_1623, %broadcast_in_dim3A_1620] : memref<64x128xf32, #tpu.memory_space<vmem>>[vector<16xi32>, vector<16xi32>], vector<16xf32>,
    %swap3A_1625 = arith.constant 1216 : index
    %swap3A_1626 = tpu.vector_load %arg10[%swap3A_1625] {strides = array<i32>} : memref<2048xf32, #tpu.memory_space<vmem>>, vector<16xf32>,
    tpu.vector_store %arg10[%swap3A_1625], %gather3A_1624 {strides = array<i32>} : memref<2048xf32, #tpu.memory_space<vmem>>, vector<16xf32>,
    %add3A_1627 = arith.constant 16 : i32
    %add3A_1628 = vector.broadcast %add3A_1627 : i32 to vector<16xi32>
    %add3A_1629 = arith.addi %add3A_1628, %iota3A : vector<16xi32>
    %gather3A_1630 = tpu.vector_load_idx %arg9[%add3A_1629, %broadcast_in_dim3A_1620] : memref<64x128xf32, #tpu.memory_space<vmem>>[vector<16xi32>, vector<16xi32>], vector<16xf32>,
    %swap3A_1631 = arith.constant 1232 : index
    %swap3A_1632 = tpu.vector_load %arg10[%swap3A_1631] {strides = array<i32>} : memref<2048xf32, #tpu.memory_space<vmem>>, vector<16xf32>,
    tpu.vector_store %arg10[%swap3A_1631], %gather3A_1630 {strides = array<i32>} : memref<2048xf32, #tpu.memory_space<vmem>>, vector<16xf32>,
    %add3A_1633 = arith.constant 32 : i32
    %add3A_1634 = vector.broadcast %add3A_1633 : i32 to vector<16xi32>
    %add3A_1635 = arith.addi %add3A_1634, %iota3A : vector<16xi32>
    %gather3A_1636 = tpu.vector_load_idx %arg9[%add3A_1635, %broadcast_in_dim3A_1620] : memref<64x128xf32, #tpu.memory_space<vmem>>[vector<16xi32>, vector<16xi32>], vector<16xf32>,
    %swap3A_1637 = arith.constant 1248 : index
    %swap3A_1638 = tpu.vector_load %arg10[%swap3A_1637] {strides = array<i32>} : memref<2048xf32, #tpu.memory_space<vmem>>, vector<16xf32>,
    tpu.vector_store %arg10[%swap3A_1637], %gather3A_1636 {strides = array<i32>} : memref<2048xf32, #tpu.memory_space<vmem>>, vector<16xf32>,
    %add3A_1639 = arith.constant 48 : i32
    %add3A_1640 = vector.broadcast %add3A_1639 : i32 to vector<16xi32>
    %add3A_1641 = arith.addi %add3A_1640, %iota3A : vector<16xi32>
    %gather3A_1642 = tpu.vector_load_idx %arg9[%add3A_1641, %broadcast_in_dim3A_1620] : memref<64x128xf32, #tpu.memory_space<vmem>>[vector<16xi32>, vector<16xi32>], vector<16xf32>,
    %swap3A_1643 = arith.constant 1264 : index
    %swap3A_1644 = tpu.vector_load %arg10[%swap3A_1643] {strides = array<i32>} : memref<2048xf32, #tpu.memory_space<vmem>>, vector<16xf32>,
    tpu.vector_store %arg10[%swap3A_1643], %gather3A_1642 {strides = array<i32>} : memref<2048xf32, #tpu.memory_space<vmem>>, vector<16xf32>,
    %jit3A_1645 = arith.constant 128 : i32
    %div3A_1646 = arith.divsi %squeeze3A_48, %jit3A_1645 : i32
    %sign3A_1647 = arith.constant 0 : i32
    %sign3A_1648 = arith.cmpi sgt, %squeeze3A_48, %sign3A_1647 : i32
    %sign3A_1649 = arith.extui %sign3A_1648 : i1 to i32
    %sign3A_1650 = arith.constant 0 : i32
    %sign3A_1651 = arith.cmpi slt, %squeeze3A_48, %sign3A_1650 : i32
    %sign3A_1652 = arith.extui %sign3A_1651 : i1 to i32
    %sign3A_1653 = arith.subi %sign3A_1649, %sign3A_1652 : i32
    %sign3A_1654 = arith.constant 0 : i32
    %sign3A_1655 = arith.cmpi sgt, %jit3A_1645, %sign3A_1654 : i32
    %sign3A_1656 = arith.extui %sign3A_1655 : i1 to i32
    %sign3A_1657 = arith.constant 0 : i32
    %sign3A_1658 = arith.cmpi slt, %jit3A_1645, %sign3A_1657 : i32
    %sign3A_1659 = arith.extui %sign3A_1658 : i1 to i32
    %sign3A_1660 = arith.subi %sign3A_1656, %sign3A_1659 : i32
    %ne3A_1661 = arith.cmpi ne, %sign3A_1653, %sign3A_1660 : i32
    %rem3A_1662 = arith.remsi %squeeze3A_48, %jit3A_1645 : i32
    %ne3A_1663 = arith.constant 0 : i32
    %ne3A_1664 = arith.cmpi ne, %rem3A_1662, %ne3A_1663 : i32
    %and3A_1665 = arith.andi %ne3A_1661, %ne3A_1664 : i1
    %sub3A_1666 = arith.constant 1 : i32
    %sub3A_1667 = arith.subi %div3A_1646, %sub3A_1666 : i32
    %select_n3A_1668 = arith.select %and3A_1665, %sub3A_1667, %div3A_1646 : i32
    %mul3A_1669 = arith.constant 128 : i32
    %mul3A_1670 = arith.muli %select_n3A_1668, %mul3A_1669 : i32
    %multiple_of3A_1671 = tpu.assume_multiple %mul3A_1670, 128 : i32
    %dma_start3A_1672 = arith.constant 0 : i32
    %dma_start3A_1673 = tpu.memref_slice %arg2[%dma_start3A_1672, %multiple_of3A_1671] : memref<64x1000000xf32, #tpu.memory_space<hbm>> -> memref<64x128xf32, #tpu.memory_space<hbm>>
    %dma_start3A_1674 = arith.constant 0 : i32
    %dma_start3A_1675 = tpu.memref_slice %arg2[%dma_start3A_1674, %multiple_of3A_1671] : memref<64x1000000xf32, #tpu.memory_space<hbm>> -> memref<64x128xf32, #tpu.memory_space<hbm>>
    tpu.enqueue_dma source(%dma_start3A_1675 : memref<64x128xf32, #tpu.memory_space<hbm>>) target(%arg9 : memref<64x128xf32, #tpu.memory_space<vmem>>) target_semaphore(%arg13 : memref<!tpu.dma_semaphore, #tpu.memory_space<semaphore_mem>>)
    %dma_wait3A_1676 = arith.constant 0 : i32
    %dma_wait3A_1677 = arith.constant 0 : i32
    %dma_wait3A_1678 = tpu.memref_slice %arg2[%dma_wait3A_1676, %dma_wait3A_1677] : memref<64x1000000xf32, #tpu.memory_space<hbm>> -> memref<64x128xf32, #tpu.memory_space<hbm>>
    %dma_wait3A_1679 = arith.constant 0 : i32
    %dma_wait3A_1680 = arith.constant 0 : i32
    %dma_wait3A_1681 = tpu.memref_slice %arg2[%dma_wait3A_1679, %dma_wait3A_1680] : memref<64x1000000xf32, #tpu.memory_space<hbm>> -> memref<64x128xf32, #tpu.memory_space<hbm>>
    tpu.wait_dma2 semaphore(%arg12 : memref<!tpu.dma_semaphore, #tpu.memory_space<semaphore_mem>>) src(%dma_wait3A_1681 : memref<64x128xf32, #tpu.memory_space<hbm>>) dst(%arg8 : memref<64x128xf32, #tpu.memory_space<vmem>>)
    %jit3A_1682 = arith.constant 128 : i32
    %eq3A_1683 = arith.constant 0 : i32
    %eq3A_1684 = arith.cmpi eq, %jit3A_1682, %eq3A_1683 : i32
    %jit3A_1685 = arith.constant 1 : i32
    %select_n3A_1686 = arith.select %eq3A_1684, %jit3A_1685, %jit3A_1682 : i32
    %rem3A_1687 = arith.remsi %squeeze3A_46, %select_n3A_1686 : i32
    %ne3A_1688 = arith.constant 0 : i32
    %ne3A_1689 = arith.cmpi ne, %rem3A_1687, %ne3A_1688 : i32
    %lt3A_1690 = arith.constant 0 : i32
    %lt3A_1691 = arith.cmpi slt, %rem3A_1687, %lt3A_1690 : i32
    %lt3A_1692 = arith.constant 0 : i32
    %lt3A_1693 = arith.cmpi slt, %select_n3A_1686, %lt3A_1692 : i32
    %ne3A_1694 = arith.xori %lt3A_1691, %lt3A_1693 : i1
    %and3A_1695 = arith.andi %ne3A_1694, %ne3A_1689 : i1
    %add3A_1696 = arith.addi %rem3A_1687, %select_n3A_1686 : i32
    %select_n3A_1697 = arith.select %and3A_1695, %add3A_1696, %rem3A_1687 : i32
    %broadcast_in_dim3A_1698 = vector.broadcast %select_n3A_1697 : i32 to vector<16xi32>
    %add3A_1699 = arith.constant 0 : i32
    %add3A_1700 = vector.broadcast %add3A_1699 : i32 to vector<16xi32>
    %add3A_1701 = arith.addi %add3A_1700, %iota3A : vector<16xi32>
    %gather3A_1702 = tpu.vector_load_idx %arg8[%add3A_1701, %broadcast_in_dim3A_1698] : memref<64x128xf32, #tpu.memory_space<vmem>>[vector<16xi32>, vector<16xi32>], vector<16xf32>,
    %swap3A_1703 = arith.constant 1280 : index
    %swap3A_1704 = tpu.vector_load %arg10[%swap3A_1703] {strides = array<i32>} : memref<2048xf32, #tpu.memory_space<vmem>>, vector<16xf32>,
    tpu.vector_store %arg10[%swap3A_1703], %gather3A_1702 {strides = array<i32>} : memref<2048xf32, #tpu.memory_space<vmem>>, vector<16xf32>,
    %add3A_1705 = arith.constant 16 : i32
    %add3A_1706 = vector.broadcast %add3A_1705 : i32 to vector<16xi32>
    %add3A_1707 = arith.addi %add3A_1706, %iota3A : vector<16xi32>
    %gather3A_1708 = tpu.vector_load_idx %arg8[%add3A_1707, %broadcast_in_dim3A_1698] : memref<64x128xf32, #tpu.memory_space<vmem>>[vector<16xi32>, vector<16xi32>], vector<16xf32>,
    %swap3A_1709 = arith.constant 1296 : index
    %swap3A_1710 = tpu.vector_load %arg10[%swap3A_1709] {strides = array<i32>} : memref<2048xf32, #tpu.memory_space<vmem>>, vector<16xf32>,
    tpu.vector_store %arg10[%swap3A_1709], %gather3A_1708 {strides = array<i32>} : memref<2048xf32, #tpu.memory_space<vmem>>, vector<16xf32>,
    %add3A_1711 = arith.constant 32 : i32
    %add3A_1712 = vector.broadcast %add3A_1711 : i32 to vector<16xi32>
    %add3A_1713 = arith.addi %add3A_1712, %iota3A : vector<16xi32>
    %gather3A_1714 = tpu.vector_load_idx %arg8[%add3A_1713, %broadcast_in_dim3A_1698] : memref<64x128xf32, #tpu.memory_space<vmem>>[vector<16xi32>, vector<16xi32>], vector<16xf32>,
    %swap3A_1715 = arith.constant 1312 : index
    %swap3A_1716 = tpu.vector_load %arg10[%swap3A_1715] {strides = array<i32>} : memref<2048xf32, #tpu.memory_space<vmem>>, vector<16xf32>,
    tpu.vector_store %arg10[%swap3A_1715], %gather3A_1714 {strides = array<i32>} : memref<2048xf32, #tpu.memory_space<vmem>>, vector<16xf32>,
    %add3A_1717 = arith.constant 48 : i32
    %add3A_1718 = vector.broadcast %add3A_1717 : i32 to vector<16xi32>
    %add3A_1719 = arith.addi %add3A_1718, %iota3A : vector<16xi32>
    %gather3A_1720 = tpu.vector_load_idx %arg8[%add3A_1719, %broadcast_in_dim3A_1698] : memref<64x128xf32, #tpu.memory_space<vmem>>[vector<16xi32>, vector<16xi32>], vector<16xf32>,
    %swap3A_1721 = arith.constant 1328 : index
    %swap3A_1722 = tpu.vector_load %arg10[%swap3A_1721] {strides = array<i32>} : memref<2048xf32, #tpu.memory_space<vmem>>, vector<16xf32>,
    tpu.vector_store %arg10[%swap3A_1721], %gather3A_1720 {strides = array<i32>} : memref<2048xf32, #tpu.memory_space<vmem>>, vector<16xf32>,
    %jit3A_1723 = arith.constant 128 : i32
    %div3A_1724 = arith.divsi %squeeze3A_50, %jit3A_1723 : i32
    %sign3A_1725 = arith.constant 0 : i32
    %sign3A_1726 = arith.cmpi sgt, %squeeze3A_50, %sign3A_1725 : i32
    %sign3A_1727 = arith.extui %sign3A_1726 : i1 to i32
    %sign3A_1728 = arith.constant 0 : i32
    %sign3A_1729 = arith.cmpi slt, %squeeze3A_50, %sign3A_1728 : i32
    %sign3A_1730 = arith.extui %sign3A_1729 : i1 to i32
    %sign3A_1731 = arith.subi %sign3A_1727, %sign3A_1730 : i32
    %sign3A_1732 = arith.constant 0 : i32
    %sign3A_1733 = arith.cmpi sgt, %jit3A_1723, %sign3A_1732 : i32
    %sign3A_1734 = arith.extui %sign3A_1733 : i1 to i32
    %sign3A_1735 = arith.constant 0 : i32
    %sign3A_1736 = arith.cmpi slt, %jit3A_1723, %sign3A_1735 : i32
    %sign3A_1737 = arith.extui %sign3A_1736 : i1 to i32
    %sign3A_1738 = arith.subi %sign3A_1734, %sign3A_1737 : i32
    %ne3A_1739 = arith.cmpi ne, %sign3A_1731, %sign3A_1738 : i32
    %rem3A_1740 = arith.remsi %squeeze3A_50, %jit3A_1723 : i32
    %ne3A_1741 = arith.constant 0 : i32
    %ne3A_1742 = arith.cmpi ne, %rem3A_1740, %ne3A_1741 : i32
    %and3A_1743 = arith.andi %ne3A_1739, %ne3A_1742 : i1
    %sub3A_1744 = arith.constant 1 : i32
    %sub3A_1745 = arith.subi %div3A_1724, %sub3A_1744 : i32
    %select_n3A_1746 = arith.select %and3A_1743, %sub3A_1745, %div3A_1724 : i32
    %mul3A_1747 = arith.constant 128 : i32
    %mul3A_1748 = arith.muli %select_n3A_1746, %mul3A_1747 : i32
    %multiple_of3A_1749 = tpu.assume_multiple %mul3A_1748, 128 : i32
    %dma_start3A_1750 = arith.constant 0 : i32
    %dma_start3A_1751 = tpu.memref_slice %arg2[%dma_start3A_1750, %multiple_of3A_1749] : memref<64x1000000xf32, #tpu.memory_space<hbm>> -> memref<64x128xf32, #tpu.memory_space<hbm>>
    %dma_start3A_1752 = arith.constant 0 : i32
    %dma_start3A_1753 = tpu.memref_slice %arg2[%dma_start3A_1752, %multiple_of3A_1749] : memref<64x1000000xf32, #tpu.memory_space<hbm>> -> memref<64x128xf32, #tpu.memory_space<hbm>>
    tpu.enqueue_dma source(%dma_start3A_1753 : memref<64x128xf32, #tpu.memory_space<hbm>>) target(%arg8 : memref<64x128xf32, #tpu.memory_space<vmem>>) target_semaphore(%arg12 : memref<!tpu.dma_semaphore, #tpu.memory_space<semaphore_mem>>)
    %dma_wait3A_1754 = arith.constant 0 : i32
    %dma_wait3A_1755 = arith.constant 0 : i32
    %dma_wait3A_1756 = tpu.memref_slice %arg2[%dma_wait3A_1754, %dma_wait3A_1755] : memref<64x1000000xf32, #tpu.memory_space<hbm>> -> memref<64x128xf32, #tpu.memory_space<hbm>>
    %dma_wait3A_1757 = arith.constant 0 : i32
    %dma_wait3A_1758 = arith.constant 0 : i32
    %dma_wait3A_1759 = tpu.memref_slice %arg2[%dma_wait3A_1757, %dma_wait3A_1758] : memref<64x1000000xf32, #tpu.memory_space<hbm>> -> memref<64x128xf32, #tpu.memory_space<hbm>>
    tpu.wait_dma2 semaphore(%arg13 : memref<!tpu.dma_semaphore, #tpu.memory_space<semaphore_mem>>) src(%dma_wait3A_1759 : memref<64x128xf32, #tpu.memory_space<hbm>>) dst(%arg9 : memref<64x128xf32, #tpu.memory_space<vmem>>)
    %jit3A_1760 = arith.constant 128 : i32
    %eq3A_1761 = arith.constant 0 : i32
    %eq3A_1762 = arith.cmpi eq, %jit3A_1760, %eq3A_1761 : i32
    %jit3A_1763 = arith.constant 1 : i32
    %select_n3A_1764 = arith.select %eq3A_1762, %jit3A_1763, %jit3A_1760 : i32
    %rem3A_1765 = arith.remsi %squeeze3A_48, %select_n3A_1764 : i32
    %ne3A_1766 = arith.constant 0 : i32
    %ne3A_1767 = arith.cmpi ne, %rem3A_1765, %ne3A_1766 : i32
    %lt3A_1768 = arith.constant 0 : i32
    %lt3A_1769 = arith.cmpi slt, %rem3A_1765, %lt3A_1768 : i32
    %lt3A_1770 = arith.constant 0 : i32
    %lt3A_1771 = arith.cmpi slt, %select_n3A_1764, %lt3A_1770 : i32
    %ne3A_1772 = arith.xori %lt3A_1769, %lt3A_1771 : i1
    %and3A_1773 = arith.andi %ne3A_1772, %ne3A_1767 : i1
    %add3A_1774 = arith.addi %rem3A_1765, %select_n3A_1764 : i32
    %select_n3A_1775 = arith.select %and3A_1773, %add3A_1774, %rem3A_1765 : i32
    %broadcast_in_dim3A_1776 = vector.broadcast %select_n3A_1775 : i32 to vector<16xi32>
    %add3A_1777 = arith.constant 0 : i32
    %add3A_1778 = vector.broadcast %add3A_1777 : i32 to vector<16xi32>
    %add3A_1779 = arith.addi %add3A_1778, %iota3A : vector<16xi32>
    %gather3A_1780 = tpu.vector_load_idx %arg9[%add3A_1779, %broadcast_in_dim3A_1776] : memref<64x128xf32, #tpu.memory_space<vmem>>[vector<16xi32>, vector<16xi32>], vector<16xf32>,
    %swap3A_1781 = arith.constant 1344 : index
    %swap3A_1782 = tpu.vector_load %arg10[%swap3A_1781] {strides = array<i32>} : memref<2048xf32, #tpu.memory_space<vmem>>, vector<16xf32>,
    tpu.vector_store %arg10[%swap3A_1781], %gather3A_1780 {strides = array<i32>} : memref<2048xf32, #tpu.memory_space<vmem>>, vector<16xf32>,
    %add3A_1783 = arith.constant 16 : i32
    %add3A_1784 = vector.broadcast %add3A_1783 : i32 to vector<16xi32>
    %add3A_1785 = arith.addi %add3A_1784, %iota3A : vector<16xi32>
    %gather3A_1786 = tpu.vector_load_idx %arg9[%add3A_1785, %broadcast_in_dim3A_1776] : memref<64x128xf32, #tpu.memory_space<vmem>>[vector<16xi32>, vector<16xi32>], vector<16xf32>,
    %swap3A_1787 = arith.constant 1360 : index
    %swap3A_1788 = tpu.vector_load %arg10[%swap3A_1787] {strides = array<i32>} : memref<2048xf32, #tpu.memory_space<vmem>>, vector<16xf32>,
    tpu.vector_store %arg10[%swap3A_1787], %gather3A_1786 {strides = array<i32>} : memref<2048xf32, #tpu.memory_space<vmem>>, vector<16xf32>,
    %add3A_1789 = arith.constant 32 : i32
    %add3A_1790 = vector.broadcast %add3A_1789 : i32 to vector<16xi32>
    %add3A_1791 = arith.addi %add3A_1790, %iota3A : vector<16xi32>
    %gather3A_1792 = tpu.vector_load_idx %arg9[%add3A_1791, %broadcast_in_dim3A_1776] : memref<64x128xf32, #tpu.memory_space<vmem>>[vector<16xi32>, vector<16xi32>], vector<16xf32>,
    %swap3A_1793 = arith.constant 1376 : index
    %swap3A_1794 = tpu.vector_load %arg10[%swap3A_1793] {strides = array<i32>} : memref<2048xf32, #tpu.memory_space<vmem>>, vector<16xf32>,
    tpu.vector_store %arg10[%swap3A_1793], %gather3A_1792 {strides = array<i32>} : memref<2048xf32, #tpu.memory_space<vmem>>, vector<16xf32>,
    %add3A_1795 = arith.constant 48 : i32
    %add3A_1796 = vector.broadcast %add3A_1795 : i32 to vector<16xi32>
    %add3A_1797 = arith.addi %add3A_1796, %iota3A : vector<16xi32>
    %gather3A_1798 = tpu.vector_load_idx %arg9[%add3A_1797, %broadcast_in_dim3A_1776] : memref<64x128xf32, #tpu.memory_space<vmem>>[vector<16xi32>, vector<16xi32>], vector<16xf32>,
    %swap3A_1799 = arith.constant 1392 : index
    %swap3A_1800 = tpu.vector_load %arg10[%swap3A_1799] {strides = array<i32>} : memref<2048xf32, #tpu.memory_space<vmem>>, vector<16xf32>,
    tpu.vector_store %arg10[%swap3A_1799], %gather3A_1798 {strides = array<i32>} : memref<2048xf32, #tpu.memory_space<vmem>>, vector<16xf32>,
    %jit3A_1801 = arith.constant 128 : i32
    %div3A_1802 = arith.divsi %squeeze3A_52, %jit3A_1801 : i32
    %sign3A_1803 = arith.constant 0 : i32
    %sign3A_1804 = arith.cmpi sgt, %squeeze3A_52, %sign3A_1803 : i32
    %sign3A_1805 = arith.extui %sign3A_1804 : i1 to i32
    %sign3A_1806 = arith.constant 0 : i32
    %sign3A_1807 = arith.cmpi slt, %squeeze3A_52, %sign3A_1806 : i32
    %sign3A_1808 = arith.extui %sign3A_1807 : i1 to i32
    %sign3A_1809 = arith.subi %sign3A_1805, %sign3A_1808 : i32
    %sign3A_1810 = arith.constant 0 : i32
    %sign3A_1811 = arith.cmpi sgt, %jit3A_1801, %sign3A_1810 : i32
    %sign3A_1812 = arith.extui %sign3A_1811 : i1 to i32
    %sign3A_1813 = arith.constant 0 : i32
    %sign3A_1814 = arith.cmpi slt, %jit3A_1801, %sign3A_1813 : i32
    %sign3A_1815 = arith.extui %sign3A_1814 : i1 to i32
    %sign3A_1816 = arith.subi %sign3A_1812, %sign3A_1815 : i32
    %ne3A_1817 = arith.cmpi ne, %sign3A_1809, %sign3A_1816 : i32
    %rem3A_1818 = arith.remsi %squeeze3A_52, %jit3A_1801 : i32
    %ne3A_1819 = arith.constant 0 : i32
    %ne3A_1820 = arith.cmpi ne, %rem3A_1818, %ne3A_1819 : i32
    %and3A_1821 = arith.andi %ne3A_1817, %ne3A_1820 : i1
    %sub3A_1822 = arith.constant 1 : i32
    %sub3A_1823 = arith.subi %div3A_1802, %sub3A_1822 : i32
    %select_n3A_1824 = arith.select %and3A_1821, %sub3A_1823, %div3A_1802 : i32
    %mul3A_1825 = arith.constant 128 : i32
    %mul3A_1826 = arith.muli %select_n3A_1824, %mul3A_1825 : i32
    %multiple_of3A_1827 = tpu.assume_multiple %mul3A_1826, 128 : i32
    %dma_start3A_1828 = arith.constant 0 : i32
    %dma_start3A_1829 = tpu.memref_slice %arg2[%dma_start3A_1828, %multiple_of3A_1827] : memref<64x1000000xf32, #tpu.memory_space<hbm>> -> memref<64x128xf32, #tpu.memory_space<hbm>>
    %dma_start3A_1830 = arith.constant 0 : i32
    %dma_start3A_1831 = tpu.memref_slice %arg2[%dma_start3A_1830, %multiple_of3A_1827] : memref<64x1000000xf32, #tpu.memory_space<hbm>> -> memref<64x128xf32, #tpu.memory_space<hbm>>
    tpu.enqueue_dma source(%dma_start3A_1831 : memref<64x128xf32, #tpu.memory_space<hbm>>) target(%arg9 : memref<64x128xf32, #tpu.memory_space<vmem>>) target_semaphore(%arg13 : memref<!tpu.dma_semaphore, #tpu.memory_space<semaphore_mem>>)
    %dma_wait3A_1832 = arith.constant 0 : i32
    %dma_wait3A_1833 = arith.constant 0 : i32
    %dma_wait3A_1834 = tpu.memref_slice %arg2[%dma_wait3A_1832, %dma_wait3A_1833] : memref<64x1000000xf32, #tpu.memory_space<hbm>> -> memref<64x128xf32, #tpu.memory_space<hbm>>
    %dma_wait3A_1835 = arith.constant 0 : i32
    %dma_wait3A_1836 = arith.constant 0 : i32
    %dma_wait3A_1837 = tpu.memref_slice %arg2[%dma_wait3A_1835, %dma_wait3A_1836] : memref<64x1000000xf32, #tpu.memory_space<hbm>> -> memref<64x128xf32, #tpu.memory_space<hbm>>
    tpu.wait_dma2 semaphore(%arg12 : memref<!tpu.dma_semaphore, #tpu.memory_space<semaphore_mem>>) src(%dma_wait3A_1837 : memref<64x128xf32, #tpu.memory_space<hbm>>) dst(%arg8 : memref<64x128xf32, #tpu.memory_space<vmem>>)
    %jit3A_1838 = arith.constant 128 : i32
    %eq3A_1839 = arith.constant 0 : i32
    %eq3A_1840 = arith.cmpi eq, %jit3A_1838, %eq3A_1839 : i32
    %jit3A_1841 = arith.constant 1 : i32
    %select_n3A_1842 = arith.select %eq3A_1840, %jit3A_1841, %jit3A_1838 : i32
    %rem3A_1843 = arith.remsi %squeeze3A_50, %select_n3A_1842 : i32
    %ne3A_1844 = arith.constant 0 : i32
    %ne3A_1845 = arith.cmpi ne, %rem3A_1843, %ne3A_1844 : i32
    %lt3A_1846 = arith.constant 0 : i32
    %lt3A_1847 = arith.cmpi slt, %rem3A_1843, %lt3A_1846 : i32
    %lt3A_1848 = arith.constant 0 : i32
    %lt3A_1849 = arith.cmpi slt, %select_n3A_1842, %lt3A_1848 : i32
    %ne3A_1850 = arith.xori %lt3A_1847, %lt3A_1849 : i1
    %and3A_1851 = arith.andi %ne3A_1850, %ne3A_1845 : i1
    %add3A_1852 = arith.addi %rem3A_1843, %select_n3A_1842 : i32
    %select_n3A_1853 = arith.select %and3A_1851, %add3A_1852, %rem3A_1843 : i32
    %broadcast_in_dim3A_1854 = vector.broadcast %select_n3A_1853 : i32 to vector<16xi32>
    %add3A_1855 = arith.constant 0 : i32
    %add3A_1856 = vector.broadcast %add3A_1855 : i32 to vector<16xi32>
    %add3A_1857 = arith.addi %add3A_1856, %iota3A : vector<16xi32>
    %gather3A_1858 = tpu.vector_load_idx %arg8[%add3A_1857, %broadcast_in_dim3A_1854] : memref<64x128xf32, #tpu.memory_space<vmem>>[vector<16xi32>, vector<16xi32>], vector<16xf32>,
    %swap3A_1859 = arith.constant 1408 : index
    %swap3A_1860 = tpu.vector_load %arg10[%swap3A_1859] {strides = array<i32>} : memref<2048xf32, #tpu.memory_space<vmem>>, vector<16xf32>,
    tpu.vector_store %arg10[%swap3A_1859], %gather3A_1858 {strides = array<i32>} : memref<2048xf32, #tpu.memory_space<vmem>>, vector<16xf32>,
    %add3A_1861 = arith.constant 16 : i32
    %add3A_1862 = vector.broadcast %add3A_1861 : i32 to vector<16xi32>
    %add3A_1863 = arith.addi %add3A_1862, %iota3A : vector<16xi32>
    %gather3A_1864 = tpu.vector_load_idx %arg8[%add3A_1863, %broadcast_in_dim3A_1854] : memref<64x128xf32, #tpu.memory_space<vmem>>[vector<16xi32>, vector<16xi32>], vector<16xf32>,
    %swap3A_1865 = arith.constant 1424 : index
    %swap3A_1866 = tpu.vector_load %arg10[%swap3A_1865] {strides = array<i32>} : memref<2048xf32, #tpu.memory_space<vmem>>, vector<16xf32>,
    tpu.vector_store %arg10[%swap3A_1865], %gather3A_1864 {strides = array<i32>} : memref<2048xf32, #tpu.memory_space<vmem>>, vector<16xf32>,
    %add3A_1867 = arith.constant 32 : i32
    %add3A_1868 = vector.broadcast %add3A_1867 : i32 to vector<16xi32>
    %add3A_1869 = arith.addi %add3A_1868, %iota3A : vector<16xi32>
    %gather3A_1870 = tpu.vector_load_idx %arg8[%add3A_1869, %broadcast_in_dim3A_1854] : memref<64x128xf32, #tpu.memory_space<vmem>>[vector<16xi32>, vector<16xi32>], vector<16xf32>,
    %swap3A_1871 = arith.constant 1440 : index
    %swap3A_1872 = tpu.vector_load %arg10[%swap3A_1871] {strides = array<i32>} : memref<2048xf32, #tpu.memory_space<vmem>>, vector<16xf32>,
    tpu.vector_store %arg10[%swap3A_1871], %gather3A_1870 {strides = array<i32>} : memref<2048xf32, #tpu.memory_space<vmem>>, vector<16xf32>,
    %add3A_1873 = arith.constant 48 : i32
    %add3A_1874 = vector.broadcast %add3A_1873 : i32 to vector<16xi32>
    %add3A_1875 = arith.addi %add3A_1874, %iota3A : vector<16xi32>
    %gather3A_1876 = tpu.vector_load_idx %arg8[%add3A_1875, %broadcast_in_dim3A_1854] : memref<64x128xf32, #tpu.memory_space<vmem>>[vector<16xi32>, vector<16xi32>], vector<16xf32>,
    %swap3A_1877 = arith.constant 1456 : index
    %swap3A_1878 = tpu.vector_load %arg10[%swap3A_1877] {strides = array<i32>} : memref<2048xf32, #tpu.memory_space<vmem>>, vector<16xf32>,
    tpu.vector_store %arg10[%swap3A_1877], %gather3A_1876 {strides = array<i32>} : memref<2048xf32, #tpu.memory_space<vmem>>, vector<16xf32>,
    %jit3A_1879 = arith.constant 128 : i32
    %div3A_1880 = arith.divsi %squeeze3A_54, %jit3A_1879 : i32
    %sign3A_1881 = arith.constant 0 : i32
    %sign3A_1882 = arith.cmpi sgt, %squeeze3A_54, %sign3A_1881 : i32
    %sign3A_1883 = arith.extui %sign3A_1882 : i1 to i32
    %sign3A_1884 = arith.constant 0 : i32
    %sign3A_1885 = arith.cmpi slt, %squeeze3A_54, %sign3A_1884 : i32
    %sign3A_1886 = arith.extui %sign3A_1885 : i1 to i32
    %sign3A_1887 = arith.subi %sign3A_1883, %sign3A_1886 : i32
    %sign3A_1888 = arith.constant 0 : i32
    %sign3A_1889 = arith.cmpi sgt, %jit3A_1879, %sign3A_1888 : i32
    %sign3A_1890 = arith.extui %sign3A_1889 : i1 to i32
    %sign3A_1891 = arith.constant 0 : i32
    %sign3A_1892 = arith.cmpi slt, %jit3A_1879, %sign3A_1891 : i32
    %sign3A_1893 = arith.extui %sign3A_1892 : i1 to i32
    %sign3A_1894 = arith.subi %sign3A_1890, %sign3A_1893 : i32
    %ne3A_1895 = arith.cmpi ne, %sign3A_1887, %sign3A_1894 : i32
    %rem3A_1896 = arith.remsi %squeeze3A_54, %jit3A_1879 : i32
    %ne3A_1897 = arith.constant 0 : i32
    %ne3A_1898 = arith.cmpi ne, %rem3A_1896, %ne3A_1897 : i32
    %and3A_1899 = arith.andi %ne3A_1895, %ne3A_1898 : i1
    %sub3A_1900 = arith.constant 1 : i32
    %sub3A_1901 = arith.subi %div3A_1880, %sub3A_1900 : i32
    %select_n3A_1902 = arith.select %and3A_1899, %sub3A_1901, %div3A_1880 : i32
    %mul3A_1903 = arith.constant 128 : i32
    %mul3A_1904 = arith.muli %select_n3A_1902, %mul3A_1903 : i32
    %multiple_of3A_1905 = tpu.assume_multiple %mul3A_1904, 128 : i32
    %dma_start3A_1906 = arith.constant 0 : i32
    %dma_start3A_1907 = tpu.memref_slice %arg2[%dma_start3A_1906, %multiple_of3A_1905] : memref<64x1000000xf32, #tpu.memory_space<hbm>> -> memref<64x128xf32, #tpu.memory_space<hbm>>
    %dma_start3A_1908 = arith.constant 0 : i32
    %dma_start3A_1909 = tpu.memref_slice %arg2[%dma_start3A_1908, %multiple_of3A_1905] : memref<64x1000000xf32, #tpu.memory_space<hbm>> -> memref<64x128xf32, #tpu.memory_space<hbm>>
    tpu.enqueue_dma source(%dma_start3A_1909 : memref<64x128xf32, #tpu.memory_space<hbm>>) target(%arg8 : memref<64x128xf32, #tpu.memory_space<vmem>>) target_semaphore(%arg12 : memref<!tpu.dma_semaphore, #tpu.memory_space<semaphore_mem>>)
    %dma_wait3A_1910 = arith.constant 0 : i32
    %dma_wait3A_1911 = arith.constant 0 : i32
    %dma_wait3A_1912 = tpu.memref_slice %arg2[%dma_wait3A_1910, %dma_wait3A_1911] : memref<64x1000000xf32, #tpu.memory_space<hbm>> -> memref<64x128xf32, #tpu.memory_space<hbm>>
    %dma_wait3A_1913 = arith.constant 0 : i32
    %dma_wait3A_1914 = arith.constant 0 : i32
    %dma_wait3A_1915 = tpu.memref_slice %arg2[%dma_wait3A_1913, %dma_wait3A_1914] : memref<64x1000000xf32, #tpu.memory_space<hbm>> -> memref<64x128xf32, #tpu.memory_space<hbm>>
    tpu.wait_dma2 semaphore(%arg13 : memref<!tpu.dma_semaphore, #tpu.memory_space<semaphore_mem>>) src(%dma_wait3A_1915 : memref<64x128xf32, #tpu.memory_space<hbm>>) dst(%arg9 : memref<64x128xf32, #tpu.memory_space<vmem>>)
    %jit3A_1916 = arith.constant 128 : i32
    %eq3A_1917 = arith.constant 0 : i32
    %eq3A_1918 = arith.cmpi eq, %jit3A_1916, %eq3A_1917 : i32
    %jit3A_1919 = arith.constant 1 : i32
    %select_n3A_1920 = arith.select %eq3A_1918, %jit3A_1919, %jit3A_1916 : i32
    %rem3A_1921 = arith.remsi %squeeze3A_52, %select_n3A_1920 : i32
    %ne3A_1922 = arith.constant 0 : i32
    %ne3A_1923 = arith.cmpi ne, %rem3A_1921, %ne3A_1922 : i32
    %lt3A_1924 = arith.constant 0 : i32
    %lt3A_1925 = arith.cmpi slt, %rem3A_1921, %lt3A_1924 : i32
    %lt3A_1926 = arith.constant 0 : i32
    %lt3A_1927 = arith.cmpi slt, %select_n3A_1920, %lt3A_1926 : i32
    %ne3A_1928 = arith.xori %lt3A_1925, %lt3A_1927 : i1
    %and3A_1929 = arith.andi %ne3A_1928, %ne3A_1923 : i1
    %add3A_1930 = arith.addi %rem3A_1921, %select_n3A_1920 : i32
    %select_n3A_1931 = arith.select %and3A_1929, %add3A_1930, %rem3A_1921 : i32
    %broadcast_in_dim3A_1932 = vector.broadcast %select_n3A_1931 : i32 to vector<16xi32>
    %add3A_1933 = arith.constant 0 : i32
    %add3A_1934 = vector.broadcast %add3A_1933 : i32 to vector<16xi32>
    %add3A_1935 = arith.addi %add3A_1934, %iota3A : vector<16xi32>
    %gather3A_1936 = tpu.vector_load_idx %arg9[%add3A_1935, %broadcast_in_dim3A_1932] : memref<64x128xf32, #tpu.memory_space<vmem>>[vector<16xi32>, vector<16xi32>], vector<16xf32>,
    %swap3A_1937 = arith.constant 1472 : index
    %swap3A_1938 = tpu.vector_load %arg10[%swap3A_1937] {strides = array<i32>} : memref<2048xf32, #tpu.memory_space<vmem>>, vector<16xf32>,
    tpu.vector_store %arg10[%swap3A_1937], %gather3A_1936 {strides = array<i32>} : memref<2048xf32, #tpu.memory_space<vmem>>, vector<16xf32>,
    %add3A_1939 = arith.constant 16 : i32
    %add3A_1940 = vector.broadcast %add3A_1939 : i32 to vector<16xi32>
    %add3A_1941 = arith.addi %add3A_1940, %iota3A : vector<16xi32>
    %gather3A_1942 = tpu.vector_load_idx %arg9[%add3A_1941, %broadcast_in_dim3A_1932] : memref<64x128xf32, #tpu.memory_space<vmem>>[vector<16xi32>, vector<16xi32>], vector<16xf32>,
    %swap3A_1943 = arith.constant 1488 : index
    %swap3A_1944 = tpu.vector_load %arg10[%swap3A_1943] {strides = array<i32>} : memref<2048xf32, #tpu.memory_space<vmem>>, vector<16xf32>,
    tpu.vector_store %arg10[%swap3A_1943], %gather3A_1942 {strides = array<i32>} : memref<2048xf32, #tpu.memory_space<vmem>>, vector<16xf32>,
    %add3A_1945 = arith.constant 32 : i32
    %add3A_1946 = vector.broadcast %add3A_1945 : i32 to vector<16xi32>
    %add3A_1947 = arith.addi %add3A_1946, %iota3A : vector<16xi32>
    %gather3A_1948 = tpu.vector_load_idx %arg9[%add3A_1947, %broadcast_in_dim3A_1932] : memref<64x128xf32, #tpu.memory_space<vmem>>[vector<16xi32>, vector<16xi32>], vector<16xf32>,
    %swap3A_1949 = arith.constant 1504 : index
    %swap3A_1950 = tpu.vector_load %arg10[%swap3A_1949] {strides = array<i32>} : memref<2048xf32, #tpu.memory_space<vmem>>, vector<16xf32>,
    tpu.vector_store %arg10[%swap3A_1949], %gather3A_1948 {strides = array<i32>} : memref<2048xf32, #tpu.memory_space<vmem>>, vector<16xf32>,
    %add3A_1951 = arith.constant 48 : i32
    %add3A_1952 = vector.broadcast %add3A_1951 : i32 to vector<16xi32>
    %add3A_1953 = arith.addi %add3A_1952, %iota3A : vector<16xi32>
    %gather3A_1954 = tpu.vector_load_idx %arg9[%add3A_1953, %broadcast_in_dim3A_1932] : memref<64x128xf32, #tpu.memory_space<vmem>>[vector<16xi32>, vector<16xi32>], vector<16xf32>,
    %swap3A_1955 = arith.constant 1520 : index
    %swap3A_1956 = tpu.vector_load %arg10[%swap3A_1955] {strides = array<i32>} : memref<2048xf32, #tpu.memory_space<vmem>>, vector<16xf32>,
    tpu.vector_store %arg10[%swap3A_1955], %gather3A_1954 {strides = array<i32>} : memref<2048xf32, #tpu.memory_space<vmem>>, vector<16xf32>,
    %jit3A_1957 = arith.constant 128 : i32
    %div3A_1958 = arith.divsi %squeeze3A_56, %jit3A_1957 : i32
    %sign3A_1959 = arith.constant 0 : i32
    %sign3A_1960 = arith.cmpi sgt, %squeeze3A_56, %sign3A_1959 : i32
    %sign3A_1961 = arith.extui %sign3A_1960 : i1 to i32
    %sign3A_1962 = arith.constant 0 : i32
    %sign3A_1963 = arith.cmpi slt, %squeeze3A_56, %sign3A_1962 : i32
    %sign3A_1964 = arith.extui %sign3A_1963 : i1 to i32
    %sign3A_1965 = arith.subi %sign3A_1961, %sign3A_1964 : i32
    %sign3A_1966 = arith.constant 0 : i32
    %sign3A_1967 = arith.cmpi sgt, %jit3A_1957, %sign3A_1966 : i32
    %sign3A_1968 = arith.extui %sign3A_1967 : i1 to i32
    %sign3A_1969 = arith.constant 0 : i32
    %sign3A_1970 = arith.cmpi slt, %jit3A_1957, %sign3A_1969 : i32
    %sign3A_1971 = arith.extui %sign3A_1970 : i1 to i32
    %sign3A_1972 = arith.subi %sign3A_1968, %sign3A_1971 : i32
    %ne3A_1973 = arith.cmpi ne, %sign3A_1965, %sign3A_1972 : i32
    %rem3A_1974 = arith.remsi %squeeze3A_56, %jit3A_1957 : i32
    %ne3A_1975 = arith.constant 0 : i32
    %ne3A_1976 = arith.cmpi ne, %rem3A_1974, %ne3A_1975 : i32
    %and3A_1977 = arith.andi %ne3A_1973, %ne3A_1976 : i1
    %sub3A_1978 = arith.constant 1 : i32
    %sub3A_1979 = arith.subi %div3A_1958, %sub3A_1978 : i32
    %select_n3A_1980 = arith.select %and3A_1977, %sub3A_1979, %div3A_1958 : i32
    %mul3A_1981 = arith.constant 128 : i32
    %mul3A_1982 = arith.muli %select_n3A_1980, %mul3A_1981 : i32
    %multiple_of3A_1983 = tpu.assume_multiple %mul3A_1982, 128 : i32
    %dma_start3A_1984 = arith.constant 0 : i32
    %dma_start3A_1985 = tpu.memref_slice %arg2[%dma_start3A_1984, %multiple_of3A_1983] : memref<64x1000000xf32, #tpu.memory_space<hbm>> -> memref<64x128xf32, #tpu.memory_space<hbm>>
    %dma_start3A_1986 = arith.constant 0 : i32
    %dma_start3A_1987 = tpu.memref_slice %arg2[%dma_start3A_1986, %multiple_of3A_1983] : memref<64x1000000xf32, #tpu.memory_space<hbm>> -> memref<64x128xf32, #tpu.memory_space<hbm>>
    tpu.enqueue_dma source(%dma_start3A_1987 : memref<64x128xf32, #tpu.memory_space<hbm>>) target(%arg9 : memref<64x128xf32, #tpu.memory_space<vmem>>) target_semaphore(%arg13 : memref<!tpu.dma_semaphore, #tpu.memory_space<semaphore_mem>>)
    %dma_wait3A_1988 = arith.constant 0 : i32
    %dma_wait3A_1989 = arith.constant 0 : i32
    %dma_wait3A_1990 = tpu.memref_slice %arg2[%dma_wait3A_1988, %dma_wait3A_1989] : memref<64x1000000xf32, #tpu.memory_space<hbm>> -> memref<64x128xf32, #tpu.memory_space<hbm>>
    %dma_wait3A_1991 = arith.constant 0 : i32
    %dma_wait3A_1992 = arith.constant 0 : i32
    %dma_wait3A_1993 = tpu.memref_slice %arg2[%dma_wait3A_1991, %dma_wait3A_1992] : memref<64x1000000xf32, #tpu.memory_space<hbm>> -> memref<64x128xf32, #tpu.memory_space<hbm>>
    tpu.wait_dma2 semaphore(%arg12 : memref<!tpu.dma_semaphore, #tpu.memory_space<semaphore_mem>>) src(%dma_wait3A_1993 : memref<64x128xf32, #tpu.memory_space<hbm>>) dst(%arg8 : memref<64x128xf32, #tpu.memory_space<vmem>>)
    %jit3A_1994 = arith.constant 128 : i32
    %eq3A_1995 = arith.constant 0 : i32
    %eq3A_1996 = arith.cmpi eq, %jit3A_1994, %eq3A_1995 : i32
    %jit3A_1997 = arith.constant 1 : i32
    %select_n3A_1998 = arith.select %eq3A_1996, %jit3A_1997, %jit3A_1994 : i32
    %rem3A_1999 = arith.remsi %squeeze3A_54, %select_n3A_1998 : i32
    %ne3A_2000 = arith.constant 0 : i32
    %ne3A_2001 = arith.cmpi ne, %rem3A_1999, %ne3A_2000 : i32
    %lt3A_2002 = arith.constant 0 : i32
    %lt3A_2003 = arith.cmpi slt, %rem3A_1999, %lt3A_2002 : i32
    %lt3A_2004 = arith.constant 0 : i32
    %lt3A_2005 = arith.cmpi slt, %select_n3A_1998, %lt3A_2004 : i32
    %ne3A_2006 = arith.xori %lt3A_2003, %lt3A_2005 : i1
    %and3A_2007 = arith.andi %ne3A_2006, %ne3A_2001 : i1
    %add3A_2008 = arith.addi %rem3A_1999, %select_n3A_1998 : i32
    %select_n3A_2009 = arith.select %and3A_2007, %add3A_2008, %rem3A_1999 : i32
    %broadcast_in_dim3A_2010 = vector.broadcast %select_n3A_2009 : i32 to vector<16xi32>
    %add3A_2011 = arith.constant 0 : i32
    %add3A_2012 = vector.broadcast %add3A_2011 : i32 to vector<16xi32>
    %add3A_2013 = arith.addi %add3A_2012, %iota3A : vector<16xi32>
    %gather3A_2014 = tpu.vector_load_idx %arg8[%add3A_2013, %broadcast_in_dim3A_2010] : memref<64x128xf32, #tpu.memory_space<vmem>>[vector<16xi32>, vector<16xi32>], vector<16xf32>,
    %swap3A_2015 = arith.constant 1536 : index
    %swap3A_2016 = tpu.vector_load %arg10[%swap3A_2015] {strides = array<i32>} : memref<2048xf32, #tpu.memory_space<vmem>>, vector<16xf32>,
    tpu.vector_store %arg10[%swap3A_2015], %gather3A_2014 {strides = array<i32>} : memref<2048xf32, #tpu.memory_space<vmem>>, vector<16xf32>,
    %add3A_2017 = arith.constant 16 : i32
    %add3A_2018 = vector.broadcast %add3A_2017 : i32 to vector<16xi32>
    %add3A_2019 = arith.addi %add3A_2018, %iota3A : vector<16xi32>
    %gather3A_2020 = tpu.vector_load_idx %arg8[%add3A_2019, %broadcast_in_dim3A_2010] : memref<64x128xf32, #tpu.memory_space<vmem>>[vector<16xi32>, vector<16xi32>], vector<16xf32>,
    %swap3A_2021 = arith.constant 1552 : index
    %swap3A_2022 = tpu.vector_load %arg10[%swap3A_2021] {strides = array<i32>} : memref<2048xf32, #tpu.memory_space<vmem>>, vector<16xf32>,
    tpu.vector_store %arg10[%swap3A_2021], %gather3A_2020 {strides = array<i32>} : memref<2048xf32, #tpu.memory_space<vmem>>, vector<16xf32>,
    %add3A_2023 = arith.constant 32 : i32
    %add3A_2024 = vector.broadcast %add3A_2023 : i32 to vector<16xi32>
    %add3A_2025 = arith.addi %add3A_2024, %iota3A : vector<16xi32>
    %gather3A_2026 = tpu.vector_load_idx %arg8[%add3A_2025, %broadcast_in_dim3A_2010] : memref<64x128xf32, #tpu.memory_space<vmem>>[vector<16xi32>, vector<16xi32>], vector<16xf32>,
    %swap3A_2027 = arith.constant 1568 : index
    %swap3A_2028 = tpu.vector_load %arg10[%swap3A_2027] {strides = array<i32>} : memref<2048xf32, #tpu.memory_space<vmem>>, vector<16xf32>,
    tpu.vector_store %arg10[%swap3A_2027], %gather3A_2026 {strides = array<i32>} : memref<2048xf32, #tpu.memory_space<vmem>>, vector<16xf32>,
    %add3A_2029 = arith.constant 48 : i32
    %add3A_2030 = vector.broadcast %add3A_2029 : i32 to vector<16xi32>
    %add3A_2031 = arith.addi %add3A_2030, %iota3A : vector<16xi32>
    %gather3A_2032 = tpu.vector_load_idx %arg8[%add3A_2031, %broadcast_in_dim3A_2010] : memref<64x128xf32, #tpu.memory_space<vmem>>[vector<16xi32>, vector<16xi32>], vector<16xf32>,
    %swap3A_2033 = arith.constant 1584 : index
    %swap3A_2034 = tpu.vector_load %arg10[%swap3A_2033] {strides = array<i32>} : memref<2048xf32, #tpu.memory_space<vmem>>, vector<16xf32>,
    tpu.vector_store %arg10[%swap3A_2033], %gather3A_2032 {strides = array<i32>} : memref<2048xf32, #tpu.memory_space<vmem>>, vector<16xf32>,
    %jit3A_2035 = arith.constant 128 : i32
    %div3A_2036 = arith.divsi %squeeze3A_58, %jit3A_2035 : i32
    %sign3A_2037 = arith.constant 0 : i32
    %sign3A_2038 = arith.cmpi sgt, %squeeze3A_58, %sign3A_2037 : i32
    %sign3A_2039 = arith.extui %sign3A_2038 : i1 to i32
    %sign3A_2040 = arith.constant 0 : i32
    %sign3A_2041 = arith.cmpi slt, %squeeze3A_58, %sign3A_2040 : i32
    %sign3A_2042 = arith.extui %sign3A_2041 : i1 to i32
    %sign3A_2043 = arith.subi %sign3A_2039, %sign3A_2042 : i32
    %sign3A_2044 = arith.constant 0 : i32
    %sign3A_2045 = arith.cmpi sgt, %jit3A_2035, %sign3A_2044 : i32
    %sign3A_2046 = arith.extui %sign3A_2045 : i1 to i32
    %sign3A_2047 = arith.constant 0 : i32
    %sign3A_2048 = arith.cmpi slt, %jit3A_2035, %sign3A_2047 : i32
    %sign3A_2049 = arith.extui %sign3A_2048 : i1 to i32
    %sign3A_2050 = arith.subi %sign3A_2046, %sign3A_2049 : i32
    %ne3A_2051 = arith.cmpi ne, %sign3A_2043, %sign3A_2050 : i32
    %rem3A_2052 = arith.remsi %squeeze3A_58, %jit3A_2035 : i32
    %ne3A_2053 = arith.constant 0 : i32
    %ne3A_2054 = arith.cmpi ne, %rem3A_2052, %ne3A_2053 : i32
    %and3A_2055 = arith.andi %ne3A_2051, %ne3A_2054 : i1
    %sub3A_2056 = arith.constant 1 : i32
    %sub3A_2057 = arith.subi %div3A_2036, %sub3A_2056 : i32
    %select_n3A_2058 = arith.select %and3A_2055, %sub3A_2057, %div3A_2036 : i32
    %mul3A_2059 = arith.constant 128 : i32
    %mul3A_2060 = arith.muli %select_n3A_2058, %mul3A_2059 : i32
    %multiple_of3A_2061 = tpu.assume_multiple %mul3A_2060, 128 : i32
    %dma_start3A_2062 = arith.constant 0 : i32
    %dma_start3A_2063 = tpu.memref_slice %arg2[%dma_start3A_2062, %multiple_of3A_2061] : memref<64x1000000xf32, #tpu.memory_space<hbm>> -> memref<64x128xf32, #tpu.memory_space<hbm>>
    %dma_start3A_2064 = arith.constant 0 : i32
    %dma_start3A_2065 = tpu.memref_slice %arg2[%dma_start3A_2064, %multiple_of3A_2061] : memref<64x1000000xf32, #tpu.memory_space<hbm>> -> memref<64x128xf32, #tpu.memory_space<hbm>>
    tpu.enqueue_dma source(%dma_start3A_2065 : memref<64x128xf32, #tpu.memory_space<hbm>>) target(%arg8 : memref<64x128xf32, #tpu.memory_space<vmem>>) target_semaphore(%arg12 : memref<!tpu.dma_semaphore, #tpu.memory_space<semaphore_mem>>)
    %dma_wait3A_2066 = arith.constant 0 : i32
    %dma_wait3A_2067 = arith.constant 0 : i32
    %dma_wait3A_2068 = tpu.memref_slice %arg2[%dma_wait3A_2066, %dma_wait3A_2067] : memref<64x1000000xf32, #tpu.memory_space<hbm>> -> memref<64x128xf32, #tpu.memory_space<hbm>>
    %dma_wait3A_2069 = arith.constant 0 : i32
    %dma_wait3A_2070 = arith.constant 0 : i32
    %dma_wait3A_2071 = tpu.memref_slice %arg2[%dma_wait3A_2069, %dma_wait3A_2070] : memref<64x1000000xf32, #tpu.memory_space<hbm>> -> memref<64x128xf32, #tpu.memory_space<hbm>>
    tpu.wait_dma2 semaphore(%arg13 : memref<!tpu.dma_semaphore, #tpu.memory_space<semaphore_mem>>) src(%dma_wait3A_2071 : memref<64x128xf32, #tpu.memory_space<hbm>>) dst(%arg9 : memref<64x128xf32, #tpu.memory_space<vmem>>)
    %jit3A_2072 = arith.constant 128 : i32
    %eq3A_2073 = arith.constant 0 : i32
    %eq3A_2074 = arith.cmpi eq, %jit3A_2072, %eq3A_2073 : i32
    %jit3A_2075 = arith.constant 1 : i32
    %select_n3A_2076 = arith.select %eq3A_2074, %jit3A_2075, %jit3A_2072 : i32
    %rem3A_2077 = arith.remsi %squeeze3A_56, %select_n3A_2076 : i32
    %ne3A_2078 = arith.constant 0 : i32
    %ne3A_2079 = arith.cmpi ne, %rem3A_2077, %ne3A_2078 : i32
    %lt3A_2080 = arith.constant 0 : i32
    %lt3A_2081 = arith.cmpi slt, %rem3A_2077, %lt3A_2080 : i32
    %lt3A_2082 = arith.constant 0 : i32
    %lt3A_2083 = arith.cmpi slt, %select_n3A_2076, %lt3A_2082 : i32
    %ne3A_2084 = arith.xori %lt3A_2081, %lt3A_2083 : i1
    %and3A_2085 = arith.andi %ne3A_2084, %ne3A_2079 : i1
    %add3A_2086 = arith.addi %rem3A_2077, %select_n3A_2076 : i32
    %select_n3A_2087 = arith.select %and3A_2085, %add3A_2086, %rem3A_2077 : i32
    %broadcast_in_dim3A_2088 = vector.broadcast %select_n3A_2087 : i32 to vector<16xi32>
    %add3A_2089 = arith.constant 0 : i32
    %add3A_2090 = vector.broadcast %add3A_2089 : i32 to vector<16xi32>
    %add3A_2091 = arith.addi %add3A_2090, %iota3A : vector<16xi32>
    %gather3A_2092 = tpu.vector_load_idx %arg9[%add3A_2091, %broadcast_in_dim3A_2088] : memref<64x128xf32, #tpu.memory_space<vmem>>[vector<16xi32>, vector<16xi32>], vector<16xf32>,
    %swap3A_2093 = arith.constant 1600 : index
    %swap3A_2094 = tpu.vector_load %arg10[%swap3A_2093] {strides = array<i32>} : memref<2048xf32, #tpu.memory_space<vmem>>, vector<16xf32>,
    tpu.vector_store %arg10[%swap3A_2093], %gather3A_2092 {strides = array<i32>} : memref<2048xf32, #tpu.memory_space<vmem>>, vector<16xf32>,
    %add3A_2095 = arith.constant 16 : i32
    %add3A_2096 = vector.broadcast %add3A_2095 : i32 to vector<16xi32>
    %add3A_2097 = arith.addi %add3A_2096, %iota3A : vector<16xi32>
    %gather3A_2098 = tpu.vector_load_idx %arg9[%add3A_2097, %broadcast_in_dim3A_2088] : memref<64x128xf32, #tpu.memory_space<vmem>>[vector<16xi32>, vector<16xi32>], vector<16xf32>,
    %swap3A_2099 = arith.constant 1616 : index
    %swap3A_2100 = tpu.vector_load %arg10[%swap3A_2099] {strides = array<i32>} : memref<2048xf32, #tpu.memory_space<vmem>>, vector<16xf32>,
    tpu.vector_store %arg10[%swap3A_2099], %gather3A_2098 {strides = array<i32>} : memref<2048xf32, #tpu.memory_space<vmem>>, vector<16xf32>,
    %add3A_2101 = arith.constant 32 : i32
    %add3A_2102 = vector.broadcast %add3A_2101 : i32 to vector<16xi32>
    %add3A_2103 = arith.addi %add3A_2102, %iota3A : vector<16xi32>
    %gather3A_2104 = tpu.vector_load_idx %arg9[%add3A_2103, %broadcast_in_dim3A_2088] : memref<64x128xf32, #tpu.memory_space<vmem>>[vector<16xi32>, vector<16xi32>], vector<16xf32>,
    %swap3A_2105 = arith.constant 1632 : index
    %swap3A_2106 = tpu.vector_load %arg10[%swap3A_2105] {strides = array<i32>} : memref<2048xf32, #tpu.memory_space<vmem>>, vector<16xf32>,
    tpu.vector_store %arg10[%swap3A_2105], %gather3A_2104 {strides = array<i32>} : memref<2048xf32, #tpu.memory_space<vmem>>, vector<16xf32>,
    %add3A_2107 = arith.constant 48 : i32
    %add3A_2108 = vector.broadcast %add3A_2107 : i32 to vector<16xi32>
    %add3A_2109 = arith.addi %add3A_2108, %iota3A : vector<16xi32>
    %gather3A_2110 = tpu.vector_load_idx %arg9[%add3A_2109, %broadcast_in_dim3A_2088] : memref<64x128xf32, #tpu.memory_space<vmem>>[vector<16xi32>, vector<16xi32>], vector<16xf32>,
    %swap3A_2111 = arith.constant 1648 : index
    %swap3A_2112 = tpu.vector_load %arg10[%swap3A_2111] {strides = array<i32>} : memref<2048xf32, #tpu.memory_space<vmem>>, vector<16xf32>,
    tpu.vector_store %arg10[%swap3A_2111], %gather3A_2110 {strides = array<i32>} : memref<2048xf32, #tpu.memory_space<vmem>>, vector<16xf32>,
    %jit3A_2113 = arith.constant 128 : i32
    %div3A_2114 = arith.divsi %squeeze3A_60, %jit3A_2113 : i32
    %sign3A_2115 = arith.constant 0 : i32
    %sign3A_2116 = arith.cmpi sgt, %squeeze3A_60, %sign3A_2115 : i32
    %sign3A_2117 = arith.extui %sign3A_2116 : i1 to i32
    %sign3A_2118 = arith.constant 0 : i32
    %sign3A_2119 = arith.cmpi slt, %squeeze3A_60, %sign3A_2118 : i32
    %sign3A_2120 = arith.extui %sign3A_2119 : i1 to i32
    %sign3A_2121 = arith.subi %sign3A_2117, %sign3A_2120 : i32
    %sign3A_2122 = arith.constant 0 : i32
    %sign3A_2123 = arith.cmpi sgt, %jit3A_2113, %sign3A_2122 : i32
    %sign3A_2124 = arith.extui %sign3A_2123 : i1 to i32
    %sign3A_2125 = arith.constant 0 : i32
    %sign3A_2126 = arith.cmpi slt, %jit3A_2113, %sign3A_2125 : i32
    %sign3A_2127 = arith.extui %sign3A_2126 : i1 to i32
    %sign3A_2128 = arith.subi %sign3A_2124, %sign3A_2127 : i32
    %ne3A_2129 = arith.cmpi ne, %sign3A_2121, %sign3A_2128 : i32
    %rem3A_2130 = arith.remsi %squeeze3A_60, %jit3A_2113 : i32
    %ne3A_2131 = arith.constant 0 : i32
    %ne3A_2132 = arith.cmpi ne, %rem3A_2130, %ne3A_2131 : i32
    %and3A_2133 = arith.andi %ne3A_2129, %ne3A_2132 : i1
    %sub3A_2134 = arith.constant 1 : i32
    %sub3A_2135 = arith.subi %div3A_2114, %sub3A_2134 : i32
    %select_n3A_2136 = arith.select %and3A_2133, %sub3A_2135, %div3A_2114 : i32
    %mul3A_2137 = arith.constant 128 : i32
    %mul3A_2138 = arith.muli %select_n3A_2136, %mul3A_2137 : i32
    %multiple_of3A_2139 = tpu.assume_multiple %mul3A_2138, 128 : i32
    %dma_start3A_2140 = arith.constant 0 : i32
    %dma_start3A_2141 = tpu.memref_slice %arg2[%dma_start3A_2140, %multiple_of3A_2139] : memref<64x1000000xf32, #tpu.memory_space<hbm>> -> memref<64x128xf32, #tpu.memory_space<hbm>>
    %dma_start3A_2142 = arith.constant 0 : i32
    %dma_start3A_2143 = tpu.memref_slice %arg2[%dma_start3A_2142, %multiple_of3A_2139] : memref<64x1000000xf32, #tpu.memory_space<hbm>> -> memref<64x128xf32, #tpu.memory_space<hbm>>
    tpu.enqueue_dma source(%dma_start3A_2143 : memref<64x128xf32, #tpu.memory_space<hbm>>) target(%arg9 : memref<64x128xf32, #tpu.memory_space<vmem>>) target_semaphore(%arg13 : memref<!tpu.dma_semaphore, #tpu.memory_space<semaphore_mem>>)
    %dma_wait3A_2144 = arith.constant 0 : i32
    %dma_wait3A_2145 = arith.constant 0 : i32
    %dma_wait3A_2146 = tpu.memref_slice %arg2[%dma_wait3A_2144, %dma_wait3A_2145] : memref<64x1000000xf32, #tpu.memory_space<hbm>> -> memref<64x128xf32, #tpu.memory_space<hbm>>
    %dma_wait3A_2147 = arith.constant 0 : i32
    %dma_wait3A_2148 = arith.constant 0 : i32
    %dma_wait3A_2149 = tpu.memref_slice %arg2[%dma_wait3A_2147, %dma_wait3A_2148] : memref<64x1000000xf32, #tpu.memory_space<hbm>> -> memref<64x128xf32, #tpu.memory_space<hbm>>
    tpu.wait_dma2 semaphore(%arg12 : memref<!tpu.dma_semaphore, #tpu.memory_space<semaphore_mem>>) src(%dma_wait3A_2149 : memref<64x128xf32, #tpu.memory_space<hbm>>) dst(%arg8 : memref<64x128xf32, #tpu.memory_space<vmem>>)
    %jit3A_2150 = arith.constant 128 : i32
    %eq3A_2151 = arith.constant 0 : i32
    %eq3A_2152 = arith.cmpi eq, %jit3A_2150, %eq3A_2151 : i32
    %jit3A_2153 = arith.constant 1 : i32
    %select_n3A_2154 = arith.select %eq3A_2152, %jit3A_2153, %jit3A_2150 : i32
    %rem3A_2155 = arith.remsi %squeeze3A_58, %select_n3A_2154 : i32
    %ne3A_2156 = arith.constant 0 : i32
    %ne3A_2157 = arith.cmpi ne, %rem3A_2155, %ne3A_2156 : i32
    %lt3A_2158 = arith.constant 0 : i32
    %lt3A_2159 = arith.cmpi slt, %rem3A_2155, %lt3A_2158 : i32
    %lt3A_2160 = arith.constant 0 : i32
    %lt3A_2161 = arith.cmpi slt, %select_n3A_2154, %lt3A_2160 : i32
    %ne3A_2162 = arith.xori %lt3A_2159, %lt3A_2161 : i1
    %and3A_2163 = arith.andi %ne3A_2162, %ne3A_2157 : i1
    %add3A_2164 = arith.addi %rem3A_2155, %select_n3A_2154 : i32
    %select_n3A_2165 = arith.select %and3A_2163, %add3A_2164, %rem3A_2155 : i32
    %broadcast_in_dim3A_2166 = vector.broadcast %select_n3A_2165 : i32 to vector<16xi32>
    %add3A_2167 = arith.constant 0 : i32
    %add3A_2168 = vector.broadcast %add3A_2167 : i32 to vector<16xi32>
    %add3A_2169 = arith.addi %add3A_2168, %iota3A : vector<16xi32>
    %gather3A_2170 = tpu.vector_load_idx %arg8[%add3A_2169, %broadcast_in_dim3A_2166] : memref<64x128xf32, #tpu.memory_space<vmem>>[vector<16xi32>, vector<16xi32>], vector<16xf32>,
    %swap3A_2171 = arith.constant 1664 : index
    %swap3A_2172 = tpu.vector_load %arg10[%swap3A_2171] {strides = array<i32>} : memref<2048xf32, #tpu.memory_space<vmem>>, vector<16xf32>,
    tpu.vector_store %arg10[%swap3A_2171], %gather3A_2170 {strides = array<i32>} : memref<2048xf32, #tpu.memory_space<vmem>>, vector<16xf32>,
    %add3A_2173 = arith.constant 16 : i32
    %add3A_2174 = vector.broadcast %add3A_2173 : i32 to vector<16xi32>
    %add3A_2175 = arith.addi %add3A_2174, %iota3A : vector<16xi32>
    %gather3A_2176 = tpu.vector_load_idx %arg8[%add3A_2175, %broadcast_in_dim3A_2166] : memref<64x128xf32, #tpu.memory_space<vmem>>[vector<16xi32>, vector<16xi32>], vector<16xf32>,
    %swap3A_2177 = arith.constant 1680 : index
    %swap3A_2178 = tpu.vector_load %arg10[%swap3A_2177] {strides = array<i32>} : memref<2048xf32, #tpu.memory_space<vmem>>, vector<16xf32>,
    tpu.vector_store %arg10[%swap3A_2177], %gather3A_2176 {strides = array<i32>} : memref<2048xf32, #tpu.memory_space<vmem>>, vector<16xf32>,
    %add3A_2179 = arith.constant 32 : i32
    %add3A_2180 = vector.broadcast %add3A_2179 : i32 to vector<16xi32>
    %add3A_2181 = arith.addi %add3A_2180, %iota3A : vector<16xi32>
    %gather3A_2182 = tpu.vector_load_idx %arg8[%add3A_2181, %broadcast_in_dim3A_2166] : memref<64x128xf32, #tpu.memory_space<vmem>>[vector<16xi32>, vector<16xi32>], vector<16xf32>,
    %swap3A_2183 = arith.constant 1696 : index
    %swap3A_2184 = tpu.vector_load %arg10[%swap3A_2183] {strides = array<i32>} : memref<2048xf32, #tpu.memory_space<vmem>>, vector<16xf32>,
    tpu.vector_store %arg10[%swap3A_2183], %gather3A_2182 {strides = array<i32>} : memref<2048xf32, #tpu.memory_space<vmem>>, vector<16xf32>,
    %add3A_2185 = arith.constant 48 : i32
    %add3A_2186 = vector.broadcast %add3A_2185 : i32 to vector<16xi32>
    %add3A_2187 = arith.addi %add3A_2186, %iota3A : vector<16xi32>
    %gather3A_2188 = tpu.vector_load_idx %arg8[%add3A_2187, %broadcast_in_dim3A_2166] : memref<64x128xf32, #tpu.memory_space<vmem>>[vector<16xi32>, vector<16xi32>], vector<16xf32>,
    %swap3A_2189 = arith.constant 1712 : index
    %swap3A_2190 = tpu.vector_load %arg10[%swap3A_2189] {strides = array<i32>} : memref<2048xf32, #tpu.memory_space<vmem>>, vector<16xf32>,
    tpu.vector_store %arg10[%swap3A_2189], %gather3A_2188 {strides = array<i32>} : memref<2048xf32, #tpu.memory_space<vmem>>, vector<16xf32>,
    %jit3A_2191 = arith.constant 128 : i32
    %div3A_2192 = arith.divsi %squeeze3A_62, %jit3A_2191 : i32
    %sign3A_2193 = arith.constant 0 : i32
    %sign3A_2194 = arith.cmpi sgt, %squeeze3A_62, %sign3A_2193 : i32
    %sign3A_2195 = arith.extui %sign3A_2194 : i1 to i32
    %sign3A_2196 = arith.constant 0 : i32
    %sign3A_2197 = arith.cmpi slt, %squeeze3A_62, %sign3A_2196 : i32
    %sign3A_2198 = arith.extui %sign3A_2197 : i1 to i32
    %sign3A_2199 = arith.subi %sign3A_2195, %sign3A_2198 : i32
    %sign3A_2200 = arith.constant 0 : i32
    %sign3A_2201 = arith.cmpi sgt, %jit3A_2191, %sign3A_2200 : i32
    %sign3A_2202 = arith.extui %sign3A_2201 : i1 to i32
    %sign3A_2203 = arith.constant 0 : i32
    %sign3A_2204 = arith.cmpi slt, %jit3A_2191, %sign3A_2203 : i32
    %sign3A_2205 = arith.extui %sign3A_2204 : i1 to i32
    %sign3A_2206 = arith.subi %sign3A_2202, %sign3A_2205 : i32
    %ne3A_2207 = arith.cmpi ne, %sign3A_2199, %sign3A_2206 : i32
    %rem3A_2208 = arith.remsi %squeeze3A_62, %jit3A_2191 : i32
    %ne3A_2209 = arith.constant 0 : i32
    %ne3A_2210 = arith.cmpi ne, %rem3A_2208, %ne3A_2209 : i32
    %and3A_2211 = arith.andi %ne3A_2207, %ne3A_2210 : i1
    %sub3A_2212 = arith.constant 1 : i32
    %sub3A_2213 = arith.subi %div3A_2192, %sub3A_2212 : i32
    %select_n3A_2214 = arith.select %and3A_2211, %sub3A_2213, %div3A_2192 : i32
    %mul3A_2215 = arith.constant 128 : i32
    %mul3A_2216 = arith.muli %select_n3A_2214, %mul3A_2215 : i32
    %multiple_of3A_2217 = tpu.assume_multiple %mul3A_2216, 128 : i32
    %dma_start3A_2218 = arith.constant 0 : i32
    %dma_start3A_2219 = tpu.memref_slice %arg2[%dma_start3A_2218, %multiple_of3A_2217] : memref<64x1000000xf32, #tpu.memory_space<hbm>> -> memref<64x128xf32, #tpu.memory_space<hbm>>
    %dma_start3A_2220 = arith.constant 0 : i32
    %dma_start3A_2221 = tpu.memref_slice %arg2[%dma_start3A_2220, %multiple_of3A_2217] : memref<64x1000000xf32, #tpu.memory_space<hbm>> -> memref<64x128xf32, #tpu.memory_space<hbm>>
    tpu.enqueue_dma source(%dma_start3A_2221 : memref<64x128xf32, #tpu.memory_space<hbm>>) target(%arg8 : memref<64x128xf32, #tpu.memory_space<vmem>>) target_semaphore(%arg12 : memref<!tpu.dma_semaphore, #tpu.memory_space<semaphore_mem>>)
    %dma_wait3A_2222 = arith.constant 0 : i32
    %dma_wait3A_2223 = arith.constant 0 : i32
    %dma_wait3A_2224 = tpu.memref_slice %arg2[%dma_wait3A_2222, %dma_wait3A_2223] : memref<64x1000000xf32, #tpu.memory_space<hbm>> -> memref<64x128xf32, #tpu.memory_space<hbm>>
    %dma_wait3A_2225 = arith.constant 0 : i32
    %dma_wait3A_2226 = arith.constant 0 : i32
    %dma_wait3A_2227 = tpu.memref_slice %arg2[%dma_wait3A_2225, %dma_wait3A_2226] : memref<64x1000000xf32, #tpu.memory_space<hbm>> -> memref<64x128xf32, #tpu.memory_space<hbm>>
    tpu.wait_dma2 semaphore(%arg13 : memref<!tpu.dma_semaphore, #tpu.memory_space<semaphore_mem>>) src(%dma_wait3A_2227 : memref<64x128xf32, #tpu.memory_space<hbm>>) dst(%arg9 : memref<64x128xf32, #tpu.memory_space<vmem>>)
    %jit3A_2228 = arith.constant 128 : i32
    %eq3A_2229 = arith.constant 0 : i32
    %eq3A_2230 = arith.cmpi eq, %jit3A_2228, %eq3A_2229 : i32
    %jit3A_2231 = arith.constant 1 : i32
    %select_n3A_2232 = arith.select %eq3A_2230, %jit3A_2231, %jit3A_2228 : i32
    %rem3A_2233 = arith.remsi %squeeze3A_60, %select_n3A_2232 : i32
    %ne3A_2234 = arith.constant 0 : i32
    %ne3A_2235 = arith.cmpi ne, %rem3A_2233, %ne3A_2234 : i32
    %lt3A_2236 = arith.constant 0 : i32
    %lt3A_2237 = arith.cmpi slt, %rem3A_2233, %lt3A_2236 : i32
    %lt3A_2238 = arith.constant 0 : i32
    %lt3A_2239 = arith.cmpi slt, %select_n3A_2232, %lt3A_2238 : i32
    %ne3A_2240 = arith.xori %lt3A_2237, %lt3A_2239 : i1
    %and3A_2241 = arith.andi %ne3A_2240, %ne3A_2235 : i1
    %add3A_2242 = arith.addi %rem3A_2233, %select_n3A_2232 : i32
    %select_n3A_2243 = arith.select %and3A_2241, %add3A_2242, %rem3A_2233 : i32
    %broadcast_in_dim3A_2244 = vector.broadcast %select_n3A_2243 : i32 to vector<16xi32>
    %add3A_2245 = arith.constant 0 : i32
    %add3A_2246 = vector.broadcast %add3A_2245 : i32 to vector<16xi32>
    %add3A_2247 = arith.addi %add3A_2246, %iota3A : vector<16xi32>
    %gather3A_2248 = tpu.vector_load_idx %arg9[%add3A_2247, %broadcast_in_dim3A_2244] : memref<64x128xf32, #tpu.memory_space<vmem>>[vector<16xi32>, vector<16xi32>], vector<16xf32>,
    %swap3A_2249 = arith.constant 1728 : index
    %swap3A_2250 = tpu.vector_load %arg10[%swap3A_2249] {strides = array<i32>} : memref<2048xf32, #tpu.memory_space<vmem>>, vector<16xf32>,
    tpu.vector_store %arg10[%swap3A_2249], %gather3A_2248 {strides = array<i32>} : memref<2048xf32, #tpu.memory_space<vmem>>, vector<16xf32>,
    %add3A_2251 = arith.constant 16 : i32
    %add3A_2252 = vector.broadcast %add3A_2251 : i32 to vector<16xi32>
    %add3A_2253 = arith.addi %add3A_2252, %iota3A : vector<16xi32>
    %gather3A_2254 = tpu.vector_load_idx %arg9[%add3A_2253, %broadcast_in_dim3A_2244] : memref<64x128xf32, #tpu.memory_space<vmem>>[vector<16xi32>, vector<16xi32>], vector<16xf32>,
    %swap3A_2255 = arith.constant 1744 : index
    %swap3A_2256 = tpu.vector_load %arg10[%swap3A_2255] {strides = array<i32>} : memref<2048xf32, #tpu.memory_space<vmem>>, vector<16xf32>,
    tpu.vector_store %arg10[%swap3A_2255], %gather3A_2254 {strides = array<i32>} : memref<2048xf32, #tpu.memory_space<vmem>>, vector<16xf32>,
    %add3A_2257 = arith.constant 32 : i32
    %add3A_2258 = vector.broadcast %add3A_2257 : i32 to vector<16xi32>
    %add3A_2259 = arith.addi %add3A_2258, %iota3A : vector<16xi32>
    %gather3A_2260 = tpu.vector_load_idx %arg9[%add3A_2259, %broadcast_in_dim3A_2244] : memref<64x128xf32, #tpu.memory_space<vmem>>[vector<16xi32>, vector<16xi32>], vector<16xf32>,
    %swap3A_2261 = arith.constant 1760 : index
    %swap3A_2262 = tpu.vector_load %arg10[%swap3A_2261] {strides = array<i32>} : memref<2048xf32, #tpu.memory_space<vmem>>, vector<16xf32>,
    tpu.vector_store %arg10[%swap3A_2261], %gather3A_2260 {strides = array<i32>} : memref<2048xf32, #tpu.memory_space<vmem>>, vector<16xf32>,
    %add3A_2263 = arith.constant 48 : i32
    %add3A_2264 = vector.broadcast %add3A_2263 : i32 to vector<16xi32>
    %add3A_2265 = arith.addi %add3A_2264, %iota3A : vector<16xi32>
    %gather3A_2266 = tpu.vector_load_idx %arg9[%add3A_2265, %broadcast_in_dim3A_2244] : memref<64x128xf32, #tpu.memory_space<vmem>>[vector<16xi32>, vector<16xi32>], vector<16xf32>,
    %swap3A_2267 = arith.constant 1776 : index
    %swap3A_2268 = tpu.vector_load %arg10[%swap3A_2267] {strides = array<i32>} : memref<2048xf32, #tpu.memory_space<vmem>>, vector<16xf32>,
    tpu.vector_store %arg10[%swap3A_2267], %gather3A_2266 {strides = array<i32>} : memref<2048xf32, #tpu.memory_space<vmem>>, vector<16xf32>,
    %jit3A_2269 = arith.constant 128 : i32
    %div3A_2270 = arith.divsi %squeeze3A_64, %jit3A_2269 : i32
    %sign3A_2271 = arith.constant 0 : i32
    %sign3A_2272 = arith.cmpi sgt, %squeeze3A_64, %sign3A_2271 : i32
    %sign3A_2273 = arith.extui %sign3A_2272 : i1 to i32
    %sign3A_2274 = arith.constant 0 : i32
    %sign3A_2275 = arith.cmpi slt, %squeeze3A_64, %sign3A_2274 : i32
    %sign3A_2276 = arith.extui %sign3A_2275 : i1 to i32
    %sign3A_2277 = arith.subi %sign3A_2273, %sign3A_2276 : i32
    %sign3A_2278 = arith.constant 0 : i32
    %sign3A_2279 = arith.cmpi sgt, %jit3A_2269, %sign3A_2278 : i32
    %sign3A_2280 = arith.extui %sign3A_2279 : i1 to i32
    %sign3A_2281 = arith.constant 0 : i32
    %sign3A_2282 = arith.cmpi slt, %jit3A_2269, %sign3A_2281 : i32
    %sign3A_2283 = arith.extui %sign3A_2282 : i1 to i32
    %sign3A_2284 = arith.subi %sign3A_2280, %sign3A_2283 : i32
    %ne3A_2285 = arith.cmpi ne, %sign3A_2277, %sign3A_2284 : i32
    %rem3A_2286 = arith.remsi %squeeze3A_64, %jit3A_2269 : i32
    %ne3A_2287 = arith.constant 0 : i32
    %ne3A_2288 = arith.cmpi ne, %rem3A_2286, %ne3A_2287 : i32
    %and3A_2289 = arith.andi %ne3A_2285, %ne3A_2288 : i1
    %sub3A_2290 = arith.constant 1 : i32
    %sub3A_2291 = arith.subi %div3A_2270, %sub3A_2290 : i32
    %select_n3A_2292 = arith.select %and3A_2289, %sub3A_2291, %div3A_2270 : i32
    %mul3A_2293 = arith.constant 128 : i32
    %mul3A_2294 = arith.muli %select_n3A_2292, %mul3A_2293 : i32
    %multiple_of3A_2295 = tpu.assume_multiple %mul3A_2294, 128 : i32
    %dma_start3A_2296 = arith.constant 0 : i32
    %dma_start3A_2297 = tpu.memref_slice %arg2[%dma_start3A_2296, %multiple_of3A_2295] : memref<64x1000000xf32, #tpu.memory_space<hbm>> -> memref<64x128xf32, #tpu.memory_space<hbm>>
    %dma_start3A_2298 = arith.constant 0 : i32
    %dma_start3A_2299 = tpu.memref_slice %arg2[%dma_start3A_2298, %multiple_of3A_2295] : memref<64x1000000xf32, #tpu.memory_space<hbm>> -> memref<64x128xf32, #tpu.memory_space<hbm>>
    tpu.enqueue_dma source(%dma_start3A_2299 : memref<64x128xf32, #tpu.memory_space<hbm>>) target(%arg9 : memref<64x128xf32, #tpu.memory_space<vmem>>) target_semaphore(%arg13 : memref<!tpu.dma_semaphore, #tpu.memory_space<semaphore_mem>>)
    %dma_wait3A_2300 = arith.constant 0 : i32
    %dma_wait3A_2301 = arith.constant 0 : i32
    %dma_wait3A_2302 = tpu.memref_slice %arg2[%dma_wait3A_2300, %dma_wait3A_2301] : memref<64x1000000xf32, #tpu.memory_space<hbm>> -> memref<64x128xf32, #tpu.memory_space<hbm>>
    %dma_wait3A_2303 = arith.constant 0 : i32
    %dma_wait3A_2304 = arith.constant 0 : i32
    %dma_wait3A_2305 = tpu.memref_slice %arg2[%dma_wait3A_2303, %dma_wait3A_2304] : memref<64x1000000xf32, #tpu.memory_space<hbm>> -> memref<64x128xf32, #tpu.memory_space<hbm>>
    tpu.wait_dma2 semaphore(%arg12 : memref<!tpu.dma_semaphore, #tpu.memory_space<semaphore_mem>>) src(%dma_wait3A_2305 : memref<64x128xf32, #tpu.memory_space<hbm>>) dst(%arg8 : memref<64x128xf32, #tpu.memory_space<vmem>>)
    %jit3A_2306 = arith.constant 128 : i32
    %eq3A_2307 = arith.constant 0 : i32
    %eq3A_2308 = arith.cmpi eq, %jit3A_2306, %eq3A_2307 : i32
    %jit3A_2309 = arith.constant 1 : i32
    %select_n3A_2310 = arith.select %eq3A_2308, %jit3A_2309, %jit3A_2306 : i32
    %rem3A_2311 = arith.remsi %squeeze3A_62, %select_n3A_2310 : i32
    %ne3A_2312 = arith.constant 0 : i32
    %ne3A_2313 = arith.cmpi ne, %rem3A_2311, %ne3A_2312 : i32
    %lt3A_2314 = arith.constant 0 : i32
    %lt3A_2315 = arith.cmpi slt, %rem3A_2311, %lt3A_2314 : i32
    %lt3A_2316 = arith.constant 0 : i32
    %lt3A_2317 = arith.cmpi slt, %select_n3A_2310, %lt3A_2316 : i32
    %ne3A_2318 = arith.xori %lt3A_2315, %lt3A_2317 : i1
    %and3A_2319 = arith.andi %ne3A_2318, %ne3A_2313 : i1
    %add3A_2320 = arith.addi %rem3A_2311, %select_n3A_2310 : i32
    %select_n3A_2321 = arith.select %and3A_2319, %add3A_2320, %rem3A_2311 : i32
    %broadcast_in_dim3A_2322 = vector.broadcast %select_n3A_2321 : i32 to vector<16xi32>
    %add3A_2323 = arith.constant 0 : i32
    %add3A_2324 = vector.broadcast %add3A_2323 : i32 to vector<16xi32>
    %add3A_2325 = arith.addi %add3A_2324, %iota3A : vector<16xi32>
    %gather3A_2326 = tpu.vector_load_idx %arg8[%add3A_2325, %broadcast_in_dim3A_2322] : memref<64x128xf32, #tpu.memory_space<vmem>>[vector<16xi32>, vector<16xi32>], vector<16xf32>,
    %swap3A_2327 = arith.constant 1792 : index
    %swap3A_2328 = tpu.vector_load %arg10[%swap3A_2327] {strides = array<i32>} : memref<2048xf32, #tpu.memory_space<vmem>>, vector<16xf32>,
    tpu.vector_store %arg10[%swap3A_2327], %gather3A_2326 {strides = array<i32>} : memref<2048xf32, #tpu.memory_space<vmem>>, vector<16xf32>,
    %add3A_2329 = arith.constant 16 : i32
    %add3A_2330 = vector.broadcast %add3A_2329 : i32 to vector<16xi32>
    %add3A_2331 = arith.addi %add3A_2330, %iota3A : vector<16xi32>
    %gather3A_2332 = tpu.vector_load_idx %arg8[%add3A_2331, %broadcast_in_dim3A_2322] : memref<64x128xf32, #tpu.memory_space<vmem>>[vector<16xi32>, vector<16xi32>], vector<16xf32>,
    %swap3A_2333 = arith.constant 1808 : index
    %swap3A_2334 = tpu.vector_load %arg10[%swap3A_2333] {strides = array<i32>} : memref<2048xf32, #tpu.memory_space<vmem>>, vector<16xf32>,
    tpu.vector_store %arg10[%swap3A_2333], %gather3A_2332 {strides = array<i32>} : memref<2048xf32, #tpu.memory_space<vmem>>, vector<16xf32>,
    %add3A_2335 = arith.constant 32 : i32
    %add3A_2336 = vector.broadcast %add3A_2335 : i32 to vector<16xi32>
    %add3A_2337 = arith.addi %add3A_2336, %iota3A : vector<16xi32>
    %gather3A_2338 = tpu.vector_load_idx %arg8[%add3A_2337, %broadcast_in_dim3A_2322] : memref<64x128xf32, #tpu.memory_space<vmem>>[vector<16xi32>, vector<16xi32>], vector<16xf32>,
    %swap3A_2339 = arith.constant 1824 : index
    %swap3A_2340 = tpu.vector_load %arg10[%swap3A_2339] {strides = array<i32>} : memref<2048xf32, #tpu.memory_space<vmem>>, vector<16xf32>,
    tpu.vector_store %arg10[%swap3A_2339], %gather3A_2338 {strides = array<i32>} : memref<2048xf32, #tpu.memory_space<vmem>>, vector<16xf32>,
    %add3A_2341 = arith.constant 48 : i32
    %add3A_2342 = vector.broadcast %add3A_2341 : i32 to vector<16xi32>
    %add3A_2343 = arith.addi %add3A_2342, %iota3A : vector<16xi32>
    %gather3A_2344 = tpu.vector_load_idx %arg8[%add3A_2343, %broadcast_in_dim3A_2322] : memref<64x128xf32, #tpu.memory_space<vmem>>[vector<16xi32>, vector<16xi32>], vector<16xf32>,
    %swap3A_2345 = arith.constant 1840 : index
    %swap3A_2346 = tpu.vector_load %arg10[%swap3A_2345] {strides = array<i32>} : memref<2048xf32, #tpu.memory_space<vmem>>, vector<16xf32>,
    tpu.vector_store %arg10[%swap3A_2345], %gather3A_2344 {strides = array<i32>} : memref<2048xf32, #tpu.memory_space<vmem>>, vector<16xf32>,
    %jit3A_2347 = arith.constant 128 : i32
    %div3A_2348 = arith.divsi %squeeze3A_66, %jit3A_2347 : i32
    %sign3A_2349 = arith.constant 0 : i32
    %sign3A_2350 = arith.cmpi sgt, %squeeze3A_66, %sign3A_2349 : i32
    %sign3A_2351 = arith.extui %sign3A_2350 : i1 to i32
    %sign3A_2352 = arith.constant 0 : i32
    %sign3A_2353 = arith.cmpi slt, %squeeze3A_66, %sign3A_2352 : i32
    %sign3A_2354 = arith.extui %sign3A_2353 : i1 to i32
    %sign3A_2355 = arith.subi %sign3A_2351, %sign3A_2354 : i32
    %sign3A_2356 = arith.constant 0 : i32
    %sign3A_2357 = arith.cmpi sgt, %jit3A_2347, %sign3A_2356 : i32
    %sign3A_2358 = arith.extui %sign3A_2357 : i1 to i32
    %sign3A_2359 = arith.constant 0 : i32
    %sign3A_2360 = arith.cmpi slt, %jit3A_2347, %sign3A_2359 : i32
    %sign3A_2361 = arith.extui %sign3A_2360 : i1 to i32
    %sign3A_2362 = arith.subi %sign3A_2358, %sign3A_2361 : i32
    %ne3A_2363 = arith.cmpi ne, %sign3A_2355, %sign3A_2362 : i32
    %rem3A_2364 = arith.remsi %squeeze3A_66, %jit3A_2347 : i32
    %ne3A_2365 = arith.constant 0 : i32
    %ne3A_2366 = arith.cmpi ne, %rem3A_2364, %ne3A_2365 : i32
    %and3A_2367 = arith.andi %ne3A_2363, %ne3A_2366 : i1
    %sub3A_2368 = arith.constant 1 : i32
    %sub3A_2369 = arith.subi %div3A_2348, %sub3A_2368 : i32
    %select_n3A_2370 = arith.select %and3A_2367, %sub3A_2369, %div3A_2348 : i32
    %mul3A_2371 = arith.constant 128 : i32
    %mul3A_2372 = arith.muli %select_n3A_2370, %mul3A_2371 : i32
    %multiple_of3A_2373 = tpu.assume_multiple %mul3A_2372, 128 : i32
    %dma_start3A_2374 = arith.constant 0 : i32
    %dma_start3A_2375 = tpu.memref_slice %arg2[%dma_start3A_2374, %multiple_of3A_2373] : memref<64x1000000xf32, #tpu.memory_space<hbm>> -> memref<64x128xf32, #tpu.memory_space<hbm>>
    %dma_start3A_2376 = arith.constant 0 : i32
    %dma_start3A_2377 = tpu.memref_slice %arg2[%dma_start3A_2376, %multiple_of3A_2373] : memref<64x1000000xf32, #tpu.memory_space<hbm>> -> memref<64x128xf32, #tpu.memory_space<hbm>>
    tpu.enqueue_dma source(%dma_start3A_2377 : memref<64x128xf32, #tpu.memory_space<hbm>>) target(%arg8 : memref<64x128xf32, #tpu.memory_space<vmem>>) target_semaphore(%arg12 : memref<!tpu.dma_semaphore, #tpu.memory_space<semaphore_mem>>)
    %dma_wait3A_2378 = arith.constant 0 : i32
    %dma_wait3A_2379 = arith.constant 0 : i32
    %dma_wait3A_2380 = tpu.memref_slice %arg2[%dma_wait3A_2378, %dma_wait3A_2379] : memref<64x1000000xf32, #tpu.memory_space<hbm>> -> memref<64x128xf32, #tpu.memory_space<hbm>>
    %dma_wait3A_2381 = arith.constant 0 : i32
    %dma_wait3A_2382 = arith.constant 0 : i32
    %dma_wait3A_2383 = tpu.memref_slice %arg2[%dma_wait3A_2381, %dma_wait3A_2382] : memref<64x1000000xf32, #tpu.memory_space<hbm>> -> memref<64x128xf32, #tpu.memory_space<hbm>>
    tpu.wait_dma2 semaphore(%arg13 : memref<!tpu.dma_semaphore, #tpu.memory_space<semaphore_mem>>) src(%dma_wait3A_2383 : memref<64x128xf32, #tpu.memory_space<hbm>>) dst(%arg9 : memref<64x128xf32, #tpu.memory_space<vmem>>)
    %jit3A_2384 = arith.constant 128 : i32
    %eq3A_2385 = arith.constant 0 : i32
    %eq3A_2386 = arith.cmpi eq, %jit3A_2384, %eq3A_2385 : i32
    %jit3A_2387 = arith.constant 1 : i32
    %select_n3A_2388 = arith.select %eq3A_2386, %jit3A_2387, %jit3A_2384 : i32
    %rem3A_2389 = arith.remsi %squeeze3A_64, %select_n3A_2388 : i32
    %ne3A_2390 = arith.constant 0 : i32
    %ne3A_2391 = arith.cmpi ne, %rem3A_2389, %ne3A_2390 : i32
    %lt3A_2392 = arith.constant 0 : i32
    %lt3A_2393 = arith.cmpi slt, %rem3A_2389, %lt3A_2392 : i32
    %lt3A_2394 = arith.constant 0 : i32
    %lt3A_2395 = arith.cmpi slt, %select_n3A_2388, %lt3A_2394 : i32
    %ne3A_2396 = arith.xori %lt3A_2393, %lt3A_2395 : i1
    %and3A_2397 = arith.andi %ne3A_2396, %ne3A_2391 : i1
    %add3A_2398 = arith.addi %rem3A_2389, %select_n3A_2388 : i32
    %select_n3A_2399 = arith.select %and3A_2397, %add3A_2398, %rem3A_2389 : i32
    %broadcast_in_dim3A_2400 = vector.broadcast %select_n3A_2399 : i32 to vector<16xi32>
    %add3A_2401 = arith.constant 0 : i32
    %add3A_2402 = vector.broadcast %add3A_2401 : i32 to vector<16xi32>
    %add3A_2403 = arith.addi %add3A_2402, %iota3A : vector<16xi32>
    %gather3A_2404 = tpu.vector_load_idx %arg9[%add3A_2403, %broadcast_in_dim3A_2400] : memref<64x128xf32, #tpu.memory_space<vmem>>[vector<16xi32>, vector<16xi32>], vector<16xf32>,
    %swap3A_2405 = arith.constant 1856 : index
    %swap3A_2406 = tpu.vector_load %arg10[%swap3A_2405] {strides = array<i32>} : memref<2048xf32, #tpu.memory_space<vmem>>, vector<16xf32>,
    tpu.vector_store %arg10[%swap3A_2405], %gather3A_2404 {strides = array<i32>} : memref<2048xf32, #tpu.memory_space<vmem>>, vector<16xf32>,
    %add3A_2407 = arith.constant 16 : i32
    %add3A_2408 = vector.broadcast %add3A_2407 : i32 to vector<16xi32>
    %add3A_2409 = arith.addi %add3A_2408, %iota3A : vector<16xi32>
    %gather3A_2410 = tpu.vector_load_idx %arg9[%add3A_2409, %broadcast_in_dim3A_2400] : memref<64x128xf32, #tpu.memory_space<vmem>>[vector<16xi32>, vector<16xi32>], vector<16xf32>,
    %swap3A_2411 = arith.constant 1872 : index
    %swap3A_2412 = tpu.vector_load %arg10[%swap3A_2411] {strides = array<i32>} : memref<2048xf32, #tpu.memory_space<vmem>>, vector<16xf32>,
    tpu.vector_store %arg10[%swap3A_2411], %gather3A_2410 {strides = array<i32>} : memref<2048xf32, #tpu.memory_space<vmem>>, vector<16xf32>,
    %add3A_2413 = arith.constant 32 : i32
    %add3A_2414 = vector.broadcast %add3A_2413 : i32 to vector<16xi32>
    %add3A_2415 = arith.addi %add3A_2414, %iota3A : vector<16xi32>
    %gather3A_2416 = tpu.vector_load_idx %arg9[%add3A_2415, %broadcast_in_dim3A_2400] : memref<64x128xf32, #tpu.memory_space<vmem>>[vector<16xi32>, vector<16xi32>], vector<16xf32>,
    %swap3A_2417 = arith.constant 1888 : index
    %swap3A_2418 = tpu.vector_load %arg10[%swap3A_2417] {strides = array<i32>} : memref<2048xf32, #tpu.memory_space<vmem>>, vector<16xf32>,
    tpu.vector_store %arg10[%swap3A_2417], %gather3A_2416 {strides = array<i32>} : memref<2048xf32, #tpu.memory_space<vmem>>, vector<16xf32>,
    %add3A_2419 = arith.constant 48 : i32
    %add3A_2420 = vector.broadcast %add3A_2419 : i32 to vector<16xi32>
    %add3A_2421 = arith.addi %add3A_2420, %iota3A : vector<16xi32>
    %gather3A_2422 = tpu.vector_load_idx %arg9[%add3A_2421, %broadcast_in_dim3A_2400] : memref<64x128xf32, #tpu.memory_space<vmem>>[vector<16xi32>, vector<16xi32>], vector<16xf32>,
    %swap3A_2423 = arith.constant 1904 : index
    %swap3A_2424 = tpu.vector_load %arg10[%swap3A_2423] {strides = array<i32>} : memref<2048xf32, #tpu.memory_space<vmem>>, vector<16xf32>,
    tpu.vector_store %arg10[%swap3A_2423], %gather3A_2422 {strides = array<i32>} : memref<2048xf32, #tpu.memory_space<vmem>>, vector<16xf32>,
    %jit3A_2425 = arith.constant 128 : i32
    %div3A_2426 = arith.divsi %squeeze3A_68, %jit3A_2425 : i32
    %sign3A_2427 = arith.constant 0 : i32
    %sign3A_2428 = arith.cmpi sgt, %squeeze3A_68, %sign3A_2427 : i32
    %sign3A_2429 = arith.extui %sign3A_2428 : i1 to i32
    %sign3A_2430 = arith.constant 0 : i32
    %sign3A_2431 = arith.cmpi slt, %squeeze3A_68, %sign3A_2430 : i32
    %sign3A_2432 = arith.extui %sign3A_2431 : i1 to i32
    %sign3A_2433 = arith.subi %sign3A_2429, %sign3A_2432 : i32
    %sign3A_2434 = arith.constant 0 : i32
    %sign3A_2435 = arith.cmpi sgt, %jit3A_2425, %sign3A_2434 : i32
    %sign3A_2436 = arith.extui %sign3A_2435 : i1 to i32
    %sign3A_2437 = arith.constant 0 : i32
    %sign3A_2438 = arith.cmpi slt, %jit3A_2425, %sign3A_2437 : i32
    %sign3A_2439 = arith.extui %sign3A_2438 : i1 to i32
    %sign3A_2440 = arith.subi %sign3A_2436, %sign3A_2439 : i32
    %ne3A_2441 = arith.cmpi ne, %sign3A_2433, %sign3A_2440 : i32
    %rem3A_2442 = arith.remsi %squeeze3A_68, %jit3A_2425 : i32
    %ne3A_2443 = arith.constant 0 : i32
    %ne3A_2444 = arith.cmpi ne, %rem3A_2442, %ne3A_2443 : i32
    %and3A_2445 = arith.andi %ne3A_2441, %ne3A_2444 : i1
    %sub3A_2446 = arith.constant 1 : i32
    %sub3A_2447 = arith.subi %div3A_2426, %sub3A_2446 : i32
    %select_n3A_2448 = arith.select %and3A_2445, %sub3A_2447, %div3A_2426 : i32
    %mul3A_2449 = arith.constant 128 : i32
    %mul3A_2450 = arith.muli %select_n3A_2448, %mul3A_2449 : i32
    %multiple_of3A_2451 = tpu.assume_multiple %mul3A_2450, 128 : i32
    %dma_start3A_2452 = arith.constant 0 : i32
    %dma_start3A_2453 = tpu.memref_slice %arg2[%dma_start3A_2452, %multiple_of3A_2451] : memref<64x1000000xf32, #tpu.memory_space<hbm>> -> memref<64x128xf32, #tpu.memory_space<hbm>>
    %dma_start3A_2454 = arith.constant 0 : i32
    %dma_start3A_2455 = tpu.memref_slice %arg2[%dma_start3A_2454, %multiple_of3A_2451] : memref<64x1000000xf32, #tpu.memory_space<hbm>> -> memref<64x128xf32, #tpu.memory_space<hbm>>
    tpu.enqueue_dma source(%dma_start3A_2455 : memref<64x128xf32, #tpu.memory_space<hbm>>) target(%arg9 : memref<64x128xf32, #tpu.memory_space<vmem>>) target_semaphore(%arg13 : memref<!tpu.dma_semaphore, #tpu.memory_space<semaphore_mem>>)
    %dma_wait3A_2456 = arith.constant 0 : i32
    %dma_wait3A_2457 = arith.constant 0 : i32
    %dma_wait3A_2458 = tpu.memref_slice %arg2[%dma_wait3A_2456, %dma_wait3A_2457] : memref<64x1000000xf32, #tpu.memory_space<hbm>> -> memref<64x128xf32, #tpu.memory_space<hbm>>
    %dma_wait3A_2459 = arith.constant 0 : i32
    %dma_wait3A_2460 = arith.constant 0 : i32
    %dma_wait3A_2461 = tpu.memref_slice %arg2[%dma_wait3A_2459, %dma_wait3A_2460] : memref<64x1000000xf32, #tpu.memory_space<hbm>> -> memref<64x128xf32, #tpu.memory_space<hbm>>
    tpu.wait_dma2 semaphore(%arg12 : memref<!tpu.dma_semaphore, #tpu.memory_space<semaphore_mem>>) src(%dma_wait3A_2461 : memref<64x128xf32, #tpu.memory_space<hbm>>) dst(%arg8 : memref<64x128xf32, #tpu.memory_space<vmem>>)
    %jit3A_2462 = arith.constant 128 : i32
    %eq3A_2463 = arith.constant 0 : i32
    %eq3A_2464 = arith.cmpi eq, %jit3A_2462, %eq3A_2463 : i32
    %jit3A_2465 = arith.constant 1 : i32
    %select_n3A_2466 = arith.select %eq3A_2464, %jit3A_2465, %jit3A_2462 : i32
    %rem3A_2467 = arith.remsi %squeeze3A_66, %select_n3A_2466 : i32
    %ne3A_2468 = arith.constant 0 : i32
    %ne3A_2469 = arith.cmpi ne, %rem3A_2467, %ne3A_2468 : i32
    %lt3A_2470 = arith.constant 0 : i32
    %lt3A_2471 = arith.cmpi slt, %rem3A_2467, %lt3A_2470 : i32
    %lt3A_2472 = arith.constant 0 : i32
    %lt3A_2473 = arith.cmpi slt, %select_n3A_2466, %lt3A_2472 : i32
    %ne3A_2474 = arith.xori %lt3A_2471, %lt3A_2473 : i1
    %and3A_2475 = arith.andi %ne3A_2474, %ne3A_2469 : i1
    %add3A_2476 = arith.addi %rem3A_2467, %select_n3A_2466 : i32
    %select_n3A_2477 = arith.select %and3A_2475, %add3A_2476, %rem3A_2467 : i32
    %broadcast_in_dim3A_2478 = vector.broadcast %select_n3A_2477 : i32 to vector<16xi32>
    %add3A_2479 = arith.constant 0 : i32
    %add3A_2480 = vector.broadcast %add3A_2479 : i32 to vector<16xi32>
    %add3A_2481 = arith.addi %add3A_2480, %iota3A : vector<16xi32>
    %gather3A_2482 = tpu.vector_load_idx %arg8[%add3A_2481, %broadcast_in_dim3A_2478] : memref<64x128xf32, #tpu.memory_space<vmem>>[vector<16xi32>, vector<16xi32>], vector<16xf32>,
    %swap3A_2483 = arith.constant 1920 : index
    %swap3A_2484 = tpu.vector_load %arg10[%swap3A_2483] {strides = array<i32>} : memref<2048xf32, #tpu.memory_space<vmem>>, vector<16xf32>,
    tpu.vector_store %arg10[%swap3A_2483], %gather3A_2482 {strides = array<i32>} : memref<2048xf32, #tpu.memory_space<vmem>>, vector<16xf32>,
    %add3A_2485 = arith.constant 16 : i32
    %add3A_2486 = vector.broadcast %add3A_2485 : i32 to vector<16xi32>
    %add3A_2487 = arith.addi %add3A_2486, %iota3A : vector<16xi32>
    %gather3A_2488 = tpu.vector_load_idx %arg8[%add3A_2487, %broadcast_in_dim3A_2478] : memref<64x128xf32, #tpu.memory_space<vmem>>[vector<16xi32>, vector<16xi32>], vector<16xf32>,
    %swap3A_2489 = arith.constant 1936 : index
    %swap3A_2490 = tpu.vector_load %arg10[%swap3A_2489] {strides = array<i32>} : memref<2048xf32, #tpu.memory_space<vmem>>, vector<16xf32>,
    tpu.vector_store %arg10[%swap3A_2489], %gather3A_2488 {strides = array<i32>} : memref<2048xf32, #tpu.memory_space<vmem>>, vector<16xf32>,
    %add3A_2491 = arith.constant 32 : i32
    %add3A_2492 = vector.broadcast %add3A_2491 : i32 to vector<16xi32>
    %add3A_2493 = arith.addi %add3A_2492, %iota3A : vector<16xi32>
    %gather3A_2494 = tpu.vector_load_idx %arg8[%add3A_2493, %broadcast_in_dim3A_2478] : memref<64x128xf32, #tpu.memory_space<vmem>>[vector<16xi32>, vector<16xi32>], vector<16xf32>,
    %swap3A_2495 = arith.constant 1952 : index
    %swap3A_2496 = tpu.vector_load %arg10[%swap3A_2495] {strides = array<i32>} : memref<2048xf32, #tpu.memory_space<vmem>>, vector<16xf32>,
    tpu.vector_store %arg10[%swap3A_2495], %gather3A_2494 {strides = array<i32>} : memref<2048xf32, #tpu.memory_space<vmem>>, vector<16xf32>,
    %add3A_2497 = arith.constant 48 : i32
    %add3A_2498 = vector.broadcast %add3A_2497 : i32 to vector<16xi32>
    %add3A_2499 = arith.addi %add3A_2498, %iota3A : vector<16xi32>
    %gather3A_2500 = tpu.vector_load_idx %arg8[%add3A_2499, %broadcast_in_dim3A_2478] : memref<64x128xf32, #tpu.memory_space<vmem>>[vector<16xi32>, vector<16xi32>], vector<16xf32>,
    %swap3A_2501 = arith.constant 1968 : index
    %swap3A_2502 = tpu.vector_load %arg10[%swap3A_2501] {strides = array<i32>} : memref<2048xf32, #tpu.memory_space<vmem>>, vector<16xf32>,
    tpu.vector_store %arg10[%swap3A_2501], %gather3A_2500 {strides = array<i32>} : memref<2048xf32, #tpu.memory_space<vmem>>, vector<16xf32>,
    %dma_wait3A_2503 = arith.constant 0 : i32
    %dma_wait3A_2504 = arith.constant 0 : i32
    %dma_wait3A_2505 = tpu.memref_slice %arg2[%dma_wait3A_2503, %dma_wait3A_2504] : memref<64x1000000xf32, #tpu.memory_space<hbm>> -> memref<64x128xf32, #tpu.memory_space<hbm>>
    %dma_wait3A_2506 = arith.constant 0 : i32
    %dma_wait3A_2507 = arith.constant 0 : i32
    %dma_wait3A_2508 = tpu.memref_slice %arg2[%dma_wait3A_2506, %dma_wait3A_2507] : memref<64x1000000xf32, #tpu.memory_space<hbm>> -> memref<64x128xf32, #tpu.memory_space<hbm>>
    tpu.wait_dma2 semaphore(%arg13 : memref<!tpu.dma_semaphore, #tpu.memory_space<semaphore_mem>>) src(%dma_wait3A_2508 : memref<64x128xf32, #tpu.memory_space<hbm>>) dst(%arg9 : memref<64x128xf32, #tpu.memory_space<vmem>>)
    %jit3A_2509 = arith.constant 128 : i32
    %eq3A_2510 = arith.constant 0 : i32
    %eq3A_2511 = arith.cmpi eq, %jit3A_2509, %eq3A_2510 : i32
    %jit3A_2512 = arith.constant 1 : i32
    %select_n3A_2513 = arith.select %eq3A_2511, %jit3A_2512, %jit3A_2509 : i32
    %rem3A_2514 = arith.remsi %squeeze3A_68, %select_n3A_2513 : i32
    %ne3A_2515 = arith.constant 0 : i32
    %ne3A_2516 = arith.cmpi ne, %rem3A_2514, %ne3A_2515 : i32
    %lt3A_2517 = arith.constant 0 : i32
    %lt3A_2518 = arith.cmpi slt, %rem3A_2514, %lt3A_2517 : i32
    %lt3A_2519 = arith.constant 0 : i32
    %lt3A_2520 = arith.cmpi slt, %select_n3A_2513, %lt3A_2519 : i32
    %ne3A_2521 = arith.xori %lt3A_2518, %lt3A_2520 : i1
    %and3A_2522 = arith.andi %ne3A_2521, %ne3A_2516 : i1
    %add3A_2523 = arith.addi %rem3A_2514, %select_n3A_2513 : i32
    %select_n3A_2524 = arith.select %and3A_2522, %add3A_2523, %rem3A_2514 : i32
    %broadcast_in_dim3A_2525 = vector.broadcast %select_n3A_2524 : i32 to vector<16xi32>
    %add3A_2526 = arith.constant 0 : i32
    %add3A_2527 = vector.broadcast %add3A_2526 : i32 to vector<16xi32>
    %add3A_2528 = arith.addi %add3A_2527, %iota3A : vector<16xi32>
    %gather3A_2529 = tpu.vector_load_idx %arg9[%add3A_2528, %broadcast_in_dim3A_2525] : memref<64x128xf32, #tpu.memory_space<vmem>>[vector<16xi32>, vector<16xi32>], vector<16xf32>,
    %swap3A_2530 = arith.constant 1984 : index
    %swap3A_2531 = tpu.vector_load %arg10[%swap3A_2530] {strides = array<i32>} : memref<2048xf32, #tpu.memory_space<vmem>>, vector<16xf32>,
    tpu.vector_store %arg10[%swap3A_2530], %gather3A_2529 {strides = array<i32>} : memref<2048xf32, #tpu.memory_space<vmem>>, vector<16xf32>,
    %add3A_2532 = arith.constant 16 : i32
    %add3A_2533 = vector.broadcast %add3A_2532 : i32 to vector<16xi32>
    %add3A_2534 = arith.addi %add3A_2533, %iota3A : vector<16xi32>
    %gather3A_2535 = tpu.vector_load_idx %arg9[%add3A_2534, %broadcast_in_dim3A_2525] : memref<64x128xf32, #tpu.memory_space<vmem>>[vector<16xi32>, vector<16xi32>], vector<16xf32>,
    %swap3A_2536 = arith.constant 2000 : index
    %swap3A_2537 = tpu.vector_load %arg10[%swap3A_2536] {strides = array<i32>} : memref<2048xf32, #tpu.memory_space<vmem>>, vector<16xf32>,
    tpu.vector_store %arg10[%swap3A_2536], %gather3A_2535 {strides = array<i32>} : memref<2048xf32, #tpu.memory_space<vmem>>, vector<16xf32>,
    %add3A_2538 = arith.constant 32 : i32
    %add3A_2539 = vector.broadcast %add3A_2538 : i32 to vector<16xi32>
    %add3A_2540 = arith.addi %add3A_2539, %iota3A : vector<16xi32>
    %gather3A_2541 = tpu.vector_load_idx %arg9[%add3A_2540, %broadcast_in_dim3A_2525] : memref<64x128xf32, #tpu.memory_space<vmem>>[vector<16xi32>, vector<16xi32>], vector<16xf32>,
    %swap3A_2542 = arith.constant 2016 : index
    %swap3A_2543 = tpu.vector_load %arg10[%swap3A_2542] {strides = array<i32>} : memref<2048xf32, #tpu.memory_space<vmem>>, vector<16xf32>,
    tpu.vector_store %arg10[%swap3A_2542], %gather3A_2541 {strides = array<i32>} : memref<2048xf32, #tpu.memory_space<vmem>>, vector<16xf32>,
    %add3A_2544 = arith.constant 48 : i32
    %add3A_2545 = vector.broadcast %add3A_2544 : i32 to vector<16xi32>
    %add3A_2546 = arith.addi %add3A_2545, %iota3A : vector<16xi32>
    %gather3A_2547 = tpu.vector_load_idx %arg9[%add3A_2546, %broadcast_in_dim3A_2525] : memref<64x128xf32, #tpu.memory_space<vmem>>[vector<16xi32>, vector<16xi32>], vector<16xf32>,
    %swap3A_2548 = arith.constant 2032 : index
    %swap3A_2549 = tpu.vector_load %arg10[%swap3A_2548] {strides = array<i32>} : memref<2048xf32, #tpu.memory_space<vmem>>, vector<16xf32>,
    tpu.vector_store %arg10[%swap3A_2548], %gather3A_2547 {strides = array<i32>} : memref<2048xf32, #tpu.memory_space<vmem>>, vector<16xf32>,
    %mul3A_2550 = arith.constant 64 : i32
    %mul3A_2551 = arith.muli %mul3A_2, %mul3A_2550 : i32
    "tpu.region"() ({
      %run_scoped3A = tpu.sem_alloc : memref<!tpu.dma_semaphore, #tpu.memory_space<semaphore_mem>>
      %dma_start3A_2554 = tpu.memref_slice %arg5[%mul3A_2551] : memref<65536xf32, #tpu.memory_space<hbm>> -> memref<2048xf32, #tpu.memory_space<hbm>>
      %dma_start3A_2555 = tpu.memref_slice %arg5[%mul3A_2551] : memref<65536xf32, #tpu.memory_space<hbm>> -> memref<2048xf32, #tpu.memory_space<hbm>>
      tpu.enqueue_dma source(%arg10 : memref<2048xf32, #tpu.memory_space<vmem>>) target(%dma_start3A_2555 : memref<2048xf32, #tpu.memory_space<hbm>>) target_semaphore(%run_scoped3A : memref<!tpu.dma_semaphore, #tpu.memory_space<semaphore_mem>>)
      %dma_wait3A_2556 = tpu.memref_slice %arg5[%mul3A_2551] : memref<65536xf32, #tpu.memory_space<hbm>> -> memref<2048xf32, #tpu.memory_space<hbm>>
      %dma_wait3A_2557 = tpu.memref_slice %arg5[%mul3A_2551] : memref<65536xf32, #tpu.memory_space<hbm>> -> memref<2048xf32, #tpu.memory_space<hbm>>
      tpu.wait_dma2 semaphore(%run_scoped3A : memref<!tpu.dma_semaphore, #tpu.memory_space<semaphore_mem>>) src(%arg10 : memref<2048xf32, #tpu.memory_space<vmem>>) dst(%dma_wait3A_2557 : memref<2048xf32, #tpu.memory_space<hbm>>)
      tpu.yield
    }) : () -> ()
    %dma_wait3A_2552 = arith.constant 0 : i32
    %dma_wait3A_2553 = tpu.memref_slice %arg3[%dma_wait3A_2552] : memref<1000000xf32, #tpu.memory_space<hbm>> -> memref<1000000xf32, #tpu.memory_space<hbm>>
    tpu.wait_indirect_dma semaphore(%arg14 : memref<!tpu.dma_semaphore, #tpu.memory_space<semaphore_mem>>) src(%dma_wait3A_2553 : memref<1000000xf32, #tpu.memory_space<hbm>>) dst(%arg11 : memref<32xf32, #tpu.memory_space<vmem>>)
    "tpu.region"() ({
      %run_scoped3A = tpu.sem_alloc : memref<!tpu.dma_semaphore, #tpu.memory_space<semaphore_mem>>
      %dma_start3A_2554 = tpu.memref_slice %arg6[%mul3A_2] : memref<1024xf32, #tpu.memory_space<hbm>> -> memref<32xf32, #tpu.memory_space<hbm>>
      %dma_start3A_2555 = tpu.memref_slice %arg6[%mul3A_2] : memref<1024xf32, #tpu.memory_space<hbm>> -> memref<32xf32, #tpu.memory_space<hbm>>
      tpu.enqueue_dma source(%arg11 : memref<32xf32, #tpu.memory_space<vmem>>) target(%dma_start3A_2555 : memref<32xf32, #tpu.memory_space<hbm>>) target_semaphore(%run_scoped3A : memref<!tpu.dma_semaphore, #tpu.memory_space<semaphore_mem>>)
      %dma_wait3A_2556 = tpu.memref_slice %arg6[%mul3A_2] : memref<1024xf32, #tpu.memory_space<hbm>> -> memref<32xf32, #tpu.memory_space<hbm>>
      %dma_wait3A_2557 = tpu.memref_slice %arg6[%mul3A_2] : memref<1024xf32, #tpu.memory_space<hbm>> -> memref<32xf32, #tpu.memory_space<hbm>>
      tpu.wait_dma2 semaphore(%run_scoped3A : memref<!tpu.dma_semaphore, #tpu.memory_space<semaphore_mem>>) src(%arg11 : memref<32xf32, #tpu.memory_space<vmem>>) dst(%dma_wait3A_2557 : memref<32xf32, #tpu.memory_space<hbm>>)
      tpu.yield
    }) : () -> ()
    return
  }
}

module attributes {stable_mosaic.version = 14 : i64} {
  func.func @body(%arg0: i32, %arg1: memref<64x1024xf32, #tpu.memory_space<vmem>>, %arg2: memref<65x1025xf32, #tpu.memory_space<vmem>>, %arg3: memref<1024x1025xf32, #tpu.memory_space<vmem>>) attributes {dimension_semantics = [#tpu.dimension_semantics<arbitrary>], iteration_bounds = array<i64: 16>, scalar_prefetch = 0 : i64, scratch_operands = 0 : i64, tpu.core_type = #tpu.core_type<tc>, window_params = [{transform_indices = @transform_0, window_bounds = array<i64: 64, 1024>}, {pipeline_mode = #tpu.pipeline_mode<synchronous>, transform_indices = @transform_1, window_bounds = array<i64: 65, 1025>}, {transform_indices = @transform_2, window_bounds = array<i64: 1024, 1025>}]} {
    %get3A = arith.constant 0 : index
    %get3A_0 = arith.constant 0 : index
    %get3A_1 = vector.load %arg1[%get3A, %get3A_0] : memref<64x1024xf32, #tpu.memory_space<vmem>>, vector<64x1024xf32>
    %broadcast_in_dim3A = arith.constant 1.000000e+00 : f32
    %broadcast_in_dim3A_2 = vector.broadcast %broadcast_in_dim3A : f32 to vector<1x1024xf32>
    %concatenate3A = tpu.concatenate %get3A_1, %broadcast_in_dim3A_2 in 0 : vector<64x1024xf32>, vector<1x1024xf32> -> vector<65x1024xf32>
    %get3A_3 = arith.constant 0 : index
    %get3A_4 = arith.constant 0 : index
    %get3A_5 = vector.load %arg2[%get3A_3, %get3A_4] : memref<65x1025xf32, #tpu.memory_space<vmem>>, vector<65x1025xf32>
    %dot_general3A = arith.constant dense<0.000000e+00> : vector<1024x1025xf32>
    %dot_general3A_6 = tpu.matmul %concatenate3A, %get3A_5, %dot_general3A {dimension_numbers = #tpu.dot_dimension_numbers<[0], [0], [1], [1], [0, 1, 1, 1], [], []>, transpose_lhs_hint = false} : vector<65x1024xf32>, vector<65x1025xf32>, vector<1024x1025xf32> -> vector<1024x1025xf32>
    %swap3A = arith.constant 0 : index
    %swap3A_7 = arith.constant 0 : index
    %swap3A_8 = vector.load %arg3[%swap3A, %swap3A_7] : memref<1024x1025xf32, #tpu.memory_space<vmem>>, vector<1024x1025xf32>
    tpu.vector_store %arg3[%swap3A, %swap3A_7], %dot_general3A_6 {strides = array<i32>} : memref<1024x1025xf32, #tpu.memory_space<vmem>>, vector<1024x1025xf32>,
    return
  }
  func.func @transform_0(%arg0: i32) -> (i32, i32) {
    %c0_i32 = arith.constant 0 : i32
    %c0_i32_0 = arith.constant 0 : i32
    return %c0_i32, %arg0 : i32, i32
  }
  func.func @transform_1(%arg0: i32) -> (i32, i32) {
    %c0_i32 = arith.constant 0 : i32
    %c0_i32_0 = arith.constant 0 : i32
    %c0_i32_1 = arith.constant 0 : i32
    return %c0_i32, %c0_i32_0 : i32, i32
  }
  func.func @transform_2(%arg0: i32) -> (i32, i32) {
    %c0_i32 = arith.constant 0 : i32
    %c0_i32_0 = arith.constant 0 : i32
    return %arg0, %c0_i32 : i32, i32
  }
}

module attributes {stable_mosaic.version = 14 : i64} {
  func.func @body(%arg0: i32, %arg1: memref<1024x64xf32, #tpu.memory_space<vmem>>, %arg2: memref<1024x64xf32, #tpu.memory_space<vmem>>, %arg3: memref<1024xf32, #tpu.memory_space<vmem>>, %arg4: memref<1024x128xf32, #tpu.memory_space<vmem>>, %arg5: memref<1024x128xf32, #tpu.memory_space<vmem>>) attributes {dimension_semantics = [#tpu.dimension_semantics<arbitrary>], iteration_bounds = array<i64: 16>, scalar_prefetch = 0 : i64, scratch_operands = 0 : i64, tpu.core_type = #tpu.core_type<tc>, window_params = [{transform_indices = @transform_0, window_bounds = array<i64: 1024, 64>}, {transform_indices = @transform_1, window_bounds = array<i64: 1024, 64>}, {transform_indices = @transform_2, window_bounds = array<i64: 1024>}, {transform_indices = @transform_3, window_bounds = array<i64: 1024, 128>}, {transform_indices = @transform_4, window_bounds = array<i64: 1024, 128>}]} {
    %get3A = arith.constant 0 : index
    %get3A_0 = arith.constant 0 : index
    %get3A_1 = vector.load %arg1[%get3A, %get3A_0] : memref<1024x64xf32, #tpu.memory_space<vmem>>, vector<1024x64xf32>
    %get3A_2 = arith.constant 0 : index
    %get3A_3 = arith.constant 0 : index
    %get3A_4 = vector.load %arg2[%get3A_2, %get3A_3] : memref<1024x64xf32, #tpu.memory_space<vmem>>, vector<1024x64xf32>
    %mul3A = arith.mulf %get3A_1, %get3A_4 : vector<1024x64xf32>
    %reduce_sum3A = arith.constant dense<0.000000e+00> : vector<1024xf32>
    %reduce_sum3A_5 = vector.multi_reduction <add>, %mul3A, %reduce_sum3A [1] : vector<1024x64xf32> to vector<1024xf32>
    %broadcast_in_dim3A = vector.shape_cast %reduce_sum3A_5 : vector<1024xf32> to vector<1024x1xf32>
    %get3A_6 = arith.constant 0 : index
    %get3A_7 = vector.load %arg3[%get3A_6] : memref<1024xf32, #tpu.memory_space<vmem>>, vector<1024xf32>
    %reshape3A = vector.shape_cast %get3A_7 : vector<1024xf32> to vector<1024x1xf32>
    %add3A = arith.addf %broadcast_in_dim3A, %reshape3A : vector<1024x1xf32>
    %iota3A = tpu.iota {dimensions = array<i32: 1>} : vector<1024x128xi32>
    %eq3A = arith.constant 0 : i32
    %eq3A_8 = vector.broadcast %eq3A : i32 to vector<1024x128xi32>
    %eq3A_9 = arith.cmpi eq, %iota3A, %eq3A_8 : vector<1024x128xi32>
    %get3A_10 = arith.constant 0 : index
    %get3A_11 = arith.constant 0 : index
    %get3A_12 = vector.load %arg4[%get3A_10, %get3A_11] : memref<1024x128xf32, #tpu.memory_space<vmem>>, vector<1024x128xf32>
    %broadcast_in_dim3A_13 = vector.shape_cast %add3A : vector<1024x1xf32> to vector<1024x1xf32>
    %broadcast_in_dim3A_14 = vector.broadcast %broadcast_in_dim3A_13 : vector<1024x1xf32> to vector<1024x128xf32>
    %select_n3A = arith.select %eq3A_9, %broadcast_in_dim3A_14, %get3A_12 : vector<1024x128xi1>, vector<1024x128xf32>
    %swap3A = arith.constant 0 : index
    %swap3A_15 = arith.constant 0 : index
    %swap3A_16 = vector.load %arg5[%swap3A, %swap3A_15] : memref<1024x128xf32, #tpu.memory_space<vmem>>, vector<1024x128xf32>
    tpu.vector_store %arg5[%swap3A, %swap3A_15], %select_n3A {strides = array<i32>} : memref<1024x128xf32, #tpu.memory_space<vmem>>, vector<1024x128xf32>,
    return
  }
  func.func @transform_0(%arg0: i32) -> (i32, i32) {
    %c0_i32 = arith.constant 0 : i32
    %c0_i32_0 = arith.constant 0 : i32
    return %arg0, %c0_i32 : i32, i32
  }
  func.func @transform_1(%arg0: i32) -> (i32, i32) {
    %c0_i32 = arith.constant 0 : i32
    %c0_i32_0 = arith.constant 0 : i32
    return %arg0, %c0_i32 : i32, i32
  }
  func.func @transform_2(%arg0: i32) -> i32 {
    %c0_i32 = arith.constant 0 : i32
    return %arg0 : i32
  }
  func.func @transform_3(%arg0: i32) -> (i32, i32) {
    %c0_i32 = arith.constant 0 : i32
    %c0_i32_0 = arith.constant 0 : i32
    return %arg0, %c0_i32 : i32, i32
  }
  func.func @transform_4(%arg0: i32) -> (i32, i32) {
    %c0_i32 = arith.constant 0 : i32
    %c0_i32_0 = arith.constant 0 : i32
    return %arg0, %c0_i32 : i32, i32
  }
}

</mosaic_0001>

<sc_bundles>
// kernel: kernel.6.cloned.1.call-start
scs
__scs_entry_jumppad:
0x0: {  	(pc) =	sbr.rel $0x88, $3  }
0x1: {  	(tag) =	ssettag $0x0;
	lr =	simm.s32 $0x1  }
0x2: {  	[smem:$0x3F9C] =	sst lr;
	_ =	strace $0xD0000000  }
0x3: {  	_ = 	snop  }
0x4: {  	_ = 	snop  }
0x5: {  	_ = 	snop  }
0x6: {  	_ = 	snop  }
0x7: {  	_ = 	snop  }
__scs_overlays_trampoline_lowered:
0x8: {  	[smem:$0x3FAB] =	sst s0  }
0x9: {  	[smem:$0x3FAC] =	sst s1  }
0xa: {  	[smem:$0x3FAD] =	sst s2  }
0xb: {  	[smem:$0x3FAE] =	sst s3  }
0xc: {  	[smem:$0x3FAF] =	sst s4  }
0xd: {  	[smem:$0x3FB0] =	sst s5  }
0xe: {  	[smem:$0x3FB1] =	sst s6  }
0xf: {  	[smem:$0x3FB2] =	sst s7  }
0x10: {  	[smem:$0x3FB3] =	sst s8  }
0x11: {  	[smem:$0x3FB4] =	sst s9;
	s0 =	simm.s32 @!p0 $0x0  }
0x12: {  	s1 =	sld [smem:$0x3F9A];
	s0 =	simm.s32 @p0 $0x1  }
0x13: {  	[smem:$0x3FB5] =	sst s0;
	s0 =	simm.s32 @!p1 $0x0  }
0x14: {  	s2 =	sld [smem:$0x3F99];
	s0 =	simm.s32 @p1 $0x1  }
0x15: {  	[smem:$0x3FB6] =	sst s0;
	s0 =	simm.s32 @!p2 $0x0  }
0x16: {  	s3 =	sld [smem:$0x3FDB];
	s0 =	simm.s32 @p2 $0x1  }
0x17: {  	s4 =	simm.s32 $0x1BF5;
	[smem:$0x3FB8] =	sst s0  }
0x18: {  	s0 =	sld [smem:$0x3F9B];
	_ =	swait.ge [sflag:s4], $0x0  }
0x19: {  	s7 =	sld [smem:$0x3F9C]  }
0x1a: {  	s8 =	sadd.s32 $0xFFFFE003, lr  }
0x1b: {  	s9 =	sadd.s32 $0xFFFFFEF7, lr;
	s5 =	simm.s32 $0xFFFFFFFF;
	p2 =	slt.u32 s8, $0xFFFFF086  }
0x1c: {  	p1 =	slt.u32 s9, $0xF7A;
	s5 =	simm.s32 @!p2 $0x0  }
0x1d: {  	s5 =	simm.s32 @p1 $0x1;
	p0 =	seq.s32 s7, s2  }
0x1e: {  	s7 =	smul.u32 @!p0 $0xF7A, s2;
	p2 =	seq.s32 @!p0 s5, $0x0  }
0x1f: {  	s9 =	smul.u32 $0xF7A, s1;
	s8 =	simm.s32 @!p0 $0x1BF5;
	p2 =	por !p2, p0  }
0x20: {  	[sflag:s8] =	ssyncset.s32 @!p0 $0xFFFFF086;
	s6 =	sadd.s32 @!p0 s3, s7;
	s7 =	simm.s32 @!p0 $0x108  }
0x21: {  	s3 =	sadd.s32 s3, s9;
	s6 =	sadd.s32 @!p0 $0x88, s6;
	s7 =	simm.s32 @p2 $0x1082  }
0x22: {  	[simem:s7], [sflag:s8] =	dma.local @!p0 [hbm:s6], $0xF7A  }
0x23: {  	s9 =	sor.u32 $0xD0000000, s2;
	s6 =	simm.s32 $0x108;
	_ =	swait.ge @!p0 [sflag:s8], $0x0  }
0x24: {  	s3 =	sadd.s32 $0x88, s3;
	s6 =	simm.s32 @!p1 $0x1082;
	[sflag:s4] =	ssyncset.s32 $0xFFFFF086  }
0x25: {  	[simem:s6], [sflag:s4] =	dma.local [hbm:s3], $0xF7A  }
0x26: {  	[smem:$0x3F9C] =	sst s1;
	(tag) =	ssettag s2;
	_ =	strace s9  }
0x27: {  	s1 =	sld [smem:$0x3FAC]  }
0x28: {  	s2 =	sld [smem:$0x3FAD]  }
0x29: {  	s4 =	sld [smem:$0x3FAF]  }
0x2a: {  	p0 =	seq.s32 s5, $0x0;
	s5 =	sld [smem:$0x3FB0]  }
0x2b: {  	s6 =	sld [smem:$0x3FB1]  }
0x2c: {  	s7 =	sld [smem:$0x3FB2]  }
0x2d: {  	s3 =	simm.s32 $0x108;
	s8 =	sld [smem:$0x3FB3]  }
0x2e: {  	s3 =	simm.s32 @!p0 $0x1082;
	s9 =	sld [smem:$0x3FB4]  }
0x2f: {  	lr =	sadd.s32 s0, s3;
	s0 =	sld [smem:$0x3FAB]  }
0x30: {  	s3 =	sld [smem:$0x3FAE]  }
0x31: {  	[smem:$0x3FB7] =	sst s10  }
0x32: {  	s10 =	sld [smem:$0x3FB5];
	_ =	sdelay $0x3  }
0x33: {  	p0 =	seq.s32 s10, $0x1;
	s10 =	sld [smem:$0x3FB7];
	_ =	sdelay $0x3  }
0x34: {  	[smem:$0x3FB7] =	sst s10  }
0x35: {  	s10 =	sld [smem:$0x3FB6];
	_ =	sdelay $0x3  }
0x36: {  	p1 =	seq.s32 s10, $0x1;
	s10 =	sld [smem:$0x3FB7];
	_ =	sdelay $0x3  }
0x37: {  	[smem:$0x3FB7] =	sst s10  }
0x38: {  	s10 =	sld [smem:$0x3FB8]  }
0x39: {  	_ = 	snop;
	(pc) =	sbr.ind lr, $3  }
0x3a: {  	_ = 	snop  }
0x3b: {  	_ = 	snop  }
0x3c: {  	p2 =	seq.s32 s10, $0x1;
	s10 =	sld [smem:$0x3FB7]  }
0x3d: {  	_ =	shalt  }
0x3e: {  	_ =	shalt  }
0x3f: {  	_ =	shalt  }
0x40: {  	_ =	shalt  }
0x41: {  	_ =	shalt  }
0x42: {  	_ =	shalt  }
0x43: {  	_ =	shalt  }
0x44: {  	_ =	shalt  }
0x45: {  	_ =	shalt  }
0x46: {  	_ =	shalt  }
0x47: {  	_ =	shalt  }
0x48: {  	_ =	shalt  }
0x49: {  	_ =	shalt  }
0x4a: {  	_ =	shalt  }
0x4b: {  	_ =	shalt  }
0x4c: {  	_ =	shalt  }
0x4d: {  	_ =	shalt  }
0x4e: {  	_ =	shalt  }
0x4f: {  	_ =	shalt  }
0x50: {  	_ =	shalt  }
0x51: {  	_ =	shalt  }
0x52: {  	_ =	shalt  }
0x53: {  	_ =	shalt  }
0x54: {  	_ =	shalt  }
0x55: {  	_ =	shalt  }
0x56: {  	_ =	shalt  }
0x57: {  	_ =	shalt  }
0x58: {  	_ =	shalt  }
0x59: {  	_ =	shalt  }
0x5a: {  	_ =	shalt  }
0x5b: {  	_ =	shalt  }
0x5c: {  	_ =	shalt  }
0x5d: {  	_ =	shalt  }
0x5e: {  	_ =	shalt  }
0x5f: {  	_ =	shalt  }
0x60: {  	_ =	shalt  }
0x61: {  	_ =	shalt  }
0x62: {  	_ =	shalt  }
0x63: {  	_ =	shalt  }
0x64: {  	_ =	shalt  }
0x65: {  	_ =	shalt  }
0x66: {  	_ =	shalt  }
0x67: {  	_ =	shalt  }
0x68: {  	_ =	shalt  }
0x69: {  	_ =	shalt  }
0x6a: {  	_ =	shalt  }
0x6b: {  	_ =	shalt  }
0x6c: {  	_ =	shalt  }
0x6d: {  	_ =	shalt  }
0x6e: {  	_ =	shalt  }
0x6f: {  	_ =	shalt  }
0x70: {  	_ =	shalt  }
0x71: {  	_ =	shalt  }
0x72: {  	_ =	shalt  }
0x73: {  	_ =	shalt  }
0x74: {  	_ =	shalt  }
0x75: {  	_ =	shalt  }
0x76: {  	_ =	shalt  }
0x77: {  	_ =	shalt  }
0x78: {  	_ =	shalt  }
0x79: {  	_ =	shalt  }
0x7a: {  	_ =	shalt  }
0x7b: {  	_ =	shalt  }
0x7c: {  	_ =	shalt  }
0x7d: {  	_ =	shalt  }
0x7e: {  	_ =	shalt  }
0x7f: {  	_ =	shalt  }
0x80: {  	_ =	shalt  }
0x81: {  	_ =	shalt  }
0x82: {  	_ =	shalt  }
0x83: {  	_ =	shalt  }
0x84: {  	_ =	shalt  }
0x85: {  	_ =	shalt  }
0x86: {  	_ =	shalt  }
0x87: {  	_ =	shalt  }
.Lfunc_end0:
.L_simem_size_0:
called_computation_lowered:
.L_overlay_start_0:
0x88: {  	s2 =	sld [smem:$0x3FD9]  }
0x89: {  	s3 =	sld [smem:$0x3FFE];
	_ =	sdelay $0x1  }
0x8a: {  	s1 =	srdreg.scid  }
0x8b: {  	s0 =	sand.u32 $0x1, s1  }
0x8c: {  	s17 =	sshll.u32 s0, $0xA;
	s2 =	sadd.s32 s3, s2  }
0x8d: {  	s2 =	sadd.s32 s2, s17  }
0x8e: {  	[smem:$0x3FC3] =	sst s2  }
0x8f: {  	_ = 	snop  }
0x90: {  	s18 =	sld [smem:$0x3FC8]  }
0x91: {  	s4 =	sld [smem:$0x3FC7]  }
0x92: {  	s5 =	sld [smem:$0x3FC5];
	(tm) =	ssettm $0x1  }
0x93: {  	s19 =	sld [smem:$0x3FFB];
	_ =	sdelay $0x3  }
0x94: {  	_ =	strace s19  }
0x95: {  	s2 =	sld [smem:$0x3FFC];
	_ =	sdelay $0x3  }
0x96: {  	_ =	strace s2  }
0x97: {  	s2 =	sld [smem:$0x3FFD];
	_ =	sdelay $0x3  }
0x98: {  	_ =	strace s2  }
0x99: {  	_ =	strace $0x8FFFFFFF  }
0x9a: {  	s20 =	sld [smem:$0x3FDB];
	_ =	sdelay $0x1  }
0x9b: {  	s6 =	simm.s32 $_scs_section_size  }
0x9c: {  	s7 =	simm.s32 $_size__tile_overlayer_lowered;
	s8 =	simm.s32 $_tile_overlayer_lowered  }
0x9d: {  	s9 =	simm.s32 $0x1BFF;
	s21 =	sshll.u32 s8, $0x1;
	s6 =	sadd.s32 s6, s20  }
0x9e: {  	s22 =	simm.s32 $0x0;
	s7 =	sshll.u32 s7, $0x1;
	s8 =	sadd.s32 s21, s6  }
0x9f: {  	[timem:s22], [sflag:s9] =	dma.local [hbm:s8], s7  }
0xa0: {  	_ =	swait.ge [sflag:s9], s7  }
0xa1: {  	s7 =	ssub.s32 $0x0, s7;
	[sflag:s9] =	ssyncset.done $0x0  }
0xa2: {  	[sflag:s9] =	ssyncadd.s32 s7;
	_ =	sdelay $0x1  }
0xa3: {  	s23 =	simm.s32 $0x1B8B  }
0xa4: {  	_ =	swait.ge [sflag:s23], $0x1  }
0xa5: {  	[sflag:s23] =	ssyncset.done $0x0  }
0xa6: {  	[sflag:s23] =	ssyncadd.s32 $0xFFFFFFFF  }
0xa7: {  	s7 =	sld [smem:$0x0]  }
0xa8: {  	s8 =	sand.u32 $0xFFFFFFFE, s1  }
0xa9: {  	p0 =	sne.s32 s1, s8  }
0xaa: {  	s8 =	sshll.u32 @p0 s8, $0xE  }
0xab: {  	s8 =	sadd.s32 @p0 $0x11B8D, s8;
	s9 =	sshll.u32 @p0 s7, $0x11  }
0xac: {  	s8 =	sor.u32 @p0 s9, s8  }
0xad: {  	[sflag:s8] =	ssyncadd.remote.s32 @p0 $0x1;
	_ =	sdelay $0x1  }
0xae: {  	s8 =	simm.s32 @p0 $0x1B8D  }
0xaf: {  	_ =	swait.eq @p0 [sflag:s8], $0x1  }
0xb0: {  	[sflag:s8] =	ssyncadd.s32 @p0 $0xFFFFFFFF  }
0xb1: {  	s9 =	sshll.u32 @!p0 s1, $0xE  }
0xb2: {  	s9 =	sor.u32 @!p0 $0x4000, s9;
	s8 =	simm.s32 @!p0 $0x1B8D  }
0xb3: {  	s7 =	sshll.u32 @!p0 s7, $0x11;
	s9 =	sadd.s32 @!p0 $0x11B8D, s9;
	_ =	swait.eq @!p0 [sflag:s8], $0x1  }
0xb4: {  	s7 =	sor.u32 @!p0 s7, s9;
	[sflag:s8] =	ssyncadd.s32 @!p0 $0xFFFFFFFF  }
0xb5: {  	s25 =	simm.s32 $0x1B8E;
	s24 =	sld [smem:$0x3FFE];
	[sflag:s7] =	ssyncadd.remote.s32 @!p0 $0x1  }
0xb6: {  	s26 =	simm.s32 $execute0_lowered;
	[smem:$0x3FD2] =	sst s25  }
0xb7: {  	s8 =	sshll.u32 s26, $0x1;
	_ =	strace $0x80000049;
	[dreg:$0x1] =	wrdreg $0xFFFFFFFF  }
0xb8: {  	s28 =	simm.s32 $_size_execute0_lowered;
	s6 =	sadd.s32 s6, s8;
	[dreg:$0x0] =	wrdreg $0x0  }
0xb9: {  	s8 =	sshll.u32 s28, $0x1;
	[dreg:$0x2] =	wrdreg s6  }
0xba: {  	[dreg:$0x3] =	wrdreg s8  }
0xbb: {  	[dreg:$0x4] =	wrdreg $0xC0  }
0xbc: {  	_ =	task [dreg:s22], $0x5FFFF  }
0xbd: {  	[dreg:$0x1] =	wrdreg $0xFFFFFFFF  }
0xbe: {  	[dreg:$0x0] =	wrdreg $0x60  }
0xbf: {  	[dreg:$0x2] =	wrdreg s18  }
0xc0: {  	[dreg:$0x3] =	wrdreg s4  }
0xc1: {  	[dreg:$0x4] =	wrdreg s5  }
0xc2: {  	[dreg:$0x5] =	wrdreg s24  }
0xc3: {  	[dreg:$0x6] =	wrdreg $0x9  }
0xc4: {  	_ =	task.clear_ibuf [dreg:s22], $0x7FFFF;
	_ =	strace $0x90000049  }
0xc5: {  	s29 =	simm.s32 $0x9;
	_ =	strace $0x8000004B  }
0xc6: {  	_ =	swait.ge [sflag:s29], $0x1  }
0xc7: {  	[sflag:s29] =	ssyncadd.s32 $0xFFFFFFFF  }
0xc8: {  	_ =	strace $0x9000004B  }
0xc9: {  	_ =	sfence  }
0xca: {  	s30 =	sld [smem:$0x0];
	_ =	sdelay $0x2  }
0xcb: {  	s31 =	sshll.u32 s1, $0xD;
	s1 =	sshrl.u32 s1, $0x2  }
0xcc: {  	s4 =	sand.u32 $0x4000, s31;
	s1 =	sadd.s32 s1, s30  }
0xcd: {  	s0 =	sor.u32 s4, s0;
	s1 =	sshll.u32 s1, $0x11  }
0xce: {  	s0 =	sor.u32 s1, s0  }
0xcf: {  	s0 =	sadd.s32 $0x8F2B, s0  }
0xd0: {  	[sflag:s0] =	ssyncadd.remote.s32 $0x1  }
0xd1: {  	_ =	sfence.sel $0xFFFF  }
0xd2: {  	[dreg:$0x0] =	wrdreg $0xFFFFFFFF;
	(pc) =	sbr.abs _section_cstart, $3  }
0xd3: {  	[dreg:$0x1] =	wrdreg $0xFFFFFFFF  }
0xd4: {  	_ =	task.clear_ibuf [dreg:s22], $0x2FFFF;
	_ =	strace $0x9FFFFFFF  }
0xd5: {  	(tm) =	ssettm $0x7FFFFFFF  }
tec
execute0_lowered:
.L_overlay_start_1:
0x0: {  	(tag) =	ssettag $0x1  }
0x1: {  	s23 =	rddreg [dreg:$0x0]  }
0x2: {  	s0 =	rddreg [dreg:$0x1]  }
0x3: {  	s24 =	rddreg [dreg:$0x2];
	s1 =	srdreg.scid  }
0x4: {  	s3 =	stileid.u32;
	s2 =	rddreg [dreg:$0x3];
	s4 =	simm.s32 $0x0  }
0x5: {  	s30 =	simm.s32 $0x20;
	s7 =	simm.s32 $0x1;
	s8 =	simm.s32 $0x400  }
0x6: {  	s9 =	simm.s32 $0x7A1400;
	s10 =	simm.s32 $0x80;
	s11 =	simm.s32 $0x2080  }
0x7: {  	[dreg:$0x5] =	wrdreg s0;
	s1 =	sand.u32 $0x1, s1;
	s3 =	sshll.u32 s3, $0x1  }
0x8: {  	s31 =	simm.s32 $0x4080;
	[smem:$0x7FF] =	sst s4;
	s3 =	sor.u32 s1, s3  }
0x9: {  	_ =	strace $0x8000004A;
	s1 =	ssub.s32 $0x2, s1;
	[dreg:$0x9] =	wrdreg s30  }
0xa: {  	[dreg:$0xa] =	wrdreg s31;
	s25 =	sshll.u32 s3, $0x8;
	s3 =	sshll.u32 s3, $0x2  }
0xb: {  	v0 =	vlaneseq.u32;
	s26 =	sshrl.u32 s1, $0x1;
	s4 =	sadd.s32 s25, s2;
	s0 =	sadd.s32 s24, s3  }
0xc: {  	v0 =	vmul.u32 $0x80, v0;
	s2 =	sadd.s32 s3, s2;
	[dreg:$0x6] =	wrdreg s0;
	s28 =	sadd.s32 $0x1C00, s4  }
0xd: {  	s1 =	ssub.s32 s1, s26;
	s29 =	sadd.s32 $0x3C00, s2;
	[dreg:$0x7] =	wrdreg s28  }
0xe: {  	s12 =	simm.s32 $0x2;
	v1 =	vor.u32 $0x800, v0;
	v2 =	vor.u32 $0x1000, v0;
	v3 =	vor.u32 $0x1800, v0;
	s1 =	smax.u32 s1, $0x1;
	[dreg:$0x8] =	wrdreg s29  }
.LBB2_1:
0xf: {  	[dreg:$0xb] =	wrdreg s1  }
0x10: {  	s0 =	rddreg [dreg:$0x6];
	s3 =	simm.s32 $0x0;
	s2 =	simm.s32 $0x4  }
0x11: {  	[tilespmem:s3], [sflag:$0x4] =	stream.linear.gather [hbm4b:s0+s3], $0x20, $0x38;
	[tilespmem:$0x4900] =	vst v63  }
0x12: {  	_ =	swait.ge [sflag:s2], $0x20  }
0x13: {  	s19 =	rddreg [dreg:$0x5];
	[sflag:s2] =	ssyncset.done $0x0  }
0x14: {  	s21 =	simm.s32 $0x4880;
	s20 =	rddreg [dreg:$0x9];
	[sflag:s2] =	ssyncadd.s32 $0xFFFFFFE0  }
0x15: {  	[tilespmem:s21], [sflag:$0x3] =	stream.indirect.gather [hbm4b:s19+s20], $0x1, s3, s20, $0xb8;
	[tilespmem:$0x4900] =	vst v63  }
0x16: {  	v4 =	vld [tilespmem:$0x0];
	_ =	sdelay $0x4  }
0x17: {  	(v2sf) =	vpush v4, $0x0  }
0x18: {  	(v2sf) =	vpush v4, $0x2  }
0x19: {  	(v2sf) =	vpush v4, $0x3  }
0x1a: {  	(v2sf) =	vpush v4, $0x4  }
0x1b: {  	(v2sf) =	vpush v4, $0x5  }
0x1c: {  	(v2sf) =	vpush v4, $0x6  }
0x1d: {  	(v2sf) =	vpush v4, $0x7  }
0x1e: {  	(v2sf) =	vpush v4, $0x8  }
0x1f: {  	(v2sf) =	vpush v4, $0x9  }
0x20: {  	(v2sf) =	vpush v4, $0xA  }
0x21: {  	v5 =	vld [tilespmem:$0x10];
	(v2sf) =	vpush v4, $0xB  }
0x22: {  	(v2sf) =	vpush v4, $0xC  }
0x23: {  	(v2sf) =	vpush v4, $0xD  }
0x24: {  	(v2sf) =	vpush v4, $0xE  }
0x25: {  	(v2sf) =	vpush v4, $0xF  }
0x26: {  	s19 =	spop (v2sf);
	(v2sf) =	vpush v5, $0x0  }
0x27: {  	s18 =	spop (v2sf);
	(v2sf) =	vpush v5, $0x1  }
0x28: {  	s17 =	spop (v2sf);
	(v2sf) =	vpush v5, $0x2  }
0x29: {  	s16 =	spop (v2sf);
	(v2sf) =	vpush v5, $0x3  }
0x2a: {  	s0 =	spop (v2sf);
	(v2sf) =	vpush v5, $0x4  }
0x2b: {  	s15 =	spop (v2sf);
	(v2sf) =	vpush v5, $0x5  }
0x2c: {  	s14 =	spop (v2sf);
	(v2sf) =	vpush v5, $0x6  }
0x2d: {  	s4 =	spop (v2sf);
	(v2sf) =	vpush v5, $0x7  }
0x2e: {  	s5 =	spop (v2sf);
	(v2sf) =	vpush v5, $0x8  }
0x2f: {  	s3 =	spop (v2sf);
	(v2sf) =	vpush v5, $0x9  }
0x30: {  	s13 =	spop (v2sf)  }
0x31: {  	(v2sf) =	vpush v5, $0xA;
	s6 =	spop (v2sf)  }
0x32: {  	(v2sf) =	vpush v5, $0xB;
	s1 =	spop (v2sf)  }
0x33: {  	s21 =	sshra.s32 s19, $0x1F;
	(v2sf) =	vpush v5, $0xC;
	s2 =	spop (v2sf)  }
0x34: {  	s21 =	sshrl.u32 s21, $0x19;
	(v2sf) =	vpush v5, $0xD;
	s31 =	spop (v2sf)  }
0x35: {  	s21 =	sadd.s32 s21, s19;
	s30 =	spop (v2sf);
	(v2sf) =	vpush v5, $0xE  }
0x36: {  	s22 =	sand.u32 $0xFFFFFF80, s21;
	s29 =	spop (v2sf);
	(v2sf) =	vpush v5, $0xF  }
0x37: {  	p0 =	slt.s32 s19, $0x1;
	p1 =	sne.s32 s19, s22;
	s28 =	spop (v2sf);
	(v2sf) =	vpush v4, $0x1  }
0x38: {  	p0 =	por !p0, !p1;
	s26 =	spop (v2sf)  }
0x39: {  	s22 =	simm.s32 $0x1;
	p0 =	por !p0, !p0;
	s25 =	spop (v2sf)  }
0x3a: {  	s21 =	sshrl.u32 s21, $0x7;
	s22 =	simm.s32 @!p0 $0x0;
	s24 =	spop (v2sf)  }
0x3b: {  	s21 =	ssub.s32 s21, s22;
	s20 =	spop (v2sf)  }
0x3c: {  	[dreg:$0x15] =	wrdreg s20;
	s22 =	spop (v2sf);
	s20 =	sshll.u32 s21, $0x7  }
0x3d: {  	[dreg:$0x14] =	wrdreg s22;
	s22 =	spop (v2sf);
	s20 =	sand.u32 $0x1FFFFF80, s20  }
0x3e: {  	[dreg:$0x13] =	wrdreg s22;
	s22 =	spop (v2sf);
	s20 =	sadd.s32 s23, s20  }
0x3f: {  	[tilespmem:s10], [sflag:$0x1] =	stream.strided.gather [hbm4b:s20+s8], $0x2000, s9, s8, $0x38;
	[tilespmem:$0x4900] =	vst v63  }
0x40: {  	[dreg:$0x12] =	wrdreg s22;
	s22 =	spop (v2sf)  }
0x41: {  	s21 =	spop (v2sf)  }
0x42: {  	[dreg:$0x11] =	wrdreg s22;
	s22 =	spop (v2sf)  }
0x43: {  	[dreg:$0x10] =	wrdreg s21;
	s21 =	spop (v2sf)  }
0x44: {  	[dreg:$0xf] =	wrdreg s22;
	s22 =	spop (v2sf)  }
0x45: {  	[dreg:$0xe] =	wrdreg s21;
	s21 =	spop (v2sf)  }
0x46: {  	s20 =	spop (v2sf)  }
0x47: {  	[dreg:$0xd] =	wrdreg s22;
	s22 =	sshra.s32 s20, $0x1F  }
0x48: {  	[dreg:$0xc] =	wrdreg s21;
	s21 =	sshrl.u32 s22, $0x19  }
0x49: {  	s21 =	sadd.s32 s21, s20  }
0x4a: {  	s22 =	sand.u32 $0xFFFFFF80, s21  }
0x4b: {  	p6 =	slt.s32 s20, $0x1;
	p5 =	sne.s32 s20, s22  }
0x4c: {  	p0 =	por !p6, !p5  }
0x4d: {  	s22 =	simm.s32 $0x1;
	p0 =	por !p0, !p0  }
0x4e: {  	s21 =	sshrl.u32 s21, $0x7;
	s22 =	simm.s32 @!p0 $0x0  }
0x4f: {  	s21 =	ssub.s32 s21, s22  }
0x50: {  	s21 =	sshll.u32 s21, $0x7  }
0x51: {  	s19 =	sand.u32 $0x7F, s19;
	s21 =	sand.u32 $0x1FFFFF80, s21  }
0x52: {  	v4 =	vor.u32 s19, v0;
	s21 =	sadd.s32 s23, s21  }
0x53: {  	[tilespmem:s11], [sflag:$0x2] =	stream.strided.gather [hbm4b:s21+s8], $0x2000, s9, s8, $0x38;
	[tilespmem:$0x4900] =	vst v63  }
0x54: {  	_ =	swait.ge [sflag:s7], $0x2000  }
0x55: {  	[sflag:s7] =	ssyncset.done $0x0  }
0x56: {  	[sflag:s7] =	ssyncadd.s32 $0xFFFFE000  }
0x57: {  	v4 =	vld.idx.msk [tilespmem:v4+s10+$0x0], $0xffff  }
0x58: {  	v5 =	vor.u32 s19, v1;
	_ =	sdelay $0x3  }
0x59: {  	[tilespmem:$0x4080] =	vst v4  }
0x5a: {  	v4 =	vld.idx.msk [tilespmem:v5+s10+$0x0], $0xffff  }
0x5b: {  	v5 =	vor.u32 s19, v2;
	_ =	sdelay $0x3  }
0x5c: {  	[tilespmem:$0x4090] =	vst v4  }
0x5d: {  	s22 =	sshra.s32 s18, $0x1F;
	v4 =	vld.idx.msk [tilespmem:v5+s10+$0x0], $0xffff  }
0x5e: {  	s21 =	sshrl.u32 s22, $0x19;
	v5 =	vor.u32 s19, v3  }
0x5f: {  	s19 =	sadd.s32 s21, s18  }
0x60: {  	s22 =	sand.u32 $0xFFFFFF80, s19  }
0x61: {  	p2 =	slt.s32 s18, $0x1;
	p1 =	sne.s32 s18, s22  }
0x62: {  	p0 =	por !p2, !p1;
	[tilespmem:$0x40A0] =	vst v4  }
0x63: {  	s21 =	simm.s32 $0x1;
	p0 =	por !p0, !p0;
	v4 =	vld.idx.msk [tilespmem:v5+s10+$0x0], $0xffff  }
0x64: {  	s19 =	sshrl.u32 s19, $0x7;
	s21 =	simm.s32 @!p0 $0x0  }
0x65: {  	s19 =	ssub.s32 s19, s21  }
0x66: {  	s19 =	sshll.u32 s19, $0x7  }
0x67: {  	s20 =	sand.u32 $0x7F, s20;
	s19 =	sand.u32 $0x1FFFFF80, s19  }
0x68: {  	s19 =	sadd.s32 s23, s19;
	[tilespmem:$0x40B0] =	vst v4;
	v4 =	vor.u32 s20, v0  }
0x69: {  	[tilespmem:s10], [sflag:$0x1] =	stream.strided.gather [hbm4b:s19+s8], $0x2000, s9, s8, $0x38;
	[tilespmem:$0x4900] =	vst v63  }
0x6a: {  	_ =	swait.ge [sflag:s12], $0x2000  }
0x6b: {  	[sflag:s12] =	ssyncset.done $0x0  }
0x6c: {  	[sflag:s12] =	ssyncadd.s32 $0xFFFFE000  }
0x6d: {  	v4 =	vld.idx.msk [tilespmem:v4+s11+$0x0], $0xffff  }
0x6e: {  	v5 =	vor.u32 s20, v1;
	_ =	sdelay $0x3  }
0x6f: {  	[tilespmem:$0x40C0] =	vst v4  }
0x70: {  	v4 =	vld.idx.msk [tilespmem:v5+s11+$0x0], $0xffff  }
0x71: {  	v5 =	vor.u32 s20, v2;
	_ =	sdelay $0x3  }
0x72: {  	[tilespmem:$0x40D0] =	vst v4  }
0x73: {  	s21 =	sshra.s32 s17, $0x1F;
	v4 =	vld.idx.msk [tilespmem:v5+s11+$0x0], $0xffff  }
0x74: {  	s19 =	sshrl.u32 s21, $0x19;
	v5 =	vor.u32 s20, v3  }
0x75: {  	s19 =	sadd.s32 s19, s17  }
0x76: {  	s22 =	sand.u32 $0xFFFFFF80, s19  }
0x77: {  	p4 =	slt.s32 s17, $0x1;
	p3 =	sne.s32 s17, s22  }
0x78: {  	p0 =	por !p4, !p3;
	[tilespmem:$0x40E0] =	vst v4  }
0x79: {  	p0 =	por !p0, !p0;
	s20 =	simm.s32 $0x1;
	v4 =	vld.idx.msk [tilespmem:v5+s11+$0x0], $0xffff  }
0x7a: {  	s19 =	sshrl.u32 s19, $0x7;
	s20 =	simm.s32 @!p0 $0x0  }
0x7b: {  	s19 =	ssub.s32 s19, s20  }
0x7c: {  	s19 =	sshll.u32 s19, $0x7  }
0x7d: {  	s18 =	sand.u32 $0x7F, s18;
	s19 =	sand.u32 $0x1FFFFF80, s19  }
0x7e: {  	s19 =	sadd.s32 s23, s19;
	[tilespmem:$0x40F0] =	vst v4;
	v4 =	vor.u32 s18, v0  }
0x7f: {  	[tilespmem:s11], [sflag:$0x2] =	stream.strided.gather [hbm4b:s19+s8], $0x2000, s9, s8, $0x38;
	[tilespmem:$0x4900] =	vst v63  }
0x80: {  	_ =	swait.ge [sflag:s7], $0x2000  }
0x81: {  	[sflag:s7] =	ssyncset.done $0x0  }
0x82: {  	[sflag:s7] =	ssyncadd.s32 $0xFFFFE000  }
0x83: {  	v4 =	vld.idx.msk [tilespmem:v4+s10+$0x0], $0xffff  }
0x84: {  	v5 =	vor.u32 s18, v1;
	_ =	sdelay $0x3  }
0x85: {  	[tilespmem:$0x4100] =	vst v4  }
0x86: {  	v4 =	vld.idx.msk [tilespmem:v5+s10+$0x0], $0xffff  }
0x87: {  	v5 =	vor.u32 s18, v2;
	_ =	sdelay $0x3  }
0x88: {  	[tilespmem:$0x4110] =	vst v4  }
0x89: {  	s20 =	sshra.s32 s16, $0x1F;
	v4 =	vld.idx.msk [tilespmem:v5+s10+$0x0], $0xffff  }
0x8a: {  	s21 =	sshrl.u32 s20, $0x19;
	v5 =	vor.u32 s18, v3  }
0x8b: {  	s18 =	sadd.s32 s21, s16  }
0x8c: {  	s22 =	sand.u32 $0xFFFFFF80, s18  }
0x8d: {  	p6 =	slt.s32 s16, $0x1;
	p5 =	sne.s32 s16, s22  }
0x8e: {  	p0 =	por !p6, !p5;
	[tilespmem:$0x4120] =	vst v4  }
0x8f: {  	s19 =	simm.s32 $0x1;
	p0 =	por !p0, !p0;
	v4 =	vld.idx.msk [tilespmem:v5+s10+$0x0], $0xffff  }
0x90: {  	s18 =	sshrl.u32 s18, $0x7;
	s19 =	simm.s32 @!p0 $0x0  }
0x91: {  	s18 =	ssub.s32 s18, s19  }
0x92: {  	s18 =	sshll.u32 s18, $0x7  }
0x93: {  	s17 =	sand.u32 $0x7F, s17;
	s18 =	sand.u32 $0x1FFFFF80, s18  }
0x94: {  	s18 =	sadd.s32 s23, s18;
	[tilespmem:$0x4130] =	vst v4;
	v4 =	vor.u32 s17, v0  }
0x95: {  	[tilespmem:s10], [sflag:$0x1] =	stream.strided.gather [hbm4b:s18+s8], $0x2000, s9, s8, $0x38;
	[tilespmem:$0x4900] =	vst v63  }
0x96: {  	_ =	swait.ge [sflag:s12], $0x2000  }
0x97: {  	[sflag:s12] =	ssyncset.done $0x0  }
0x98: {  	[sflag:s12] =	ssyncadd.s32 $0xFFFFE000  }
0x99: {  	v4 =	vld.idx.msk [tilespmem:v4+s11+$0x0], $0xffff  }
0x9a: {  	v5 =	vor.u32 s17, v1;
	_ =	sdelay $0x3  }
0x9b: {  	[tilespmem:$0x4140] =	vst v4  }
0x9c: {  	v4 =	vld.idx.msk [tilespmem:v5+s11+$0x0], $0xffff  }
0x9d: {  	v5 =	vor.u32 s17, v2;
	_ =	sdelay $0x3  }
0x9e: {  	[tilespmem:$0x4150] =	vst v4  }
0x9f: {  	s19 =	sshra.s32 s0, $0x1F;
	v4 =	vld.idx.msk [tilespmem:v5+s11+$0x0], $0xffff  }
0xa0: {  	s20 =	sshrl.u32 s19, $0x19;
	v5 =	vor.u32 s17, v3  }
0xa1: {  	s17 =	sadd.s32 s20, s0  }
0xa2: {  	s21 =	sand.u32 $0xFFFFFF80, s17  }
0xa3: {  	p2 =	slt.s32 s0, $0x1;
	p1 =	sne.s32 s0, s21  }
0xa4: {  	p0 =	por !p2, !p1;
	[tilespmem:$0x4160] =	vst v4  }
0xa5: {  	s18 =	simm.s32 $0x1;
	p0 =	por !p0, !p0;
	v4 =	vld.idx.msk [tilespmem:v5+s11+$0x0], $0xffff  }
0xa6: {  	s17 =	sshrl.u32 s17, $0x7;
	s18 =	simm.s32 @!p0 $0x0  }
0xa7: {  	s17 =	ssub.s32 s17, s18  }
0xa8: {  	s17 =	sshll.u32 s17, $0x7  }
0xa9: {  	s16 =	sand.u32 $0x7F, s16;
	s17 =	sand.u32 $0x1FFFFF80, s17  }
0xaa: {  	s17 =	sadd.s32 s23, s17;
	[tilespmem:$0x4170] =	vst v4;
	v4 =	vor.u32 s16, v0  }
0xab: {  	[tilespmem:s11], [sflag:$0x2] =	stream.strided.gather [hbm4b:s17+s8], $0x2000, s9, s8, $0x38;
	[tilespmem:$0x4900] =	vst v63  }
0xac: {  	_ =	swait.ge [sflag:s7], $0x2000  }
0xad: {  	[sflag:s7] =	ssyncset.done $0x0  }
0xae: {  	[sflag:s7] =	ssyncadd.s32 $0xFFFFE000  }
0xaf: {  	v4 =	vld.idx.msk [tilespmem:v4+s10+$0x0], $0xffff  }
0xb0: {  	v5 =	vor.u32 s16, v1;
	_ =	sdelay $0x3  }
0xb1: {  	[tilespmem:$0x4180] =	vst v4  }
0xb2: {  	v4 =	vld.idx.msk [tilespmem:v5+s10+$0x0], $0xffff  }
0xb3: {  	v5 =	vor.u32 s16, v2;
	_ =	sdelay $0x3  }
0xb4: {  	[tilespmem:$0x4190] =	vst v4  }
0xb5: {  	s22 =	sshra.s32 s15, $0x1F;
	v4 =	vld.idx.msk [tilespmem:v5+s10+$0x0], $0xffff  }
0xb6: {  	s18 =	sshrl.u32 s22, $0x19;
	v5 =	vor.u32 s16, v3  }
0xb7: {  	s16 =	sadd.s32 s18, s15  }
0xb8: {  	s19 =	sand.u32 $0xFFFFFF80, s16  }
0xb9: {  	p4 =	slt.s32 s15, $0x1;
	p3 =	sne.s32 s15, s19  }
0xba: {  	p0 =	por !p4, !p3;
	[tilespmem:$0x41A0] =	vst v4  }
0xbb: {  	s17 =	simm.s32 $0x1;
	p0 =	por !p0, !p0;
	v4 =	vld.idx.msk [tilespmem:v5+s10+$0x0], $0xffff  }
0xbc: {  	s16 =	sshrl.u32 s16, $0x7;
	s17 =	simm.s32 @!p0 $0x0  }
0xbd: {  	s16 =	ssub.s32 s16, s17  }
0xbe: {  	s16 =	sshll.u32 s16, $0x7  }
0xbf: {  	s0 =	sand.u32 $0x7F, s0;
	s16 =	sand.u32 $0x1FFFFF80, s16  }
0xc0: {  	s16 =	sadd.s32 s23, s16;
	[tilespmem:$0x41B0] =	vst v4;
	v4 =	vor.u32 s0, v0  }
0xc1: {  	[tilespmem:s10], [sflag:$0x1] =	stream.strided.gather [hbm4b:s16+s8], $0x2000, s9, s8, $0x38;
	[tilespmem:$0x4900] =	vst v63  }
0xc2: {  	_ =	swait.ge [sflag:s12], $0x2000  }
0xc3: {  	[sflag:s12] =	ssyncset.done $0x0  }
0xc4: {  	[sflag:s12] =	ssyncadd.s32 $0xFFFFE000  }
0xc5: {  	v4 =	vld.idx.msk [tilespmem:v4+s11+$0x0], $0xffff  }
0xc6: {  	v5 =	vor.u32 s0, v1;
	_ =	sdelay $0x3  }
0xc7: {  	[tilespmem:$0x41C0] =	vst v4  }
0xc8: {  	v4 =	vld.idx.msk [tilespmem:v5+s11+$0x0], $0xffff  }
0xc9: {  	v5 =	vor.u32 s0, v2;
	_ =	sdelay $0x3  }
0xca: {  	[tilespmem:$0x41D0] =	vst v4  }
0xcb: {  	s20 =	sshra.s32 s14, $0x1F;
	v4 =	vld.idx.msk [tilespmem:v5+s11+$0x0], $0xffff  }
0xcc: {  	s21 =	sshrl.u32 s20, $0x19;
	v5 =	vor.u32 s0, v3  }
0xcd: {  	s0 =	sadd.s32 s21, s14  }
0xce: {  	s22 =	sand.u32 $0xFFFFFF80, s0  }
0xcf: {  	p6 =	slt.s32 s14, $0x1;
	p5 =	sne.s32 s14, s22  }
0xd0: {  	p0 =	por !p6, !p5;
	[tilespmem:$0x41E0] =	vst v4  }
0xd1: {  	s16 =	simm.s32 $0x1;
	p0 =	por !p0, !p0;
	v4 =	vld.idx.msk [tilespmem:v5+s11+$0x0], $0xffff  }
0xd2: {  	s0 =	sshrl.u32 s0, $0x7;
	s16 =	simm.s32 @!p0 $0x0  }
0xd3: {  	s0 =	ssub.s32 s0, s16  }
0xd4: {  	s0 =	sshll.u32 s0, $0x7  }
0xd5: {  	s15 =	sand.u32 $0x7F, s15;
	s0 =	sand.u32 $0x1FFFFF80, s0  }
0xd6: {  	s0 =	sadd.s32 s23, s0;
	[tilespmem:$0x41F0] =	vst v4;
	v4 =	vor.u32 s15, v0  }
0xd7: {  	[tilespmem:s11], [sflag:$0x2] =	stream.strided.gather [hbm4b:s0+s8], $0x2000, s9, s8, $0x38;
	[tilespmem:$0x4900] =	vst v63  }
0xd8: {  	_ =	swait.ge [sflag:s7], $0x2000  }
0xd9: {  	[sflag:s7] =	ssyncset.done $0x0  }
0xda: {  	[sflag:s7] =	ssyncadd.s32 $0xFFFFE000  }
0xdb: {  	v4 =	vld.idx.msk [tilespmem:v4+s10+$0x0], $0xffff  }
0xdc: {  	v5 =	vor.u32 s15, v1;
	_ =	sdelay $0x3  }
0xdd: {  	[tilespmem:$0x4200] =	vst v4  }
0xde: {  	v4 =	vld.idx.msk [tilespmem:v5+s10+$0x0], $0xffff  }
0xdf: {  	v5 =	vor.u32 s15, v2;
	_ =	sdelay $0x3  }
0xe0: {  	[tilespmem:$0x4210] =	vst v4  }
0xe1: {  	s16 =	sshra.s32 s4, $0x1F;
	v4 =	vld.idx.msk [tilespmem:v5+s10+$0x0], $0xffff  }
0xe2: {  	s0 =	sshrl.u32 s16, $0x19;
	v5 =	vor.u32 s15, v3  }
0xe3: {  	s0 =	sadd.s32 s0, s4  }
0xe4: {  	s17 =	sand.u32 $0xFFFFFF80, s0  }
0xe5: {  	p2 =	slt.s32 s4, $0x1;
	p1 =	sne.s32 s4, s17  }
0xe6: {  	p0 =	por !p2, !p1;
	[tilespmem:$0x4220] =	vst v4  }
0xe7: {  	p0 =	por !p0, !p0;
	s15 =	simm.s32 $0x1;
	v4 =	vld.idx.msk [tilespmem:v5+s10+$0x0], $0xffff  }
0xe8: {  	s0 =	sshrl.u32 s0, $0x7;
	s15 =	simm.s32 @!p0 $0x0  }
0xe9: {  	s0 =	ssub.s32 s0, s15  }
0xea: {  	s0 =	sshll.u32 s0, $0x7  }
0xeb: {  	s14 =	sand.u32 $0x7F, s14;
	s0 =	sand.u32 $0x1FFFFF80, s0  }
0xec: {  	s0 =	sadd.s32 s23, s0;
	[tilespmem:$0x4230] =	vst v4;
	v4 =	vor.u32 s14, v0  }
0xed: {  	[tilespmem:s10], [sflag:$0x1] =	stream.strided.gather [hbm4b:s0+s8], $0x2000, s9, s8, $0x38;
	[tilespmem:$0x4900] =	vst v63  }
0xee: {  	_ =	swait.ge [sflag:s12], $0x2000  }
0xef: {  	[sflag:s12] =	ssyncset.done $0x0  }
0xf0: {  	[sflag:s12] =	ssyncadd.s32 $0xFFFFE000  }
0xf1: {  	v4 =	vld.idx.msk [tilespmem:v4+s11+$0x0], $0xffff  }
0xf2: {  	v5 =	vor.u32 s14, v1;
	_ =	sdelay $0x3  }
0xf3: {  	[tilespmem:$0x4240] =	vst v4  }
0xf4: {  	v4 =	vld.idx.msk [tilespmem:v5+s11+$0x0], $0xffff  }
0xf5: {  	v5 =	vor.u32 s14, v2;
	_ =	sdelay $0x3  }
0xf6: {  	[tilespmem:$0x4250] =	vst v4  }
0xf7: {  	s18 =	sshra.s32 s5, $0x1F;
	v4 =	vld.idx.msk [tilespmem:v5+s11+$0x0], $0xffff  }
0xf8: {  	s0 =	sshrl.u32 s18, $0x19;
	v5 =	vor.u32 s14, v3  }
0xf9: {  	s0 =	sadd.s32 s0, s5  }
0xfa: {  	s19 =	sand.u32 $0xFFFFFF80, s0  }
0xfb: {  	p3 =	slt.s32 s5, $0x1;
	p4 =	sne.s32 s5, s19  }
0xfc: {  	p0 =	por !p3, !p4;
	[tilespmem:$0x4260] =	vst v4  }
0xfd: {  	p0 =	por !p0, !p0;
	s14 =	simm.s32 $0x1;
	v4 =	vld.idx.msk [tilespmem:v5+s11+$0x0], $0xffff  }
0xfe: {  	s0 =	sshrl.u32 s0, $0x7;
	s14 =	simm.s32 @!p0 $0x0  }
0xff: {  	s0 =	ssub.s32 s0, s14  }
0x100: {  	s0 =	sshll.u32 s0, $0x7  }
0x101: {  	s4 =	sand.u32 $0x7F, s4;
	s0 =	sand.u32 $0x1FFFFF80, s0  }
0x102: {  	s0 =	sadd.s32 s23, s0;
	[tilespmem:$0x4270] =	vst v4;
	v4 =	vor.u32 s4, v0  }
0x103: {  	[tilespmem:s11], [sflag:$0x2] =	stream.strided.gather [hbm4b:s0+s8], $0x2000, s9, s8, $0x38;
	[tilespmem:$0x4900] =	vst v63  }
0x104: {  	_ =	swait.ge [sflag:s7], $0x2000  }
0x105: {  	[sflag:s7] =	ssyncset.done $0x0  }
0x106: {  	[sflag:s7] =	ssyncadd.s32 $0xFFFFE000  }
0x107: {  	v4 =	vld.idx.msk [tilespmem:v4+s10+$0x0], $0xffff  }
0x108: {  	v5 =	vor.u32 s4, v1;
	_ =	sdelay $0x3  }
0x109: {  	[tilespmem:$0x4280] =	vst v4  }
0x10a: {  	v4 =	vld.idx.msk [tilespmem:v5+s10+$0x0], $0xffff  }
0x10b: {  	v5 =	vor.u32 s4, v2;
	_ =	sdelay $0x3  }
0x10c: {  	[tilespmem:$0x4290] =	vst v4  }
0x10d: {  	s20 =	sshra.s32 s3, $0x1F;
	v4 =	vld.idx.msk [tilespmem:v5+s10+$0x0], $0xffff  }
0x10e: {  	s0 =	sshrl.u32 s20, $0x19;
	v5 =	vor.u32 s4, v3  }
0x10f: {  	s0 =	sadd.s32 s0, s3  }
0x110: {  	s21 =	sand.u32 $0xFFFFFF80, s0  }
0x111: {  	p5 =	slt.s32 s3, $0x1;
	p6 =	sne.s32 s3, s21  }
0x112: {  	p0 =	por !p5, !p6;
	[tilespmem:$0x42A0] =	vst v4  }
0x113: {  	p0 =	por !p0, !p0;
	s4 =	simm.s32 $0x1;
	v4 =	vld.idx.msk [tilespmem:v5+s10+$0x0], $0xffff  }
0x114: {  	s0 =	sshrl.u32 s0, $0x7;
	s4 =	simm.s32 @!p0 $0x0  }
0x115: {  	s0 =	ssub.s32 s0, s4  }
0x116: {  	s0 =	sshll.u32 s0, $0x7  }
0x117: {  	s22 =	sand.u32 $0x7F, s5;
	s0 =	sand.u32 $0x1FFFFF80, s0  }
0x118: {  	s0 =	sadd.s32 s23, s0;
	[tilespmem:$0x42B0] =	vst v4;
	v4 =	vor.u32 s22, v0  }
0x119: {  	[tilespmem:s10], [sflag:$0x1] =	stream.strided.gather [hbm4b:s0+s8], $0x2000, s9, s8, $0x38;
	[tilespmem:$0x4900] =	vst v63  }
0x11a: {  	_ =	swait.ge [sflag:s12], $0x2000  }
0x11b: {  	[sflag:s12] =	ssyncset.done $0x0  }
0x11c: {  	[sflag:s12] =	ssyncadd.s32 $0xFFFFE000  }
0x11d: {  	v4 =	vld.idx.msk [tilespmem:v4+s11+$0x0], $0xffff  }
0x11e: {  	v5 =	vor.u32 s22, v1;
	_ =	sdelay $0x3  }
0x11f: {  	[tilespmem:$0x42C0] =	vst v4  }
0x120: {  	v4 =	vld.idx.msk [tilespmem:v5+s11+$0x0], $0xffff  }
0x121: {  	v5 =	vor.u32 s22, v2;
	_ =	sdelay $0x3  }
0x122: {  	[tilespmem:$0x42D0] =	vst v4  }
0x123: {  	s5 =	sshra.s32 s13, $0x1F;
	v4 =	vld.idx.msk [tilespmem:v5+s11+$0x0], $0xffff  }
0x124: {  	s0 =	sshrl.u32 s5, $0x19;
	v5 =	vor.u32 s22, v3  }
0x125: {  	s0 =	sadd.s32 s0, s13  }
0x126: {  	s14 =	sand.u32 $0xFFFFFF80, s0  }
0x127: {  	p1 =	slt.s32 s13, $0x1;
	p2 =	sne.s32 s13, s14  }
0x128: {  	p0 =	por !p1, !p2;
	[tilespmem:$0x42E0] =	vst v4  }
0x129: {  	s4 =	simm.s32 $0x1;
	p0 =	por !p0, !p0;
	v4 =	vld.idx.msk [tilespmem:v5+s11+$0x0], $0xffff  }
0x12a: {  	s0 =	sshrl.u32 s0, $0x7;
	s4 =	simm.s32 @!p0 $0x0  }
0x12b: {  	s0 =	ssub.s32 s0, s4  }
0x12c: {  	s0 =	sshll.u32 s0, $0x7  }
0x12d: {  	s3 =	sand.u32 $0x7F, s3;
	s0 =	sand.u32 $0x1FFFFF80, s0  }
0x12e: {  	s0 =	sadd.s32 s23, s0;
	[tilespmem:$0x42F0] =	vst v4;
	v4 =	vor.u32 s3, v0  }
0x12f: {  	[tilespmem:s11], [sflag:$0x2] =	stream.strided.gather [hbm4b:s0+s8], $0x2000, s9, s8, $0x38;
	[tilespmem:$0x4900] =	vst v63  }
0x130: {  	_ =	swait.ge [sflag:s7], $0x2000  }
0x131: {  	[sflag:s7] =	ssyncset.done $0x0  }
0x132: {  	[sflag:s7] =	ssyncadd.s32 $0xFFFFE000  }
0x133: {  	v4 =	vld.idx.msk [tilespmem:v4+s10+$0x0], $0xffff  }
0x134: {  	v5 =	vor.u32 s3, v1;
	_ =	sdelay $0x3  }
0x135: {  	[tilespmem:$0x4300] =	vst v4  }
0x136: {  	v4 =	vld.idx.msk [tilespmem:v5+s10+$0x0], $0xffff  }
0x137: {  	v5 =	vor.u32 s3, v2;
	_ =	sdelay $0x3  }
0x138: {  	[tilespmem:$0x4310] =	vst v4  }
0x139: {  	s15 =	sshra.s32 s6, $0x1F;
	v4 =	vld.idx.msk [tilespmem:v5+s10+$0x0], $0xffff  }
0x13a: {  	s0 =	sshrl.u32 s15, $0x19;
	v5 =	vor.u32 s3, v3  }
0x13b: {  	s0 =	sadd.s32 s0, s6  }
0x13c: {  	s16 =	sand.u32 $0xFFFFFF80, s0  }
0x13d: {  	p3 =	slt.s32 s6, $0x1;
	p4 =	sne.s32 s6, s16  }
0x13e: {  	p0 =	por !p3, !p4;
	[tilespmem:$0x4320] =	vst v4  }
0x13f: {  	p0 =	por !p0, !p0;
	s3 =	simm.s32 $0x1;
	v4 =	vld.idx.msk [tilespmem:v5+s10+$0x0], $0xffff  }
0x140: {  	s0 =	sshrl.u32 s0, $0x7;
	s3 =	simm.s32 @!p0 $0x0  }
0x141: {  	s0 =	ssub.s32 s0, s3  }
0x142: {  	s0 =	sshll.u32 s0, $0x7  }
0x143: {  	s17 =	sand.u32 $0x7F, s13;
	s0 =	sand.u32 $0x1FFFFF80, s0  }
0x144: {  	s0 =	sadd.s32 s23, s0;
	[tilespmem:$0x4330] =	vst v4;
	v4 =	vor.u32 s17, v0  }
0x145: {  	[tilespmem:s10], [sflag:$0x1] =	stream.strided.gather [hbm4b:s0+s8], $0x2000, s9, s8, $0x38;
	[tilespmem:$0x4900] =	vst v63  }
0x146: {  	_ =	swait.ge [sflag:s12], $0x2000  }
0x147: {  	[sflag:s12] =	ssyncset.done $0x0  }
0x148: {  	[sflag:s12] =	ssyncadd.s32 $0xFFFFE000  }
0x149: {  	v4 =	vld.idx.msk [tilespmem:v4+s11+$0x0], $0xffff  }
0x14a: {  	v5 =	vor.u32 s17, v1;
	_ =	sdelay $0x3  }
0x14b: {  	[tilespmem:$0x4340] =	vst v4  }
0x14c: {  	v4 =	vld.idx.msk [tilespmem:v5+s11+$0x0], $0xffff  }
0x14d: {  	v5 =	vor.u32 s17, v2;
	_ =	sdelay $0x3  }
0x14e: {  	[tilespmem:$0x4350] =	vst v4  }
0x14f: {  	s18 =	sshra.s32 s1, $0x1F;
	v4 =	vld.idx.msk [tilespmem:v5+s11+$0x0], $0xffff  }
0x150: {  	s0 =	sshrl.u32 s18, $0x19;
	v5 =	vor.u32 s17, v3  }
0x151: {  	s0 =	sadd.s32 s0, s1  }
0x152: {  	s19 =	sand.u32 $0xFFFFFF80, s0  }
0x153: {  	p5 =	slt.s32 s1, $0x1;
	p6 =	sne.s32 s1, s19  }
0x154: {  	p0 =	por !p5, !p6;
	[tilespmem:$0x4360] =	vst v4  }
0x155: {  	s3 =	simm.s32 $0x1;
	p0 =	por !p0, !p0;
	v4 =	vld.idx.msk [tilespmem:v5+s11+$0x0], $0xffff  }
0x156: {  	s0 =	sshrl.u32 s0, $0x7;
	s3 =	simm.s32 @!p0 $0x0  }
0x157: {  	s0 =	ssub.s32 s0, s3  }
0x158: {  	s0 =	sshll.u32 s0, $0x7  }
0x159: {  	s20 =	sand.u32 $0x7F, s6;
	s0 =	sand.u32 $0x1FFFFF80, s0  }
0x15a: {  	s0 =	sadd.s32 s23, s0;
	[tilespmem:$0x4370] =	vst v4;
	v4 =	vor.u32 s20, v0  }
0x15b: {  	[tilespmem:s11], [sflag:$0x2] =	stream.strided.gather [hbm4b:s0+s8], $0x2000, s9, s8, $0x38;
	[tilespmem:$0x4900] =	vst v63  }
0x15c: {  	_ =	swait.ge [sflag:s7], $0x2000  }
0x15d: {  	[sflag:s7] =	ssyncset.done $0x0  }
0x15e: {  	[sflag:s7] =	ssyncadd.s32 $0xFFFFE000  }
0x15f: {  	v4 =	vld.idx.msk [tilespmem:v4+s10+$0x0], $0xffff  }
0x160: {  	v5 =	vor.u32 s20, v1;
	_ =	sdelay $0x3  }
0x161: {  	[tilespmem:$0x4380] =	vst v4  }
0x162: {  	v4 =	vld.idx.msk [tilespmem:v5+s10+$0x0], $0xffff  }
0x163: {  	v5 =	vor.u32 s20, v2;
	_ =	sdelay $0x3  }
0x164: {  	[tilespmem:$0x4390] =	vst v4  }
0x165: {  	s21 =	sshra.s32 s2, $0x1F;
	v4 =	vld.idx.msk [tilespmem:v5+s10+$0x0], $0xffff  }
0x166: {  	s0 =	sshrl.u32 s21, $0x19;
	v5 =	vor.u32 s20, v3  }
0x167: {  	s0 =	sadd.s32 s0, s2  }
0x168: {  	s22 =	sand.u32 $0xFFFFFF80, s0  }
0x169: {  	p1 =	slt.s32 s2, $0x1;
	p2 =	sne.s32 s2, s22  }
0x16a: {  	p0 =	por !p1, !p2;
	[tilespmem:$0x43A0] =	vst v4  }
0x16b: {  	s3 =	simm.s32 $0x1;
	p0 =	por !p0, !p0;
	v4 =	vld.idx.msk [tilespmem:v5+s10+$0x0], $0xffff  }
0x16c: {  	s0 =	sshrl.u32 s0, $0x7;
	s3 =	simm.s32 @!p0 $0x0  }
0x16d: {  	s0 =	ssub.s32 s0, s3  }
0x16e: {  	s0 =	sshll.u32 s0, $0x7  }
0x16f: {  	s1 =	sand.u32 $0x7F, s1;
	s0 =	sand.u32 $0x1FFFFF80, s0  }
0x170: {  	s0 =	sadd.s32 s23, s0;
	[tilespmem:$0x43B0] =	vst v4;
	v4 =	vor.u32 s1, v0  }
0x171: {  	[tilespmem:s10], [sflag:$0x1] =	stream.strided.gather [hbm4b:s0+s8], $0x2000, s9, s8, $0x38;
	[tilespmem:$0x4900] =	vst v63  }
0x172: {  	_ =	swait.ge [sflag:s12], $0x2000  }
0x173: {  	[sflag:s12] =	ssyncset.done $0x0  }
0x174: {  	[sflag:s12] =	ssyncadd.s32 $0xFFFFE000  }
0x175: {  	v4 =	vld.idx.msk [tilespmem:v4+s11+$0x0], $0xffff  }
0x176: {  	v5 =	vor.u32 s1, v1;
	_ =	sdelay $0x3  }
0x177: {  	[tilespmem:$0x43C0] =	vst v4  }
0x178: {  	v4 =	vld.idx.msk [tilespmem:v5+s11+$0x0], $0xffff  }
0x179: {  	v5 =	vor.u32 s1, v2;
	_ =	sdelay $0x3  }
0x17a: {  	[tilespmem:$0x43D0] =	vst v4  }
0x17b: {  	s3 =	sshra.s32 s31, $0x1F;
	v4 =	vld.idx.msk [tilespmem:v5+s11+$0x0], $0xffff  }
0x17c: {  	s0 =	sshrl.u32 s3, $0x19;
	v5 =	vor.u32 s1, v3  }
0x17d: {  	s0 =	sadd.s32 s0, s31  }
0x17e: {  	s4 =	sand.u32 $0xFFFFFF80, s0  }
0x17f: {  	p3 =	slt.s32 s31, $0x1;
	p4 =	sne.s32 s31, s4  }
0x180: {  	p0 =	por !p3, !p4;
	[tilespmem:$0x43E0] =	vst v4  }
0x181: {  	p0 =	por !p0, !p0;
	s1 =	simm.s32 $0x1;
	v4 =	vld.idx.msk [tilespmem:v5+s11+$0x0], $0xffff  }
0x182: {  	s0 =	sshrl.u32 s0, $0x7;
	s1 =	simm.s32 @!p0 $0x0  }
0x183: {  	s0 =	ssub.s32 s0, s1  }
0x184: {  	s0 =	sshll.u32 s0, $0x7  }
0x185: {  	s5 =	sand.u32 $0x7F, s2;
	s0 =	sand.u32 $0x1FFFFF80, s0  }
0x186: {  	s0 =	sadd.s32 s23, s0;
	[tilespmem:$0x43F0] =	vst v4;
	v4 =	vor.u32 s5, v0  }
0x187: {  	[tilespmem:s11], [sflag:$0x2] =	stream.strided.gather [hbm4b:s0+s8], $0x2000, s9, s8, $0x38;
	[tilespmem:$0x4900] =	vst v63  }
0x188: {  	_ =	swait.ge [sflag:s7], $0x2000  }
0x189: {  	[sflag:s7] =	ssyncset.done $0x0  }
0x18a: {  	[sflag:s7] =	ssyncadd.s32 $0xFFFFE000  }
0x18b: {  	v4 =	vld.idx.msk [tilespmem:v4+s10+$0x0], $0xffff  }
0x18c: {  	v5 =	vor.u32 s5, v1;
	_ =	sdelay $0x3  }
0x18d: {  	[tilespmem:$0x4400] =	vst v4  }
0x18e: {  	v4 =	vld.idx.msk [tilespmem:v5+s10+$0x0], $0xffff  }
0x18f: {  	v5 =	vor.u32 s5, v2;
	_ =	sdelay $0x3  }
0x190: {  	[tilespmem:$0x4410] =	vst v4  }
0x191: {  	s6 =	sshra.s32 s30, $0x1F;
	v4 =	vld.idx.msk [tilespmem:v5+s10+$0x0], $0xffff  }
0x192: {  	s0 =	sshrl.u32 s6, $0x19;
	v5 =	vor.u32 s5, v3  }
0x193: {  	s0 =	sadd.s32 s0, s30  }
0x194: {  	s13 =	sand.u32 $0xFFFFFF80, s0  }
0x195: {  	p5 =	slt.s32 s30, $0x1;
	p6 =	sne.s32 s30, s13  }
0x196: {  	p0 =	por !p5, !p6;
	[tilespmem:$0x4420] =	vst v4  }
0x197: {  	s1 =	simm.s32 $0x1;
	p0 =	por !p0, !p0;
	v4 =	vld.idx.msk [tilespmem:v5+s10+$0x0], $0xffff  }
0x198: {  	s0 =	sshrl.u32 s0, $0x7;
	s1 =	simm.s32 @!p0 $0x0  }
0x199: {  	s0 =	ssub.s32 s0, s1  }
0x19a: {  	s0 =	sshll.u32 s0, $0x7  }
0x19b: {  	s14 =	sand.u32 $0x7F, s31;
	s0 =	sand.u32 $0x1FFFFF80, s0  }
0x19c: {  	s0 =	sadd.s32 s23, s0;
	[tilespmem:$0x4430] =	vst v4;
	v4 =	vor.u32 s14, v0  }
0x19d: {  	[tilespmem:s10], [sflag:$0x1] =	stream.strided.gather [hbm4b:s0+s8], $0x2000, s9, s8, $0x38;
	[tilespmem:$0x4900] =	vst v63  }
0x19e: {  	_ =	swait.ge [sflag:s12], $0x2000  }
0x19f: {  	[sflag:s12] =	ssyncset.done $0x0  }
0x1a0: {  	[sflag:s12] =	ssyncadd.s32 $0xFFFFE000  }
0x1a1: {  	v4 =	vld.idx.msk [tilespmem:v4+s11+$0x0], $0xffff  }
0x1a2: {  	v5 =	vor.u32 s14, v1;
	_ =	sdelay $0x3  }
0x1a3: {  	[tilespmem:$0x4440] =	vst v4  }
0x1a4: {  	v4 =	vld.idx.msk [tilespmem:v5+s11+$0x0], $0xffff  }
0x1a5: {  	v5 =	vor.u32 s14, v2;
	_ =	sdelay $0x3  }
0x1a6: {  	[tilespmem:$0x4450] =	vst v4  }
0x1a7: {  	s15 =	sshra.s32 s29, $0x1F;
	v4 =	vld.idx.msk [tilespmem:v5+s11+$0x0], $0xffff  }
0x1a8: {  	s0 =	sshrl.u32 s15, $0x19;
	v5 =	vor.u32 s14, v3  }
0x1a9: {  	s0 =	sadd.s32 s0, s29  }
0x1aa: {  	s16 =	sand.u32 $0xFFFFFF80, s0  }
0x1ab: {  	p1 =	slt.s32 s29, $0x1;
	p2 =	sne.s32 s29, s16  }
0x1ac: {  	p0 =	por !p1, !p2;
	[tilespmem:$0x4460] =	vst v4  }
0x1ad: {  	s1 =	simm.s32 $0x1;
	p0 =	por !p0, !p0;
	v4 =	vld.idx.msk [tilespmem:v5+s11+$0x0], $0xffff  }
0x1ae: {  	s0 =	sshrl.u32 s0, $0x7;
	s1 =	simm.s32 @!p0 $0x0  }
0x1af: {  	s0 =	ssub.s32 s0, s1  }
0x1b0: {  	s0 =	sshll.u32 s0, $0x7  }
0x1b1: {  	s17 =	sand.u32 $0x7F, s30;
	s0 =	sand.u32 $0x1FFFFF80, s0  }
0x1b2: {  	s0 =	sadd.s32 s23, s0;
	[tilespmem:$0x4470] =	vst v4;
	v4 =	vor.u32 s17, v0  }
0x1b3: {  	[tilespmem:s11], [sflag:$0x2] =	stream.strided.gather [hbm4b:s0+s8], $0x2000, s9, s8, $0x38;
	[tilespmem:$0x4900] =	vst v63  }
0x1b4: {  	_ =	swait.ge [sflag:s7], $0x2000  }
0x1b5: {  	[sflag:s7] =	ssyncset.done $0x0  }
0x1b6: {  	[sflag:s7] =	ssyncadd.s32 $0xFFFFE000  }
0x1b7: {  	v4 =	vld.idx.msk [tilespmem:v4+s10+$0x0], $0xffff  }
0x1b8: {  	v5 =	vor.u32 s17, v1;
	_ =	sdelay $0x3  }
0x1b9: {  	[tilespmem:$0x4480] =	vst v4  }
0x1ba: {  	v4 =	vld.idx.msk [tilespmem:v5+s10+$0x0], $0xffff  }
0x1bb: {  	v5 =	vor.u32 s17, v2;
	_ =	sdelay $0x3  }
0x1bc: {  	[tilespmem:$0x4490] =	vst v4  }
0x1bd: {  	s18 =	sshra.s32 s28, $0x1F;
	v4 =	vld.idx.msk [tilespmem:v5+s10+$0x0], $0xffff  }
0x1be: {  	s0 =	sshrl.u32 s18, $0x19;
	v5 =	vor.u32 s17, v3  }
0x1bf: {  	s0 =	sadd.s32 s0, s28  }
0x1c0: {  	s19 =	sand.u32 $0xFFFFFF80, s0  }
0x1c1: {  	p3 =	slt.s32 s28, $0x1;
	p4 =	sne.s32 s28, s19  }
0x1c2: {  	p0 =	por !p3, !p4;
	[tilespmem:$0x44A0] =	vst v4  }
0x1c3: {  	s1 =	simm.s32 $0x1;
	p0 =	por !p0, !p0;
	v4 =	vld.idx.msk [tilespmem:v5+s10+$0x0], $0xffff  }
0x1c4: {  	s0 =	sshrl.u32 s0, $0x7;
	s1 =	simm.s32 @!p0 $0x0  }
0x1c5: {  	s0 =	ssub.s32 s0, s1  }
0x1c6: {  	s0 =	sshll.u32 s0, $0x7  }
0x1c7: {  	s20 =	sand.u32 $0x7F, s29;
	s0 =	sand.u32 $0x1FFFFF80, s0  }
0x1c8: {  	s0 =	sadd.s32 s23, s0;
	[tilespmem:$0x44B0] =	vst v4;
	v4 =	vor.u32 s20, v0  }
0x1c9: {  	[tilespmem:s10], [sflag:$0x1] =	stream.strided.gather [hbm4b:s0+s8], $0x2000, s9, s8, $0x38;
	[tilespmem:$0x4900] =	vst v63  }
0x1ca: {  	_ =	swait.ge [sflag:s12], $0x2000  }
0x1cb: {  	[sflag:s12] =	ssyncset.done $0x0  }
0x1cc: {  	[sflag:s12] =	ssyncadd.s32 $0xFFFFE000  }
0x1cd: {  	v4 =	vld.idx.msk [tilespmem:v4+s11+$0x0], $0xffff  }
0x1ce: {  	v5 =	vor.u32 s20, v1;
	_ =	sdelay $0x3  }
0x1cf: {  	[tilespmem:$0x44C0] =	vst v4  }
0x1d0: {  	v4 =	vld.idx.msk [tilespmem:v5+s11+$0x0], $0xffff  }
0x1d1: {  	v5 =	vor.u32 s20, v2;
	_ =	sdelay $0x3  }
0x1d2: {  	[tilespmem:$0x44D0] =	vst v4  }
0x1d3: {  	s21 =	sshra.s32 s26, $0x1F;
	v4 =	vld.idx.msk [tilespmem:v5+s11+$0x0], $0xffff  }
0x1d4: {  	s0 =	sshrl.u32 s21, $0x19;
	v5 =	vor.u32 s20, v3  }
0x1d5: {  	s0 =	sadd.s32 s0, s26  }
0x1d6: {  	s22 =	sand.u32 $0xFFFFFF80, s0  }
0x1d7: {  	p5 =	slt.s32 s26, $0x1;
	p6 =	sne.s32 s26, s22  }
0x1d8: {  	p0 =	por !p5, !p6;
	[tilespmem:$0x44E0] =	vst v4  }
0x1d9: {  	s1 =	simm.s32 $0x1;
	p0 =	por !p0, !p0;
	v4 =	vld.idx.msk [tilespmem:v5+s11+$0x0], $0xffff  }
0x1da: {  	s0 =	sshrl.u32 s0, $0x7;
	s1 =	simm.s32 @!p0 $0x0  }
0x1db: {  	s0 =	ssub.s32 s0, s1  }
0x1dc: {  	s0 =	sshll.u32 s0, $0x7  }
0x1dd: {  	s28 =	sand.u32 $0x7F, s28;
	s0 =	sand.u32 $0x1FFFFF80, s0  }
0x1de: {  	s0 =	sadd.s32 s23, s0;
	[tilespmem:$0x44F0] =	vst v4;
	v4 =	vor.u32 s28, v0  }
0x1df: {  	[tilespmem:s11], [sflag:$0x2] =	stream.strided.gather [hbm4b:s0+s8], $0x2000, s9, s8, $0x38;
	[tilespmem:$0x4900] =	vst v63  }
0x1e0: {  	_ =	swait.ge [sflag:s7], $0x2000  }
0x1e1: {  	[sflag:s7] =	ssyncset.done $0x0  }
0x1e2: {  	[sflag:s7] =	ssyncadd.s32 $0xFFFFE000  }
0x1e3: {  	v4 =	vld.idx.msk [tilespmem:v4+s10+$0x0], $0xffff  }
0x1e4: {  	v5 =	vor.u32 s28, v1;
	_ =	sdelay $0x3  }
0x1e5: {  	[tilespmem:$0x4500] =	vst v4  }
0x1e6: {  	v4 =	vld.idx.msk [tilespmem:v5+s10+$0x0], $0xffff  }
0x1e7: {  	v5 =	vor.u32 s28, v2;
	_ =	sdelay $0x3  }
0x1e8: {  	[tilespmem:$0x4510] =	vst v4  }
0x1e9: {  	s29 =	sshra.s32 s25, $0x1F;
	v4 =	vld.idx.msk [tilespmem:v5+s10+$0x0], $0xffff  }
0x1ea: {  	s0 =	sshrl.u32 s29, $0x19;
	v5 =	vor.u32 s28, v3  }
0x1eb: {  	s0 =	sadd.s32 s0, s25  }
0x1ec: {  	s30 =	sand.u32 $0xFFFFFF80, s0  }
0x1ed: {  	p1 =	slt.s32 s25, $0x1;
	p2 =	sne.s32 s25, s30  }
0x1ee: {  	p0 =	por !p1, !p2;
	[tilespmem:$0x4520] =	vst v4  }
0x1ef: {  	s1 =	simm.s32 $0x1;
	p0 =	por !p0, !p0;
	v4 =	vld.idx.msk [tilespmem:v5+s10+$0x0], $0xffff  }
0x1f0: {  	s0 =	sshrl.u32 s0, $0x7;
	s1 =	simm.s32 @!p0 $0x0  }
0x1f1: {  	s0 =	ssub.s32 s0, s1  }
0x1f2: {  	s0 =	sshll.u32 s0, $0x7  }
0x1f3: {  	s31 =	sand.u32 $0x7F, s26;
	s0 =	sand.u32 $0x1FFFFF80, s0  }
0x1f4: {  	s0 =	sadd.s32 s23, s0;
	[tilespmem:$0x4530] =	vst v4;
	v4 =	vor.u32 s31, v0  }
0x1f5: {  	[tilespmem:s10], [sflag:$0x1] =	stream.strided.gather [hbm4b:s0+s8], $0x2000, s9, s8, $0x38;
	[tilespmem:$0x4900] =	vst v63  }
0x1f6: {  	_ =	swait.ge [sflag:s12], $0x2000  }
0x1f7: {  	[sflag:s12] =	ssyncset.done $0x0  }
0x1f8: {  	[sflag:s12] =	ssyncadd.s32 $0xFFFFE000  }
0x1f9: {  	v4 =	vld.idx.msk [tilespmem:v4+s11+$0x0], $0xffff  }
0x1fa: {  	v5 =	vor.u32 s31, v1;
	_ =	sdelay $0x3  }
0x1fb: {  	[tilespmem:$0x4540] =	vst v4  }
0x1fc: {  	v4 =	vld.idx.msk [tilespmem:v5+s11+$0x0], $0xffff  }
0x1fd: {  	v5 =	vor.u32 s31, v2;
	_ =	sdelay $0x3  }
0x1fe: {  	[tilespmem:$0x4550] =	vst v4  }
0x1ff: {  	s2 =	sshra.s32 s24, $0x1F;
	v4 =	vld.idx.msk [tilespmem:v5+s11+$0x0], $0xffff  }
0x200: {  	s0 =	sshrl.u32 s2, $0x19;
	v5 =	vor.u32 s31, v3  }
0x201: {  	s0 =	sadd.s32 s0, s24  }
0x202: {  	s3 =	sand.u32 $0xFFFFFF80, s0  }
0x203: {  	p3 =	slt.s32 s24, $0x1;
	p4 =	sne.s32 s24, s3  }
0x204: {  	p0 =	por !p3, !p4;
	[tilespmem:$0x4560] =	vst v4  }
0x205: {  	s1 =	simm.s32 $0x1;
	p0 =	por !p0, !p0;
	v4 =	vld.idx.msk [tilespmem:v5+s11+$0x0], $0xffff  }
0x206: {  	s0 =	sshrl.u32 s0, $0x7;
	s1 =	simm.s32 @!p0 $0x0  }
0x207: {  	s0 =	ssub.s32 s0, s1  }
0x208: {  	s0 =	sshll.u32 s0, $0x7  }
0x209: {  	s4 =	sand.u32 $0x7F, s25;
	s0 =	sand.u32 $0x1FFFFF80, s0  }
0x20a: {  	s0 =	sadd.s32 s23, s0;
	[tilespmem:$0x4570] =	vst v4;
	v4 =	vor.u32 s4, v0  }
0x20b: {  	[tilespmem:s11], [sflag:$0x2] =	stream.strided.gather [hbm4b:s0+s8], $0x2000, s9, s8, $0x38;
	[tilespmem:$0x4900] =	vst v63  }
0x20c: {  	_ =	swait.ge [sflag:s7], $0x2000  }
0x20d: {  	[sflag:s7] =	ssyncset.done $0x0  }
0x20e: {  	[sflag:s7] =	ssyncadd.s32 $0xFFFFE000  }
0x20f: {  	v4 =	vld.idx.msk [tilespmem:v4+s10+$0x0], $0xffff  }
0x210: {  	v5 =	vor.u32 s4, v1;
	_ =	sdelay $0x3  }
0x211: {  	[tilespmem:$0x4580] =	vst v4  }
0x212: {  	v4 =	vld.idx.msk [tilespmem:v5+s10+$0x0], $0xffff  }
0x213: {  	v5 =	vor.u32 s4, v2;
	_ =	sdelay $0x3  }
0x214: {  	s5 =	rddreg [dreg:$0x15];
	[tilespmem:$0x4590] =	vst v4  }
0x215: {  	s6 =	sshra.s32 s5, $0x1F;
	v4 =	vld.idx.msk [tilespmem:v5+s10+$0x0], $0xffff  }
0x216: {  	s0 =	sshrl.u32 s6, $0x19;
	v5 =	vor.u32 s4, v3  }
0x217: {  	s0 =	sadd.s32 s0, s5  }
0x218: {  	s13 =	sand.u32 $0xFFFFFF80, s0  }
0x219: {  	p5 =	slt.s32 s5, $0x1;
	p6 =	sne.s32 s5, s13  }
0x21a: {  	p0 =	por !p5, !p6;
	[tilespmem:$0x45A0] =	vst v4  }
0x21b: {  	s1 =	simm.s32 $0x1;
	p0 =	por !p0, !p0;
	v4 =	vld.idx.msk [tilespmem:v5+s10+$0x0], $0xffff  }
0x21c: {  	s0 =	sshrl.u32 s0, $0x7;
	s1 =	simm.s32 @!p0 $0x0  }
0x21d: {  	s0 =	ssub.s32 s0, s1  }
0x21e: {  	s0 =	sshll.u32 s0, $0x7  }
0x21f: {  	s15 =	sand.u32 $0x7F, s24;
	s0 =	sand.u32 $0x1FFFFF80, s0  }
0x220: {  	s0 =	sadd.s32 s23, s0;
	[tilespmem:$0x45B0] =	vst v4;
	v4 =	vor.u32 s15, v0  }
0x221: {  	[tilespmem:s10], [sflag:$0x1] =	stream.strided.gather [hbm4b:s0+s8], $0x2000, s9, s8, $0x38;
	[tilespmem:$0x4900] =	vst v63  }
0x222: {  	_ =	swait.ge [sflag:s12], $0x2000  }
0x223: {  	[sflag:s12] =	ssyncset.done $0x0  }
0x224: {  	[sflag:s12] =	ssyncadd.s32 $0xFFFFE000  }
0x225: {  	v4 =	vld.idx.msk [tilespmem:v4+s11+$0x0], $0xffff  }
0x226: {  	v5 =	vor.u32 s15, v1;
	_ =	sdelay $0x3  }
0x227: {  	[tilespmem:$0x45C0] =	vst v4  }
0x228: {  	v4 =	vld.idx.msk [tilespmem:v5+s11+$0x0], $0xffff  }
0x229: {  	v5 =	vor.u32 s15, v2;
	_ =	sdelay $0x3  }
0x22a: {  	s16 =	rddreg [dreg:$0x14];
	[tilespmem:$0x45D0] =	vst v4  }
0x22b: {  	s17 =	sshra.s32 s16, $0x1F;
	v4 =	vld.idx.msk [tilespmem:v5+s11+$0x0], $0xffff  }
0x22c: {  	s0 =	sshrl.u32 s17, $0x19;
	v5 =	vor.u32 s15, v3  }
0x22d: {  	s0 =	sadd.s32 s0, s16  }
0x22e: {  	s18 =	sand.u32 $0xFFFFFF80, s0  }
0x22f: {  	p1 =	slt.s32 s16, $0x1;
	p2 =	sne.s32 s16, s18  }
0x230: {  	p0 =	por !p1, !p2;
	[tilespmem:$0x45E0] =	vst v4  }
0x231: {  	s1 =	simm.s32 $0x1;
	p0 =	por !p0, !p0;
	v4 =	vld.idx.msk [tilespmem:v5+s11+$0x0], $0xffff  }
0x232: {  	s0 =	sshrl.u32 s0, $0x7;
	s1 =	simm.s32 @!p0 $0x0  }
0x233: {  	s0 =	ssub.s32 s0, s1  }
0x234: {  	s14 =	smov.u32 s5;
	s0 =	sshll.u32 s0, $0x7  }
0x235: {  	s20 =	sand.u32 $0x7F, s14;
	s0 =	sand.u32 $0x1FFFFF80, s0  }
0x236: {  	s0 =	sadd.s32 s23, s0;
	[tilespmem:$0x45F0] =	vst v4;
	v4 =	vor.u32 s20, v0  }
0x237: {  	[tilespmem:s11], [sflag:$0x2] =	stream.strided.gather [hbm4b:s0+s8], $0x2000, s9, s8, $0x38;
	[tilespmem:$0x4900] =	vst v63  }
0x238: {  	_ =	swait.ge [sflag:s7], $0x2000  }
0x239: {  	[sflag:s7] =	ssyncset.done $0x0  }
0x23a: {  	[sflag:s7] =	ssyncadd.s32 $0xFFFFE000  }
0x23b: {  	v4 =	vld.idx.msk [tilespmem:v4+s10+$0x0], $0xffff  }
0x23c: {  	v5 =	vor.u32 s20, v1;
	_ =	sdelay $0x3  }
0x23d: {  	[tilespmem:$0x4600] =	vst v4  }
0x23e: {  	v4 =	vld.idx.msk [tilespmem:v5+s10+$0x0], $0xffff  }
0x23f: {  	v5 =	vor.u32 s20, v2;
	_ =	sdelay $0x3  }
0x240: {  	s21 =	rddreg [dreg:$0x13];
	[tilespmem:$0x4610] =	vst v4  }
0x241: {  	s22 =	sshra.s32 s21, $0x1F;
	v4 =	vld.idx.msk [tilespmem:v5+s10+$0x0], $0xffff  }
0x242: {  	s0 =	sshrl.u32 s22, $0x19;
	v5 =	vor.u32 s20, v3  }
0x243: {  	s0 =	sadd.s32 s0, s21  }
0x244: {  	s24 =	sand.u32 $0xFFFFFF80, s0  }
0x245: {  	p3 =	slt.s32 s21, $0x1;
	p4 =	sne.s32 s21, s24  }
0x246: {  	p0 =	por !p3, !p4;
	[tilespmem:$0x4620] =	vst v4  }
0x247: {  	s1 =	simm.s32 $0x1;
	p0 =	por !p0, !p0;
	v4 =	vld.idx.msk [tilespmem:v5+s10+$0x0], $0xffff  }
0x248: {  	s0 =	sshrl.u32 s0, $0x7;
	s1 =	simm.s32 @!p0 $0x0  }
0x249: {  	s0 =	ssub.s32 s0, s1  }
0x24a: {  	s19 =	smov.u32 s16;
	s0 =	sshll.u32 s0, $0x7  }
0x24b: {  	s26 =	sand.u32 $0x7F, s19;
	s0 =	sand.u32 $0x1FFFFF80, s0  }
0x24c: {  	s0 =	sadd.s32 s23, s0;
	[tilespmem:$0x4630] =	vst v4;
	v4 =	vor.u32 s26, v0  }
0x24d: {  	[tilespmem:s10], [sflag:$0x1] =	stream.strided.gather [hbm4b:s0+s8], $0x2000, s9, s8, $0x38;
	[tilespmem:$0x4900] =	vst v63  }
0x24e: {  	_ =	swait.ge [sflag:s12], $0x2000  }
0x24f: {  	[sflag:s12] =	ssyncset.done $0x0  }
0x250: {  	[sflag:s12] =	ssyncadd.s32 $0xFFFFE000  }
0x251: {  	v4 =	vld.idx.msk [tilespmem:v4+s11+$0x0], $0xffff  }
0x252: {  	v5 =	vor.u32 s26, v1;
	_ =	sdelay $0x3  }
0x253: {  	[tilespmem:$0x4640] =	vst v4  }
0x254: {  	v4 =	vld.idx.msk [tilespmem:v5+s11+$0x0], $0xffff  }
0x255: {  	v5 =	vor.u32 s26, v2;
	_ =	sdelay $0x3  }
0x256: {  	s28 =	rddreg [dreg:$0x12];
	[tilespmem:$0x4650] =	vst v4  }
0x257: {  	s29 =	sshra.s32 s28, $0x1F;
	v4 =	vld.idx.msk [tilespmem:v5+s11+$0x0], $0xffff  }
0x258: {  	s0 =	sshrl.u32 s29, $0x19;
	v5 =	vor.u32 s26, v3  }
0x259: {  	s0 =	sadd.s32 s0, s28  }
0x25a: {  	s30 =	sand.u32 $0xFFFFFF80, s0  }
0x25b: {  	p5 =	slt.s32 s28, $0x1;
	p6 =	sne.s32 s28, s30  }
0x25c: {  	p0 =	por !p5, !p6;
	[tilespmem:$0x4660] =	vst v4  }
0x25d: {  	s1 =	simm.s32 $0x1;
	p0 =	por !p0, !p0;
	v4 =	vld.idx.msk [tilespmem:v5+s11+$0x0], $0xffff  }
0x25e: {  	s0 =	sshrl.u32 s0, $0x7;
	s1 =	simm.s32 @!p0 $0x0  }
0x25f: {  	s0 =	ssub.s32 s0, s1  }
0x260: {  	s25 =	smov.u32 s21;
	s0 =	sshll.u32 s0, $0x7  }
0x261: {  	s3 =	sand.u32 $0x7F, s25;
	s0 =	sand.u32 $0x1FFFFF80, s0  }
0x262: {  	s0 =	sadd.s32 s23, s0;
	[tilespmem:$0x4670] =	vst v4;
	v4 =	vor.u32 s3, v0  }
0x263: {  	[tilespmem:s11], [sflag:$0x2] =	stream.strided.gather [hbm4b:s0+s8], $0x2000, s9, s8, $0x38;
	[tilespmem:$0x4900] =	vst v63  }
0x264: {  	_ =	swait.ge [sflag:s7], $0x2000  }
0x265: {  	[sflag:s7] =	ssyncset.done $0x0  }
0x266: {  	[sflag:s7] =	ssyncadd.s32 $0xFFFFE000  }
0x267: {  	v4 =	vld.idx.msk [tilespmem:v4+s10+$0x0], $0xffff  }
0x268: {  	v5 =	vor.u32 s3, v1;
	_ =	sdelay $0x3  }
0x269: {  	[tilespmem:$0x4680] =	vst v4  }
0x26a: {  	v4 =	vld.idx.msk [tilespmem:v5+s10+$0x0], $0xffff  }
0x26b: {  	v5 =	vor.u32 s3, v2;
	_ =	sdelay $0x3  }
0x26c: {  	s5 =	rddreg [dreg:$0x11];
	[tilespmem:$0x4690] =	vst v4  }
0x26d: {  	s6 =	sshra.s32 s5, $0x1F;
	v4 =	vld.idx.msk [tilespmem:v5+s10+$0x0], $0xffff  }
0x26e: {  	s0 =	sshrl.u32 s6, $0x19;
	v5 =	vor.u32 s3, v3  }
0x26f: {  	s0 =	sadd.s32 s0, s5  }
0x270: {  	s13 =	sand.u32 $0xFFFFFF80, s0  }
0x271: {  	p1 =	slt.s32 s5, $0x1;
	p2 =	sne.s32 s5, s13  }
0x272: {  	p0 =	por !p1, !p2;
	[tilespmem:$0x46A0] =	vst v4  }
0x273: {  	s1 =	simm.s32 $0x1;
	p0 =	por !p0, !p0;
	v4 =	vld.idx.msk [tilespmem:v5+s10+$0x0], $0xffff  }
0x274: {  	s0 =	sshrl.u32 s0, $0x7;
	s1 =	simm.s32 @!p0 $0x0  }
0x275: {  	s0 =	ssub.s32 s0, s1  }
0x276: {  	s31 =	smov.u32 s28;
	s0 =	sshll.u32 s0, $0x7  }
0x277: {  	s15 =	sand.u32 $0x7F, s31;
	s0 =	sand.u32 $0x1FFFFF80, s0  }
0x278: {  	s0 =	sadd.s32 s23, s0;
	[tilespmem:$0x46B0] =	vst v4;
	v4 =	vor.u32 s15, v0  }
0x279: {  	[tilespmem:s10], [sflag:$0x1] =	stream.strided.gather [hbm4b:s0+s8], $0x2000, s9, s8, $0x38;
	[tilespmem:$0x4900] =	vst v63  }
0x27a: {  	_ =	swait.ge [sflag:s12], $0x2000  }
0x27b: {  	[sflag:s12] =	ssyncset.done $0x0  }
0x27c: {  	[sflag:s12] =	ssyncadd.s32 $0xFFFFE000  }
0x27d: {  	v4 =	vld.idx.msk [tilespmem:v4+s11+$0x0], $0xffff  }
0x27e: {  	v5 =	vor.u32 s15, v1;
	_ =	sdelay $0x3  }
0x27f: {  	[tilespmem:$0x46C0] =	vst v4  }
0x280: {  	v4 =	vld.idx.msk [tilespmem:v5+s11+$0x0], $0xffff  }
0x281: {  	v5 =	vor.u32 s15, v2;
	_ =	sdelay $0x3  }
0x282: {  	s16 =	rddreg [dreg:$0x10];
	[tilespmem:$0x46D0] =	vst v4  }
0x283: {  	s17 =	sshra.s32 s16, $0x1F;
	v4 =	vld.idx.msk [tilespmem:v5+s11+$0x0], $0xffff  }
0x284: {  	s0 =	sshrl.u32 s17, $0x19;
	v5 =	vor.u32 s15, v3  }
0x285: {  	s0 =	sadd.s32 s0, s16  }
0x286: {  	s18 =	sand.u32 $0xFFFFFF80, s0  }
0x287: {  	p3 =	slt.s32 s16, $0x1;
	p4 =	sne.s32 s16, s18  }
0x288: {  	p0 =	por !p3, !p4;
	[tilespmem:$0x46E0] =	vst v4  }
0x289: {  	s1 =	simm.s32 $0x1;
	p0 =	por !p0, !p0;
	v4 =	vld.idx.msk [tilespmem:v5+s11+$0x0], $0xffff  }
0x28a: {  	s0 =	sshrl.u32 s0, $0x7;
	s1 =	simm.s32 @!p0 $0x0  }
0x28b: {  	s0 =	ssub.s32 s0, s1  }
0x28c: {  	s14 =	smov.u32 s5;
	s0 =	sshll.u32 s0, $0x7  }
0x28d: {  	s20 =	sand.u32 $0x7F, s14;
	s0 =	sand.u32 $0x1FFFFF80, s0  }
0x28e: {  	s0 =	sadd.s32 s23, s0;
	[tilespmem:$0x46F0] =	vst v4;
	v4 =	vor.u32 s20, v0  }
0x28f: {  	[tilespmem:s11], [sflag:$0x2] =	stream.strided.gather [hbm4b:s0+s8], $0x2000, s9, s8, $0x38;
	[tilespmem:$0x4900] =	vst v63  }
0x290: {  	_ =	swait.ge [sflag:s7], $0x2000  }
0x291: {  	[sflag:s7] =	ssyncset.done $0x0  }
0x292: {  	[sflag:s7] =	ssyncadd.s32 $0xFFFFE000  }
0x293: {  	v4 =	vld.idx.msk [tilespmem:v4+s10+$0x0], $0xffff  }
0x294: {  	v5 =	vor.u32 s20, v1;
	_ =	sdelay $0x3  }
0x295: {  	[tilespmem:$0x4700] =	vst v4  }
0x296: {  	v4 =	vld.idx.msk [tilespmem:v5+s10+$0x0], $0xffff  }
0x297: {  	v5 =	vor.u32 s20, v2;
	_ =	sdelay $0x3  }
0x298: {  	s21 =	rddreg [dreg:$0xf];
	[tilespmem:$0x4710] =	vst v4  }
0x299: {  	s22 =	sshra.s32 s21, $0x1F;
	v4 =	vld.idx.msk [tilespmem:v5+s10+$0x0], $0xffff  }
0x29a: {  	s0 =	sshrl.u32 s22, $0x19;
	v5 =	vor.u32 s20, v3  }
0x29b: {  	s0 =	sadd.s32 s0, s21  }
0x29c: {  	s24 =	sand.u32 $0xFFFFFF80, s0  }
0x29d: {  	p5 =	slt.s32 s21, $0x1;
	p6 =	sne.s32 s21, s24  }
0x29e: {  	p0 =	por !p5, !p6;
	[tilespmem:$0x4720] =	vst v4  }
0x29f: {  	s1 =	simm.s32 $0x1;
	p0 =	por !p0, !p0;
	v4 =	vld.idx.msk [tilespmem:v5+s10+$0x0], $0xffff  }
0x2a0: {  	s0 =	sshrl.u32 s0, $0x7;
	s1 =	simm.s32 @!p0 $0x0  }
0x2a1: {  	s0 =	ssub.s32 s0, s1  }
0x2a2: {  	s19 =	smov.u32 s16;
	s0 =	sshll.u32 s0, $0x7  }
0x2a3: {  	s26 =	sand.u32 $0x7F, s19;
	s0 =	sand.u32 $0x1FFFFF80, s0  }
0x2a4: {  	s0 =	sadd.s32 s23, s0;
	[tilespmem:$0x4730] =	vst v4;
	v4 =	vor.u32 s26, v0  }
0x2a5: {  	[tilespmem:s10], [sflag:$0x1] =	stream.strided.gather [hbm4b:s0+s8], $0x2000, s9, s8, $0x38;
	[tilespmem:$0x4900] =	vst v63  }
0x2a6: {  	_ =	swait.ge [sflag:s12], $0x2000  }
0x2a7: {  	[sflag:s12] =	ssyncset.done $0x0  }
0x2a8: {  	[sflag:s12] =	ssyncadd.s32 $0xFFFFE000  }
0x2a9: {  	v4 =	vld.idx.msk [tilespmem:v4+s11+$0x0], $0xffff  }
0x2aa: {  	v5 =	vor.u32 s26, v1;
	_ =	sdelay $0x3  }
0x2ab: {  	[tilespmem:$0x4740] =	vst v4  }
0x2ac: {  	v4 =	vld.idx.msk [tilespmem:v5+s11+$0x0], $0xffff  }
0x2ad: {  	v5 =	vor.u32 s26, v2;
	_ =	sdelay $0x3  }
0x2ae: {  	s28 =	rddreg [dreg:$0xe];
	[tilespmem:$0x4750] =	vst v4  }
0x2af: {  	s29 =	sshra.s32 s28, $0x1F;
	v4 =	vld.idx.msk [tilespmem:v5+s11+$0x0], $0xffff  }
0x2b0: {  	s0 =	sshrl.u32 s29, $0x19;
	v5 =	vor.u32 s26, v3  }
0x2b1: {  	s0 =	sadd.s32 s0, s28  }
0x2b2: {  	s30 =	sand.u32 $0xFFFFFF80, s0  }
0x2b3: {  	p1 =	slt.s32 s28, $0x1;
	p2 =	sne.s32 s28, s30  }
0x2b4: {  	p0 =	por !p1, !p2;
	[tilespmem:$0x4760] =	vst v4  }
0x2b5: {  	s1 =	simm.s32 $0x1;
	p0 =	por !p0, !p0;
	v4 =	vld.idx.msk [tilespmem:v5+s11+$0x0], $0xffff  }
0x2b6: {  	s0 =	sshrl.u32 s0, $0x7;
	s1 =	simm.s32 @!p0 $0x0  }
0x2b7: {  	s0 =	ssub.s32 s0, s1  }
0x2b8: {  	s25 =	smov.u32 s21;
	s0 =	sshll.u32 s0, $0x7  }
0x2b9: {  	s3 =	sand.u32 $0x7F, s25;
	s0 =	sand.u32 $0x1FFFFF80, s0  }
0x2ba: {  	s0 =	sadd.s32 s23, s0;
	[tilespmem:$0x4770] =	vst v4;
	v4 =	vor.u32 s3, v0  }
0x2bb: {  	[tilespmem:s11], [sflag:$0x2] =	stream.strided.gather [hbm4b:s0+s8], $0x2000, s9, s8, $0x38;
	[tilespmem:$0x4900] =	vst v63  }
0x2bc: {  	_ =	swait.ge [sflag:s7], $0x2000  }
0x2bd: {  	[sflag:s7] =	ssyncset.done $0x0  }
0x2be: {  	[sflag:s7] =	ssyncadd.s32 $0xFFFFE000  }
0x2bf: {  	v4 =	vld.idx.msk [tilespmem:v4+s10+$0x0], $0xffff  }
0x2c0: {  	v5 =	vor.u32 s3, v1;
	_ =	sdelay $0x3  }
0x2c1: {  	[tilespmem:$0x4780] =	vst v4  }
0x2c2: {  	v4 =	vld.idx.msk [tilespmem:v5+s10+$0x0], $0xffff  }
0x2c3: {  	v5 =	vor.u32 s3, v2;
	_ =	sdelay $0x3  }
0x2c4: {  	s5 =	rddreg [dreg:$0xd];
	[tilespmem:$0x4790] =	vst v4  }
0x2c5: {  	s6 =	sshra.s32 s5, $0x1F;
	v4 =	vld.idx.msk [tilespmem:v5+s10+$0x0], $0xffff  }
0x2c6: {  	s0 =	sshrl.u32 s6, $0x19;
	v5 =	vor.u32 s3, v3  }
0x2c7: {  	s0 =	sadd.s32 s0, s5  }
0x2c8: {  	s13 =	sand.u32 $0xFFFFFF80, s0  }
0x2c9: {  	p3 =	slt.s32 s5, $0x1;
	p4 =	sne.s32 s5, s13  }
0x2ca: {  	p0 =	por !p3, !p4;
	[tilespmem:$0x47A0] =	vst v4  }
0x2cb: {  	s1 =	simm.s32 $0x1;
	p0 =	por !p0, !p0;
	v4 =	vld.idx.msk [tilespmem:v5+s10+$0x0], $0xffff  }
0x2cc: {  	s0 =	sshrl.u32 s0, $0x7;
	s1 =	simm.s32 @!p0 $0x0  }
0x2cd: {  	s0 =	ssub.s32 s0, s1  }
0x2ce: {  	s31 =	smov.u32 s28;
	s0 =	sshll.u32 s0, $0x7  }
0x2cf: {  	s15 =	sand.u32 $0x7F, s31;
	s0 =	sand.u32 $0x1FFFFF80, s0  }
0x2d0: {  	s0 =	sadd.s32 s23, s0;
	[tilespmem:$0x47B0] =	vst v4;
	v4 =	vor.u32 s15, v0  }
0x2d1: {  	[tilespmem:s10], [sflag:$0x1] =	stream.strided.gather [hbm4b:s0+s8], $0x2000, s9, s8, $0x38;
	[tilespmem:$0x4900] =	vst v63  }
0x2d2: {  	_ =	swait.ge [sflag:s12], $0x2000  }
0x2d3: {  	[sflag:s12] =	ssyncset.done $0x0  }
0x2d4: {  	[sflag:s12] =	ssyncadd.s32 $0xFFFFE000  }
0x2d5: {  	v4 =	vld.idx.msk [tilespmem:v4+s11+$0x0], $0xffff  }
0x2d6: {  	v5 =	vor.u32 s15, v1;
	_ =	sdelay $0x3  }
0x2d7: {  	[tilespmem:$0x47C0] =	vst v4  }
0x2d8: {  	v4 =	vld.idx.msk [tilespmem:v5+s11+$0x0], $0xffff  }
0x2d9: {  	v5 =	vor.u32 s15, v2;
	_ =	sdelay $0x3  }
0x2da: {  	s16 =	rddreg [dreg:$0xc];
	[tilespmem:$0x47D0] =	vst v4  }
0x2db: {  	s17 =	sshra.s32 s16, $0x1F;
	v4 =	vld.idx.msk [tilespmem:v5+s11+$0x0], $0xffff  }
0x2dc: {  	s0 =	sshrl.u32 s17, $0x19;
	v5 =	vor.u32 s15, v3  }
0x2dd: {  	s0 =	sadd.s32 s0, s16  }
0x2de: {  	s18 =	sand.u32 $0xFFFFFF80, s0  }
0x2df: {  	p5 =	slt.s32 s16, $0x1;
	p6 =	sne.s32 s16, s18  }
0x2e0: {  	p0 =	por !p5, !p6;
	[tilespmem:$0x47E0] =	vst v4  }
0x2e1: {  	s1 =	simm.s32 $0x1;
	p0 =	por !p0, !p0;
	v4 =	vld.idx.msk [tilespmem:v5+s11+$0x0], $0xffff  }
0x2e2: {  	s0 =	sshrl.u32 s0, $0x7;
	s1 =	simm.s32 @!p0 $0x0  }
0x2e3: {  	s0 =	ssub.s32 s0, s1  }
0x2e4: {  	s14 =	smov.u32 s5;
	s0 =	sshll.u32 s0, $0x7  }
0x2e5: {  	s19 =	sand.u32 $0x7F, s14;
	s0 =	sand.u32 $0x1FFFFF80, s0  }
0x2e6: {  	s0 =	sadd.s32 s23, s0;
	[tilespmem:$0x47F0] =	vst v4;
	v4 =	vor.u32 s19, v0  }
0x2e7: {  	[tilespmem:s11], [sflag:$0x2] =	stream.strided.gather [hbm4b:s0+s8], $0x2000, s9, s8, $0x38;
	[tilespmem:$0x4900] =	vst v63  }
0x2e8: {  	_ =	swait.ge [sflag:s7], $0x2000  }
0x2e9: {  	[sflag:s7] =	ssyncset.done $0x0  }
0x2ea: {  	[sflag:s7] =	ssyncadd.s32 $0xFFFFE000  }
0x2eb: {  	v4 =	vld.idx.msk [tilespmem:v4+s10+$0x0], $0xffff  }
0x2ec: {  	v5 =	vor.u32 s19, v1;
	_ =	sdelay $0x3  }
0x2ed: {  	[tilespmem:$0x4800] =	vst v4  }
0x2ee: {  	v4 =	vld.idx.msk [tilespmem:v5+s10+$0x0], $0xffff  }
0x2ef: {  	v5 =	vor.u32 s19, v2;
	_ =	sdelay $0x3  }
0x2f0: {  	[tilespmem:$0x4810] =	vst v4  }
0x2f1: {  	v4 =	vld.idx.msk [tilespmem:v5+s10+$0x0], $0xffff  }
0x2f2: {  	v5 =	vor.u32 s19, v3;
	_ =	sdelay $0x3  }
0x2f3: {  	[tilespmem:$0x4820] =	vst v4  }
0x2f4: {  	v4 =	vld.idx.msk [tilespmem:v5+s10+$0x0], $0xffff;
	_ =	sdelay $0x2  }
0x2f5: {  	s20 =	sand.u32 $0x7F, s16  }
0x2f6: {  	v5 =	vor.u32 s20, v0  }
0x2f7: {  	[tilespmem:$0x4830] =	vst v4  }
0x2f8: {  	_ =	swait.ge [sflag:s12], $0x2000  }
0x2f9: {  	[sflag:s12] =	ssyncset.done $0x0  }
0x2fa: {  	[sflag:s12] =	ssyncadd.s32 $0xFFFFE000  }
0x2fb: {  	v4 =	vld.idx.msk [tilespmem:v5+s11+$0x0], $0xffff  }
0x2fc: {  	v5 =	vor.u32 s20, v1;
	_ =	sdelay $0x3  }
0x2fd: {  	[tilespmem:$0x4840] =	vst v4  }
0x2fe: {  	v4 =	vld.idx.msk [tilespmem:v5+s11+$0x0], $0xffff  }
0x2ff: {  	v5 =	vor.u32 s20, v2;
	_ =	sdelay $0x3  }
0x300: {  	[tilespmem:$0x4850] =	vst v4  }
0x301: {  	v4 =	vld.idx.msk [tilespmem:v5+s11+$0x0], $0xffff  }
0x302: {  	v5 =	vor.u32 s20, v3;
	_ =	sdelay $0x3  }
0x303: {  	[tilespmem:$0x4860] =	vst v4  }
0x304: {  	v4 =	vld.idx.msk [tilespmem:v5+s11+$0x0], $0xffff;
	_ =	sdelay $0x3  }
0x305: {  	s21 =	rddreg [dreg:$0x7]  }
0x306: {  	s24 =	simm.s32 $0x0;
	s26 =	simm.s32 $0x4;
	s22 =	rddreg [dreg:$0xa];
	[tilespmem:$0x4870] =	vst v4  }
0x307: {  	[hbm4b:s21+s24] =	stream.linear.scatter [tilespmem:s22], [sflag:$0x4], $0x800, $0x38;
	[tilespmem:$0x4900] =	vst v63  }
0x308: {  	s25 =	rddreg [dreg:$0xb];
	_ =	swait.ge [sflag:s26], $0x800  }
0x309: {  	[sflag:s26] =	ssyncset.done $0x0  }
0x30a: {  	s28 =	simm.s32 $0x3;
	[sflag:s26] =	ssyncadd.s32 $0xFFFFF800  }
0x30b: {  	_ =	swait.ge [sflag:s28], $0x20  }
0x30c: {  	s30 =	simm.s32 $0x4880;
	p0 =	sne.s32 s25, $0x1;
	[sflag:s28] =	ssyncset.done $0x0  }
.Ltmp0:
0x30d: {  	s29 =	rddreg [dreg:$0x8];
	[sflag:s28] =	ssyncadd.s32 $0xFFFFFFE0;
	(pc) =	sbr.rel @p0 .LBB2_1-.Ltmp0, $4  }
0x30e: {  	[hbm4b:s29+s24] =	stream.linear.scatter [tilespmem:s30], [sflag:$0x4], $0x20, $0x38;
	[tilespmem:$0x4900] =	vst v63  }
0x30f: {  	_ =	swait.ge [sflag:s26], $0x20  }
0x310: {  	s31 =	simm.s32 $0x4;
	[sflag:s26] =	ssyncset.done $0x0  }
0x311: {  	s1 =	sadd.s32 $0xFFFFFFFF, s25;
	[sflag:s31] =	ssyncadd.s32 $0xFFFFFFE0  }
0x312: {  	_ =	sfence.sel $0x180000  }
0x313: {  	[bflag:$0x0] =	sbarrier.arrive $0xFFFF  }
0x314: {  	_ =	strace $0x9000004A  }
0x315: {  	s0 =	stileid.u32;
	[bflag:$0x2] =	sbarrier.arrive $0xFFFF  }
0x316: {  	p0 =	sne.s32 s0, $0x0;
	s0 =	rddreg [dreg:$0x4]  }
0x317: {  	s0 =	sadd.s32 @!p0 $0x100000, s0  }
0x318: {  	[sflag:s0] =	ssyncadd.tile.s32 @!p0 $0x1;
	_ =	shalt  }
.Lfunc_end2:
_tile_overlayer_lowered:
.L_overlay_start_2:
0x319: {  	(tag) =	ssettag $0x2  }
0x31a: {  	s0 =	rddreg [dreg:$0x0];
	s2 =	stileid.u32  }
0x31b: {  	s1 =	rddreg [dreg:$0x1];
	p0 =	sne.s32 s2, $0x0  }
0x31c: {  	s3 =	rddreg [dreg:$0x2];
	[bflag:$0x3] =	sbarrier.arrive $0xFFFF;
	s2 =	simm.s32 @!p0 $0x1C04  }
0x31d: {  	[timem:s3], [sflag:s2] =	dma.local @!p0 [hbm:s0], s1  }
0x31e: {  	s0 =	simm.s32 @!p0 $0x4  }
0x31f: {  	_ =	swait.ge @!p0 [sflag:s0], s1  }
0x320: {  	s1 =	ssub.s32 @!p0 $0x0, s1;
	[sflag:s0] =	ssyncset.done @!p0 $0x0  }
0x321: {  	[sflag:s0] =	ssyncadd.s32 @!p0 s1  }
0x322: {  	[bflag:$0x3] =	sbarrier.arrive $0xFFFF  }
0x323: {  	_ =	shalt  }

// kernel: kernel.9.cloned.1.call-start
scs
__scs_entry_jumppad:
0x0: {  	(pc) =	sbr.rel $0x88, $3  }
0x1: {  	(tag) =	ssettag $0x0;
	lr =	simm.s32 $0x1  }
0x2: {  	[smem:$0x3F9C] =	sst lr;
	_ =	strace $0xD0000000  }
0x3: {  	_ = 	snop  }
0x4: {  	_ = 	snop  }
0x5: {  	_ = 	snop  }
0x6: {  	_ = 	snop  }
0x7: {  	_ = 	snop  }
__scs_overlays_trampoline_lowered:
0x8: {  	[smem:$0x3FAB] =	sst s0  }
0x9: {  	[smem:$0x3FAC] =	sst s1  }
0xa: {  	[smem:$0x3FAD] =	sst s2  }
0xb: {  	[smem:$0x3FAE] =	sst s3  }
0xc: {  	[smem:$0x3FAF] =	sst s4  }
0xd: {  	[smem:$0x3FB0] =	sst s5  }
0xe: {  	[smem:$0x3FB1] =	sst s6  }
0xf: {  	[smem:$0x3FB2] =	sst s7  }
0x10: {  	[smem:$0x3FB3] =	sst s8  }
0x11: {  	[smem:$0x3FB4] =	sst s9;
	s0 =	simm.s32 @!p0 $0x0  }
0x12: {  	s1 =	sld [smem:$0x3F9A];
	s0 =	simm.s32 @p0 $0x1  }
0x13: {  	[smem:$0x3FB5] =	sst s0;
	s0 =	simm.s32 @!p1 $0x0  }
0x14: {  	s2 =	sld [smem:$0x3F99];
	s0 =	simm.s32 @p1 $0x1  }
0x15: {  	[smem:$0x3FB6] =	sst s0;
	s0 =	simm.s32 @!p2 $0x0  }
0x16: {  	s3 =	sld [smem:$0x3FDB];
	s0 =	simm.s32 @p2 $0x1  }
0x17: {  	s4 =	simm.s32 $0x1BF5;
	[smem:$0x3FB8] =	sst s0  }
0x18: {  	s0 =	sld [smem:$0x3F9B];
	_ =	swait.ge [sflag:s4], $0x0  }
0x19: {  	s7 =	sld [smem:$0x3F9C]  }
0x1a: {  	s8 =	sadd.s32 $0xFFFFE003, lr  }
0x1b: {  	s9 =	sadd.s32 $0xFFFFFEF7, lr;
	s5 =	simm.s32 $0xFFFFFFFF;
	p2 =	slt.u32 s8, $0xFFFFF086  }
0x1c: {  	p1 =	slt.u32 s9, $0xF7A;
	s5 =	simm.s32 @!p2 $0x0  }
0x1d: {  	s5 =	simm.s32 @p1 $0x1;
	p0 =	seq.s32 s7, s2  }
0x1e: {  	s7 =	smul.u32 @!p0 $0xF7A, s2;
	p2 =	seq.s32 @!p0 s5, $0x0  }
0x1f: {  	s9 =	smul.u32 $0xF7A, s1;
	s8 =	simm.s32 @!p0 $0x1BF5;
	p2 =	por !p2, p0  }
0x20: {  	[sflag:s8] =	ssyncset.s32 @!p0 $0xFFFFF086;
	s6 =	sadd.s32 @!p0 s3, s7;
	s7 =	simm.s32 @!p0 $0x108  }
0x21: {  	s3 =	sadd.s32 s3, s9;
	s6 =	sadd.s32 @!p0 $0x88, s6;
	s7 =	simm.s32 @p2 $0x1082  }
0x22: {  	[simem:s7], [sflag:s8] =	dma.local @!p0 [hbm:s6], $0xF7A  }
0x23: {  	s9 =	sor.u32 $0xD0000000, s2;
	s6 =	simm.s32 $0x108;
	_ =	swait.ge @!p0 [sflag:s8], $0x0  }
0x24: {  	s3 =	sadd.s32 $0x88, s3;
	s6 =	simm.s32 @!p1 $0x1082;
	[sflag:s4] =	ssyncset.s32 $0xFFFFF086  }
0x25: {  	[simem:s6], [sflag:s4] =	dma.local [hbm:s3], $0xF7A  }
0x26: {  	[smem:$0x3F9C] =	sst s1;
	(tag) =	ssettag s2;
	_ =	strace s9  }
0x27: {  	s1 =	sld [smem:$0x3FAC]  }
0x28: {  	s2 =	sld [smem:$0x3FAD]  }
0x29: {  	s4 =	sld [smem:$0x3FAF]  }
0x2a: {  	p0 =	seq.s32 s5, $0x0;
	s5 =	sld [smem:$0x3FB0]  }
0x2b: {  	s6 =	sld [smem:$0x3FB1]  }
0x2c: {  	s7 =	sld [smem:$0x3FB2]  }
0x2d: {  	s3 =	simm.s32 $0x108;
	s8 =	sld [smem:$0x3FB3]  }
0x2e: {  	s3 =	simm.s32 @!p0 $0x1082;
	s9 =	sld [smem:$0x3FB4]  }
0x2f: {  	lr =	sadd.s32 s0, s3;
	s0 =	sld [smem:$0x3FAB]  }
0x30: {  	s3 =	sld [smem:$0x3FAE]  }
0x31: {  	[smem:$0x3FB7] =	sst s10  }
0x32: {  	s10 =	sld [smem:$0x3FB5];
	_ =	sdelay $0x3  }
0x33: {  	p0 =	seq.s32 s10, $0x1;
	s10 =	sld [smem:$0x3FB7];
	_ =	sdelay $0x3  }
0x34: {  	[smem:$0x3FB7] =	sst s10  }
0x35: {  	s10 =	sld [smem:$0x3FB6];
	_ =	sdelay $0x3  }
0x36: {  	p1 =	seq.s32 s10, $0x1;
	s10 =	sld [smem:$0x3FB7];
	_ =	sdelay $0x3  }
0x37: {  	[smem:$0x3FB7] =	sst s10  }
0x38: {  	s10 =	sld [smem:$0x3FB8]  }
0x39: {  	_ = 	snop;
	(pc) =	sbr.ind lr, $3  }
0x3a: {  	_ = 	snop  }
0x3b: {  	_ = 	snop  }
0x3c: {  	p2 =	seq.s32 s10, $0x1;
	s10 =	sld [smem:$0x3FB7]  }
0x3d: {  	_ =	shalt  }
0x3e: {  	_ =	shalt  }
0x3f: {  	_ =	shalt  }
0x40: {  	_ =	shalt  }
0x41: {  	_ =	shalt  }
0x42: {  	_ =	shalt  }
0x43: {  	_ =	shalt  }
0x44: {  	_ =	shalt  }
0x45: {  	_ =	shalt  }
0x46: {  	_ =	shalt  }
0x47: {  	_ =	shalt  }
0x48: {  	_ =	shalt  }
0x49: {  	_ =	shalt  }
0x4a: {  	_ =	shalt  }
0x4b: {  	_ =	shalt  }
0x4c: {  	_ =	shalt  }
0x4d: {  	_ =	shalt  }
0x4e: {  	_ =	shalt  }
0x4f: {  	_ =	shalt  }
0x50: {  	_ =	shalt  }
0x51: {  	_ =	shalt  }
0x52: {  	_ =	shalt  }
0x53: {  	_ =	shalt  }
0x54: {  	_ =	shalt  }
0x55: {  	_ =	shalt  }
0x56: {  	_ =	shalt  }
0x57: {  	_ =	shalt  }
0x58: {  	_ =	shalt  }
0x59: {  	_ =	shalt  }
0x5a: {  	_ =	shalt  }
0x5b: {  	_ =	shalt  }
0x5c: {  	_ =	shalt  }
0x5d: {  	_ =	shalt  }
0x5e: {  	_ =	shalt  }
0x5f: {  	_ =	shalt  }
0x60: {  	_ =	shalt  }
0x61: {  	_ =	shalt  }
0x62: {  	_ =	shalt  }
0x63: {  	_ =	shalt  }
0x64: {  	_ =	shalt  }
0x65: {  	_ =	shalt  }
0x66: {  	_ =	shalt  }
0x67: {  	_ =	shalt  }
0x68: {  	_ =	shalt  }
0x69: {  	_ =	shalt  }
0x6a: {  	_ =	shalt  }
0x6b: {  	_ =	shalt  }
0x6c: {  	_ =	shalt  }
0x6d: {  	_ =	shalt  }
0x6e: {  	_ =	shalt  }
0x6f: {  	_ =	shalt  }
0x70: {  	_ =	shalt  }
0x71: {  	_ =	shalt  }
0x72: {  	_ =	shalt  }
0x73: {  	_ =	shalt  }
0x74: {  	_ =	shalt  }
0x75: {  	_ =	shalt  }
0x76: {  	_ =	shalt  }
0x77: {  	_ =	shalt  }
0x78: {  	_ =	shalt  }
0x79: {  	_ =	shalt  }
0x7a: {  	_ =	shalt  }
0x7b: {  	_ =	shalt  }
0x7c: {  	_ =	shalt  }
0x7d: {  	_ =	shalt  }
0x7e: {  	_ =	shalt  }
0x7f: {  	_ =	shalt  }
0x80: {  	_ =	shalt  }
0x81: {  	_ =	shalt  }
0x82: {  	_ =	shalt  }
0x83: {  	_ =	shalt  }
0x84: {  	_ =	shalt  }
0x85: {  	_ =	shalt  }
0x86: {  	_ =	shalt  }
0x87: {  	_ =	shalt  }
.Lfunc_end0:
.L_simem_size_0:
called_computation.1_lowered:
.L_overlay_start_0:
0x88: {  	s2 =	sld [smem:$0x3FD9]  }
0x89: {  	s3 =	sld [smem:$0x3FFE];
	_ =	sdelay $0x1  }
0x8a: {  	s1 =	srdreg.scid  }
0x8b: {  	s0 =	sand.u32 $0x1, s1  }
0x8c: {  	s17 =	sshll.u32 s0, $0xA;
	s2 =	sadd.s32 s3, s2  }
0x8d: {  	s2 =	sadd.s32 s2, s17  }
0x8e: {  	[smem:$0x3FC3] =	sst s2  }
0x8f: {  	_ = 	snop  }
0x90: {  	s2 =	sld [smem:$0x3FC7]  }
0x91: {  	s18 =	sld [smem:$0x3FC6]  }
0x92: {  	s4 =	sld [smem:$0x3FD0];
	(tm) =	ssettm $0x1  }
0x93: {  	s5 =	sld [smem:$0x3FFB];
	_ =	sdelay $0x3  }
0x94: {  	_ =	strace s5  }
0x95: {  	s5 =	sld [smem:$0x3FFC];
	_ =	sdelay $0x3  }
0x96: {  	_ =	strace s5  }
0x97: {  	s5 =	sld [smem:$0x3FFD];
	_ =	sdelay $0x3  }
0x98: {  	_ =	strace s5  }
0x99: {  	_ =	strace $0x8FFFFFFF  }
0x9a: {  	s19 =	sld [smem:$0x3FDB];
	_ =	sdelay $0x1  }
0x9b: {  	s6 =	simm.s32 $_scs_section_size  }
0x9c: {  	s7 =	simm.s32 $_size__tile_overlayer_lowered;
	s8 =	simm.s32 $_tile_overlayer_lowered  }
0x9d: {  	s22 =	simm.s32 $0x1BFF;
	s21 =	sshll.u32 s8, $0x1;
	s5 =	sadd.s32 s6, s19  }
0x9e: {  	s9 =	simm.s32 $0x0;
	s20 =	sshll.u32 s7, $0x1;
	s7 =	sadd.s32 s21, s5  }
0x9f: {  	[timem:s9], [sflag:s22] =	dma.local [hbm:s7], s20  }
0xa0: {  	_ =	swait.ge [sflag:s22], s20  }
0xa1: {  	s6 =	ssub.s32 $0x0, s20;
	[sflag:s22] =	ssyncset.done $0x0  }
0xa2: {  	[sflag:s22] =	ssyncadd.s32 s6;
	_ =	sdelay $0x1  }
0xa3: {  	s23 =	simm.s32 $0x1B8B  }
0xa4: {  	_ =	swait.ge [sflag:s23], $0x1  }
0xa5: {  	[sflag:s23] =	ssyncset.done $0x0  }
0xa6: {  	s25 =	simm.s32 $0x1B8E;
	s24 =	sld [smem:$0x3FFE];
	[sflag:s23] =	ssyncadd.s32 $0xFFFFFFFF  }
0xa7: {  	s26 =	simm.s32 $execute0_lowered;
	[smem:$0x3FD2] =	sst s25  }
0xa8: {  	s7 =	sshll.u32 s26, $0x1;
	_ =	strace $0x80000046;
	[dreg:$0x1] =	wrdreg $0xFFFFFFFF  }
0xa9: {  	s28 =	simm.s32 $_size_execute0_lowered;
	s5 =	sadd.s32 s5, s7;
	[dreg:$0x0] =	wrdreg $0x0  }
0xaa: {  	s7 =	sshll.u32 s28, $0x1;
	[dreg:$0x2] =	wrdreg s5  }
0xab: {  	[dreg:$0x3] =	wrdreg s7  }
0xac: {  	[dreg:$0x4] =	wrdreg $0xC0  }
0xad: {  	_ =	task [dreg:s9], $0x5FFFF  }
0xae: {  	[dreg:$0x1] =	wrdreg $0xFFFFFFFF  }
0xaf: {  	[dreg:$0x0] =	wrdreg $0x60  }
0xb0: {  	[dreg:$0x2] =	wrdreg s24  }
0xb1: {  	[dreg:$0x3] =	wrdreg s2  }
0xb2: {  	[dreg:$0x4] =	wrdreg s18  }
0xb3: {  	[dreg:$0x5] =	wrdreg s4  }
0xb4: {  	[dreg:$0x6] =	wrdreg $0xA  }
0xb5: {  	_ =	task.clear_ibuf [dreg:s9], $0x7FFFF;
	_ =	strace $0x90000046  }
0xb6: {  	s29 =	simm.s32 $0xA;
	_ =	strace $0x80000048  }
0xb7: {  	_ =	swait.ge [sflag:s29], $0x1  }
0xb8: {  	[sflag:s29] =	ssyncadd.s32 $0xFFFFFFFF  }
0xb9: {  	_ =	strace $0x90000048  }
0xba: {  	_ =	sfence  }
0xbb: {  	s30 =	sld [smem:$0x0];
	_ =	sdelay $0x2  }
0xbc: {  	s31 =	sshll.u32 s1, $0xD;
	s1 =	sshrl.u32 s1, $0x2  }
0xbd: {  	s3 =	sand.u32 $0x4000, s31;
	s1 =	sadd.s32 s1, s30  }
0xbe: {  	s0 =	sor.u32 s3, s0;
	s1 =	sshll.u32 s1, $0x11  }
0xbf: {  	s0 =	sor.u32 s1, s0  }
0xc0: {  	s0 =	sadd.s32 $0x8F2B, s0  }
0xc1: {  	[sflag:s0] =	ssyncadd.remote.s32 $0x1  }
0xc2: {  	_ =	sfence.sel $0xFFFF  }
0xc3: {  	[dreg:$0x0] =	wrdreg $0xFFFFFFFF;
	(pc) =	sbr.abs _section_cstart, $3  }
0xc4: {  	[dreg:$0x1] =	wrdreg $0xFFFFFFFF  }
0xc5: {  	_ =	task.clear_ibuf [dreg:s9], $0x2FFFF;
	_ =	strace $0x9FFFFFFF  }
0xc6: {  	(tm) =	ssettm $0x7FFFFFFF  }
0xc7: {  	_ =	shalt  }
tec
execute0_lowered:
.L_overlay_start_1:
0x0: {  	(tag) =	ssettag $0x1  }
0x1: {  	s21 =	rddreg [dreg:$0x0]  }
0x2: {  	s1 =	rddreg [dreg:$0x1];
	s2 =	srdreg.scid  }
0x3: {  	s4 =	rddreg [dreg:$0x2];
	s0 =	stileid.u32;
	s20 =	sand.u32 $0x1, s2  }
0x4: {  	s22 =	rddreg [dreg:$0x3];
	s5 =	sshll.u32 s0, $0xA;
	s6 =	sshll.u32 s20, $0x9  }
0x5: {  	s3 =	simm.s32 $0x0;
	s2 =	rddreg [dreg:$0x4];
	s23 =	sor.u32 s6, s5  }
0x6: {  	[smem:$0x7FF] =	sst s3;
	s24 =	sshrl.u32 s23, $0x3  }
0x7: {  	_ =	strace $0x80000047;
	s5 =	sadd.s32 s4, s24;
	s4 =	simm.s32 $0x3  }
0x8: {  	[tilespmem:s3], [sflag:$0x3] =	stream.linear.gather [hbm4b:s5+s3], $0x200, $0x38;
	[tilespmem:$0x8400] =	vst v63  }
0x9: {  	_ =	swait.ge [sflag:s4], $0x200  }
0xa: {  	s7 =	simm.s32 $0x80;
	[sflag:s4] =	ssyncset.done $0x0  }
0xb: {  	s8 =	simm.s32 $0x200;
	s6 =	sadd.s32 $0xF43800, s21;
	[sflag:s4] =	ssyncadd.s32 $0xFFFFFE00  }
0xc: {  	[tilespmem:s8], [sflag:$0x1] =	stream.indirect.gather [hbm4b:s6+s7], $0x40, s3, s7, $0xb8;
	[tilespmem:$0x8400] =	vst v63  }
0xd: {  	s9 =	simm.s32 $0x8200  }
0xe: {  	[tilespmem:s9], [sflag:$0x2] =	stream.indirect.gather [hbm4b:s1+s7], $0x1, s3, s7, $0xb8;
	[tilespmem:$0x8400] =	vst v63  }
0xf: {  	s10 =	simm.s32 $0x2200  }
0x10: {  	[tilespmem:s10], [sflag:$0x1] =	stream.indirect.gather [hbm4b:s6+s7], $0x40, s7, s7, $0xb8;
	[tilespmem:$0x8400] =	vst v63  }
0x11: {  	s11 =	simm.s32 $0x8280  }
0x12: {  	[tilespmem:s11], [sflag:$0x2] =	stream.indirect.gather [hbm4b:s1+s7], $0x1, s7, s7, $0xb8;
	[tilespmem:$0x8400] =	vst v63  }
0x13: {  	s12 =	simm.s32 $0x100;
	s13 =	simm.s32 $0x4200  }
0x14: {  	[tilespmem:s13], [sflag:$0x1] =	stream.indirect.gather [hbm4b:s6+s7], $0x40, s12, s7, $0xb8;
	[tilespmem:$0x8400] =	vst v63  }
0x15: {  	s14 =	simm.s32 $0x8300  }
0x16: {  	[tilespmem:s14], [sflag:$0x2] =	stream.indirect.gather [hbm4b:s1+s7], $0x1, s12, s7, $0xb8;
	[tilespmem:$0x8400] =	vst v63  }
0x17: {  	s15 =	simm.s32 $0x180;
	s16 =	simm.s32 $0x6200  }
0x18: {  	[tilespmem:s16], [sflag:$0x1] =	stream.indirect.gather [hbm4b:s6+s7], $0x40, s15, s7, $0xb8;
	[tilespmem:$0x8400] =	vst v63  }
0x19: {  	s17 =	simm.s32 $0x8380;
	s18 =	simm.s32 $0x1  }
0x1a: {  	[tilespmem:s17], [sflag:$0x2] =	stream.indirect.gather [hbm4b:s1+s7], $0x1, s15, s7, $0xb8;
	[tilespmem:$0x8400] =	vst v63  }
0x1b: {  	_ =	swait.ge [sflag:s18], $0x2000  }
0x1c: {  	[sflag:s18] =	ssyncset.done $0x0  }
0x1d: {  	s19 =	simm.s32 $0x2;
	[sflag:s18] =	ssyncadd.s32 $0xFFFFE000  }
0x1e: {  	_ =	swait.ge [sflag:s19], $0x80  }
0x1f: {  	[sflag:s19] =	ssyncset.done $0x0  }
0x20: {  	[sflag:s19] =	ssyncadd.s32 $0xFFFFFF80  }
0x21: {  	_ =	swait.ge [sflag:s18], $0x2000  }
0x22: {  	[sflag:s18] =	ssyncset.done $0x0  }
0x23: {  	[sflag:s18] =	ssyncadd.s32 $0xFFFFE000  }
0x24: {  	_ =	swait.ge [sflag:s19], $0x80  }
0x25: {  	[sflag:s19] =	ssyncset.done $0x0  }
0x26: {  	[sflag:s19] =	ssyncadd.s32 $0xFFFFFF80  }
0x27: {  	_ =	swait.ge [sflag:s18], $0x2000  }
0x28: {  	[sflag:s18] =	ssyncset.done $0x0  }
0x29: {  	[sflag:s18] =	ssyncadd.s32 $0xFFFFE000  }
0x2a: {  	_ =	swait.ge [sflag:s19], $0x80  }
0x2b: {  	[sflag:s19] =	ssyncset.done $0x0  }
0x2c: {  	[sflag:s19] =	ssyncadd.s32 $0xFFFFFF80  }
0x2d: {  	_ =	swait.ge [sflag:s18], $0x2000  }
0x2e: {  	[sflag:s18] =	ssyncset.done $0x0  }
0x2f: {  	s25 =	ssub.s32 $0x2, s20;
	[sflag:s18] =	ssyncadd.s32 $0xFFFFE000  }
0x30: {  	s31 =	sshrl.u32 s25, $0x1;
	s23 =	sshll.u32 s23, $0x3;
	_ =	swait.ge [sflag:s19], $0x80  }
0x31: {  	s20 =	sadd.s32 s22, s23;
	s22 =	ssub.s32 s25, s31;
	[sflag:s19] =	ssyncset.done $0x0  }
0x32: {  	s22 =	smax.u32 s22, $0x1;
	[sflag:s19] =	ssyncadd.s32 $0xFFFFFF80  }
0x33: {  	[hbm4b:s20+s3] =	stream.linear.scatter [tilespmem:s8], [sflag:$0x3], $0x8000, $0x38;
	[tilespmem:$0x8400] =	vst v63  }
0x34: {  	p0 =	sne.s32 s22, $0x1;
	_ =	swait.ge [sflag:s4], $0x8000  }
.Ltmp0:
0x35: {  	s21 =	sadd.s32 s24, s21;
	[sflag:s4] =	ssyncset.done $0x0;
	(pc) =	sbr.rel @!p0 .LBB2_2-.Ltmp0, $4  }
0x36: {  	s21 =	sadd.s32 $0x1400, s21;
	[sflag:s4] =	ssyncadd.s32 $0xFFFF8000  }
0x37: {  	[hbm4b:s21+s3] =	stream.linear.scatter [tilespmem:s9], [sflag:$0x3], $0x200, $0x38;
	[tilespmem:$0x8400] =	vst v63  }
0x38: {  	_ =	swait.ge [sflag:s4], $0x200  }
0x39: {  	s22 =	sadd.s32 $0xFFFFFFFF, s22;
	[sflag:s4] =	ssyncset.done $0x0  }
.LBB2_1:
0x3a: {  	p0 =	sne.s32 s22, $0x1;
	s22 =	sadd.s32 $0xFFFFFFFF, s22;
	[sflag:s4] =	ssyncadd.s32 $0xFFFFFE00  }
0x3b: {  	[tilespmem:s3], [sflag:$0x3] =	stream.linear.gather [hbm4b:s5+s3], $0x200, $0x38;
	[tilespmem:$0x8400] =	vst v63  }
0x3c: {  	_ =	swait.ge [sflag:s4], $0x200  }
0x3d: {  	[sflag:s4] =	ssyncset.done $0x0  }
0x3e: {  	[sflag:s4] =	ssyncadd.s32 $0xFFFFFE00  }
0x3f: {  	[tilespmem:s8], [sflag:$0x1] =	stream.indirect.gather [hbm4b:s6+s7], $0x40, s3, s7, $0xb8;
	[tilespmem:$0x8400] =	vst v63  }
0x40: {  	_ = 	snop  }
0x41: {  	[tilespmem:s9], [sflag:$0x2] =	stream.indirect.gather [hbm4b:s1+s7], $0x1, s3, s7, $0xb8;
	[tilespmem:$0x8400] =	vst v63  }
0x42: {  	_ = 	snop  }
0x43: {  	[tilespmem:s10], [sflag:$0x1] =	stream.indirect.gather [hbm4b:s6+s7], $0x40, s7, s7, $0xb8;
	[tilespmem:$0x8400] =	vst v63  }
0x44: {  	_ = 	snop  }
0x45: {  	[tilespmem:s11], [sflag:$0x2] =	stream.indirect.gather [hbm4b:s1+s7], $0x1, s7, s7, $0xb8;
	[tilespmem:$0x8400] =	vst v63  }
0x46: {  	_ = 	snop  }
0x47: {  	[tilespmem:s13], [sflag:$0x1] =	stream.indirect.gather [hbm4b:s6+s7], $0x40, s12, s7, $0xb8;
	[tilespmem:$0x8400] =	vst v63  }
0x48: {  	_ = 	snop  }
0x49: {  	[tilespmem:s14], [sflag:$0x2] =	stream.indirect.gather [hbm4b:s1+s7], $0x1, s12, s7, $0xb8;
	[tilespmem:$0x8400] =	vst v63  }
0x4a: {  	_ = 	snop  }
0x4b: {  	[tilespmem:s16], [sflag:$0x1] =	stream.indirect.gather [hbm4b:s6+s7], $0x40, s15, s7, $0xb8;
	[tilespmem:$0x8400] =	vst v63  }
0x4c: {  	_ = 	snop  }
0x4d: {  	[tilespmem:s17], [sflag:$0x2] =	stream.indirect.gather [hbm4b:s1+s7], $0x1, s15, s7, $0xb8;
	[tilespmem:$0x8400] =	vst v63  }
0x4e: {  	_ =	swait.ge [sflag:s18], $0x2000  }
0x4f: {  	[sflag:s18] =	ssyncset.done $0x0  }
0x50: {  	[sflag:s18] =	ssyncadd.s32 $0xFFFFE000  }
0x51: {  	_ =	swait.ge [sflag:s19], $0x80  }
0x52: {  	[sflag:s19] =	ssyncset.done $0x0  }
0x53: {  	[sflag:s19] =	ssyncadd.s32 $0xFFFFFF80  }
0x54: {  	_ =	swait.ge [sflag:s18], $0x2000  }
0x55: {  	[sflag:s18] =	ssyncset.done $0x0  }
0x56: {  	[sflag:s18] =	ssyncadd.s32 $0xFFFFE000  }
0x57: {  	_ =	swait.ge [sflag:s19], $0x80  }
0x58: {  	[sflag:s19] =	ssyncset.done $0x0  }
0x59: {  	[sflag:s19] =	ssyncadd.s32 $0xFFFFFF80  }
0x5a: {  	_ =	swait.ge [sflag:s18], $0x2000  }
0x5b: {  	[sflag:s18] =	ssyncset.done $0x0  }
0x5c: {  	[sflag:s18] =	ssyncadd.s32 $0xFFFFE000  }
0x5d: {  	_ =	swait.ge [sflag:s19], $0x80  }
0x5e: {  	[sflag:s19] =	ssyncset.done $0x0  }
0x5f: {  	[sflag:s19] =	ssyncadd.s32 $0xFFFFFF80  }
0x60: {  	_ =	swait.ge [sflag:s18], $0x2000  }
0x61: {  	[sflag:s18] =	ssyncset.done $0x0  }
0x62: {  	[sflag:s18] =	ssyncadd.s32 $0xFFFFE000  }
0x63: {  	_ =	swait.ge [sflag:s19], $0x80  }
0x64: {  	[sflag:s19] =	ssyncset.done $0x0  }
0x65: {  	[sflag:s19] =	ssyncadd.s32 $0xFFFFFF80  }
0x66: {  	[hbm4b:s20+s3] =	stream.linear.scatter [tilespmem:s8], [sflag:$0x3], $0x8000, $0x38;
	[tilespmem:$0x8400] =	vst v63  }
0x67: {  	_ =	swait.ge [sflag:s4], $0x8000  }
.Ltmp1:
0x68: {  	[sflag:s4] =	ssyncset.done $0x0;
	(pc) =	sbr.rel @p0 .LBB2_1-.Ltmp1, $4  }
0x69: {  	[sflag:s4] =	ssyncadd.s32 $0xFFFF8000  }
0x6a: {  	[hbm4b:s21+s3] =	stream.linear.scatter [tilespmem:s9], [sflag:$0x3], $0x200, $0x38;
	[tilespmem:$0x8400] =	vst v63  }
0x6b: {  	_ =	swait.ge [sflag:s4], $0x200  }
0x6c: {  	[sflag:s4] =	ssyncset.done $0x0  }
.LBB2_2:
0x6d: {  	[sflag:s4] =	ssyncadd.s32 $0xFFFFFE00  }
0x6e: {  	_ =	sfence.sel $0x180000  }
0x6f: {  	[bflag:$0x0] =	sbarrier.arrive $0xFFFF  }
0x70: {  	p0 =	sne.s32 s0, $0x0;
	_ =	strace $0x90000047  }
0x71: {  	s0 =	sadd.s32 @!p0 $0x100000, s2;
	[bflag:$0x2] =	sbarrier.arrive $0xFFFF  }
0x72: {  	[sflag:s0] =	ssyncadd.tile.s32 @!p0 $0x1;
	_ =	shalt  }
.Lfunc_end2:
_tile_overlayer_lowered:
.L_overlay_start_2:
0x73: {  	(tag) =	ssettag $0x2  }
0x74: {  	s0 =	rddreg [dreg:$0x0];
	s2 =	stileid.u32  }
0x75: {  	s1 =	rddreg [dreg:$0x1];
	p0 =	sne.s32 s2, $0x0  }
0x76: {  	s3 =	rddreg [dreg:$0x2];
	[bflag:$0x3] =	sbarrier.arrive $0xFFFF;
	s2 =	simm.s32 @!p0 $0x1C03  }
0x77: {  	[timem:s3], [sflag:s2] =	dma.local @!p0 [hbm:s0], s1  }
0x78: {  	s0 =	simm.s32 @!p0 $0x3  }
0x79: {  	_ =	swait.ge @!p0 [sflag:s0], s1  }
0x7a: {  	s1 =	ssub.s32 @!p0 $0x0, s1;
	[sflag:s0] =	ssyncset.done @!p0 $0x0  }
0x7b: {  	[sflag:s0] =	ssyncadd.s32 @!p0 s1  }
0x7c: {  	[bflag:$0x3] =	sbarrier.arrive $0xFFFF  }
0x7d: {  	_ =	shalt  }

</sc_bundles>
